<compile_context>
chip_gen: v7x
topology: tpu7x:2x2x1
jax: 0.10.2.dev20260603
libtpu: 0.0.44.dev20260713+nightly
codegen_flags: <defaults>
</compile_context>

<pallas_src>
import functools
import math

import jax
import jax.numpy as jnp
from jax import lax
from jax.experimental import pallas as pl
from jax.experimental.pallas import tpu as pltpu
from jax.experimental.pallas import tpu_sc as plsc

N = 10000
E = 160000
G = 256
H = 16
AF = 128
BF = 16
L = 3

NR = N // 8
E8 = E // 8
N_PAD = 10240
NRP = N_PAD // 8
STRIPE = N_PAD // 16
PSTRIPE = NRP // 16

NC = 2
NS = 16
NW = 25
EW = E // NW
CH = 128
NCH = EW // CH
FG = 5
NG = NCH // FG

_SQRT2 = math.sqrt(2.0)


def _gelu(x):
    return 0.5 * x * (1.0 + lax.erf(x / _SQRT2))



_MESH = plsc.VectorSubcoreMesh(core_axis_name="c", subcore_axis_name="s",
                               num_cores=NC, num_subcores=NS)
_SC_PARAMS = pltpu.CompilerParams(use_tc_tiling_on_sc=False)


@functools.partial(
    pl.kernel,
    out_type=jax.ShapeDtypeStruct((NW, NCH, CH, H), jnp.float32),
    mesh=_MESH,
    compiler_params=_SC_PARAMS,
    scratch_types=[
        pltpu.VMEM_SHARED((N_PAD, H), jnp.float32),
        pltpu.VMEM((NCH, CH), jnp.int32),
        pltpu.VMEM((2, FG, CH, H), jnp.float32),
        pltpu.SemaphoreType.DMA,
        pltpu.SemaphoreType.DMA,
    ],
)
def _sc_gather(hp_hbm, src_hbm, out_hbm, h_sh, idx_v, gb_v, sem, sem2):
    c = lax.axis_index("c")
    s = lax.axis_index("s")
    w = c * NS + s
    pltpu.sync_copy(hp_hbm.at[pl.ds(s * STRIPE, STRIPE)],
                    h_sh.at[pl.ds(s * STRIPE, STRIPE)])
    plsc.subcore_barrier()

    @pl.when(w < NW)
    def _():
        pltpu.sync_copy(src_hbm.at[w], idx_v)

        def step(g, carry):
            @pl.when(g < NG)
            def _():
                for u in range(FG):
                    pltpu.async_copy(
                        h_sh.at[idx_v.at[g * FG + u]],
                        gb_v.at[g % 2].at[u], sem)

            @pl.when(g > 0)
            def _():
                p = g - 1
                for u in range(FG):
                    pltpu.make_async_copy(
                        h_sh.at[idx_v.at[p * FG + u]],
                        gb_v.at[p % 2].at[u], sem).wait()
                pltpu.async_copy(
                    gb_v.at[p % 2],
                    out_hbm.at[w].at[pl.ds(p * FG, FG)], sem2).wait()

            return carry

        lax.fori_loop(0, NG + 1, step, 0)


@functools.partial(
    pl.kernel,
    out_type=(jax.ShapeDtypeStruct((NW, NCH, CH, H), jnp.float32),
              jax.ShapeDtypeStruct((NC, N_PAD, H), jnp.float32)),
    mesh=_MESH,
    compiler_params=_SC_PARAMS,
    scratch_types=[
        pltpu.VMEM_SHARED((N_PAD, H), jnp.float32),
        pltpu.VMEM_SHARED((N_PAD, H), jnp.float32),
        pltpu.VMEM((NCH, CH), jnp.int32),
        pltpu.VMEM((NCH, CH), jnp.int32),
        pltpu.VMEM((2, FG, CH, H), jnp.float32),
        pltpu.VMEM((CH, H), jnp.float32),
        pltpu.VMEM((128, H), jnp.float32),
        pltpu.SemaphoreType.DMA,
        pltpu.SemaphoreType.DMA,
        pltpu.SemaphoreType.DMA,
    ],
)
def _sc_gather_deg(hp_hbm, src_hbm, dst_hbm, out_hbm, deg_hbm, h_sh, acc_sh,
                   idx_v, didx_v, gb_v, ones_v, nar_v, sem, sem2, sem3):
    c = lax.axis_index("c")
    s = lax.axis_index("s")
    w = c * NS + s

    def zloc(i, carry):
        nar_v[i, :] = jnp.zeros((H,), jnp.float32)
        return carry

    lax.fori_loop(0, 128, zloc, 0)

    def zcp(p, carry):
        pltpu.sync_copy(nar_v, acc_sh.at[pl.ds(s * STRIPE + p * 128, 128)])
        return carry

    lax.fori_loop(0, STRIPE // 128, zcp, 0)

    def oloc(i, carry):
        ones_v[i, :] = jnp.ones((H,), jnp.float32)
        return carry

    lax.fori_loop(0, CH, oloc, 0)
    pltpu.sync_copy(hp_hbm.at[pl.ds(s * STRIPE, STRIPE)],
                    h_sh.at[pl.ds(s * STRIPE, STRIPE)])
    plsc.subcore_barrier()

    @pl.when(w < NW)
    def _():
        pltpu.sync_copy(src_hbm.at[w], idx_v)
        pltpu.sync_copy(dst_hbm.at[w], didx_v)

        def step(g, carry):
            @pl.when(g < NG)
            def _():
                for u in range(FG):
                    pltpu.async_copy(
                        h_sh.at[idx_v.at[g * FG + u]],
                        gb_v.at[g % 2].at[u], sem)
                    pltpu.async_copy(
                        ones_v, acc_sh.at[didx_v.at[g * FG + u]], sem3,
                        add=True)

            @pl.when(g > 0)
            def _():
                p = g - 1
                for u in range(FG):
                    pltpu.make_async_copy(
                        h_sh.at[idx_v.at[p * FG + u]],
                        gb_v.at[p % 2].at[u], sem).wait()
                    pltpu.make_async_copy(
                        ones_v, acc_sh.at[didx_v.at[p * FG + u]],
                        sem3).wait()
                pltpu.async_copy(
                    gb_v.at[p % 2],
                    out_hbm.at[w].at[pl.ds(p * FG, FG)], sem2).wait()

            return carry

        lax.fori_loop(0, NG + 1, step, 0)

    plsc.subcore_barrier()
    pltpu.sync_copy(acc_sh.at[pl.ds(s * STRIPE, STRIPE)],
                    deg_hbm.at[c].at[pl.ds(s * STRIPE, STRIPE)])


@functools.partial(
    pl.kernel,
    out_type=jax.ShapeDtypeStruct((NC, N_PAD, H), jnp.float32),
    mesh=_MESH,
    compiler_params=_SC_PARAMS,
    scratch_types=[
        pltpu.VMEM_SHARED((N_PAD, H), jnp.float32),
        pltpu.VMEM((NCH, CH), jnp.int32),
        pltpu.VMEM((2, FG, CH, H), jnp.float32),
        pltpu.VMEM((128, H), jnp.float32),
        pltpu.SemaphoreType.DMA,
        pltpu.SemaphoreType.DMA,
    ],
)
def _sc_scatter_add(msg_hbm, dst_hbm, out_hbm, acc_sh, idx_v, gb_v, nar_v,
                    sem, sem2):
    c = lax.axis_index("c")
    s = lax.axis_index("s")
    w = c * NS + s
    def zloc(i, carry):
        nar_v[i, :] = jnp.zeros((H,), jnp.float32)
        return carry

    lax.fori_loop(0, 128, zloc, 0)

    def zcp(p, carry):
        pltpu.sync_copy(nar_v, acc_sh.at[pl.ds(s * STRIPE + p * 128, 128)])
        return carry

    lax.fori_loop(0, STRIPE // 128, zcp, 0)
    plsc.subcore_barrier()

    @pl.when(w < NW)
    def _():
        pltpu.sync_copy(dst_hbm.at[w], idx_v)

        def step(g, carry):
            @pl.when(g < NG)
            def _():
                pltpu.async_copy(
                    msg_hbm.at[w].at[pl.ds(g * FG, FG)],
                    gb_v.at[g % 2], sem2).wait()
                for u in range(FG):
                    pltpu.async_copy(
                        gb_v.at[g % 2].at[u],
                        acc_sh.at[idx_v.at[g * FG + u]], sem, add=True)

            @pl.when(g > 0)
            def _():
                p = g - 1
                for u in range(FG):
                    pltpu.make_async_copy(
                        gb_v.at[p % 2].at[u],
                        acc_sh.at[idx_v.at[p * FG + u]], sem).wait()

            return carry

        lax.fori_loop(0, NG + 1, step, 0)

    plsc.subcore_barrier()
    pltpu.sync_copy(acc_sh.at[pl.ds(s * STRIPE, STRIPE)],
                    out_hbm.at[c].at[pl.ds(s * STRIPE, STRIPE)])




def _prep_body(x_ref, aw_ref, ab_ref, h0_ref):
    h0_ref[...] = jnp.maximum(
        jnp.dot(x_ref[...], aw_ref[...],
                preferred_element_type=jnp.float32) + ab_ref[...], 0.0)


def _tc_prep(x8, aw8, ab8):
    return pl.pallas_call(
        _prep_body,
        out_shape=jax.ShapeDtypeStruct((NRP, 128), jnp.float32),
    )(x8, aw8, ab8)


EB8 = 2000


def _msg_body(ea_ref, hs_ref, e1w_ref, e1b_ref, e2w_ref, e2b_ref, r_ref,
              s_ref, msg_ref):
    t = _gelu(jnp.dot(ea_ref[...], e1w_ref[...],
                      preferred_element_type=jnp.float32) + e1b_ref[...])
    we = jnp.dot(t, e2w_ref[...],
                 preferred_element_type=jnp.float32) + e2b_ref[...]
    hexp = jnp.dot(hs_ref[...], r_ref[...], preferred_element_type=jnp.float32)
    msg_ref[...] = jnp.dot(we * hexp, s_ref[...],
                           preferred_element_type=jnp.float32)


def _tc_msg(ea8, hs8, e1w8, e1b8, e2w8, e2b8, r8, s8):
    grid = (E8 // EB8,)
    return pl.pallas_call(
        _msg_body,
        grid=grid,
        in_specs=[
            pl.BlockSpec((EB8, 128), lambda i: (i, 0)),
            pl.BlockSpec((EB8, 128), lambda i: (i, 0)),
            pl.BlockSpec((128, 128), lambda i: (0, 0)),
            pl.BlockSpec((1, 128), lambda i: (0, 0)),
            pl.BlockSpec((128, 2048), lambda i: (0, 0)),
            pl.BlockSpec((1, 2048), lambda i: (0, 0)),
            pl.BlockSpec((128, 2048), lambda i: (0, 0)),
            pl.BlockSpec((2048, 128), lambda i: (0, 0)),
        ],
        out_specs=pl.BlockSpec((EB8, 128), lambda i: (i, 0)),
        out_shape=jax.ShapeDtypeStruct((E8, 128), jnp.float32),
    )(ea8, hs8, e1w8, e1b8, e2w8, e2b8, r8, s8)


def _update_body(h_ref, aggp_ref, degp_ref, rw_ref, rb_ref, m_ref, g_ref,
                 b_ref, out_ref):
    h = h_ref[...]
    invd = 1.0 / jnp.maximum(degp_ref[0] + degp_ref[1], 1.0)
    agg = (aggp_ref[0] + aggp_ref[1]) * invd
    hn = jnp.maximum(
        jnp.dot(h, rw_ref[...], preferred_element_type=jnp.float32)
        + rb_ref[...] + agg, 0.0)
    z = h + hn
    mu = jnp.dot(z, m_ref[...], preferred_element_type=jnp.float32)
    zc = z - mu
    var = jnp.dot(zc * zc, m_ref[...], preferred_element_type=jnp.float32)
    out_ref[...] = zc * lax.rsqrt(var + 1e-5) * g_ref[...] + b_ref[...]


def _tc_update(h8, aggp, degp, rw8, rb8, m8, g8, b8):
    return pl.pallas_call(
        _update_body,
        out_shape=jax.ShapeDtypeStruct((NRP, 128), jnp.float32),
    )(h8, aggp, degp, rw8, rb8, m8, g8, b8)


def _pool_body(h_ref, bat_ref, h1w_ref, h1b_ref, h2w_ref, h2b_ref, out_ref):
    h = h_ref[...]
    bat = bat_ref[...]
    gid = lax.broadcasted_iota(jnp.int32, (1, G), 1)
    mol = jnp.zeros((G, H), jnp.float32)
    cnt = jnp.zeros((G, 1), jnp.float32)
    for j in range(8):
        oh = (bat[:, j:j + 1] == gid).astype(jnp.float32)
        mol = mol + lax.dot_general(oh, h[:, j * H:(j + 1) * H],
                                    (((0,), (0,)), ((), ())),
                                    preferred_element_type=jnp.float32)
        cnt = cnt + lax.dot_general(oh, jnp.ones((NRP, 1), jnp.float32),
                                    (((0,), (0,)), ((), ())),
                                    preferred_element_type=jnp.float32)
    mol = mol / jnp.maximum(cnt, 1.0)
    hid = _gelu(jnp.dot(mol, h1w_ref[...],
                        preferred_element_type=jnp.float32) + h1b_ref[...])
    out_ref[...] = jnp.dot(hid, h2w_ref[...],
                           preferred_element_type=jnp.float32) + h2b_ref[...]


def _tc_pool(h8, bat8, h1w, h1b, h2w, h2b):
    return pl.pallas_call(
        _pool_body,
        out_shape=jax.ShapeDtypeStruct((G, 1), jnp.float32),
    )(h8, bat8, h1w, h1b, h2w, h2b)




def _bd8(w):
    return jnp.einsum("ij,ab->iajb", jnp.eye(8, dtype=w.dtype),
                      w).reshape(8 * w.shape[0], 8 * w.shape[1])


def _tile8(b):
    return jnp.tile(b, 8)[None, :]


def kernel(x, edge_index, edge_attr, batch, atom_W, atom_b, e1_W, e1_b, e2_W,
           e2_b, root_W, root_b, ln_g, ln_b, h1_W, h1_b, h2_W, h2_b):
    src3 = edge_index[0].reshape(NW, NCH, CH)
    dst3 = edge_index[1].reshape(NW, NCH, CH)
    ea8 = edge_attr.reshape(E8, 128)
    x8 = jnp.concatenate(
        [x.reshape(NR, 8 * AF),
         jnp.zeros((NRP - NR, 8 * AF), jnp.float32)])
    bat8 = jnp.concatenate(
        [batch, jnp.full((N_PAD - N,), G, jnp.int32)]).reshape(NRP, 8)

    ii = jnp.arange(H * H)
    rmat = (jnp.arange(H)[:, None] == (ii[None, :] // H)).astype(jnp.float32)
    smat = ((ii[:, None] % H) == jnp.arange(H)[None, :]).astype(jnp.float32)
    r8 = _bd8(rmat)
    s8 = _bd8(smat)
    m8 = _bd8(jnp.full((H, H), 1.0 / H, jnp.float32))

    h8 = _tc_prep(x8, _bd8(atom_W), _tile8(atom_b))
    degp = None

    for l in range(L):
        if l == 0:
            hs4, degp4 = _sc_gather_deg(h8.reshape(N_PAD, H), src3, dst3)
            hs8 = hs4.reshape(E8, 128)
            degp = degp4.reshape(NC, NRP, 128)
        else:
            hs8 = _sc_gather(h8.reshape(N_PAD, H), src3).reshape(E8, 128)
        msg8 = _tc_msg(ea8, hs8, _bd8(e1_W[l]), _tile8(e1_b[l]),
                       _bd8(e2_W[l]), _tile8(e2_b[l]), r8, s8)
        aggp = _sc_scatter_add(msg8.reshape(NW, NCH, CH, H),
                               dst3).reshape(NC, NRP, 128)
        h8 = _tc_update(h8, aggp, degp, _bd8(root_W[l]), _tile8(root_b[l]),
                        m8, _tile8(ln_g[l]), _tile8(ln_b[l]))

    logits = _tc_pool(h8, bat8, h1_W, h1_b.reshape(1, H // 2), h2_W,
                      h2_b.reshape(1, 1))
    return logits.reshape(G)

# --- scband reference (transcript-rebuilt; emitter-appended) ---
"""Pipeline reference for scband-mpnnnet-652835029399 (READ-ONLY COPY).

The authoritative reference and input builder live on the scoring server;
editing this copy changes nothing except your own understanding.
"""

import jax, jax.numpy as jnp
import numpy as np

N = 10000
E = 160000
G = 256
H = 16
AF = 128
BF = 16
L = 3


def setup_inputs(seed: int = 0) -> dict:
    key = jax.random.key(seed)
    ks = jax.random.split(key, 24)
    x = jax.random.normal(ks[0], (N, AF), dtype=jnp.float32)
    edge_index = jax.random.randint(ks[1], (2, E), 0, N, dtype=jnp.int32)
    edge_attr = jax.random.normal(ks[2], (E, BF), dtype=jnp.float32)
    batch = jnp.sort(jax.random.randint(ks[3], (N,), 0, G, dtype=jnp.int32))
    s = 0.05
    atom_W = jax.random.normal(ks[4], (AF, H), dtype=jnp.float32) * s
    atom_b = jnp.zeros((H,), jnp.float32)
    e1_W = jax.random.normal(ks[5], (L, BF, H), dtype=jnp.float32) * s
    e1_b = jnp.zeros((L, H), jnp.float32)
    e2_W = jax.random.normal(ks[6], (L, H, H * H), dtype=jnp.float32) * s
    e2_b = jnp.zeros((L, H * H), jnp.float32)
    root_W = jax.random.normal(ks[7], (L, H, H), dtype=jnp.float32) * s
    root_b = jnp.zeros((L, H), jnp.float32)
    ln_g = jnp.ones((L, H), jnp.float32)
    ln_b = jnp.zeros((L, H), jnp.float32)
    h1_W = jax.random.normal(ks[8], (H, H // 2), dtype=jnp.float32) * s
    h1_b = jnp.zeros((H // 2,), jnp.float32)
    h2_W = jax.random.normal(ks[9], (H // 2, 1), dtype=jnp.float32) * s
    h2_b = jnp.zeros((1,), jnp.float32)
    return dict(x=x, edge_index=edge_index, edge_attr=edge_attr, batch=batch,
                atom_W=atom_W, atom_b=atom_b, e1_W=e1_W, e1_b=e1_b, e2_W=e2_W, e2_b=e2_b,
                root_W=root_W, root_b=root_b, ln_g=ln_g, ln_b=ln_b,
                h1_W=h1_W, h1_b=h1_b, h2_W=h2_W, h2_b=h2_b)


def reference(x, edge_index, edge_attr, batch, atom_W, atom_b, e1_W, e1_b, e2_W, e2_b,
              root_W, root_b, ln_g, ln_b, h1_W, h1_b, h2_W, h2_b):
    src = edge_index[0]
    dst = edge_index[1]
    h = jax.nn.relu(x @ atom_W + atom_b)
    deg = jax.ops.segment_sum(jnp.ones((E,), jnp.float32), dst, num_segments=N)
    deg = jnp.clip(deg, 1.0)
    for l in range(L):
        # edge network: Linear -> GELU -> Linear producing per-edge [H, H] weight
        We = jax.nn.gelu(edge_attr @ e1_W[l] + e1_b[l], approximate=False) @ e2_W[l] + e2_b[l]
        We = We.reshape(E, H, H)
        msg = jnp.einsum('ei,eio->eo', h[src], We)
        agg = jax.ops.segment_sum(msg, dst, num_segments=N) / deg[:, None]
        h_new = jax.nn.relu(h @ root_W[l] + root_b[l] + agg)
        z = h + h_new
        mu = jnp.mean(z, axis=-1, keepdims=True)
        var = jnp.var(z, axis=-1, keepdims=True)
        h = (z - mu) / jnp.sqrt(var + 1e-5) * ln_g[l] + ln_b[l]
        # dropout_p = 0.0 -> identity
    cnt = jax.ops.segment_sum(jnp.ones((N,), jnp.float32), batch, num_segments=G)
    mol = jax.ops.segment_sum(h, batch, num_segments=G) / jnp.clip(cnt, 1.0)[:, None]
    hid = jax.nn.gelu(mol @ h1_W + h1_b, approximate=False)
    logits = (hid @ h2_W + h2_b).squeeze(-1)
    return logits

if __name__ == "__main__":
    import jax
    _d = setup_inputs()
    print(jax.jit(kernel)(*tuple(_d.values())))

</pallas_src>

<mosaic_0001>
#map = affine_map<(d0, d1) -> (0, 0)>
#map1 = affine_map<(d0, d1) -> (0, 0, 0)>
#map2 = affine_map<(d0, d1) -> (0, 0, 0, 0)>
module attributes {stable_mosaic.version = 14 : i64} {
  func.func @_sc_gather_deg(%arg0: i32, %arg1: i32, %arg2: memref<10240x16xf32, #tpu.memory_space<hbm>>, %arg3: memref<25x50x128xi32, #tpu.memory_space<hbm>>, %arg4: memref<25x50x128xi32, #tpu.memory_space<hbm>>, %arg5: memref<25x50x128x16xf32, #tpu.memory_space<hbm>>, %arg6: memref<2x10240x16xf32, #tpu.memory_space<hbm>>, %arg7: memref<10240x16xf32, #tpu.memory_space<vmem_shared>>, %arg8: memref<10240x16xf32, #tpu.memory_space<vmem_shared>>, %arg9: memref<50x128xi32, #tpu.memory_space<vmem>>, %arg10: memref<50x128xi32, #tpu.memory_space<vmem>>, %arg11: memref<2x5x128x16xf32, #tpu.memory_space<vmem>>, %arg12: memref<128x16xf32, #tpu.memory_space<vmem>>, %arg13: memref<128x16xf32, #tpu.memory_space<vmem>>, %arg14: memref<!tpu.dma_semaphore, #tpu.memory_space<semaphore_mem>>, %arg15: memref<!tpu.dma_semaphore, #tpu.memory_space<semaphore_mem>>, %arg16: memref<!tpu.dma_semaphore, #tpu.memory_space<semaphore_mem>>) attributes {dimension_semantics = [#tpu.dimension_semantics<core_parallel>, #tpu.dimension_semantics<subcore_parallel>], iteration_bounds = array<i64: 2, 16>, scalar_prefetch = 0 : i64, scratch_operands = 10 : i64, tpu.core_type = #tpu.core_type<sc_vector_subcore>, window_params = [{transform_indices = #map}, {transform_indices = #map1}, {transform_indices = #map1}, {transform_indices = #map2}, {transform_indices = #map1}]} {
    %mul3A = arith.constant 16 : i32
    %mul3A_0 = arith.muli %arg0, %mul3A : i32
    %add3A = arith.addi %mul3A_0, %arg1 : i32
    %scan3A = arith.constant 0 : i32
    %scan3A_1 = arith.constant 0 : i32
    %scan3A_2 = arith.constant 128 : i32
    %scan3A_3 = arith.addi %scan3A_1, %scan3A_2 : i32
    %scan3A_4 = arith.constant 1 : i32
    scf.for %scan3A_29 = %scan3A_1 to %scan3A_3 step %scan3A_4  : i32 {
      %broadcast_in_dim3A = arith.constant 0.000000e+00 : f32
      %broadcast_in_dim3A_30 = vector.broadcast %broadcast_in_dim3A : f32 to vector<16xf32>
      %swap3A = arith.index_cast %scan3A_29 : i32 to index
      %swap3A_31 = arith.constant 0 : index
      %swap3A_32 = tpu.vector_load %arg13[%swap3A, %swap3A_31] {strides = array<i32>} : memref<128x16xf32, #tpu.memory_space<vmem>>, vector<1x16xf32>,
      %swap3A_33 = vector.shape_cast %swap3A_32 : vector<1x16xf32> to vector<16xf32>
      %swap3A_34 = vector.shape_cast %broadcast_in_dim3A_30 : vector<16xf32> to vector<1x16xf32>
      tpu.vector_store %arg13[%swap3A, %swap3A_31], %swap3A_34 {strides = array<i32>} : memref<128x16xf32, #tpu.memory_space<vmem>>, vector<1x16xf32>,
    }
    %scan3A_5 = arith.constant 128 : i32
    %scan3A_6 = arith.constant 0 : i32
    %scan3A_7 = arith.constant 0 : i32
    %scan3A_8 = arith.constant 5 : i32
    %scan3A_9 = arith.addi %scan3A_7, %scan3A_8 : i32
    %scan3A_10 = arith.constant 1 : i32
    scf.for %scan3A_29 = %scan3A_7 to %scan3A_9 step %scan3A_10  : i32 {
      %mul3A_30 = arith.constant 640 : i32
      %mul3A_31 = arith.muli %arg1, %mul3A_30 : i32
      %mul3A_32 = arith.constant 128 : i32
      %mul3A_33 = arith.muli %scan3A_29, %mul3A_32 : i32
      %add3A_34 = arith.addi %mul3A_31, %mul3A_33 : i32
      "tpu.region"() ({
        %run_scoped3A = tpu.sem_alloc : memref<!tpu.dma_semaphore, #tpu.memory_space<semaphore_mem>>
        %dma_start3A = arith.constant 0 : i32
        %dma_start3A_35 = tpu.memref_slice %arg8[%add3A_34, %dma_start3A] : memref<10240x16xf32, #tpu.memory_space<vmem_shared>> -> memref<128x16xf32, #tpu.memory_space<vmem_shared>>
        %dma_start3A_36 = arith.constant 0 : i32
        %dma_start3A_37 = tpu.memref_slice %arg8[%add3A_34, %dma_start3A_36] : memref<10240x16xf32, #tpu.memory_space<vmem_shared>> -> memref<128x16xf32, #tpu.memory_space<vmem_shared>>
        tpu.enqueue_dma source(%arg13 : memref<128x16xf32, #tpu.memory_space<vmem>>) target(%dma_start3A_37 : memref<128x16xf32, #tpu.memory_space<vmem_shared>>) target_semaphore(%run_scoped3A : memref<!tpu.dma_semaphore, #tpu.memory_space<semaphore_mem>>)
        %dma_wait3A = arith.constant 0 : i32
        %dma_wait3A_38 = tpu.memref_slice %arg8[%add3A_34, %dma_wait3A] : memref<10240x16xf32, #tpu.memory_space<vmem_shared>> -> memref<128x16xf32, #tpu.memory_space<vmem_shared>>
        %dma_wait3A_39 = arith.constant 0 : i32
        %dma_wait3A_40 = tpu.memref_slice %arg8[%add3A_34, %dma_wait3A_39] : memref<10240x16xf32, #tpu.memory_space<vmem_shared>> -> memref<128x16xf32, #tpu.memory_space<vmem_shared>>
        tpu.wait_dma2 semaphore(%run_scoped3A : memref<!tpu.dma_semaphore, #tpu.memory_space<semaphore_mem>>) src(%arg13 : memref<128x16xf32, #tpu.memory_space<vmem>>) dst(%dma_wait3A_40 : memref<128x16xf32, #tpu.memory_space<vmem_shared>>)
        tpu.yield
      }) : () -> ()
    }
    %scan3A_11 = arith.constant 5 : i32
    %scan3A_12 = arith.constant 0 : i32
    %scan3A_13 = arith.constant 0 : i32
    %scan3A_14 = arith.constant 128 : i32
    %scan3A_15 = arith.addi %scan3A_13, %scan3A_14 : i32
    %scan3A_16 = arith.constant 1 : i32
    scf.for %scan3A_29 = %scan3A_13 to %scan3A_15 step %scan3A_16  : i32 {
      %broadcast_in_dim3A = arith.constant 1.000000e+00 : f32
      %broadcast_in_dim3A_30 = vector.broadcast %broadcast_in_dim3A : f32 to vector<16xf32>
      %swap3A = arith.index_cast %scan3A_29 : i32 to index
      %swap3A_31 = arith.constant 0 : index
      %swap3A_32 = tpu.vector_load %arg12[%swap3A, %swap3A_31] {strides = array<i32>} : memref<128x16xf32, #tpu.memory_space<vmem>>, vector<1x16xf32>,
      %swap3A_33 = vector.shape_cast %swap3A_32 : vector<1x16xf32> to vector<16xf32>
      %swap3A_34 = vector.shape_cast %broadcast_in_dim3A_30 : vector<16xf32> to vector<1x16xf32>
      tpu.vector_store %arg12[%swap3A, %swap3A_31], %swap3A_34 {strides = array<i32>} : memref<128x16xf32, #tpu.memory_space<vmem>>, vector<1x16xf32>,
    }
    %scan3A_17 = arith.constant 128 : i32
    %mul3A_18 = arith.constant 640 : i32
    %mul3A_19 = arith.muli %arg1, %mul3A_18 : i32
    %mul3A_20 = arith.constant 640 : i32
    %mul3A_21 = arith.muli %arg1, %mul3A_20 : i32
    "tpu.region"() ({
      %run_scoped3A = tpu.sem_alloc : memref<!tpu.dma_semaphore, #tpu.memory_space<semaphore_mem>>
      %dma_start3A = arith.constant 0 : i32
      %dma_start3A_29 = tpu.memref_slice %arg7[%mul3A_21, %dma_start3A] : memref<10240x16xf32, #tpu.memory_space<vmem_shared>> -> memref<640x16xf32, #tpu.memory_space<vmem_shared>>
      %dma_start3A_30 = arith.constant 0 : i32
      %dma_start3A_31 = tpu.memref_slice %arg2[%mul3A_19, %dma_start3A_30] : memref<10240x16xf32, #tpu.memory_space<hbm>> -> memref<640x16xf32, #tpu.memory_space<hbm>>
      tpu.enqueue_dma source(%dma_start3A_31 : memref<640x16xf32, #tpu.memory_space<hbm>>) target(%dma_start3A_29 : memref<640x16xf32, #tpu.memory_space<vmem_shared>>) target_semaphore(%run_scoped3A : memref<!tpu.dma_semaphore, #tpu.memory_space<semaphore_mem>>)
      %dma_wait3A = arith.constant 0 : i32
      %dma_wait3A_32 = tpu.memref_slice %arg7[%mul3A_21, %dma_wait3A] : memref<10240x16xf32, #tpu.memory_space<vmem_shared>> -> memref<640x16xf32, #tpu.memory_space<vmem_shared>>
      %dma_wait3A_33 = arith.constant 0 : i32
      %dma_wait3A_34 = tpu.memref_slice %arg2[%mul3A_19, %dma_wait3A_33] : memref<10240x16xf32, #tpu.memory_space<hbm>> -> memref<640x16xf32, #tpu.memory_space<hbm>>
      tpu.wait_dma2 semaphore(%run_scoped3A : memref<!tpu.dma_semaphore, #tpu.memory_space<semaphore_mem>>) src(%dma_wait3A_34 : memref<640x16xf32, #tpu.memory_space<hbm>>) dst(%dma_wait3A_32 : memref<640x16xf32, #tpu.memory_space<vmem_shared>>)
      tpu.yield
    }) : () -> ()
    %barrier3A = arith.constant 0 : index
    tpu.barrier barrier_id(%barrier3A)
    %lt3A = arith.constant 25 : i32
    %lt3A_22 = arith.cmpi slt, %add3A, %lt3A : i32
    %convert_element_type3A = arith.extui %lt3A_22 : i1 to i32
    %cond3A = arith.constant 0 : i32
    %cond3A_23 = arith.cmpi ne, %convert_element_type3A, %cond3A : i32
    scf.if %cond3A_23 {
      "tpu.region"() ({
        %run_scoped3A = tpu.sem_alloc : memref<!tpu.dma_semaphore, #tpu.memory_space<semaphore_mem>>
        %dma_start3A = arith.constant 0 : i32
        %dma_start3A_35 = arith.constant 0 : i32
        %dma_start3A_36 = tpu.memref_slice %arg3[%add3A, %dma_start3A, %dma_start3A_35] : memref<25x50x128xi32, #tpu.memory_space<hbm>> -> memref<1x50x128xi32, #tpu.memory_space<hbm>>
        %dma_start3A_37 = tpu.memref_squeeze %dma_start3A_36 : memref<1x50x128xi32, #tpu.memory_space<hbm>> -> memref<50x128xi32, #tpu.memory_space<hbm>>
        %dma_start3A_38 = arith.constant 0 : i32
        %dma_start3A_39 = arith.constant 0 : i32
        %dma_start3A_40 = tpu.memref_slice %arg3[%add3A, %dma_start3A_38, %dma_start3A_39] : memref<25x50x128xi32, #tpu.memory_space<hbm>> -> memref<1x50x128xi32, #tpu.memory_space<hbm>>
        %dma_start3A_41 = tpu.memref_squeeze %dma_start3A_40 : memref<1x50x128xi32, #tpu.memory_space<hbm>> -> memref<50x128xi32, #tpu.memory_space<hbm>>
        tpu.enqueue_dma source(%dma_start3A_41 : memref<50x128xi32, #tpu.memory_space<hbm>>) target(%arg9 : memref<50x128xi32, #tpu.memory_space<vmem>>) target_semaphore(%run_scoped3A : memref<!tpu.dma_semaphore, #tpu.memory_space<semaphore_mem>>)
        %dma_wait3A = arith.constant 0 : i32
        %dma_wait3A_42 = arith.constant 0 : i32
        %dma_wait3A_43 = tpu.memref_slice %arg3[%add3A, %dma_wait3A, %dma_wait3A_42] : memref<25x50x128xi32, #tpu.memory_space<hbm>> -> memref<1x50x128xi32, #tpu.memory_space<hbm>>
        %dma_wait3A_44 = tpu.memref_squeeze %dma_wait3A_43 : memref<1x50x128xi32, #tpu.memory_space<hbm>> -> memref<50x128xi32, #tpu.memory_space<hbm>>
        %dma_wait3A_45 = arith.constant 0 : i32
        %dma_wait3A_46 = arith.constant 0 : i32
        %dma_wait3A_47 = tpu.memref_slice %arg3[%add3A, %dma_wait3A_45, %dma_wait3A_46] : memref<25x50x128xi32, #tpu.memory_space<hbm>> -> memref<1x50x128xi32, #tpu.memory_space<hbm>>
        %dma_wait3A_48 = tpu.memref_squeeze %dma_wait3A_47 : memref<1x50x128xi32, #tpu.memory_space<hbm>> -> memref<50x128xi32, #tpu.memory_space<hbm>>
        tpu.wait_dma2 semaphore(%run_scoped3A : memref<!tpu.dma_semaphore, #tpu.memory_space<semaphore_mem>>) src(%dma_wait3A_48 : memref<50x128xi32, #tpu.memory_space<hbm>>) dst(%arg9 : memref<50x128xi32, #tpu.memory_space<vmem>>)
        tpu.yield
      }) : () -> ()
      "tpu.region"() ({
        %run_scoped3A = tpu.sem_alloc : memref<!tpu.dma_semaphore, #tpu.memory_space<semaphore_mem>>
        %dma_start3A = arith.constant 0 : i32
        %dma_start3A_35 = arith.constant 0 : i32
        %dma_start3A_36 = tpu.memref_slice %arg4[%add3A, %dma_start3A, %dma_start3A_35] : memref<25x50x128xi32, #tpu.memory_space<hbm>> -> memref<1x50x128xi32, #tpu.memory_space<hbm>>
        %dma_start3A_37 = tpu.memref_squeeze %dma_start3A_36 : memref<1x50x128xi32, #tpu.memory_space<hbm>> -> memref<50x128xi32, #tpu.memory_space<hbm>>
        %dma_start3A_38 = arith.constant 0 : i32
        %dma_start3A_39 = arith.constant 0 : i32
        %dma_start3A_40 = tpu.memref_slice %arg4[%add3A, %dma_start3A_38, %dma_start3A_39] : memref<25x50x128xi32, #tpu.memory_space<hbm>> -> memref<1x50x128xi32, #tpu.memory_space<hbm>>
        %dma_start3A_41 = tpu.memref_squeeze %dma_start3A_40 : memref<1x50x128xi32, #tpu.memory_space<hbm>> -> memref<50x128xi32, #tpu.memory_space<hbm>>
        tpu.enqueue_dma source(%dma_start3A_41 : memref<50x128xi32, #tpu.memory_space<hbm>>) target(%arg10 : memref<50x128xi32, #tpu.memory_space<vmem>>) target_semaphore(%run_scoped3A : memref<!tpu.dma_semaphore, #tpu.memory_space<semaphore_mem>>)
        %dma_wait3A = arith.constant 0 : i32
        %dma_wait3A_42 = arith.constant 0 : i32
        %dma_wait3A_43 = tpu.memref_slice %arg4[%add3A, %dma_wait3A, %dma_wait3A_42] : memref<25x50x128xi32, #tpu.memory_space<hbm>> -> memref<1x50x128xi32, #tpu.memory_space<hbm>>
        %dma_wait3A_44 = tpu.memref_squeeze %dma_wait3A_43 : memref<1x50x128xi32, #tpu.memory_space<hbm>> -> memref<50x128xi32, #tpu.memory_space<hbm>>
        %dma_wait3A_45 = arith.constant 0 : i32
        %dma_wait3A_46 = arith.constant 0 : i32
        %dma_wait3A_47 = tpu.memref_slice %arg4[%add3A, %dma_wait3A_45, %dma_wait3A_46] : memref<25x50x128xi32, #tpu.memory_space<hbm>> -> memref<1x50x128xi32, #tpu.memory_space<hbm>>
        %dma_wait3A_48 = tpu.memref_squeeze %dma_wait3A_47 : memref<1x50x128xi32, #tpu.memory_space<hbm>> -> memref<50x128xi32, #tpu.memory_space<hbm>>
        tpu.wait_dma2 semaphore(%run_scoped3A : memref<!tpu.dma_semaphore, #tpu.memory_space<semaphore_mem>>) src(%dma_wait3A_48 : memref<50x128xi32, #tpu.memory_space<hbm>>) dst(%arg10 : memref<50x128xi32, #tpu.memory_space<vmem>>)
        tpu.yield
      }) : () -> ()
      %scan3A_29 = arith.constant 0 : i32
      %scan3A_30 = arith.constant 0 : i32
      %scan3A_31 = arith.constant 11 : i32
      %scan3A_32 = arith.addi %scan3A_30, %scan3A_31 : i32
      %scan3A_33 = arith.constant 1 : i32
      scf.for %scan3A_35 = %scan3A_30 to %scan3A_32 step %scan3A_33  : i32 {
        %lt3A_36 = arith.constant 10 : i32
        %lt3A_37 = arith.cmpi slt, %scan3A_35, %lt3A_36 : i32
        %convert_element_type3A_38 = arith.extui %lt3A_37 : i1 to i32
        %cond3A_39 = arith.constant 0 : i32
        %cond3A_40 = arith.cmpi ne, %convert_element_type3A_38, %cond3A_39 : i32
        scf.if %cond3A_40 {
          %mul3A_45 = arith.constant 5 : i32
          %mul3A_46 = arith.muli %scan3A_35, %mul3A_45 : i32
          %add3A_47 = arith.constant 0 : i32
          %add3A_48 = arith.addi %mul3A_46, %add3A_47 : i32
          %jit3A = arith.constant 2 : i32
          %eq3A = arith.constant 0 : i32
          %eq3A_49 = arith.cmpi eq, %jit3A, %eq3A : i32
          %jit3A_50 = arith.constant 1 : i32
          %select_n3A = arith.select %eq3A_49, %jit3A_50, %jit3A : i32
          %rem3A = arith.remsi %scan3A_35, %select_n3A : i32
          %ne3A = arith.constant 0 : i32
          %ne3A_51 = arith.cmpi ne, %rem3A, %ne3A : i32
          %lt3A_52 = arith.constant 0 : i32
          %lt3A_53 = arith.cmpi slt, %rem3A, %lt3A_52 : i32
          %lt3A_54 = arith.constant 0 : i32
          %lt3A_55 = arith.cmpi slt, %select_n3A, %lt3A_54 : i32
          %ne3A_56 = arith.xori %lt3A_53, %lt3A_55 : i1
          %and3A = arith.andi %ne3A_56, %ne3A_51 : i1
          %add3A_57 = arith.addi %rem3A, %select_n3A : i32
          %select_n3A_58 = arith.select %and3A, %add3A_57, %rem3A : i32
          %dma_start3A = arith.constant 0 : i32
          %dma_start3A_59 = arith.constant 0 : i32
          %dma_start3A_60 = arith.constant 0 : i32
          %dma_start3A_61 = arith.constant 0 : i32
          %dma_start3A_62 = tpu.memref_slice %arg11[%select_n3A_58, %dma_start3A_59, %dma_start3A_60, %dma_start3A_61] : memref<2x5x128x16xf32, #tpu.memory_space<vmem>> -> memref<1x5x128x16xf32, #tpu.memory_space<vmem>>
          %dma_start3A_63 = tpu.memref_squeeze %dma_start3A_62 : memref<1x5x128x16xf32, #tpu.memory_space<vmem>> -> memref<5x128x16xf32, #tpu.memory_space<vmem>>
          %dma_start3A_64 = arith.constant 0 : i32
          %dma_start3A_65 = arith.constant 0 : i32
          %dma_start3A_66 = tpu.memref_slice %dma_start3A_63[%dma_start3A, %dma_start3A_64, %dma_start3A_65] : memref<5x128x16xf32, #tpu.memory_space<vmem>> -> memref<1x128x16xf32, #tpu.memory_space<vmem>>
          %dma_start3A_67 = tpu.memref_squeeze %dma_start3A_66 : memref<1x128x16xf32, #tpu.memory_space<vmem>> -> memref<128x16xf32, #tpu.memory_space<vmem>>
          %dma_start3A_68 = arith.constant 0 : i32
          %dma_start3A_69 = tpu.memref_slice %arg9[%add3A_48, %dma_start3A_68] : memref<50x128xi32, #tpu.memory_space<vmem>> -> memref<1x128xi32, #tpu.memory_space<vmem>>
          %dma_start3A_70 = tpu.memref_squeeze %dma_start3A_69 : memref<1x128xi32, #tpu.memory_space<vmem>> -> memref<128xi32, #tpu.memory_space<vmem>>
          %dma_start3A_71 = arith.constant 0 : i32
          %dma_start3A_72 = arith.constant 0 : i32
          %dma_start3A_73 = tpu.memref_slice %arg7[%dma_start3A_71, %dma_start3A_72] : memref<10240x16xf32, #tpu.memory_space<vmem_shared>> -> memref<10240x16xf32, #tpu.memory_space<vmem_shared>>
          tpu.enqueue_indirect_dma source(%dma_start3A_73 : memref<10240x16xf32, #tpu.memory_space<vmem_shared>>) target(%dma_start3A_67 : memref<128x16xf32, #tpu.memory_space<vmem>>) offsets(%dma_start3A_70 : memref<128xi32, #tpu.memory_space<vmem>>) semaphore(%arg14 : memref<!tpu.dma_semaphore, #tpu.memory_space<semaphore_mem>>)
          %mul3A_74 = arith.constant 5 : i32
          %mul3A_75 = arith.muli %scan3A_35, %mul3A_74 : i32
          %add3A_76 = arith.constant 0 : i32
          %add3A_77 = arith.addi %mul3A_75, %add3A_76 : i32
          %dma_start3A_78 = arith.constant 0 : i32
          %dma_start3A_79 = tpu.memref_slice %arg10[%add3A_77, %dma_start3A_78] : memref<50x128xi32, #tpu.memory_space<vmem>> -> memref<1x128xi32, #tpu.memory_space<vmem>>
          %dma_start3A_80 = tpu.memref_squeeze %dma_start3A_79 : memref<1x128xi32, #tpu.memory_space<vmem>> -> memref<128xi32, #tpu.memory_space<vmem>>
          %dma_start3A_81 = arith.constant 0 : i32
          %dma_start3A_82 = arith.constant 0 : i32
          %dma_start3A_83 = tpu.memref_slice %arg8[%dma_start3A_81, %dma_start3A_82] : memref<10240x16xf32, #tpu.memory_space<vmem_shared>> -> memref<10240x16xf32, #tpu.memory_space<vmem_shared>>
          tpu.enqueue_indirect_dma source(%arg12 : memref<128x16xf32, #tpu.memory_space<vmem>>) target(%dma_start3A_83 : memref<10240x16xf32, #tpu.memory_space<vmem_shared>>) offsets(%dma_start3A_80 : memref<128xi32, #tpu.memory_space<vmem>>) semaphore(%arg16 : memref<!tpu.dma_semaphore, #tpu.memory_space<semaphore_mem>>) {add = true}
          %mul3A_84 = arith.constant 5 : i32
          %mul3A_85 = arith.muli %scan3A_35, %mul3A_84 : i32
          %add3A_86 = arith.constant 1 : i32
          %add3A_87 = arith.addi %mul3A_85, %add3A_86 : i32
          %jit3A_88 = arith.constant 2 : i32
          %eq3A_89 = arith.constant 0 : i32
          %eq3A_90 = arith.cmpi eq, %jit3A_88, %eq3A_89 : i32
          %jit3A_91 = arith.constant 1 : i32
          %select_n3A_92 = arith.select %eq3A_90, %jit3A_91, %jit3A_88 : i32
          %rem3A_93 = arith.remsi %scan3A_35, %select_n3A_92 : i32
          %ne3A_94 = arith.constant 0 : i32
          %ne3A_95 = arith.cmpi ne, %rem3A_93, %ne3A_94 : i32
          %lt3A_96 = arith.constant 0 : i32
          %lt3A_97 = arith.cmpi slt, %rem3A_93, %lt3A_96 : i32
          %lt3A_98 = arith.constant 0 : i32
          %lt3A_99 = arith.cmpi slt, %select_n3A_92, %lt3A_98 : i32
          %ne3A_100 = arith.xori %lt3A_97, %lt3A_99 : i1
          %and3A_101 = arith.andi %ne3A_100, %ne3A_95 : i1
          %add3A_102 = arith.addi %rem3A_93, %select_n3A_92 : i32
          %select_n3A_103 = arith.select %and3A_101, %add3A_102, %rem3A_93 : i32
          %dma_start3A_104 = arith.constant 1 : i32
          %dma_start3A_105 = arith.constant 0 : i32
          %dma_start3A_106 = arith.constant 0 : i32
          %dma_start3A_107 = arith.constant 0 : i32
          %dma_start3A_108 = tpu.memref_slice %arg11[%select_n3A_103, %dma_start3A_105, %dma_start3A_106, %dma_start3A_107] : memref<2x5x128x16xf32, #tpu.memory_space<vmem>> -> memref<1x5x128x16xf32, #tpu.memory_space<vmem>>
          %dma_start3A_109 = tpu.memref_squeeze %dma_start3A_108 : memref<1x5x128x16xf32, #tpu.memory_space<vmem>> -> memref<5x128x16xf32, #tpu.memory_space<vmem>>
          %dma_start3A_110 = arith.constant 0 : i32
          %dma_start3A_111 = arith.constant 0 : i32
          %dma_start3A_112 = tpu.memref_slice %dma_start3A_109[%dma_start3A_104, %dma_start3A_110, %dma_start3A_111] : memref<5x128x16xf32, #tpu.memory_space<vmem>> -> memref<1x128x16xf32, #tpu.memory_space<vmem>>
          %dma_start3A_113 = tpu.memref_squeeze %dma_start3A_112 : memref<1x128x16xf32, #tpu.memory_space<vmem>> -> memref<128x16xf32, #tpu.memory_space<vmem>>
          %dma_start3A_114 = arith.constant 0 : i32
          %dma_start3A_115 = tpu.memref_slice %arg9[%add3A_87, %dma_start3A_114] : memref<50x128xi32, #tpu.memory_space<vmem>> -> memref<1x128xi32, #tpu.memory_space<vmem>>
          %dma_start3A_116 = tpu.memref_squeeze %dma_start3A_115 : memref<1x128xi32, #tpu.memory_space<vmem>> -> memref<128xi32, #tpu.memory_space<vmem>>
          %dma_start3A_117 = arith.constant 0 : i32
          %dma_start3A_118 = arith.constant 0 : i32
          %dma_start3A_119 = tpu.memref_slice %arg7[%dma_start3A_117, %dma_start3A_118] : memref<10240x16xf32, #tpu.memory_space<vmem_shared>> -> memref<10240x16xf32, #tpu.memory_space<vmem_shared>>
          tpu.enqueue_indirect_dma source(%dma_start3A_119 : memref<10240x16xf32, #tpu.memory_space<vmem_shared>>) target(%dma_start3A_113 : memref<128x16xf32, #tpu.memory_space<vmem>>) offsets(%dma_start3A_116 : memref<128xi32, #tpu.memory_space<vmem>>) semaphore(%arg14 : memref<!tpu.dma_semaphore, #tpu.memory_space<semaphore_mem>>)
          %mul3A_120 = arith.constant 5 : i32
          %mul3A_121 = arith.muli %scan3A_35, %mul3A_120 : i32
          %add3A_122 = arith.constant 1 : i32
          %add3A_123 = arith.addi %mul3A_121, %add3A_122 : i32
          %dma_start3A_124 = arith.constant 0 : i32
          %dma_start3A_125 = tpu.memref_slice %arg10[%add3A_123, %dma_start3A_124] : memref<50x128xi32, #tpu.memory_space<vmem>> -> memref<1x128xi32, #tpu.memory_space<vmem>>
          %dma_start3A_126 = tpu.memref_squeeze %dma_start3A_125 : memref<1x128xi32, #tpu.memory_space<vmem>> -> memref<128xi32, #tpu.memory_space<vmem>>
          %dma_start3A_127 = arith.constant 0 : i32
          %dma_start3A_128 = arith.constant 0 : i32
          %dma_start3A_129 = tpu.memref_slice %arg8[%dma_start3A_127, %dma_start3A_128] : memref<10240x16xf32, #tpu.memory_space<vmem_shared>> -> memref<10240x16xf32, #tpu.memory_space<vmem_shared>>
          tpu.enqueue_indirect_dma source(%arg12 : memref<128x16xf32, #tpu.memory_space<vmem>>) target(%dma_start3A_129 : memref<10240x16xf32, #tpu.memory_space<vmem_shared>>) offsets(%dma_start3A_126 : memref<128xi32, #tpu.memory_space<vmem>>) semaphore(%arg16 : memref<!tpu.dma_semaphore, #tpu.memory_space<semaphore_mem>>) {add = true}
          %mul3A_130 = arith.constant 5 : i32
          %mul3A_131 = arith.muli %scan3A_35, %mul3A_130 : i32
          %add3A_132 = arith.constant 2 : i32
          %add3A_133 = arith.addi %mul3A_131, %add3A_132 : i32
          %jit3A_134 = arith.constant 2 : i32
          %eq3A_135 = arith.constant 0 : i32
          %eq3A_136 = arith.cmpi eq, %jit3A_134, %eq3A_135 : i32
          %jit3A_137 = arith.constant 1 : i32
          %select_n3A_138 = arith.select %eq3A_136, %jit3A_137, %jit3A_134 : i32
          %rem3A_139 = arith.remsi %scan3A_35, %select_n3A_138 : i32
          %ne3A_140 = arith.constant 0 : i32
          %ne3A_141 = arith.cmpi ne, %rem3A_139, %ne3A_140 : i32
          %lt3A_142 = arith.constant 0 : i32
          %lt3A_143 = arith.cmpi slt, %rem3A_139, %lt3A_142 : i32
          %lt3A_144 = arith.constant 0 : i32
          %lt3A_145 = arith.cmpi slt, %select_n3A_138, %lt3A_144 : i32
          %ne3A_146 = arith.xori %lt3A_143, %lt3A_145 : i1
          %and3A_147 = arith.andi %ne3A_146, %ne3A_141 : i1
          %add3A_148 = arith.addi %rem3A_139, %select_n3A_138 : i32
          %select_n3A_149 = arith.select %and3A_147, %add3A_148, %rem3A_139 : i32
          %dma_start3A_150 = arith.constant 2 : i32
          %dma_start3A_151 = arith.constant 0 : i32
          %dma_start3A_152 = arith.constant 0 : i32
          %dma_start3A_153 = arith.constant 0 : i32
          %dma_start3A_154 = tpu.memref_slice %arg11[%select_n3A_149, %dma_start3A_151, %dma_start3A_152, %dma_start3A_153] : memref<2x5x128x16xf32, #tpu.memory_space<vmem>> -> memref<1x5x128x16xf32, #tpu.memory_space<vmem>>
          %dma_start3A_155 = tpu.memref_squeeze %dma_start3A_154 : memref<1x5x128x16xf32, #tpu.memory_space<vmem>> -> memref<5x128x16xf32, #tpu.memory_space<vmem>>
          %dma_start3A_156 = arith.constant 0 : i32
          %dma_start3A_157 = arith.constant 0 : i32
          %dma_start3A_158 = tpu.memref_slice %dma_start3A_155[%dma_start3A_150, %dma_start3A_156, %dma_start3A_157] : memref<5x128x16xf32, #tpu.memory_space<vmem>> -> memref<1x128x16xf32, #tpu.memory_space<vmem>>
          %dma_start3A_159 = tpu.memref_squeeze %dma_start3A_158 : memref<1x128x16xf32, #tpu.memory_space<vmem>> -> memref<128x16xf32, #tpu.memory_space<vmem>>
          %dma_start3A_160 = arith.constant 0 : i32
          %dma_start3A_161 = tpu.memref_slice %arg9[%add3A_133, %dma_start3A_160] : memref<50x128xi32, #tpu.memory_space<vmem>> -> memref<1x128xi32, #tpu.memory_space<vmem>>
          %dma_start3A_162 = tpu.memref_squeeze %dma_start3A_161 : memref<1x128xi32, #tpu.memory_space<vmem>> -> memref<128xi32, #tpu.memory_space<vmem>>
          %dma_start3A_163 = arith.constant 0 : i32
          %dma_start3A_164 = arith.constant 0 : i32
          %dma_start3A_165 = tpu.memref_slice %arg7[%dma_start3A_163, %dma_start3A_164] : memref<10240x16xf32, #tpu.memory_space<vmem_shared>> -> memref<10240x16xf32, #tpu.memory_space<vmem_shared>>
          tpu.enqueue_indirect_dma source(%dma_start3A_165 : memref<10240x16xf32, #tpu.memory_space<vmem_shared>>) target(%dma_start3A_159 : memref<128x16xf32, #tpu.memory_space<vmem>>) offsets(%dma_start3A_162 : memref<128xi32, #tpu.memory_space<vmem>>) semaphore(%arg14 : memref<!tpu.dma_semaphore, #tpu.memory_space<semaphore_mem>>)
          %mul3A_166 = arith.constant 5 : i32
          %mul3A_167 = arith.muli %scan3A_35, %mul3A_166 : i32
          %add3A_168 = arith.constant 2 : i32
          %add3A_169 = arith.addi %mul3A_167, %add3A_168 : i32
          %dma_start3A_170 = arith.constant 0 : i32
          %dma_start3A_171 = tpu.memref_slice %arg10[%add3A_169, %dma_start3A_170] : memref<50x128xi32, #tpu.memory_space<vmem>> -> memref<1x128xi32, #tpu.memory_space<vmem>>
          %dma_start3A_172 = tpu.memref_squeeze %dma_start3A_171 : memref<1x128xi32, #tpu.memory_space<vmem>> -> memref<128xi32, #tpu.memory_space<vmem>>
          %dma_start3A_173 = arith.constant 0 : i32
          %dma_start3A_174 = arith.constant 0 : i32
          %dma_start3A_175 = tpu.memref_slice %arg8[%dma_start3A_173, %dma_start3A_174] : memref<10240x16xf32, #tpu.memory_space<vmem_shared>> -> memref<10240x16xf32, #tpu.memory_space<vmem_shared>>
          tpu.enqueue_indirect_dma source(%arg12 : memref<128x16xf32, #tpu.memory_space<vmem>>) target(%dma_start3A_175 : memref<10240x16xf32, #tpu.memory_space<vmem_shared>>) offsets(%dma_start3A_172 : memref<128xi32, #tpu.memory_space<vmem>>) semaphore(%arg16 : memref<!tpu.dma_semaphore, #tpu.memory_space<semaphore_mem>>) {add = true}
          %mul3A_176 = arith.constant 5 : i32
          %mul3A_177 = arith.muli %scan3A_35, %mul3A_176 : i32
          %add3A_178 = arith.constant 3 : i32
          %add3A_179 = arith.addi %mul3A_177, %add3A_178 : i32
          %jit3A_180 = arith.constant 2 : i32
          %eq3A_181 = arith.constant 0 : i32
          %eq3A_182 = arith.cmpi eq, %jit3A_180, %eq3A_181 : i32
          %jit3A_183 = arith.constant 1 : i32
          %select_n3A_184 = arith.select %eq3A_182, %jit3A_183, %jit3A_180 : i32
          %rem3A_185 = arith.remsi %scan3A_35, %select_n3A_184 : i32
          %ne3A_186 = arith.constant 0 : i32
          %ne3A_187 = arith.cmpi ne, %rem3A_185, %ne3A_186 : i32
          %lt3A_188 = arith.constant 0 : i32
          %lt3A_189 = arith.cmpi slt, %rem3A_185, %lt3A_188 : i32
          %lt3A_190 = arith.constant 0 : i32
          %lt3A_191 = arith.cmpi slt, %select_n3A_184, %lt3A_190 : i32
          %ne3A_192 = arith.xori %lt3A_189, %lt3A_191 : i1
          %and3A_193 = arith.andi %ne3A_192, %ne3A_187 : i1
          %add3A_194 = arith.addi %rem3A_185, %select_n3A_184 : i32
          %select_n3A_195 = arith.select %and3A_193, %add3A_194, %rem3A_185 : i32
          %dma_start3A_196 = arith.constant 3 : i32
          %dma_start3A_197 = arith.constant 0 : i32
          %dma_start3A_198 = arith.constant 0 : i32
          %dma_start3A_199 = arith.constant 0 : i32
          %dma_start3A_200 = tpu.memref_slice %arg11[%select_n3A_195, %dma_start3A_197, %dma_start3A_198, %dma_start3A_199] : memref<2x5x128x16xf32, #tpu.memory_space<vmem>> -> memref<1x5x128x16xf32, #tpu.memory_space<vmem>>
          %dma_start3A_201 = tpu.memref_squeeze %dma_start3A_200 : memref<1x5x128x16xf32, #tpu.memory_space<vmem>> -> memref<5x128x16xf32, #tpu.memory_space<vmem>>
          %dma_start3A_202 = arith.constant 0 : i32
          %dma_start3A_203 = arith.constant 0 : i32
          %dma_start3A_204 = tpu.memref_slice %dma_start3A_201[%dma_start3A_196, %dma_start3A_202, %dma_start3A_203] : memref<5x128x16xf32, #tpu.memory_space<vmem>> -> memref<1x128x16xf32, #tpu.memory_space<vmem>>
          %dma_start3A_205 = tpu.memref_squeeze %dma_start3A_204 : memref<1x128x16xf32, #tpu.memory_space<vmem>> -> memref<128x16xf32, #tpu.memory_space<vmem>>
          %dma_start3A_206 = arith.constant 0 : i32
          %dma_start3A_207 = tpu.memref_slice %arg9[%add3A_179, %dma_start3A_206] : memref<50x128xi32, #tpu.memory_space<vmem>> -> memref<1x128xi32, #tpu.memory_space<vmem>>
          %dma_start3A_208 = tpu.memref_squeeze %dma_start3A_207 : memref<1x128xi32, #tpu.memory_space<vmem>> -> memref<128xi32, #tpu.memory_space<vmem>>
          %dma_start3A_209 = arith.constant 0 : i32
          %dma_start3A_210 = arith.constant 0 : i32
          %dma_start3A_211 = tpu.memref_slice %arg7[%dma_start3A_209, %dma_start3A_210] : memref<10240x16xf32, #tpu.memory_space<vmem_shared>> -> memref<10240x16xf32, #tpu.memory_space<vmem_shared>>
          tpu.enqueue_indirect_dma source(%dma_start3A_211 : memref<10240x16xf32, #tpu.memory_space<vmem_shared>>) target(%dma_start3A_205 : memref<128x16xf32, #tpu.memory_space<vmem>>) offsets(%dma_start3A_208 : memref<128xi32, #tpu.memory_space<vmem>>) semaphore(%arg14 : memref<!tpu.dma_semaphore, #tpu.memory_space<semaphore_mem>>)
          %mul3A_212 = arith.constant 5 : i32
          %mul3A_213 = arith.muli %scan3A_35, %mul3A_212 : i32
          %add3A_214 = arith.constant 3 : i32
          %add3A_215 = arith.addi %mul3A_213, %add3A_214 : i32
          %dma_start3A_216 = arith.constant 0 : i32
          %dma_start3A_217 = tpu.memref_slice %arg10[%add3A_215, %dma_start3A_216] : memref<50x128xi32, #tpu.memory_space<vmem>> -> memref<1x128xi32, #tpu.memory_space<vmem>>
          %dma_start3A_218 = tpu.memref_squeeze %dma_start3A_217 : memref<1x128xi32, #tpu.memory_space<vmem>> -> memref<128xi32, #tpu.memory_space<vmem>>
          %dma_start3A_219 = arith.constant 0 : i32
          %dma_start3A_220 = arith.constant 0 : i32
          %dma_start3A_221 = tpu.memref_slice %arg8[%dma_start3A_219, %dma_start3A_220] : memref<10240x16xf32, #tpu.memory_space<vmem_shared>> -> memref<10240x16xf32, #tpu.memory_space<vmem_shared>>
          tpu.enqueue_indirect_dma source(%arg12 : memref<128x16xf32, #tpu.memory_space<vmem>>) target(%dma_start3A_221 : memref<10240x16xf32, #tpu.memory_space<vmem_shared>>) offsets(%dma_start3A_218 : memref<128xi32, #tpu.memory_space<vmem>>) semaphore(%arg16 : memref<!tpu.dma_semaphore, #tpu.memory_space<semaphore_mem>>) {add = true}
          %mul3A_222 = arith.constant 5 : i32
          %mul3A_223 = arith.muli %scan3A_35, %mul3A_222 : i32
          %add3A_224 = arith.constant 4 : i32
          %add3A_225 = arith.addi %mul3A_223, %add3A_224 : i32
          %jit3A_226 = arith.constant 2 : i32
          %eq3A_227 = arith.constant 0 : i32
          %eq3A_228 = arith.cmpi eq, %jit3A_226, %eq3A_227 : i32
          %jit3A_229 = arith.constant 1 : i32
          %select_n3A_230 = arith.select %eq3A_228, %jit3A_229, %jit3A_226 : i32
          %rem3A_231 = arith.remsi %scan3A_35, %select_n3A_230 : i32
          %ne3A_232 = arith.constant 0 : i32
          %ne3A_233 = arith.cmpi ne, %rem3A_231, %ne3A_232 : i32
          %lt3A_234 = arith.constant 0 : i32
          %lt3A_235 = arith.cmpi slt, %rem3A_231, %lt3A_234 : i32
          %lt3A_236 = arith.constant 0 : i32
          %lt3A_237 = arith.cmpi slt, %select_n3A_230, %lt3A_236 : i32
          %ne3A_238 = arith.xori %lt3A_235, %lt3A_237 : i1
          %and3A_239 = arith.andi %ne3A_238, %ne3A_233 : i1
          %add3A_240 = arith.addi %rem3A_231, %select_n3A_230 : i32
          %select_n3A_241 = arith.select %and3A_239, %add3A_240, %rem3A_231 : i32
          %dma_start3A_242 = arith.constant 4 : i32
          %dma_start3A_243 = arith.constant 0 : i32
          %dma_start3A_244 = arith.constant 0 : i32
          %dma_start3A_245 = arith.constant 0 : i32
          %dma_start3A_246 = tpu.memref_slice %arg11[%select_n3A_241, %dma_start3A_243, %dma_start3A_244, %dma_start3A_245] : memref<2x5x128x16xf32, #tpu.memory_space<vmem>> -> memref<1x5x128x16xf32, #tpu.memory_space<vmem>>
          %dma_start3A_247 = tpu.memref_squeeze %dma_start3A_246 : memref<1x5x128x16xf32, #tpu.memory_space<vmem>> -> memref<5x128x16xf32, #tpu.memory_space<vmem>>
          %dma_start3A_248 = arith.constant 0 : i32
          %dma_start3A_249 = arith.constant 0 : i32
          %dma_start3A_250 = tpu.memref_slice %dma_start3A_247[%dma_start3A_242, %dma_start3A_248, %dma_start3A_249] : memref<5x128x16xf32, #tpu.memory_space<vmem>> -> memref<1x128x16xf32, #tpu.memory_space<vmem>>
          %dma_start3A_251 = tpu.memref_squeeze %dma_start3A_250 : memref<1x128x16xf32, #tpu.memory_space<vmem>> -> memref<128x16xf32, #tpu.memory_space<vmem>>
          %dma_start3A_252 = arith.constant 0 : i32
          %dma_start3A_253 = tpu.memref_slice %arg9[%add3A_225, %dma_start3A_252] : memref<50x128xi32, #tpu.memory_space<vmem>> -> memref<1x128xi32, #tpu.memory_space<vmem>>
          %dma_start3A_254 = tpu.memref_squeeze %dma_start3A_253 : memref<1x128xi32, #tpu.memory_space<vmem>> -> memref<128xi32, #tpu.memory_space<vmem>>
          %dma_start3A_255 = arith.constant 0 : i32
          %dma_start3A_256 = arith.constant 0 : i32
          %dma_start3A_257 = tpu.memref_slice %arg7[%dma_start3A_255, %dma_start3A_256] : memref<10240x16xf32, #tpu.memory_space<vmem_shared>> -> memref<10240x16xf32, #tpu.memory_space<vmem_shared>>
          tpu.enqueue_indirect_dma source(%dma_start3A_257 : memref<10240x16xf32, #tpu.memory_space<vmem_shared>>) target(%dma_start3A_251 : memref<128x16xf32, #tpu.memory_space<vmem>>) offsets(%dma_start3A_254 : memref<128xi32, #tpu.memory_space<vmem>>) semaphore(%arg14 : memref<!tpu.dma_semaphore, #tpu.memory_space<semaphore_mem>>)
          %mul3A_258 = arith.constant 5 : i32
          %mul3A_259 = arith.muli %scan3A_35, %mul3A_258 : i32
          %add3A_260 = arith.constant 4 : i32
          %add3A_261 = arith.addi %mul3A_259, %add3A_260 : i32
          %dma_start3A_262 = arith.constant 0 : i32
          %dma_start3A_263 = tpu.memref_slice %arg10[%add3A_261, %dma_start3A_262] : memref<50x128xi32, #tpu.memory_space<vmem>> -> memref<1x128xi32, #tpu.memory_space<vmem>>
          %dma_start3A_264 = tpu.memref_squeeze %dma_start3A_263 : memref<1x128xi32, #tpu.memory_space<vmem>> -> memref<128xi32, #tpu.memory_space<vmem>>
          %dma_start3A_265 = arith.constant 0 : i32
          %dma_start3A_266 = arith.constant 0 : i32
          %dma_start3A_267 = tpu.memref_slice %arg8[%dma_start3A_265, %dma_start3A_266] : memref<10240x16xf32, #tpu.memory_space<vmem_shared>> -> memref<10240x16xf32, #tpu.memory_space<vmem_shared>>
          tpu.enqueue_indirect_dma source(%arg12 : memref<128x16xf32, #tpu.memory_space<vmem>>) target(%dma_start3A_267 : memref<10240x16xf32, #tpu.memory_space<vmem_shared>>) offsets(%dma_start3A_264 : memref<128xi32, #tpu.memory_space<vmem>>) semaphore(%arg16 : memref<!tpu.dma_semaphore, #tpu.memory_space<semaphore_mem>>) {add = true}
        } else {
        }
        %gt3A = arith.constant 0 : i32
        %gt3A_41 = arith.cmpi sgt, %scan3A_35, %gt3A : i32
        %convert_element_type3A_42 = arith.extui %gt3A_41 : i1 to i32
        %cond3A_43 = arith.constant 0 : i32
        %cond3A_44 = arith.cmpi ne, %convert_element_type3A_42, %cond3A_43 : i32
        scf.if %cond3A_44 {
          %sub3A = arith.constant 1 : i32
          %sub3A_45 = arith.subi %scan3A_35, %sub3A : i32
          %mul3A_46 = arith.constant 5 : i32
          %mul3A_47 = arith.muli %sub3A_45, %mul3A_46 : i32
          %add3A_48 = arith.constant 0 : i32
          %add3A_49 = arith.addi %mul3A_47, %add3A_48 : i32
          %jit3A = arith.constant 2 : i32
          %eq3A = arith.constant 0 : i32
          %eq3A_50 = arith.cmpi eq, %jit3A, %eq3A : i32
          %jit3A_51 = arith.constant 1 : i32
          %select_n3A = arith.select %eq3A_50, %jit3A_51, %jit3A : i32
          %rem3A = arith.remsi %sub3A_45, %select_n3A : i32
          %ne3A = arith.constant 0 : i32
          %ne3A_52 = arith.cmpi ne, %rem3A, %ne3A : i32
          %lt3A_53 = arith.constant 0 : i32
          %lt3A_54 = arith.cmpi slt, %rem3A, %lt3A_53 : i32
          %lt3A_55 = arith.constant 0 : i32
          %lt3A_56 = arith.cmpi slt, %select_n3A, %lt3A_55 : i32
          %ne3A_57 = arith.xori %lt3A_54, %lt3A_56 : i1
          %and3A = arith.andi %ne3A_57, %ne3A_52 : i1
          %add3A_58 = arith.addi %rem3A, %select_n3A : i32
          %select_n3A_59 = arith.select %and3A, %add3A_58, %rem3A : i32
          %dma_wait3A = arith.constant 0 : i32
          %dma_wait3A_60 = arith.constant 0 : i32
          %dma_wait3A_61 = arith.constant 0 : i32
          %dma_wait3A_62 = arith.constant 0 : i32
          %dma_wait3A_63 = tpu.memref_slice %arg11[%select_n3A_59, %dma_wait3A_60, %dma_wait3A_61, %dma_wait3A_62] : memref<2x5x128x16xf32, #tpu.memory_space<vmem>> -> memref<1x5x128x16xf32, #tpu.memory_space<vmem>>
          %dma_wait3A_64 = tpu.memref_squeeze %dma_wait3A_63 : memref<1x5x128x16xf32, #tpu.memory_space<vmem>> -> memref<5x128x16xf32, #tpu.memory_space<vmem>>
          %dma_wait3A_65 = arith.constant 0 : i32
          %dma_wait3A_66 = arith.constant 0 : i32
          %dma_wait3A_67 = tpu.memref_slice %dma_wait3A_64[%dma_wait3A, %dma_wait3A_65, %dma_wait3A_66] : memref<5x128x16xf32, #tpu.memory_space<vmem>> -> memref<1x128x16xf32, #tpu.memory_space<vmem>>
          %dma_wait3A_68 = tpu.memref_squeeze %dma_wait3A_67 : memref<1x128x16xf32, #tpu.memory_space<vmem>> -> memref<128x16xf32, #tpu.memory_space<vmem>>
          %dma_wait3A_69 = arith.constant 0 : i32
          %dma_wait3A_70 = tpu.memref_slice %arg9[%add3A_49, %dma_wait3A_69] : memref<50x128xi32, #tpu.memory_space<vmem>> -> memref<1x128xi32, #tpu.memory_space<vmem>>
          %dma_wait3A_71 = tpu.memref_squeeze %dma_wait3A_70 : memref<1x128xi32, #tpu.memory_space<vmem>> -> memref<128xi32, #tpu.memory_space<vmem>>
          %dma_wait3A_72 = arith.constant 0 : i32
          %dma_wait3A_73 = arith.constant 0 : i32
          %dma_wait3A_74 = tpu.memref_slice %arg7[%dma_wait3A_72, %dma_wait3A_73] : memref<10240x16xf32, #tpu.memory_space<vmem_shared>> -> memref<10240x16xf32, #tpu.memory_space<vmem_shared>>
          tpu.wait_indirect_dma semaphore(%arg14 : memref<!tpu.dma_semaphore, #tpu.memory_space<semaphore_mem>>) src(%dma_wait3A_74 : memref<10240x16xf32, #tpu.memory_space<vmem_shared>>) dst(%dma_wait3A_68 : memref<128x16xf32, #tpu.memory_space<vmem>>)
          %mul3A_75 = arith.constant 5 : i32
          %mul3A_76 = arith.muli %sub3A_45, %mul3A_75 : i32
          %add3A_77 = arith.constant 0 : i32
          %add3A_78 = arith.addi %mul3A_76, %add3A_77 : i32
          %dma_wait3A_79 = arith.constant 0 : i32
          %dma_wait3A_80 = tpu.memref_slice %arg10[%add3A_78, %dma_wait3A_79] : memref<50x128xi32, #tpu.memory_space<vmem>> -> memref<1x128xi32, #tpu.memory_space<vmem>>
          %dma_wait3A_81 = tpu.memref_squeeze %dma_wait3A_80 : memref<1x128xi32, #tpu.memory_space<vmem>> -> memref<128xi32, #tpu.memory_space<vmem>>
          %dma_wait3A_82 = arith.constant 0 : i32
          %dma_wait3A_83 = arith.constant 0 : i32
          %dma_wait3A_84 = tpu.memref_slice %arg8[%dma_wait3A_82, %dma_wait3A_83] : memref<10240x16xf32, #tpu.memory_space<vmem_shared>> -> memref<10240x16xf32, #tpu.memory_space<vmem_shared>>
          tpu.wait_indirect_dma semaphore(%arg16 : memref<!tpu.dma_semaphore, #tpu.memory_space<semaphore_mem>>) src(%arg12 : memref<128x16xf32, #tpu.memory_space<vmem>>) dst(%dma_wait3A_84 : memref<10240x16xf32, #tpu.memory_space<vmem_shared>>)
          %mul3A_85 = arith.constant 5 : i32
          %mul3A_86 = arith.muli %sub3A_45, %mul3A_85 : i32
          %add3A_87 = arith.constant 1 : i32
          %add3A_88 = arith.addi %mul3A_86, %add3A_87 : i32
          %jit3A_89 = arith.constant 2 : i32
          %eq3A_90 = arith.constant 0 : i32
          %eq3A_91 = arith.cmpi eq, %jit3A_89, %eq3A_90 : i32
          %jit3A_92 = arith.constant 1 : i32
          %select_n3A_93 = arith.select %eq3A_91, %jit3A_92, %jit3A_89 : i32
          %rem3A_94 = arith.remsi %sub3A_45, %select_n3A_93 : i32
          %ne3A_95 = arith.constant 0 : i32
          %ne3A_96 = arith.cmpi ne, %rem3A_94, %ne3A_95 : i32
          %lt3A_97 = arith.constant 0 : i32
          %lt3A_98 = arith.cmpi slt, %rem3A_94, %lt3A_97 : i32
          %lt3A_99 = arith.constant 0 : i32
          %lt3A_100 = arith.cmpi slt, %select_n3A_93, %lt3A_99 : i32
          %ne3A_101 = arith.xori %lt3A_98, %lt3A_100 : i1
          %and3A_102 = arith.andi %ne3A_101, %ne3A_96 : i1
          %add3A_103 = arith.addi %rem3A_94, %select_n3A_93 : i32
          %select_n3A_104 = arith.select %and3A_102, %add3A_103, %rem3A_94 : i32
          %dma_wait3A_105 = arith.constant 1 : i32
          %dma_wait3A_106 = arith.constant 0 : i32
          %dma_wait3A_107 = arith.constant 0 : i32
          %dma_wait3A_108 = arith.constant 0 : i32
          %dma_wait3A_109 = tpu.memref_slice %arg11[%select_n3A_104, %dma_wait3A_106, %dma_wait3A_107, %dma_wait3A_108] : memref<2x5x128x16xf32, #tpu.memory_space<vmem>> -> memref<1x5x128x16xf32, #tpu.memory_space<vmem>>
          %dma_wait3A_110 = tpu.memref_squeeze %dma_wait3A_109 : memref<1x5x128x16xf32, #tpu.memory_space<vmem>> -> memref<5x128x16xf32, #tpu.memory_space<vmem>>
          %dma_wait3A_111 = arith.constant 0 : i32
          %dma_wait3A_112 = arith.constant 0 : i32
          %dma_wait3A_113 = tpu.memref_slice %dma_wait3A_110[%dma_wait3A_105, %dma_wait3A_111, %dma_wait3A_112] : memref<5x128x16xf32, #tpu.memory_space<vmem>> -> memref<1x128x16xf32, #tpu.memory_space<vmem>>
          %dma_wait3A_114 = tpu.memref_squeeze %dma_wait3A_113 : memref<1x128x16xf32, #tpu.memory_space<vmem>> -> memref<128x16xf32, #tpu.memory_space<vmem>>
          %dma_wait3A_115 = arith.constant 0 : i32
          %dma_wait3A_116 = tpu.memref_slice %arg9[%add3A_88, %dma_wait3A_115] : memref<50x128xi32, #tpu.memory_space<vmem>> -> memref<1x128xi32, #tpu.memory_space<vmem>>
          %dma_wait3A_117 = tpu.memref_squeeze %dma_wait3A_116 : memref<1x128xi32, #tpu.memory_space<vmem>> -> memref<128xi32, #tpu.memory_space<vmem>>
          %dma_wait3A_118 = arith.constant 0 : i32
          %dma_wait3A_119 = arith.constant 0 : i32
          %dma_wait3A_120 = tpu.memref_slice %arg7[%dma_wait3A_118, %dma_wait3A_119] : memref<10240x16xf32, #tpu.memory_space<vmem_shared>> -> memref<10240x16xf32, #tpu.memory_space<vmem_shared>>
          tpu.wait_indirect_dma semaphore(%arg14 : memref<!tpu.dma_semaphore, #tpu.memory_space<semaphore_mem>>) src(%dma_wait3A_120 : memref<10240x16xf32, #tpu.memory_space<vmem_shared>>) dst(%dma_wait3A_114 : memref<128x16xf32, #tpu.memory_space<vmem>>)
          %mul3A_121 = arith.constant 5 : i32
          %mul3A_122 = arith.muli %sub3A_45, %mul3A_121 : i32
          %add3A_123 = arith.constant 1 : i32
          %add3A_124 = arith.addi %mul3A_122, %add3A_123 : i32
          %dma_wait3A_125 = arith.constant 0 : i32
          %dma_wait3A_126 = tpu.memref_slice %arg10[%add3A_124, %dma_wait3A_125] : memref<50x128xi32, #tpu.memory_space<vmem>> -> memref<1x128xi32, #tpu.memory_space<vmem>>
          %dma_wait3A_127 = tpu.memref_squeeze %dma_wait3A_126 : memref<1x128xi32, #tpu.memory_space<vmem>> -> memref<128xi32, #tpu.memory_space<vmem>>
          %dma_wait3A_128 = arith.constant 0 : i32
          %dma_wait3A_129 = arith.constant 0 : i32
          %dma_wait3A_130 = tpu.memref_slice %arg8[%dma_wait3A_128, %dma_wait3A_129] : memref<10240x16xf32, #tpu.memory_space<vmem_shared>> -> memref<10240x16xf32, #tpu.memory_space<vmem_shared>>
          tpu.wait_indirect_dma semaphore(%arg16 : memref<!tpu.dma_semaphore, #tpu.memory_space<semaphore_mem>>) src(%arg12 : memref<128x16xf32, #tpu.memory_space<vmem>>) dst(%dma_wait3A_130 : memref<10240x16xf32, #tpu.memory_space<vmem_shared>>)
          %mul3A_131 = arith.constant 5 : i32
          %mul3A_132 = arith.muli %sub3A_45, %mul3A_131 : i32
          %add3A_133 = arith.constant 2 : i32
          %add3A_134 = arith.addi %mul3A_132, %add3A_133 : i32
          %jit3A_135 = arith.constant 2 : i32
          %eq3A_136 = arith.constant 0 : i32
          %eq3A_137 = arith.cmpi eq, %jit3A_135, %eq3A_136 : i32
          %jit3A_138 = arith.constant 1 : i32
          %select_n3A_139 = arith.select %eq3A_137, %jit3A_138, %jit3A_135 : i32
          %rem3A_140 = arith.remsi %sub3A_45, %select_n3A_139 : i32
          %ne3A_141 = arith.constant 0 : i32
          %ne3A_142 = arith.cmpi ne, %rem3A_140, %ne3A_141 : i32
          %lt3A_143 = arith.constant 0 : i32
          %lt3A_144 = arith.cmpi slt, %rem3A_140, %lt3A_143 : i32
          %lt3A_145 = arith.constant 0 : i32
          %lt3A_146 = arith.cmpi slt, %select_n3A_139, %lt3A_145 : i32
          %ne3A_147 = arith.xori %lt3A_144, %lt3A_146 : i1
          %and3A_148 = arith.andi %ne3A_147, %ne3A_142 : i1
          %add3A_149 = arith.addi %rem3A_140, %select_n3A_139 : i32
          %select_n3A_150 = arith.select %and3A_148, %add3A_149, %rem3A_140 : i32
          %dma_wait3A_151 = arith.constant 2 : i32
          %dma_wait3A_152 = arith.constant 0 : i32
          %dma_wait3A_153 = arith.constant 0 : i32
          %dma_wait3A_154 = arith.constant 0 : i32
          %dma_wait3A_155 = tpu.memref_slice %arg11[%select_n3A_150, %dma_wait3A_152, %dma_wait3A_153, %dma_wait3A_154] : memref<2x5x128x16xf32, #tpu.memory_space<vmem>> -> memref<1x5x128x16xf32, #tpu.memory_space<vmem>>
          %dma_wait3A_156 = tpu.memref_squeeze %dma_wait3A_155 : memref<1x5x128x16xf32, #tpu.memory_space<vmem>> -> memref<5x128x16xf32, #tpu.memory_space<vmem>>
          %dma_wait3A_157 = arith.constant 0 : i32
          %dma_wait3A_158 = arith.constant 0 : i32
          %dma_wait3A_159 = tpu.memref_slice %dma_wait3A_156[%dma_wait3A_151, %dma_wait3A_157, %dma_wait3A_158] : memref<5x128x16xf32, #tpu.memory_space<vmem>> -> memref<1x128x16xf32, #tpu.memory_space<vmem>>
          %dma_wait3A_160 = tpu.memref_squeeze %dma_wait3A_159 : memref<1x128x16xf32, #tpu.memory_space<vmem>> -> memref<128x16xf32, #tpu.memory_space<vmem>>
          %dma_wait3A_161 = arith.constant 0 : i32
          %dma_wait3A_162 = tpu.memref_slice %arg9[%add3A_134, %dma_wait3A_161] : memref<50x128xi32, #tpu.memory_space<vmem>> -> memref<1x128xi32, #tpu.memory_space<vmem>>
          %dma_wait3A_163 = tpu.memref_squeeze %dma_wait3A_162 : memref<1x128xi32, #tpu.memory_space<vmem>> -> memref<128xi32, #tpu.memory_space<vmem>>
          %dma_wait3A_164 = arith.constant 0 : i32
          %dma_wait3A_165 = arith.constant 0 : i32
          %dma_wait3A_166 = tpu.memref_slice %arg7[%dma_wait3A_164, %dma_wait3A_165] : memref<10240x16xf32, #tpu.memory_space<vmem_shared>> -> memref<10240x16xf32, #tpu.memory_space<vmem_shared>>
          tpu.wait_indirect_dma semaphore(%arg14 : memref<!tpu.dma_semaphore, #tpu.memory_space<semaphore_mem>>) src(%dma_wait3A_166 : memref<10240x16xf32, #tpu.memory_space<vmem_shared>>) dst(%dma_wait3A_160 : memref<128x16xf32, #tpu.memory_space<vmem>>)
          %mul3A_167 = arith.constant 5 : i32
          %mul3A_168 = arith.muli %sub3A_45, %mul3A_167 : i32
          %add3A_169 = arith.constant 2 : i32
          %add3A_170 = arith.addi %mul3A_168, %add3A_169 : i32
          %dma_wait3A_171 = arith.constant 0 : i32
          %dma_wait3A_172 = tpu.memref_slice %arg10[%add3A_170, %dma_wait3A_171] : memref<50x128xi32, #tpu.memory_space<vmem>> -> memref<1x128xi32, #tpu.memory_space<vmem>>
          %dma_wait3A_173 = tpu.memref_squeeze %dma_wait3A_172 : memref<1x128xi32, #tpu.memory_space<vmem>> -> memref<128xi32, #tpu.memory_space<vmem>>
          %dma_wait3A_174 = arith.constant 0 : i32
          %dma_wait3A_175 = arith.constant 0 : i32
          %dma_wait3A_176 = tpu.memref_slice %arg8[%dma_wait3A_174, %dma_wait3A_175] : memref<10240x16xf32, #tpu.memory_space<vmem_shared>> -> memref<10240x16xf32, #tpu.memory_space<vmem_shared>>
          tpu.wait_indirect_dma semaphore(%arg16 : memref<!tpu.dma_semaphore, #tpu.memory_space<semaphore_mem>>) src(%arg12 : memref<128x16xf32, #tpu.memory_space<vmem>>) dst(%dma_wait3A_176 : memref<10240x16xf32, #tpu.memory_space<vmem_shared>>)
          %mul3A_177 = arith.constant 5 : i32
          %mul3A_178 = arith.muli %sub3A_45, %mul3A_177 : i32
          %add3A_179 = arith.constant 3 : i32
          %add3A_180 = arith.addi %mul3A_178, %add3A_179 : i32
          %jit3A_181 = arith.constant 2 : i32
          %eq3A_182 = arith.constant 0 : i32
          %eq3A_183 = arith.cmpi eq, %jit3A_181, %eq3A_182 : i32
          %jit3A_184 = arith.constant 1 : i32
          %select_n3A_185 = arith.select %eq3A_183, %jit3A_184, %jit3A_181 : i32
          %rem3A_186 = arith.remsi %sub3A_45, %select_n3A_185 : i32
          %ne3A_187 = arith.constant 0 : i32
          %ne3A_188 = arith.cmpi ne, %rem3A_186, %ne3A_187 : i32
          %lt3A_189 = arith.constant 0 : i32
          %lt3A_190 = arith.cmpi slt, %rem3A_186, %lt3A_189 : i32
          %lt3A_191 = arith.constant 0 : i32
          %lt3A_192 = arith.cmpi slt, %select_n3A_185, %lt3A_191 : i32
          %ne3A_193 = arith.xori %lt3A_190, %lt3A_192 : i1
          %and3A_194 = arith.andi %ne3A_193, %ne3A_188 : i1
          %add3A_195 = arith.addi %rem3A_186, %select_n3A_185 : i32
          %select_n3A_196 = arith.select %and3A_194, %add3A_195, %rem3A_186 : i32
          %dma_wait3A_197 = arith.constant 3 : i32
          %dma_wait3A_198 = arith.constant 0 : i32
          %dma_wait3A_199 = arith.constant 0 : i32
          %dma_wait3A_200 = arith.constant 0 : i32
          %dma_wait3A_201 = tpu.memref_slice %arg11[%select_n3A_196, %dma_wait3A_198, %dma_wait3A_199, %dma_wait3A_200] : memref<2x5x128x16xf32, #tpu.memory_space<vmem>> -> memref<1x5x128x16xf32, #tpu.memory_space<vmem>>
          %dma_wait3A_202 = tpu.memref_squeeze %dma_wait3A_201 : memref<1x5x128x16xf32, #tpu.memory_space<vmem>> -> memref<5x128x16xf32, #tpu.memory_space<vmem>>
          %dma_wait3A_203 = arith.constant 0 : i32
          %dma_wait3A_204 = arith.constant 0 : i32
          %dma_wait3A_205 = tpu.memref_slice %dma_wait3A_202[%dma_wait3A_197, %dma_wait3A_203, %dma_wait3A_204] : memref<5x128x16xf32, #tpu.memory_space<vmem>> -> memref<1x128x16xf32, #tpu.memory_space<vmem>>
          %dma_wait3A_206 = tpu.memref_squeeze %dma_wait3A_205 : memref<1x128x16xf32, #tpu.memory_space<vmem>> -> memref<128x16xf32, #tpu.memory_space<vmem>>
          %dma_wait3A_207 = arith.constant 0 : i32
          %dma_wait3A_208 = tpu.memref_slice %arg9[%add3A_180, %dma_wait3A_207] : memref<50x128xi32, #tpu.memory_space<vmem>> -> memref<1x128xi32, #tpu.memory_space<vmem>>
          %dma_wait3A_209 = tpu.memref_squeeze %dma_wait3A_208 : memref<1x128xi32, #tpu.memory_space<vmem>> -> memref<128xi32, #tpu.memory_space<vmem>>
          %dma_wait3A_210 = arith.constant 0 : i32
          %dma_wait3A_211 = arith.constant 0 : i32
          %dma_wait3A_212 = tpu.memref_slice %arg7[%dma_wait3A_210, %dma_wait3A_211] : memref<10240x16xf32, #tpu.memory_space<vmem_shared>> -> memref<10240x16xf32, #tpu.memory_space<vmem_shared>>
          tpu.wait_indirect_dma semaphore(%arg14 : memref<!tpu.dma_semaphore, #tpu.memory_space<semaphore_mem>>) src(%dma_wait3A_212 : memref<10240x16xf32, #tpu.memory_space<vmem_shared>>) dst(%dma_wait3A_206 : memref<128x16xf32, #tpu.memory_space<vmem>>)
          %mul3A_213 = arith.constant 5 : i32
          %mul3A_214 = arith.muli %sub3A_45, %mul3A_213 : i32
          %add3A_215 = arith.constant 3 : i32
          %add3A_216 = arith.addi %mul3A_214, %add3A_215 : i32
          %dma_wait3A_217 = arith.constant 0 : i32
          %dma_wait3A_218 = tpu.memref_slice %arg10[%add3A_216, %dma_wait3A_217] : memref<50x128xi32, #tpu.memory_space<vmem>> -> memref<1x128xi32, #tpu.memory_space<vmem>>
          %dma_wait3A_219 = tpu.memref_squeeze %dma_wait3A_218 : memref<1x128xi32, #tpu.memory_space<vmem>> -> memref<128xi32, #tpu.memory_space<vmem>>
          %dma_wait3A_220 = arith.constant 0 : i32
          %dma_wait3A_221 = arith.constant 0 : i32
          %dma_wait3A_222 = tpu.memref_slice %arg8[%dma_wait3A_220, %dma_wait3A_221] : memref<10240x16xf32, #tpu.memory_space<vmem_shared>> -> memref<10240x16xf32, #tpu.memory_space<vmem_shared>>
          tpu.wait_indirect_dma semaphore(%arg16 : memref<!tpu.dma_semaphore, #tpu.memory_space<semaphore_mem>>) src(%arg12 : memref<128x16xf32, #tpu.memory_space<vmem>>) dst(%dma_wait3A_222 : memref<10240x16xf32, #tpu.memory_space<vmem_shared>>)
          %mul3A_223 = arith.constant 5 : i32
          %mul3A_224 = arith.muli %sub3A_45, %mul3A_223 : i32
          %add3A_225 = arith.constant 4 : i32
          %add3A_226 = arith.addi %mul3A_224, %add3A_225 : i32
          %jit3A_227 = arith.constant 2 : i32
          %eq3A_228 = arith.constant 0 : i32
          %eq3A_229 = arith.cmpi eq, %jit3A_227, %eq3A_228 : i32
          %jit3A_230 = arith.constant 1 : i32
          %select_n3A_231 = arith.select %eq3A_229, %jit3A_230, %jit3A_227 : i32
          %rem3A_232 = arith.remsi %sub3A_45, %select_n3A_231 : i32
          %ne3A_233 = arith.constant 0 : i32
          %ne3A_234 = arith.cmpi ne, %rem3A_232, %ne3A_233 : i32
          %lt3A_235 = arith.constant 0 : i32
          %lt3A_236 = arith.cmpi slt, %rem3A_232, %lt3A_235 : i32
          %lt3A_237 = arith.constant 0 : i32
          %lt3A_238 = arith.cmpi slt, %select_n3A_231, %lt3A_237 : i32
          %ne3A_239 = arith.xori %lt3A_236, %lt3A_238 : i1
          %and3A_240 = arith.andi %ne3A_239, %ne3A_234 : i1
          %add3A_241 = arith.addi %rem3A_232, %select_n3A_231 : i32
          %select_n3A_242 = arith.select %and3A_240, %add3A_241, %rem3A_232 : i32
          %dma_wait3A_243 = arith.constant 4 : i32
          %dma_wait3A_244 = arith.constant 0 : i32
          %dma_wait3A_245 = arith.constant 0 : i32
          %dma_wait3A_246 = arith.constant 0 : i32
          %dma_wait3A_247 = tpu.memref_slice %arg11[%select_n3A_242, %dma_wait3A_244, %dma_wait3A_245, %dma_wait3A_246] : memref<2x5x128x16xf32, #tpu.memory_space<vmem>> -> memref<1x5x128x16xf32, #tpu.memory_space<vmem>>
          %dma_wait3A_248 = tpu.memref_squeeze %dma_wait3A_247 : memref<1x5x128x16xf32, #tpu.memory_space<vmem>> -> memref<5x128x16xf32, #tpu.memory_space<vmem>>
          %dma_wait3A_249 = arith.constant 0 : i32
          %dma_wait3A_250 = arith.constant 0 : i32
          %dma_wait3A_251 = tpu.memref_slice %dma_wait3A_248[%dma_wait3A_243, %dma_wait3A_249, %dma_wait3A_250] : memref<5x128x16xf32, #tpu.memory_space<vmem>> -> memref<1x128x16xf32, #tpu.memory_space<vmem>>
          %dma_wait3A_252 = tpu.memref_squeeze %dma_wait3A_251 : memref<1x128x16xf32, #tpu.memory_space<vmem>> -> memref<128x16xf32, #tpu.memory_space<vmem>>
          %dma_wait3A_253 = arith.constant 0 : i32
          %dma_wait3A_254 = tpu.memref_slice %arg9[%add3A_226, %dma_wait3A_253] : memref<50x128xi32, #tpu.memory_space<vmem>> -> memref<1x128xi32, #tpu.memory_space<vmem>>
          %dma_wait3A_255 = tpu.memref_squeeze %dma_wait3A_254 : memref<1x128xi32, #tpu.memory_space<vmem>> -> memref<128xi32, #tpu.memory_space<vmem>>
          %dma_wait3A_256 = arith.constant 0 : i32
          %dma_wait3A_257 = arith.constant 0 : i32
          %dma_wait3A_258 = tpu.memref_slice %arg7[%dma_wait3A_256, %dma_wait3A_257] : memref<10240x16xf32, #tpu.memory_space<vmem_shared>> -> memref<10240x16xf32, #tpu.memory_space<vmem_shared>>
          tpu.wait_indirect_dma semaphore(%arg14 : memref<!tpu.dma_semaphore, #tpu.memory_space<semaphore_mem>>) src(%dma_wait3A_258 : memref<10240x16xf32, #tpu.memory_space<vmem_shared>>) dst(%dma_wait3A_252 : memref<128x16xf32, #tpu.memory_space<vmem>>)
          %mul3A_259 = arith.constant 5 : i32
          %mul3A_260 = arith.muli %sub3A_45, %mul3A_259 : i32
          %add3A_261 = arith.constant 4 : i32
          %add3A_262 = arith.addi %mul3A_260, %add3A_261 : i32
          %dma_wait3A_263 = arith.constant 0 : i32
          %dma_wait3A_264 = tpu.memref_slice %arg10[%add3A_262, %dma_wait3A_263] : memref<50x128xi32, #tpu.memory_space<vmem>> -> memref<1x128xi32, #tpu.memory_space<vmem>>
          %dma_wait3A_265 = tpu.memref_squeeze %dma_wait3A_264 : memref<1x128xi32, #tpu.memory_space<vmem>> -> memref<128xi32, #tpu.memory_space<vmem>>
          %dma_wait3A_266 = arith.constant 0 : i32
          %dma_wait3A_267 = arith.constant 0 : i32
          %dma_wait3A_268 = tpu.memref_slice %arg8[%dma_wait3A_266, %dma_wait3A_267] : memref<10240x16xf32, #tpu.memory_space<vmem_shared>> -> memref<10240x16xf32, #tpu.memory_space<vmem_shared>>
          tpu.wait_indirect_dma semaphore(%arg16 : memref<!tpu.dma_semaphore, #tpu.memory_space<semaphore_mem>>) src(%arg12 : memref<128x16xf32, #tpu.memory_space<vmem>>) dst(%dma_wait3A_268 : memref<10240x16xf32, #tpu.memory_space<vmem_shared>>)
          %jit3A_269 = arith.constant 2 : i32
          %eq3A_270 = arith.constant 0 : i32
          %eq3A_271 = arith.cmpi eq, %jit3A_269, %eq3A_270 : i32
          %jit3A_272 = arith.constant 1 : i32
          %select_n3A_273 = arith.select %eq3A_271, %jit3A_272, %jit3A_269 : i32
          %rem3A_274 = arith.remsi %sub3A_45, %select_n3A_273 : i32
          %ne3A_275 = arith.constant 0 : i32
          %ne3A_276 = arith.cmpi ne, %rem3A_274, %ne3A_275 : i32
          %lt3A_277 = arith.constant 0 : i32
          %lt3A_278 = arith.cmpi slt, %rem3A_274, %lt3A_277 : i32
          %lt3A_279 = arith.constant 0 : i32
          %lt3A_280 = arith.cmpi slt, %select_n3A_273, %lt3A_279 : i32
          %ne3A_281 = arith.xori %lt3A_278, %lt3A_280 : i1
          %and3A_282 = arith.andi %ne3A_281, %ne3A_276 : i1
          %add3A_283 = arith.addi %rem3A_274, %select_n3A_273 : i32
          %select_n3A_284 = arith.select %and3A_282, %add3A_283, %rem3A_274 : i32
          %mul3A_285 = arith.constant 5 : i32
          %mul3A_286 = arith.muli %sub3A_45, %mul3A_285 : i32
          %dma_start3A = arith.constant 0 : i32
          %dma_start3A_287 = arith.constant 0 : i32
          %dma_start3A_288 = arith.constant 0 : i32
          %dma_start3A_289 = tpu.memref_slice %arg11[%select_n3A_284, %dma_start3A, %dma_start3A_287, %dma_start3A_288] : memref<2x5x128x16xf32, #tpu.memory_space<vmem>> -> memref<1x5x128x16xf32, #tpu.memory_space<vmem>>
          %dma_start3A_290 = tpu.memref_squeeze %dma_start3A_289 : memref<1x5x128x16xf32, #tpu.memory_space<vmem>> -> memref<5x128x16xf32, #tpu.memory_space<vmem>>
          %dma_start3A_291 = arith.constant 0 : i32
          %dma_start3A_292 = arith.constant 0 : i32
          %dma_start3A_293 = arith.constant 0 : i32
          %dma_start3A_294 = tpu.memref_slice %arg5[%add3A, %dma_start3A_291, %dma_start3A_292, %dma_start3A_293] : memref<25x50x128x16xf32, #tpu.memory_space<hbm>> -> memref<1x50x128x16xf32, #tpu.memory_space<hbm>>
          %dma_start3A_295 = tpu.memref_squeeze %dma_start3A_294 : memref<1x50x128x16xf32, #tpu.memory_space<hbm>> -> memref<50x128x16xf32, #tpu.memory_space<hbm>>
          %dma_start3A_296 = arith.constant 0 : i32
          %dma_start3A_297 = arith.constant 0 : i32
          %dma_start3A_298 = tpu.memref_slice %dma_start3A_295[%mul3A_286, %dma_start3A_296, %dma_start3A_297] : memref<50x128x16xf32, #tpu.memory_space<hbm>> -> memref<5x128x16xf32, #tpu.memory_space<hbm>>
          %dma_start3A_299 = arith.constant 0 : i32
          %dma_start3A_300 = arith.constant 0 : i32
          %dma_start3A_301 = arith.constant 0 : i32
          %dma_start3A_302 = tpu.memref_slice %arg5[%add3A, %dma_start3A_299, %dma_start3A_300, %dma_start3A_301] : memref<25x50x128x16xf32, #tpu.memory_space<hbm>> -> memref<1x50x128x16xf32, #tpu.memory_space<hbm>>
          %dma_start3A_303 = tpu.memref_squeeze %dma_start3A_302 : memref<1x50x128x16xf32, #tpu.memory_space<hbm>> -> memref<50x128x16xf32, #tpu.memory_space<hbm>>
          %dma_start3A_304 = arith.constant 0 : i32
          %dma_start3A_305 = arith.constant 0 : i32
          %dma_start3A_306 = tpu.memref_slice %dma_start3A_303[%mul3A_286, %dma_start3A_304, %dma_start3A_305] : memref<50x128x16xf32, #tpu.memory_space<hbm>> -> memref<5x128x16xf32, #tpu.memory_space<hbm>>
          %dma_start3A_307 = arith.constant 0 : i32
          %dma_start3A_308 = arith.constant 0 : i32
          %dma_start3A_309 = arith.constant 0 : i32
          %dma_start3A_310 = tpu.memref_slice %arg11[%select_n3A_284, %dma_start3A_307, %dma_start3A_308, %dma_start3A_309] : memref<2x5x128x16xf32, #tpu.memory_space<vmem>> -> memref<1x5x128x16xf32, #tpu.memory_space<vmem>>
          %dma_start3A_311 = tpu.memref_squeeze %dma_start3A_310 : memref<1x5x128x16xf32, #tpu.memory_space<vmem>> -> memref<5x128x16xf32, #tpu.memory_space<vmem>>
          tpu.enqueue_dma source(%dma_start3A_311 : memref<5x128x16xf32, #tpu.memory_space<vmem>>) target(%dma_start3A_306 : memref<5x128x16xf32, #tpu.memory_space<hbm>>) target_semaphore(%arg15 : memref<!tpu.dma_semaphore, #tpu.memory_space<semaphore_mem>>)
          %dma_wait3A_312 = arith.constant 0 : i32
          %dma_wait3A_313 = arith.constant 0 : i32
          %dma_wait3A_314 = arith.constant 0 : i32
          %dma_wait3A_315 = tpu.memref_slice %arg11[%select_n3A_284, %dma_wait3A_312, %dma_wait3A_313, %dma_wait3A_314] : memref<2x5x128x16xf32, #tpu.memory_space<vmem>> -> memref<1x5x128x16xf32, #tpu.memory_space<vmem>>
          %dma_wait3A_316 = tpu.memref_squeeze %dma_wait3A_315 : memref<1x5x128x16xf32, #tpu.memory_space<vmem>> -> memref<5x128x16xf32, #tpu.memory_space<vmem>>
          %dma_wait3A_317 = arith.constant 0 : i32
          %dma_wait3A_318 = arith.constant 0 : i32
          %dma_wait3A_319 = arith.constant 0 : i32
          %dma_wait3A_320 = tpu.memref_slice %arg5[%add3A, %dma_wait3A_317, %dma_wait3A_318, %dma_wait3A_319] : memref<25x50x128x16xf32, #tpu.memory_space<hbm>> -> memref<1x50x128x16xf32, #tpu.memory_space<hbm>>
          %dma_wait3A_321 = tpu.memref_squeeze %dma_wait3A_320 : memref<1x50x128x16xf32, #tpu.memory_space<hbm>> -> memref<50x128x16xf32, #tpu.memory_space<hbm>>
          %dma_wait3A_322 = arith.constant 0 : i32
          %dma_wait3A_323 = arith.constant 0 : i32
          %dma_wait3A_324 = tpu.memref_slice %dma_wait3A_321[%mul3A_286, %dma_wait3A_322, %dma_wait3A_323] : memref<50x128x16xf32, #tpu.memory_space<hbm>> -> memref<5x128x16xf32, #tpu.memory_space<hbm>>
          %dma_wait3A_325 = arith.constant 0 : i32
          %dma_wait3A_326 = arith.constant 0 : i32
          %dma_wait3A_327 = arith.constant 0 : i32
          %dma_wait3A_328 = tpu.memref_slice %arg5[%add3A, %dma_wait3A_325, %dma_wait3A_326, %dma_wait3A_327] : memref<25x50x128x16xf32, #tpu.memory_space<hbm>> -> memref<1x50x128x16xf32, #tpu.memory_space<hbm>>
          %dma_wait3A_329 = tpu.memref_squeeze %dma_wait3A_328 : memref<1x50x128x16xf32, #tpu.memory_space<hbm>> -> memref<50x128x16xf32, #tpu.memory_space<hbm>>
          %dma_wait3A_330 = arith.constant 0 : i32
          %dma_wait3A_331 = arith.constant 0 : i32
          %dma_wait3A_332 = tpu.memref_slice %dma_wait3A_329[%mul3A_286, %dma_wait3A_330, %dma_wait3A_331] : memref<50x128x16xf32, #tpu.memory_space<hbm>> -> memref<5x128x16xf32, #tpu.memory_space<hbm>>
          %dma_wait3A_333 = arith.constant 0 : i32
          %dma_wait3A_334 = arith.constant 0 : i32
          %dma_wait3A_335 = arith.constant 0 : i32
          %dma_wait3A_336 = tpu.memref_slice %arg11[%select_n3A_284, %dma_wait3A_333, %dma_wait3A_334, %dma_wait3A_335] : memref<2x5x128x16xf32, #tpu.memory_space<vmem>> -> memref<1x5x128x16xf32, #tpu.memory_space<vmem>>
          %dma_wait3A_337 = tpu.memref_squeeze %dma_wait3A_336 : memref<1x5x128x16xf32, #tpu.memory_space<vmem>> -> memref<5x128x16xf32, #tpu.memory_space<vmem>>
          tpu.wait_dma2 semaphore(%arg15 : memref<!tpu.dma_semaphore, #tpu.memory_space<semaphore_mem>>) src(%dma_wait3A_337 : memref<5x128x16xf32, #tpu.memory_space<vmem>>) dst(%dma_wait3A_332 : memref<5x128x16xf32, #tpu.memory_space<hbm>>)
        } else {
        }
      }
      %scan3A_34 = arith.constant 11 : i32
    } else {
    }
    %barrier3A_24 = arith.constant 0 : index
    tpu.barrier barrier_id(%barrier3A_24)
    %mul3A_25 = arith.constant 640 : i32
    %mul3A_26 = arith.muli %arg1, %mul3A_25 : i32
    %mul3A_27 = arith.constant 640 : i32
    %mul3A_28 = arith.muli %arg1, %mul3A_27 : i32
    "tpu.region"() ({
      %run_scoped3A = tpu.sem_alloc : memref<!tpu.dma_semaphore, #tpu.memory_space<semaphore_mem>>
      %dma_start3A = arith.constant 0 : i32
      %dma_start3A_29 = arith.constant 0 : i32
      %dma_start3A_30 = tpu.memref_slice %arg6[%arg0, %dma_start3A, %dma_start3A_29] : memref<2x10240x16xf32, #tpu.memory_space<hbm>> -> memref<1x10240x16xf32, #tpu.memory_space<hbm>>
      %dma_start3A_31 = tpu.memref_squeeze %dma_start3A_30 : memref<1x10240x16xf32, #tpu.memory_space<hbm>> -> memref<10240x16xf32, #tpu.memory_space<hbm>>
      %dma_start3A_32 = arith.constant 0 : i32
      %dma_start3A_33 = tpu.memref_slice %dma_start3A_31[%mul3A_28, %dma_start3A_32] : memref<10240x16xf32, #tpu.memory_space<hbm>> -> memref<640x16xf32, #tpu.memory_space<hbm>>
      %dma_start3A_34 = arith.constant 0 : i32
      %dma_start3A_35 = tpu.memref_slice %arg8[%mul3A_26, %dma_start3A_34] : memref<10240x16xf32, #tpu.memory_space<vmem_shared>> -> memref<640x16xf32, #tpu.memory_space<vmem_shared>>
      tpu.enqueue_dma source(%dma_start3A_35 : memref<640x16xf32, #tpu.memory_space<vmem_shared>>) target(%dma_start3A_33 : memref<640x16xf32, #tpu.memory_space<hbm>>) target_semaphore(%run_scoped3A : memref<!tpu.dma_semaphore, #tpu.memory_space<semaphore_mem>>)
      %dma_wait3A = arith.constant 0 : i32
      %dma_wait3A_36 = arith.constant 0 : i32
      %dma_wait3A_37 = tpu.memref_slice %arg6[%arg0, %dma_wait3A, %dma_wait3A_36] : memref<2x10240x16xf32, #tpu.memory_space<hbm>> -> memref<1x10240x16xf32, #tpu.memory_space<hbm>>
      %dma_wait3A_38 = tpu.memref_squeeze %dma_wait3A_37 : memref<1x10240x16xf32, #tpu.memory_space<hbm>> -> memref<10240x16xf32, #tpu.memory_space<hbm>>
      %dma_wait3A_39 = arith.constant 0 : i32
      %dma_wait3A_40 = tpu.memref_slice %dma_wait3A_38[%mul3A_28, %dma_wait3A_39] : memref<10240x16xf32, #tpu.memory_space<hbm>> -> memref<640x16xf32, #tpu.memory_space<hbm>>
      %dma_wait3A_41 = arith.constant 0 : i32
      %dma_wait3A_42 = tpu.memref_slice %arg8[%mul3A_26, %dma_wait3A_41] : memref<10240x16xf32, #tpu.memory_space<vmem_shared>> -> memref<640x16xf32, #tpu.memory_space<vmem_shared>>
      tpu.wait_dma2 semaphore(%run_scoped3A : memref<!tpu.dma_semaphore, #tpu.memory_space<semaphore_mem>>) src(%dma_wait3A_42 : memref<640x16xf32, #tpu.memory_space<vmem_shared>>) dst(%dma_wait3A_40 : memref<640x16xf32, #tpu.memory_space<hbm>>)
      tpu.yield
    }) : () -> ()
    return
  }
}

#map = affine_map<(d0, d1) -> (0, 0)>
#map1 = affine_map<(d0, d1) -> (0, 0, 0)>
#map2 = affine_map<(d0, d1) -> (0, 0, 0, 0)>
module attributes {stable_mosaic.version = 14 : i64} {
  func.func @_sc_gather(%arg0: i32, %arg1: i32, %arg2: memref<10240x16xf32, #tpu.memory_space<hbm>>, %arg3: memref<25x50x128xi32, #tpu.memory_space<hbm>>, %arg4: memref<25x50x128x16xf32, #tpu.memory_space<hbm>>, %arg5: memref<10240x16xf32, #tpu.memory_space<vmem_shared>>, %arg6: memref<50x128xi32, #tpu.memory_space<vmem>>, %arg7: memref<2x5x128x16xf32, #tpu.memory_space<vmem>>, %arg8: memref<!tpu.dma_semaphore, #tpu.memory_space<semaphore_mem>>, %arg9: memref<!tpu.dma_semaphore, #tpu.memory_space<semaphore_mem>>) attributes {dimension_semantics = [#tpu.dimension_semantics<core_parallel>, #tpu.dimension_semantics<subcore_parallel>], iteration_bounds = array<i64: 2, 16>, scalar_prefetch = 0 : i64, scratch_operands = 5 : i64, tpu.core_type = #tpu.core_type<sc_vector_subcore>, window_params = [{transform_indices = #map}, {transform_indices = #map1}, {transform_indices = #map2}]} {
    %mul3A = arith.constant 16 : i32
    %mul3A_0 = arith.muli %arg0, %mul3A : i32
    %add3A = arith.addi %mul3A_0, %arg1 : i32
    %mul3A_1 = arith.constant 640 : i32
    %mul3A_2 = arith.muli %arg1, %mul3A_1 : i32
    %mul3A_3 = arith.constant 640 : i32
    %mul3A_4 = arith.muli %arg1, %mul3A_3 : i32
    "tpu.region"() ({
      %run_scoped3A = tpu.sem_alloc : memref<!tpu.dma_semaphore, #tpu.memory_space<semaphore_mem>>
      %dma_start3A = arith.constant 0 : i32
      %dma_start3A_7 = tpu.memref_slice %arg5[%mul3A_4, %dma_start3A] : memref<10240x16xf32, #tpu.memory_space<vmem_shared>> -> memref<640x16xf32, #tpu.memory_space<vmem_shared>>
      %dma_start3A_8 = arith.constant 0 : i32
      %dma_start3A_9 = tpu.memref_slice %arg2[%mul3A_2, %dma_start3A_8] : memref<10240x16xf32, #tpu.memory_space<hbm>> -> memref<640x16xf32, #tpu.memory_space<hbm>>
      tpu.enqueue_dma source(%dma_start3A_9 : memref<640x16xf32, #tpu.memory_space<hbm>>) target(%dma_start3A_7 : memref<640x16xf32, #tpu.memory_space<vmem_shared>>) target_semaphore(%run_scoped3A : memref<!tpu.dma_semaphore, #tpu.memory_space<semaphore_mem>>)
      %dma_wait3A = arith.constant 0 : i32
      %dma_wait3A_10 = tpu.memref_slice %arg5[%mul3A_4, %dma_wait3A] : memref<10240x16xf32, #tpu.memory_space<vmem_shared>> -> memref<640x16xf32, #tpu.memory_space<vmem_shared>>
      %dma_wait3A_11 = arith.constant 0 : i32
      %dma_wait3A_12 = tpu.memref_slice %arg2[%mul3A_2, %dma_wait3A_11] : memref<10240x16xf32, #tpu.memory_space<hbm>> -> memref<640x16xf32, #tpu.memory_space<hbm>>
      tpu.wait_dma2 semaphore(%run_scoped3A : memref<!tpu.dma_semaphore, #tpu.memory_space<semaphore_mem>>) src(%dma_wait3A_12 : memref<640x16xf32, #tpu.memory_space<hbm>>) dst(%dma_wait3A_10 : memref<640x16xf32, #tpu.memory_space<vmem_shared>>)
      tpu.yield
    }) : () -> ()
    %barrier3A = arith.constant 0 : index
    tpu.barrier barrier_id(%barrier3A)
    %lt3A = arith.constant 25 : i32
    %lt3A_5 = arith.cmpi slt, %add3A, %lt3A : i32
    %convert_element_type3A = arith.extui %lt3A_5 : i1 to i32
    %cond3A = arith.constant 0 : i32
    %cond3A_6 = arith.cmpi ne, %convert_element_type3A, %cond3A : i32
    scf.if %cond3A_6 {
      "tpu.region"() ({
        %run_scoped3A = tpu.sem_alloc : memref<!tpu.dma_semaphore, #tpu.memory_space<semaphore_mem>>
        %dma_start3A = arith.constant 0 : i32
        %dma_start3A_12 = arith.constant 0 : i32
        %dma_start3A_13 = tpu.memref_slice %arg3[%add3A, %dma_start3A, %dma_start3A_12] : memref<25x50x128xi32, #tpu.memory_space<hbm>> -> memref<1x50x128xi32, #tpu.memory_space<hbm>>
        %dma_start3A_14 = tpu.memref_squeeze %dma_start3A_13 : memref<1x50x128xi32, #tpu.memory_space<hbm>> -> memref<50x128xi32, #tpu.memory_space<hbm>>
        %dma_start3A_15 = arith.constant 0 : i32
        %dma_start3A_16 = arith.constant 0 : i32
        %dma_start3A_17 = tpu.memref_slice %arg3[%add3A, %dma_start3A_15, %dma_start3A_16] : memref<25x50x128xi32, #tpu.memory_space<hbm>> -> memref<1x50x128xi32, #tpu.memory_space<hbm>>
        %dma_start3A_18 = tpu.memref_squeeze %dma_start3A_17 : memref<1x50x128xi32, #tpu.memory_space<hbm>> -> memref<50x128xi32, #tpu.memory_space<hbm>>
        tpu.enqueue_dma source(%dma_start3A_18 : memref<50x128xi32, #tpu.memory_space<hbm>>) target(%arg6 : memref<50x128xi32, #tpu.memory_space<vmem>>) target_semaphore(%run_scoped3A : memref<!tpu.dma_semaphore, #tpu.memory_space<semaphore_mem>>)
        %dma_wait3A = arith.constant 0 : i32
        %dma_wait3A_19 = arith.constant 0 : i32
        %dma_wait3A_20 = tpu.memref_slice %arg3[%add3A, %dma_wait3A, %dma_wait3A_19] : memref<25x50x128xi32, #tpu.memory_space<hbm>> -> memref<1x50x128xi32, #tpu.memory_space<hbm>>
        %dma_wait3A_21 = tpu.memref_squeeze %dma_wait3A_20 : memref<1x50x128xi32, #tpu.memory_space<hbm>> -> memref<50x128xi32, #tpu.memory_space<hbm>>
        %dma_wait3A_22 = arith.constant 0 : i32
        %dma_wait3A_23 = arith.constant 0 : i32
        %dma_wait3A_24 = tpu.memref_slice %arg3[%add3A, %dma_wait3A_22, %dma_wait3A_23] : memref<25x50x128xi32, #tpu.memory_space<hbm>> -> memref<1x50x128xi32, #tpu.memory_space<hbm>>
        %dma_wait3A_25 = tpu.memref_squeeze %dma_wait3A_24 : memref<1x50x128xi32, #tpu.memory_space<hbm>> -> memref<50x128xi32, #tpu.memory_space<hbm>>
        tpu.wait_dma2 semaphore(%run_scoped3A : memref<!tpu.dma_semaphore, #tpu.memory_space<semaphore_mem>>) src(%dma_wait3A_25 : memref<50x128xi32, #tpu.memory_space<hbm>>) dst(%arg6 : memref<50x128xi32, #tpu.memory_space<vmem>>)
        tpu.yield
      }) : () -> ()
      %scan3A = arith.constant 0 : i32
      %scan3A_7 = arith.constant 0 : i32
      %scan3A_8 = arith.constant 11 : i32
      %scan3A_9 = arith.addi %scan3A_7, %scan3A_8 : i32
      %scan3A_10 = arith.constant 1 : i32
      scf.for %scan3A_12 = %scan3A_7 to %scan3A_9 step %scan3A_10  : i32 {
        %lt3A_13 = arith.constant 10 : i32
        %lt3A_14 = arith.cmpi slt, %scan3A_12, %lt3A_13 : i32
        %convert_element_type3A_15 = arith.extui %lt3A_14 : i1 to i32
        %cond3A_16 = arith.constant 0 : i32
        %cond3A_17 = arith.cmpi ne, %convert_element_type3A_15, %cond3A_16 : i32
        scf.if %cond3A_17 {
          %mul3A_22 = arith.constant 5 : i32
          %mul3A_23 = arith.muli %scan3A_12, %mul3A_22 : i32
          %add3A_24 = arith.constant 0 : i32
          %add3A_25 = arith.addi %mul3A_23, %add3A_24 : i32
          %jit3A = arith.constant 2 : i32
          %eq3A = arith.constant 0 : i32
          %eq3A_26 = arith.cmpi eq, %jit3A, %eq3A : i32
          %jit3A_27 = arith.constant 1 : i32
          %select_n3A = arith.select %eq3A_26, %jit3A_27, %jit3A : i32
          %rem3A = arith.remsi %scan3A_12, %select_n3A : i32
          %ne3A = arith.constant 0 : i32
          %ne3A_28 = arith.cmpi ne, %rem3A, %ne3A : i32
          %lt3A_29 = arith.constant 0 : i32
          %lt3A_30 = arith.cmpi slt, %rem3A, %lt3A_29 : i32
          %lt3A_31 = arith.constant 0 : i32
          %lt3A_32 = arith.cmpi slt, %select_n3A, %lt3A_31 : i32
          %ne3A_33 = arith.xori %lt3A_30, %lt3A_32 : i1
          %and3A = arith.andi %ne3A_33, %ne3A_28 : i1
          %add3A_34 = arith.addi %rem3A, %select_n3A : i32
          %select_n3A_35 = arith.select %and3A, %add3A_34, %rem3A : i32
          %dma_start3A = arith.constant 0 : i32
          %dma_start3A_36 = arith.constant 0 : i32
          %dma_start3A_37 = arith.constant 0 : i32
          %dma_start3A_38 = arith.constant 0 : i32
          %dma_start3A_39 = tpu.memref_slice %arg7[%select_n3A_35, %dma_start3A_36, %dma_start3A_37, %dma_start3A_38] : memref<2x5x128x16xf32, #tpu.memory_space<vmem>> -> memref<1x5x128x16xf32, #tpu.memory_space<vmem>>
          %dma_start3A_40 = tpu.memref_squeeze %dma_start3A_39 : memref<1x5x128x16xf32, #tpu.memory_space<vmem>> -> memref<5x128x16xf32, #tpu.memory_space<vmem>>
          %dma_start3A_41 = arith.constant 0 : i32
          %dma_start3A_42 = arith.constant 0 : i32
          %dma_start3A_43 = tpu.memref_slice %dma_start3A_40[%dma_start3A, %dma_start3A_41, %dma_start3A_42] : memref<5x128x16xf32, #tpu.memory_space<vmem>> -> memref<1x128x16xf32, #tpu.memory_space<vmem>>
          %dma_start3A_44 = tpu.memref_squeeze %dma_start3A_43 : memref<1x128x16xf32, #tpu.memory_space<vmem>> -> memref<128x16xf32, #tpu.memory_space<vmem>>
          %dma_start3A_45 = arith.constant 0 : i32
          %dma_start3A_46 = tpu.memref_slice %arg6[%add3A_25, %dma_start3A_45] : memref<50x128xi32, #tpu.memory_space<vmem>> -> memref<1x128xi32, #tpu.memory_space<vmem>>
          %dma_start3A_47 = tpu.memref_squeeze %dma_start3A_46 : memref<1x128xi32, #tpu.memory_space<vmem>> -> memref<128xi32, #tpu.memory_space<vmem>>
          %dma_start3A_48 = arith.constant 0 : i32
          %dma_start3A_49 = arith.constant 0 : i32
          %dma_start3A_50 = tpu.memref_slice %arg5[%dma_start3A_48, %dma_start3A_49] : memref<10240x16xf32, #tpu.memory_space<vmem_shared>> -> memref<10240x16xf32, #tpu.memory_space<vmem_shared>>
          tpu.enqueue_indirect_dma source(%dma_start3A_50 : memref<10240x16xf32, #tpu.memory_space<vmem_shared>>) target(%dma_start3A_44 : memref<128x16xf32, #tpu.memory_space<vmem>>) offsets(%dma_start3A_47 : memref<128xi32, #tpu.memory_space<vmem>>) semaphore(%arg8 : memref<!tpu.dma_semaphore, #tpu.memory_space<semaphore_mem>>)
          %mul3A_51 = arith.constant 5 : i32
          %mul3A_52 = arith.muli %scan3A_12, %mul3A_51 : i32
          %add3A_53 = arith.constant 1 : i32
          %add3A_54 = arith.addi %mul3A_52, %add3A_53 : i32
          %jit3A_55 = arith.constant 2 : i32
          %eq3A_56 = arith.constant 0 : i32
          %eq3A_57 = arith.cmpi eq, %jit3A_55, %eq3A_56 : i32
          %jit3A_58 = arith.constant 1 : i32
          %select_n3A_59 = arith.select %eq3A_57, %jit3A_58, %jit3A_55 : i32
          %rem3A_60 = arith.remsi %scan3A_12, %select_n3A_59 : i32
          %ne3A_61 = arith.constant 0 : i32
          %ne3A_62 = arith.cmpi ne, %rem3A_60, %ne3A_61 : i32
          %lt3A_63 = arith.constant 0 : i32
          %lt3A_64 = arith.cmpi slt, %rem3A_60, %lt3A_63 : i32
          %lt3A_65 = arith.constant 0 : i32
          %lt3A_66 = arith.cmpi slt, %select_n3A_59, %lt3A_65 : i32
          %ne3A_67 = arith.xori %lt3A_64, %lt3A_66 : i1
          %and3A_68 = arith.andi %ne3A_67, %ne3A_62 : i1
          %add3A_69 = arith.addi %rem3A_60, %select_n3A_59 : i32
          %select_n3A_70 = arith.select %and3A_68, %add3A_69, %rem3A_60 : i32
          %dma_start3A_71 = arith.constant 1 : i32
          %dma_start3A_72 = arith.constant 0 : i32
          %dma_start3A_73 = arith.constant 0 : i32
          %dma_start3A_74 = arith.constant 0 : i32
          %dma_start3A_75 = tpu.memref_slice %arg7[%select_n3A_70, %dma_start3A_72, %dma_start3A_73, %dma_start3A_74] : memref<2x5x128x16xf32, #tpu.memory_space<vmem>> -> memref<1x5x128x16xf32, #tpu.memory_space<vmem>>
          %dma_start3A_76 = tpu.memref_squeeze %dma_start3A_75 : memref<1x5x128x16xf32, #tpu.memory_space<vmem>> -> memref<5x128x16xf32, #tpu.memory_space<vmem>>
          %dma_start3A_77 = arith.constant 0 : i32
          %dma_start3A_78 = arith.constant 0 : i32
          %dma_start3A_79 = tpu.memref_slice %dma_start3A_76[%dma_start3A_71, %dma_start3A_77, %dma_start3A_78] : memref<5x128x16xf32, #tpu.memory_space<vmem>> -> memref<1x128x16xf32, #tpu.memory_space<vmem>>
          %dma_start3A_80 = tpu.memref_squeeze %dma_start3A_79 : memref<1x128x16xf32, #tpu.memory_space<vmem>> -> memref<128x16xf32, #tpu.memory_space<vmem>>
          %dma_start3A_81 = arith.constant 0 : i32
          %dma_start3A_82 = tpu.memref_slice %arg6[%add3A_54, %dma_start3A_81] : memref<50x128xi32, #tpu.memory_space<vmem>> -> memref<1x128xi32, #tpu.memory_space<vmem>>
          %dma_start3A_83 = tpu.memref_squeeze %dma_start3A_82 : memref<1x128xi32, #tpu.memory_space<vmem>> -> memref<128xi32, #tpu.memory_space<vmem>>
          %dma_start3A_84 = arith.constant 0 : i32
          %dma_start3A_85 = arith.constant 0 : i32
          %dma_start3A_86 = tpu.memref_slice %arg5[%dma_start3A_84, %dma_start3A_85] : memref<10240x16xf32, #tpu.memory_space<vmem_shared>> -> memref<10240x16xf32, #tpu.memory_space<vmem_shared>>
          tpu.enqueue_indirect_dma source(%dma_start3A_86 : memref<10240x16xf32, #tpu.memory_space<vmem_shared>>) target(%dma_start3A_80 : memref<128x16xf32, #tpu.memory_space<vmem>>) offsets(%dma_start3A_83 : memref<128xi32, #tpu.memory_space<vmem>>) semaphore(%arg8 : memref<!tpu.dma_semaphore, #tpu.memory_space<semaphore_mem>>)
          %mul3A_87 = arith.constant 5 : i32
          %mul3A_88 = arith.muli %scan3A_12, %mul3A_87 : i32
          %add3A_89 = arith.constant 2 : i32
          %add3A_90 = arith.addi %mul3A_88, %add3A_89 : i32
          %jit3A_91 = arith.constant 2 : i32
          %eq3A_92 = arith.constant 0 : i32
          %eq3A_93 = arith.cmpi eq, %jit3A_91, %eq3A_92 : i32
          %jit3A_94 = arith.constant 1 : i32
          %select_n3A_95 = arith.select %eq3A_93, %jit3A_94, %jit3A_91 : i32
          %rem3A_96 = arith.remsi %scan3A_12, %select_n3A_95 : i32
          %ne3A_97 = arith.constant 0 : i32
          %ne3A_98 = arith.cmpi ne, %rem3A_96, %ne3A_97 : i32
          %lt3A_99 = arith.constant 0 : i32
          %lt3A_100 = arith.cmpi slt, %rem3A_96, %lt3A_99 : i32
          %lt3A_101 = arith.constant 0 : i32
          %lt3A_102 = arith.cmpi slt, %select_n3A_95, %lt3A_101 : i32
          %ne3A_103 = arith.xori %lt3A_100, %lt3A_102 : i1
          %and3A_104 = arith.andi %ne3A_103, %ne3A_98 : i1
          %add3A_105 = arith.addi %rem3A_96, %select_n3A_95 : i32
          %select_n3A_106 = arith.select %and3A_104, %add3A_105, %rem3A_96 : i32
          %dma_start3A_107 = arith.constant 2 : i32
          %dma_start3A_108 = arith.constant 0 : i32
          %dma_start3A_109 = arith.constant 0 : i32
          %dma_start3A_110 = arith.constant 0 : i32
          %dma_start3A_111 = tpu.memref_slice %arg7[%select_n3A_106, %dma_start3A_108, %dma_start3A_109, %dma_start3A_110] : memref<2x5x128x16xf32, #tpu.memory_space<vmem>> -> memref<1x5x128x16xf32, #tpu.memory_space<vmem>>
          %dma_start3A_112 = tpu.memref_squeeze %dma_start3A_111 : memref<1x5x128x16xf32, #tpu.memory_space<vmem>> -> memref<5x128x16xf32, #tpu.memory_space<vmem>>
          %dma_start3A_113 = arith.constant 0 : i32
          %dma_start3A_114 = arith.constant 0 : i32
          %dma_start3A_115 = tpu.memref_slice %dma_start3A_112[%dma_start3A_107, %dma_start3A_113, %dma_start3A_114] : memref<5x128x16xf32, #tpu.memory_space<vmem>> -> memref<1x128x16xf32, #tpu.memory_space<vmem>>
          %dma_start3A_116 = tpu.memref_squeeze %dma_start3A_115 : memref<1x128x16xf32, #tpu.memory_space<vmem>> -> memref<128x16xf32, #tpu.memory_space<vmem>>
          %dma_start3A_117 = arith.constant 0 : i32
          %dma_start3A_118 = tpu.memref_slice %arg6[%add3A_90, %dma_start3A_117] : memref<50x128xi32, #tpu.memory_space<vmem>> -> memref<1x128xi32, #tpu.memory_space<vmem>>
          %dma_start3A_119 = tpu.memref_squeeze %dma_start3A_118 : memref<1x128xi32, #tpu.memory_space<vmem>> -> memref<128xi32, #tpu.memory_space<vmem>>
          %dma_start3A_120 = arith.constant 0 : i32
          %dma_start3A_121 = arith.constant 0 : i32
          %dma_start3A_122 = tpu.memref_slice %arg5[%dma_start3A_120, %dma_start3A_121] : memref<10240x16xf32, #tpu.memory_space<vmem_shared>> -> memref<10240x16xf32, #tpu.memory_space<vmem_shared>>
          tpu.enqueue_indirect_dma source(%dma_start3A_122 : memref<10240x16xf32, #tpu.memory_space<vmem_shared>>) target(%dma_start3A_116 : memref<128x16xf32, #tpu.memory_space<vmem>>) offsets(%dma_start3A_119 : memref<128xi32, #tpu.memory_space<vmem>>) semaphore(%arg8 : memref<!tpu.dma_semaphore, #tpu.memory_space<semaphore_mem>>)
          %mul3A_123 = arith.constant 5 : i32
          %mul3A_124 = arith.muli %scan3A_12, %mul3A_123 : i32
          %add3A_125 = arith.constant 3 : i32
          %add3A_126 = arith.addi %mul3A_124, %add3A_125 : i32
          %jit3A_127 = arith.constant 2 : i32
          %eq3A_128 = arith.constant 0 : i32
          %eq3A_129 = arith.cmpi eq, %jit3A_127, %eq3A_128 : i32
          %jit3A_130 = arith.constant 1 : i32
          %select_n3A_131 = arith.select %eq3A_129, %jit3A_130, %jit3A_127 : i32
          %rem3A_132 = arith.remsi %scan3A_12, %select_n3A_131 : i32
          %ne3A_133 = arith.constant 0 : i32
          %ne3A_134 = arith.cmpi ne, %rem3A_132, %ne3A_133 : i32
          %lt3A_135 = arith.constant 0 : i32
          %lt3A_136 = arith.cmpi slt, %rem3A_132, %lt3A_135 : i32
          %lt3A_137 = arith.constant 0 : i32
          %lt3A_138 = arith.cmpi slt, %select_n3A_131, %lt3A_137 : i32
          %ne3A_139 = arith.xori %lt3A_136, %lt3A_138 : i1
          %and3A_140 = arith.andi %ne3A_139, %ne3A_134 : i1
          %add3A_141 = arith.addi %rem3A_132, %select_n3A_131 : i32
          %select_n3A_142 = arith.select %and3A_140, %add3A_141, %rem3A_132 : i32
          %dma_start3A_143 = arith.constant 3 : i32
          %dma_start3A_144 = arith.constant 0 : i32
          %dma_start3A_145 = arith.constant 0 : i32
          %dma_start3A_146 = arith.constant 0 : i32
          %dma_start3A_147 = tpu.memref_slice %arg7[%select_n3A_142, %dma_start3A_144, %dma_start3A_145, %dma_start3A_146] : memref<2x5x128x16xf32, #tpu.memory_space<vmem>> -> memref<1x5x128x16xf32, #tpu.memory_space<vmem>>
          %dma_start3A_148 = tpu.memref_squeeze %dma_start3A_147 : memref<1x5x128x16xf32, #tpu.memory_space<vmem>> -> memref<5x128x16xf32, #tpu.memory_space<vmem>>
          %dma_start3A_149 = arith.constant 0 : i32
          %dma_start3A_150 = arith.constant 0 : i32
          %dma_start3A_151 = tpu.memref_slice %dma_start3A_148[%dma_start3A_143, %dma_start3A_149, %dma_start3A_150] : memref<5x128x16xf32, #tpu.memory_space<vmem>> -> memref<1x128x16xf32, #tpu.memory_space<vmem>>
          %dma_start3A_152 = tpu.memref_squeeze %dma_start3A_151 : memref<1x128x16xf32, #tpu.memory_space<vmem>> -> memref<128x16xf32, #tpu.memory_space<vmem>>
          %dma_start3A_153 = arith.constant 0 : i32
          %dma_start3A_154 = tpu.memref_slice %arg6[%add3A_126, %dma_start3A_153] : memref<50x128xi32, #tpu.memory_space<vmem>> -> memref<1x128xi32, #tpu.memory_space<vmem>>
          %dma_start3A_155 = tpu.memref_squeeze %dma_start3A_154 : memref<1x128xi32, #tpu.memory_space<vmem>> -> memref<128xi32, #tpu.memory_space<vmem>>
          %dma_start3A_156 = arith.constant 0 : i32
          %dma_start3A_157 = arith.constant 0 : i32
          %dma_start3A_158 = tpu.memref_slice %arg5[%dma_start3A_156, %dma_start3A_157] : memref<10240x16xf32, #tpu.memory_space<vmem_shared>> -> memref<10240x16xf32, #tpu.memory_space<vmem_shared>>
          tpu.enqueue_indirect_dma source(%dma_start3A_158 : memref<10240x16xf32, #tpu.memory_space<vmem_shared>>) target(%dma_start3A_152 : memref<128x16xf32, #tpu.memory_space<vmem>>) offsets(%dma_start3A_155 : memref<128xi32, #tpu.memory_space<vmem>>) semaphore(%arg8 : memref<!tpu.dma_semaphore, #tpu.memory_space<semaphore_mem>>)
          %mul3A_159 = arith.constant 5 : i32
          %mul3A_160 = arith.muli %scan3A_12, %mul3A_159 : i32
          %add3A_161 = arith.constant 4 : i32
          %add3A_162 = arith.addi %mul3A_160, %add3A_161 : i32
          %jit3A_163 = arith.constant 2 : i32
          %eq3A_164 = arith.constant 0 : i32
          %eq3A_165 = arith.cmpi eq, %jit3A_163, %eq3A_164 : i32
          %jit3A_166 = arith.constant 1 : i32
          %select_n3A_167 = arith.select %eq3A_165, %jit3A_166, %jit3A_163 : i32
          %rem3A_168 = arith.remsi %scan3A_12, %select_n3A_167 : i32
          %ne3A_169 = arith.constant 0 : i32
          %ne3A_170 = arith.cmpi ne, %rem3A_168, %ne3A_169 : i32
          %lt3A_171 = arith.constant 0 : i32
          %lt3A_172 = arith.cmpi slt, %rem3A_168, %lt3A_171 : i32
          %lt3A_173 = arith.constant 0 : i32
          %lt3A_174 = arith.cmpi slt, %select_n3A_167, %lt3A_173 : i32
          %ne3A_175 = arith.xori %lt3A_172, %lt3A_174 : i1
          %and3A_176 = arith.andi %ne3A_175, %ne3A_170 : i1
          %add3A_177 = arith.addi %rem3A_168, %select_n3A_167 : i32
          %select_n3A_178 = arith.select %and3A_176, %add3A_177, %rem3A_168 : i32
          %dma_start3A_179 = arith.constant 4 : i32
          %dma_start3A_180 = arith.constant 0 : i32
          %dma_start3A_181 = arith.constant 0 : i32
          %dma_start3A_182 = arith.constant 0 : i32
          %dma_start3A_183 = tpu.memref_slice %arg7[%select_n3A_178, %dma_start3A_180, %dma_start3A_181, %dma_start3A_182] : memref<2x5x128x16xf32, #tpu.memory_space<vmem>> -> memref<1x5x128x16xf32, #tpu.memory_space<vmem>>
          %dma_start3A_184 = tpu.memref_squeeze %dma_start3A_183 : memref<1x5x128x16xf32, #tpu.memory_space<vmem>> -> memref<5x128x16xf32, #tpu.memory_space<vmem>>
          %dma_start3A_185 = arith.constant 0 : i32
          %dma_start3A_186 = arith.constant 0 : i32
          %dma_start3A_187 = tpu.memref_slice %dma_start3A_184[%dma_start3A_179, %dma_start3A_185, %dma_start3A_186] : memref<5x128x16xf32, #tpu.memory_space<vmem>> -> memref<1x128x16xf32, #tpu.memory_space<vmem>>
          %dma_start3A_188 = tpu.memref_squeeze %dma_start3A_187 : memref<1x128x16xf32, #tpu.memory_space<vmem>> -> memref<128x16xf32, #tpu.memory_space<vmem>>
          %dma_start3A_189 = arith.constant 0 : i32
          %dma_start3A_190 = tpu.memref_slice %arg6[%add3A_162, %dma_start3A_189] : memref<50x128xi32, #tpu.memory_space<vmem>> -> memref<1x128xi32, #tpu.memory_space<vmem>>
          %dma_start3A_191 = tpu.memref_squeeze %dma_start3A_190 : memref<1x128xi32, #tpu.memory_space<vmem>> -> memref<128xi32, #tpu.memory_space<vmem>>
          %dma_start3A_192 = arith.constant 0 : i32
          %dma_start3A_193 = arith.constant 0 : i32
          %dma_start3A_194 = tpu.memref_slice %arg5[%dma_start3A_192, %dma_start3A_193] : memref<10240x16xf32, #tpu.memory_space<vmem_shared>> -> memref<10240x16xf32, #tpu.memory_space<vmem_shared>>
          tpu.enqueue_indirect_dma source(%dma_start3A_194 : memref<10240x16xf32, #tpu.memory_space<vmem_shared>>) target(%dma_start3A_188 : memref<128x16xf32, #tpu.memory_space<vmem>>) offsets(%dma_start3A_191 : memref<128xi32, #tpu.memory_space<vmem>>) semaphore(%arg8 : memref<!tpu.dma_semaphore, #tpu.memory_space<semaphore_mem>>)
        } else {
        }
        %gt3A = arith.constant 0 : i32
        %gt3A_18 = arith.cmpi sgt, %scan3A_12, %gt3A : i32
        %convert_element_type3A_19 = arith.extui %gt3A_18 : i1 to i32
        %cond3A_20 = arith.constant 0 : i32
        %cond3A_21 = arith.cmpi ne, %convert_element_type3A_19, %cond3A_20 : i32
        scf.if %cond3A_21 {
          %sub3A = arith.constant 1 : i32
          %sub3A_22 = arith.subi %scan3A_12, %sub3A : i32
          %mul3A_23 = arith.constant 5 : i32
          %mul3A_24 = arith.muli %sub3A_22, %mul3A_23 : i32
          %add3A_25 = arith.constant 0 : i32
          %add3A_26 = arith.addi %mul3A_24, %add3A_25 : i32
          %jit3A = arith.constant 2 : i32
          %eq3A = arith.constant 0 : i32
          %eq3A_27 = arith.cmpi eq, %jit3A, %eq3A : i32
          %jit3A_28 = arith.constant 1 : i32
          %select_n3A = arith.select %eq3A_27, %jit3A_28, %jit3A : i32
          %rem3A = arith.remsi %sub3A_22, %select_n3A : i32
          %ne3A = arith.constant 0 : i32
          %ne3A_29 = arith.cmpi ne, %rem3A, %ne3A : i32
          %lt3A_30 = arith.constant 0 : i32
          %lt3A_31 = arith.cmpi slt, %rem3A, %lt3A_30 : i32
          %lt3A_32 = arith.constant 0 : i32
          %lt3A_33 = arith.cmpi slt, %select_n3A, %lt3A_32 : i32
          %ne3A_34 = arith.xori %lt3A_31, %lt3A_33 : i1
          %and3A = arith.andi %ne3A_34, %ne3A_29 : i1
          %add3A_35 = arith.addi %rem3A, %select_n3A : i32
          %select_n3A_36 = arith.select %and3A, %add3A_35, %rem3A : i32
          %dma_wait3A = arith.constant 0 : i32
          %dma_wait3A_37 = arith.constant 0 : i32
          %dma_wait3A_38 = arith.constant 0 : i32
          %dma_wait3A_39 = arith.constant 0 : i32
          %dma_wait3A_40 = tpu.memref_slice %arg7[%select_n3A_36, %dma_wait3A_37, %dma_wait3A_38, %dma_wait3A_39] : memref<2x5x128x16xf32, #tpu.memory_space<vmem>> -> memref<1x5x128x16xf32, #tpu.memory_space<vmem>>
          %dma_wait3A_41 = tpu.memref_squeeze %dma_wait3A_40 : memref<1x5x128x16xf32, #tpu.memory_space<vmem>> -> memref<5x128x16xf32, #tpu.memory_space<vmem>>
          %dma_wait3A_42 = arith.constant 0 : i32
          %dma_wait3A_43 = arith.constant 0 : i32
          %dma_wait3A_44 = tpu.memref_slice %dma_wait3A_41[%dma_wait3A, %dma_wait3A_42, %dma_wait3A_43] : memref<5x128x16xf32, #tpu.memory_space<vmem>> -> memref<1x128x16xf32, #tpu.memory_space<vmem>>
          %dma_wait3A_45 = tpu.memref_squeeze %dma_wait3A_44 : memref<1x128x16xf32, #tpu.memory_space<vmem>> -> memref<128x16xf32, #tpu.memory_space<vmem>>
          %dma_wait3A_46 = arith.constant 0 : i32
          %dma_wait3A_47 = tpu.memref_slice %arg6[%add3A_26, %dma_wait3A_46] : memref<50x128xi32, #tpu.memory_space<vmem>> -> memref<1x128xi32, #tpu.memory_space<vmem>>
          %dma_wait3A_48 = tpu.memref_squeeze %dma_wait3A_47 : memref<1x128xi32, #tpu.memory_space<vmem>> -> memref<128xi32, #tpu.memory_space<vmem>>
          %dma_wait3A_49 = arith.constant 0 : i32
          %dma_wait3A_50 = arith.constant 0 : i32
          %dma_wait3A_51 = tpu.memref_slice %arg5[%dma_wait3A_49, %dma_wait3A_50] : memref<10240x16xf32, #tpu.memory_space<vmem_shared>> -> memref<10240x16xf32, #tpu.memory_space<vmem_shared>>
          tpu.wait_indirect_dma semaphore(%arg8 : memref<!tpu.dma_semaphore, #tpu.memory_space<semaphore_mem>>) src(%dma_wait3A_51 : memref<10240x16xf32, #tpu.memory_space<vmem_shared>>) dst(%dma_wait3A_45 : memref<128x16xf32, #tpu.memory_space<vmem>>)
          %mul3A_52 = arith.constant 5 : i32
          %mul3A_53 = arith.muli %sub3A_22, %mul3A_52 : i32
          %add3A_54 = arith.constant 1 : i32
          %add3A_55 = arith.addi %mul3A_53, %add3A_54 : i32
          %jit3A_56 = arith.constant 2 : i32
          %eq3A_57 = arith.constant 0 : i32
          %eq3A_58 = arith.cmpi eq, %jit3A_56, %eq3A_57 : i32
          %jit3A_59 = arith.constant 1 : i32
          %select_n3A_60 = arith.select %eq3A_58, %jit3A_59, %jit3A_56 : i32
          %rem3A_61 = arith.remsi %sub3A_22, %select_n3A_60 : i32
          %ne3A_62 = arith.constant 0 : i32
          %ne3A_63 = arith.cmpi ne, %rem3A_61, %ne3A_62 : i32
          %lt3A_64 = arith.constant 0 : i32
          %lt3A_65 = arith.cmpi slt, %rem3A_61, %lt3A_64 : i32
          %lt3A_66 = arith.constant 0 : i32
          %lt3A_67 = arith.cmpi slt, %select_n3A_60, %lt3A_66 : i32
          %ne3A_68 = arith.xori %lt3A_65, %lt3A_67 : i1
          %and3A_69 = arith.andi %ne3A_68, %ne3A_63 : i1
          %add3A_70 = arith.addi %rem3A_61, %select_n3A_60 : i32
          %select_n3A_71 = arith.select %and3A_69, %add3A_70, %rem3A_61 : i32
          %dma_wait3A_72 = arith.constant 1 : i32
          %dma_wait3A_73 = arith.constant 0 : i32
          %dma_wait3A_74 = arith.constant 0 : i32
          %dma_wait3A_75 = arith.constant 0 : i32
          %dma_wait3A_76 = tpu.memref_slice %arg7[%select_n3A_71, %dma_wait3A_73, %dma_wait3A_74, %dma_wait3A_75] : memref<2x5x128x16xf32, #tpu.memory_space<vmem>> -> memref<1x5x128x16xf32, #tpu.memory_space<vmem>>
          %dma_wait3A_77 = tpu.memref_squeeze %dma_wait3A_76 : memref<1x5x128x16xf32, #tpu.memory_space<vmem>> -> memref<5x128x16xf32, #tpu.memory_space<vmem>>
          %dma_wait3A_78 = arith.constant 0 : i32
          %dma_wait3A_79 = arith.constant 0 : i32
          %dma_wait3A_80 = tpu.memref_slice %dma_wait3A_77[%dma_wait3A_72, %dma_wait3A_78, %dma_wait3A_79] : memref<5x128x16xf32, #tpu.memory_space<vmem>> -> memref<1x128x16xf32, #tpu.memory_space<vmem>>
          %dma_wait3A_81 = tpu.memref_squeeze %dma_wait3A_80 : memref<1x128x16xf32, #tpu.memory_space<vmem>> -> memref<128x16xf32, #tpu.memory_space<vmem>>
          %dma_wait3A_82 = arith.constant 0 : i32
          %dma_wait3A_83 = tpu.memref_slice %arg6[%add3A_55, %dma_wait3A_82] : memref<50x128xi32, #tpu.memory_space<vmem>> -> memref<1x128xi32, #tpu.memory_space<vmem>>
          %dma_wait3A_84 = tpu.memref_squeeze %dma_wait3A_83 : memref<1x128xi32, #tpu.memory_space<vmem>> -> memref<128xi32, #tpu.memory_space<vmem>>
          %dma_wait3A_85 = arith.constant 0 : i32
          %dma_wait3A_86 = arith.constant 0 : i32
          %dma_wait3A_87 = tpu.memref_slice %arg5[%dma_wait3A_85, %dma_wait3A_86] : memref<10240x16xf32, #tpu.memory_space<vmem_shared>> -> memref<10240x16xf32, #tpu.memory_space<vmem_shared>>
          tpu.wait_indirect_dma semaphore(%arg8 : memref<!tpu.dma_semaphore, #tpu.memory_space<semaphore_mem>>) src(%dma_wait3A_87 : memref<10240x16xf32, #tpu.memory_space<vmem_shared>>) dst(%dma_wait3A_81 : memref<128x16xf32, #tpu.memory_space<vmem>>)
          %mul3A_88 = arith.constant 5 : i32
          %mul3A_89 = arith.muli %sub3A_22, %mul3A_88 : i32
          %add3A_90 = arith.constant 2 : i32
          %add3A_91 = arith.addi %mul3A_89, %add3A_90 : i32
          %jit3A_92 = arith.constant 2 : i32
          %eq3A_93 = arith.constant 0 : i32
          %eq3A_94 = arith.cmpi eq, %jit3A_92, %eq3A_93 : i32
          %jit3A_95 = arith.constant 1 : i32
          %select_n3A_96 = arith.select %eq3A_94, %jit3A_95, %jit3A_92 : i32
          %rem3A_97 = arith.remsi %sub3A_22, %select_n3A_96 : i32
          %ne3A_98 = arith.constant 0 : i32
          %ne3A_99 = arith.cmpi ne, %rem3A_97, %ne3A_98 : i32
          %lt3A_100 = arith.constant 0 : i32
          %lt3A_101 = arith.cmpi slt, %rem3A_97, %lt3A_100 : i32
          %lt3A_102 = arith.constant 0 : i32
          %lt3A_103 = arith.cmpi slt, %select_n3A_96, %lt3A_102 : i32
          %ne3A_104 = arith.xori %lt3A_101, %lt3A_103 : i1
          %and3A_105 = arith.andi %ne3A_104, %ne3A_99 : i1
          %add3A_106 = arith.addi %rem3A_97, %select_n3A_96 : i32
          %select_n3A_107 = arith.select %and3A_105, %add3A_106, %rem3A_97 : i32
          %dma_wait3A_108 = arith.constant 2 : i32
          %dma_wait3A_109 = arith.constant 0 : i32
          %dma_wait3A_110 = arith.constant 0 : i32
          %dma_wait3A_111 = arith.constant 0 : i32
          %dma_wait3A_112 = tpu.memref_slice %arg7[%select_n3A_107, %dma_wait3A_109, %dma_wait3A_110, %dma_wait3A_111] : memref<2x5x128x16xf32, #tpu.memory_space<vmem>> -> memref<1x5x128x16xf32, #tpu.memory_space<vmem>>
          %dma_wait3A_113 = tpu.memref_squeeze %dma_wait3A_112 : memref<1x5x128x16xf32, #tpu.memory_space<vmem>> -> memref<5x128x16xf32, #tpu.memory_space<vmem>>
          %dma_wait3A_114 = arith.constant 0 : i32
          %dma_wait3A_115 = arith.constant 0 : i32
          %dma_wait3A_116 = tpu.memref_slice %dma_wait3A_113[%dma_wait3A_108, %dma_wait3A_114, %dma_wait3A_115] : memref<5x128x16xf32, #tpu.memory_space<vmem>> -> memref<1x128x16xf32, #tpu.memory_space<vmem>>
          %dma_wait3A_117 = tpu.memref_squeeze %dma_wait3A_116 : memref<1x128x16xf32, #tpu.memory_space<vmem>> -> memref<128x16xf32, #tpu.memory_space<vmem>>
          %dma_wait3A_118 = arith.constant 0 : i32
          %dma_wait3A_119 = tpu.memref_slice %arg6[%add3A_91, %dma_wait3A_118] : memref<50x128xi32, #tpu.memory_space<vmem>> -> memref<1x128xi32, #tpu.memory_space<vmem>>
          %dma_wait3A_120 = tpu.memref_squeeze %dma_wait3A_119 : memref<1x128xi32, #tpu.memory_space<vmem>> -> memref<128xi32, #tpu.memory_space<vmem>>
          %dma_wait3A_121 = arith.constant 0 : i32
          %dma_wait3A_122 = arith.constant 0 : i32
          %dma_wait3A_123 = tpu.memref_slice %arg5[%dma_wait3A_121, %dma_wait3A_122] : memref<10240x16xf32, #tpu.memory_space<vmem_shared>> -> memref<10240x16xf32, #tpu.memory_space<vmem_shared>>
          tpu.wait_indirect_dma semaphore(%arg8 : memref<!tpu.dma_semaphore, #tpu.memory_space<semaphore_mem>>) src(%dma_wait3A_123 : memref<10240x16xf32, #tpu.memory_space<vmem_shared>>) dst(%dma_wait3A_117 : memref<128x16xf32, #tpu.memory_space<vmem>>)
          %mul3A_124 = arith.constant 5 : i32
          %mul3A_125 = arith.muli %sub3A_22, %mul3A_124 : i32
          %add3A_126 = arith.constant 3 : i32
          %add3A_127 = arith.addi %mul3A_125, %add3A_126 : i32
          %jit3A_128 = arith.constant 2 : i32
          %eq3A_129 = arith.constant 0 : i32
          %eq3A_130 = arith.cmpi eq, %jit3A_128, %eq3A_129 : i32
          %jit3A_131 = arith.constant 1 : i32
          %select_n3A_132 = arith.select %eq3A_130, %jit3A_131, %jit3A_128 : i32
          %rem3A_133 = arith.remsi %sub3A_22, %select_n3A_132 : i32
          %ne3A_134 = arith.constant 0 : i32
          %ne3A_135 = arith.cmpi ne, %rem3A_133, %ne3A_134 : i32
          %lt3A_136 = arith.constant 0 : i32
          %lt3A_137 = arith.cmpi slt, %rem3A_133, %lt3A_136 : i32
          %lt3A_138 = arith.constant 0 : i32
          %lt3A_139 = arith.cmpi slt, %select_n3A_132, %lt3A_138 : i32
          %ne3A_140 = arith.xori %lt3A_137, %lt3A_139 : i1
          %and3A_141 = arith.andi %ne3A_140, %ne3A_135 : i1
          %add3A_142 = arith.addi %rem3A_133, %select_n3A_132 : i32
          %select_n3A_143 = arith.select %and3A_141, %add3A_142, %rem3A_133 : i32
          %dma_wait3A_144 = arith.constant 3 : i32
          %dma_wait3A_145 = arith.constant 0 : i32
          %dma_wait3A_146 = arith.constant 0 : i32
          %dma_wait3A_147 = arith.constant 0 : i32
          %dma_wait3A_148 = tpu.memref_slice %arg7[%select_n3A_143, %dma_wait3A_145, %dma_wait3A_146, %dma_wait3A_147] : memref<2x5x128x16xf32, #tpu.memory_space<vmem>> -> memref<1x5x128x16xf32, #tpu.memory_space<vmem>>
          %dma_wait3A_149 = tpu.memref_squeeze %dma_wait3A_148 : memref<1x5x128x16xf32, #tpu.memory_space<vmem>> -> memref<5x128x16xf32, #tpu.memory_space<vmem>>
          %dma_wait3A_150 = arith.constant 0 : i32
          %dma_wait3A_151 = arith.constant 0 : i32
          %dma_wait3A_152 = tpu.memref_slice %dma_wait3A_149[%dma_wait3A_144, %dma_wait3A_150, %dma_wait3A_151] : memref<5x128x16xf32, #tpu.memory_space<vmem>> -> memref<1x128x16xf32, #tpu.memory_space<vmem>>
          %dma_wait3A_153 = tpu.memref_squeeze %dma_wait3A_152 : memref<1x128x16xf32, #tpu.memory_space<vmem>> -> memref<128x16xf32, #tpu.memory_space<vmem>>
          %dma_wait3A_154 = arith.constant 0 : i32
          %dma_wait3A_155 = tpu.memref_slice %arg6[%add3A_127, %dma_wait3A_154] : memref<50x128xi32, #tpu.memory_space<vmem>> -> memref<1x128xi32, #tpu.memory_space<vmem>>
          %dma_wait3A_156 = tpu.memref_squeeze %dma_wait3A_155 : memref<1x128xi32, #tpu.memory_space<vmem>> -> memref<128xi32, #tpu.memory_space<vmem>>
          %dma_wait3A_157 = arith.constant 0 : i32
          %dma_wait3A_158 = arith.constant 0 : i32
          %dma_wait3A_159 = tpu.memref_slice %arg5[%dma_wait3A_157, %dma_wait3A_158] : memref<10240x16xf32, #tpu.memory_space<vmem_shared>> -> memref<10240x16xf32, #tpu.memory_space<vmem_shared>>
          tpu.wait_indirect_dma semaphore(%arg8 : memref<!tpu.dma_semaphore, #tpu.memory_space<semaphore_mem>>) src(%dma_wait3A_159 : memref<10240x16xf32, #tpu.memory_space<vmem_shared>>) dst(%dma_wait3A_153 : memref<128x16xf32, #tpu.memory_space<vmem>>)
          %mul3A_160 = arith.constant 5 : i32
          %mul3A_161 = arith.muli %sub3A_22, %mul3A_160 : i32
          %add3A_162 = arith.constant 4 : i32
          %add3A_163 = arith.addi %mul3A_161, %add3A_162 : i32
          %jit3A_164 = arith.constant 2 : i32
          %eq3A_165 = arith.constant 0 : i32
          %eq3A_166 = arith.cmpi eq, %jit3A_164, %eq3A_165 : i32
          %jit3A_167 = arith.constant 1 : i32
          %select_n3A_168 = arith.select %eq3A_166, %jit3A_167, %jit3A_164 : i32
          %rem3A_169 = arith.remsi %sub3A_22, %select_n3A_168 : i32
          %ne3A_170 = arith.constant 0 : i32
          %ne3A_171 = arith.cmpi ne, %rem3A_169, %ne3A_170 : i32
          %lt3A_172 = arith.constant 0 : i32
          %lt3A_173 = arith.cmpi slt, %rem3A_169, %lt3A_172 : i32
          %lt3A_174 = arith.constant 0 : i32
          %lt3A_175 = arith.cmpi slt, %select_n3A_168, %lt3A_174 : i32
          %ne3A_176 = arith.xori %lt3A_173, %lt3A_175 : i1
          %and3A_177 = arith.andi %ne3A_176, %ne3A_171 : i1
          %add3A_178 = arith.addi %rem3A_169, %select_n3A_168 : i32
          %select_n3A_179 = arith.select %and3A_177, %add3A_178, %rem3A_169 : i32
          %dma_wait3A_180 = arith.constant 4 : i32
          %dma_wait3A_181 = arith.constant 0 : i32
          %dma_wait3A_182 = arith.constant 0 : i32
          %dma_wait3A_183 = arith.constant 0 : i32
          %dma_wait3A_184 = tpu.memref_slice %arg7[%select_n3A_179, %dma_wait3A_181, %dma_wait3A_182, %dma_wait3A_183] : memref<2x5x128x16xf32, #tpu.memory_space<vmem>> -> memref<1x5x128x16xf32, #tpu.memory_space<vmem>>
          %dma_wait3A_185 = tpu.memref_squeeze %dma_wait3A_184 : memref<1x5x128x16xf32, #tpu.memory_space<vmem>> -> memref<5x128x16xf32, #tpu.memory_space<vmem>>
          %dma_wait3A_186 = arith.constant 0 : i32
          %dma_wait3A_187 = arith.constant 0 : i32
          %dma_wait3A_188 = tpu.memref_slice %dma_wait3A_185[%dma_wait3A_180, %dma_wait3A_186, %dma_wait3A_187] : memref<5x128x16xf32, #tpu.memory_space<vmem>> -> memref<1x128x16xf32, #tpu.memory_space<vmem>>
          %dma_wait3A_189 = tpu.memref_squeeze %dma_wait3A_188 : memref<1x128x16xf32, #tpu.memory_space<vmem>> -> memref<128x16xf32, #tpu.memory_space<vmem>>
          %dma_wait3A_190 = arith.constant 0 : i32
          %dma_wait3A_191 = tpu.memref_slice %arg6[%add3A_163, %dma_wait3A_190] : memref<50x128xi32, #tpu.memory_space<vmem>> -> memref<1x128xi32, #tpu.memory_space<vmem>>
          %dma_wait3A_192 = tpu.memref_squeeze %dma_wait3A_191 : memref<1x128xi32, #tpu.memory_space<vmem>> -> memref<128xi32, #tpu.memory_space<vmem>>
          %dma_wait3A_193 = arith.constant 0 : i32
          %dma_wait3A_194 = arith.constant 0 : i32
          %dma_wait3A_195 = tpu.memref_slice %arg5[%dma_wait3A_193, %dma_wait3A_194] : memref<10240x16xf32, #tpu.memory_space<vmem_shared>> -> memref<10240x16xf32, #tpu.memory_space<vmem_shared>>
          tpu.wait_indirect_dma semaphore(%arg8 : memref<!tpu.dma_semaphore, #tpu.memory_space<semaphore_mem>>) src(%dma_wait3A_195 : memref<10240x16xf32, #tpu.memory_space<vmem_shared>>) dst(%dma_wait3A_189 : memref<128x16xf32, #tpu.memory_space<vmem>>)
          %jit3A_196 = arith.constant 2 : i32
          %eq3A_197 = arith.constant 0 : i32
          %eq3A_198 = arith.cmpi eq, %jit3A_196, %eq3A_197 : i32
          %jit3A_199 = arith.constant 1 : i32
          %select_n3A_200 = arith.select %eq3A_198, %jit3A_199, %jit3A_196 : i32
          %rem3A_201 = arith.remsi %sub3A_22, %select_n3A_200 : i32
          %ne3A_202 = arith.constant 0 : i32
          %ne3A_203 = arith.cmpi ne, %rem3A_201, %ne3A_202 : i32
          %lt3A_204 = arith.constant 0 : i32
          %lt3A_205 = arith.cmpi slt, %rem3A_201, %lt3A_204 : i32
          %lt3A_206 = arith.constant 0 : i32
          %lt3A_207 = arith.cmpi slt, %select_n3A_200, %lt3A_206 : i32
          %ne3A_208 = arith.xori %lt3A_205, %lt3A_207 : i1
          %and3A_209 = arith.andi %ne3A_208, %ne3A_203 : i1
          %add3A_210 = arith.addi %rem3A_201, %select_n3A_200 : i32
          %select_n3A_211 = arith.select %and3A_209, %add3A_210, %rem3A_201 : i32
          %mul3A_212 = arith.constant 5 : i32
          %mul3A_213 = arith.muli %sub3A_22, %mul3A_212 : i32
          %dma_start3A = arith.constant 0 : i32
          %dma_start3A_214 = arith.constant 0 : i32
          %dma_start3A_215 = arith.constant 0 : i32
          %dma_start3A_216 = tpu.memref_slice %arg7[%select_n3A_211, %dma_start3A, %dma_start3A_214, %dma_start3A_215] : memref<2x5x128x16xf32, #tpu.memory_space<vmem>> -> memref<1x5x128x16xf32, #tpu.memory_space<vmem>>
          %dma_start3A_217 = tpu.memref_squeeze %dma_start3A_216 : memref<1x5x128x16xf32, #tpu.memory_space<vmem>> -> memref<5x128x16xf32, #tpu.memory_space<vmem>>
          %dma_start3A_218 = arith.constant 0 : i32
          %dma_start3A_219 = arith.constant 0 : i32
          %dma_start3A_220 = arith.constant 0 : i32
          %dma_start3A_221 = tpu.memref_slice %arg4[%add3A, %dma_start3A_218, %dma_start3A_219, %dma_start3A_220] : memref<25x50x128x16xf32, #tpu.memory_space<hbm>> -> memref<1x50x128x16xf32, #tpu.memory_space<hbm>>
          %dma_start3A_222 = tpu.memref_squeeze %dma_start3A_221 : memref<1x50x128x16xf32, #tpu.memory_space<hbm>> -> memref<50x128x16xf32, #tpu.memory_space<hbm>>
          %dma_start3A_223 = arith.constant 0 : i32
          %dma_start3A_224 = arith.constant 0 : i32
          %dma_start3A_225 = tpu.memref_slice %dma_start3A_222[%mul3A_213, %dma_start3A_223, %dma_start3A_224] : memref<50x128x16xf32, #tpu.memory_space<hbm>> -> memref<5x128x16xf32, #tpu.memory_space<hbm>>
          %dma_start3A_226 = arith.constant 0 : i32
          %dma_start3A_227 = arith.constant 0 : i32
          %dma_start3A_228 = arith.constant 0 : i32
          %dma_start3A_229 = tpu.memref_slice %arg4[%add3A, %dma_start3A_226, %dma_start3A_227, %dma_start3A_228] : memref<25x50x128x16xf32, #tpu.memory_space<hbm>> -> memref<1x50x128x16xf32, #tpu.memory_space<hbm>>
          %dma_start3A_230 = tpu.memref_squeeze %dma_start3A_229 : memref<1x50x128x16xf32, #tpu.memory_space<hbm>> -> memref<50x128x16xf32, #tpu.memory_space<hbm>>
          %dma_start3A_231 = arith.constant 0 : i32
          %dma_start3A_232 = arith.constant 0 : i32
          %dma_start3A_233 = tpu.memref_slice %dma_start3A_230[%mul3A_213, %dma_start3A_231, %dma_start3A_232] : memref<50x128x16xf32, #tpu.memory_space<hbm>> -> memref<5x128x16xf32, #tpu.memory_space<hbm>>
          %dma_start3A_234 = arith.constant 0 : i32
          %dma_start3A_235 = arith.constant 0 : i32
          %dma_start3A_236 = arith.constant 0 : i32
          %dma_start3A_237 = tpu.memref_slice %arg7[%select_n3A_211, %dma_start3A_234, %dma_start3A_235, %dma_start3A_236] : memref<2x5x128x16xf32, #tpu.memory_space<vmem>> -> memref<1x5x128x16xf32, #tpu.memory_space<vmem>>
          %dma_start3A_238 = tpu.memref_squeeze %dma_start3A_237 : memref<1x5x128x16xf32, #tpu.memory_space<vmem>> -> memref<5x128x16xf32, #tpu.memory_space<vmem>>
          tpu.enqueue_dma source(%dma_start3A_238 : memref<5x128x16xf32, #tpu.memory_space<vmem>>) target(%dma_start3A_233 : memref<5x128x16xf32, #tpu.memory_space<hbm>>) target_semaphore(%arg9 : memref<!tpu.dma_semaphore, #tpu.memory_space<semaphore_mem>>)
          %dma_wait3A_239 = arith.constant 0 : i32
          %dma_wait3A_240 = arith.constant 0 : i32
          %dma_wait3A_241 = arith.constant 0 : i32
          %dma_wait3A_242 = tpu.memref_slice %arg7[%select_n3A_211, %dma_wait3A_239, %dma_wait3A_240, %dma_wait3A_241] : memref<2x5x128x16xf32, #tpu.memory_space<vmem>> -> memref<1x5x128x16xf32, #tpu.memory_space<vmem>>
          %dma_wait3A_243 = tpu.memref_squeeze %dma_wait3A_242 : memref<1x5x128x16xf32, #tpu.memory_space<vmem>> -> memref<5x128x16xf32, #tpu.memory_space<vmem>>
          %dma_wait3A_244 = arith.constant 0 : i32
          %dma_wait3A_245 = arith.constant 0 : i32
          %dma_wait3A_246 = arith.constant 0 : i32
          %dma_wait3A_247 = tpu.memref_slice %arg4[%add3A, %dma_wait3A_244, %dma_wait3A_245, %dma_wait3A_246] : memref<25x50x128x16xf32, #tpu.memory_space<hbm>> -> memref<1x50x128x16xf32, #tpu.memory_space<hbm>>
          %dma_wait3A_248 = tpu.memref_squeeze %dma_wait3A_247 : memref<1x50x128x16xf32, #tpu.memory_space<hbm>> -> memref<50x128x16xf32, #tpu.memory_space<hbm>>
          %dma_wait3A_249 = arith.constant 0 : i32
          %dma_wait3A_250 = arith.constant 0 : i32
          %dma_wait3A_251 = tpu.memref_slice %dma_wait3A_248[%mul3A_213, %dma_wait3A_249, %dma_wait3A_250] : memref<50x128x16xf32, #tpu.memory_space<hbm>> -> memref<5x128x16xf32, #tpu.memory_space<hbm>>
          %dma_wait3A_252 = arith.constant 0 : i32
          %dma_wait3A_253 = arith.constant 0 : i32
          %dma_wait3A_254 = arith.constant 0 : i32
          %dma_wait3A_255 = tpu.memref_slice %arg4[%add3A, %dma_wait3A_252, %dma_wait3A_253, %dma_wait3A_254] : memref<25x50x128x16xf32, #tpu.memory_space<hbm>> -> memref<1x50x128x16xf32, #tpu.memory_space<hbm>>
          %dma_wait3A_256 = tpu.memref_squeeze %dma_wait3A_255 : memref<1x50x128x16xf32, #tpu.memory_space<hbm>> -> memref<50x128x16xf32, #tpu.memory_space<hbm>>
          %dma_wait3A_257 = arith.constant 0 : i32
          %dma_wait3A_258 = arith.constant 0 : i32
          %dma_wait3A_259 = tpu.memref_slice %dma_wait3A_256[%mul3A_213, %dma_wait3A_257, %dma_wait3A_258] : memref<50x128x16xf32, #tpu.memory_space<hbm>> -> memref<5x128x16xf32, #tpu.memory_space<hbm>>
          %dma_wait3A_260 = arith.constant 0 : i32
          %dma_wait3A_261 = arith.constant 0 : i32
          %dma_wait3A_262 = arith.constant 0 : i32
          %dma_wait3A_263 = tpu.memref_slice %arg7[%select_n3A_211, %dma_wait3A_260, %dma_wait3A_261, %dma_wait3A_262] : memref<2x5x128x16xf32, #tpu.memory_space<vmem>> -> memref<1x5x128x16xf32, #tpu.memory_space<vmem>>
          %dma_wait3A_264 = tpu.memref_squeeze %dma_wait3A_263 : memref<1x5x128x16xf32, #tpu.memory_space<vmem>> -> memref<5x128x16xf32, #tpu.memory_space<vmem>>
          tpu.wait_dma2 semaphore(%arg9 : memref<!tpu.dma_semaphore, #tpu.memory_space<semaphore_mem>>) src(%dma_wait3A_264 : memref<5x128x16xf32, #tpu.memory_space<vmem>>) dst(%dma_wait3A_259 : memref<5x128x16xf32, #tpu.memory_space<hbm>>)
        } else {
        }
      }
      %scan3A_11 = arith.constant 11 : i32
    } else {
    }
    return
  }
}

#map = affine_map<(d0, d1) -> (0, 0, 0, 0)>
#map1 = affine_map<(d0, d1) -> (0, 0, 0)>
module attributes {stable_mosaic.version = 14 : i64} {
  func.func @_sc_scatter_add(%arg0: i32, %arg1: i32, %arg2: memref<25x50x128x16xf32, #tpu.memory_space<hbm>>, %arg3: memref<25x50x128xi32, #tpu.memory_space<hbm>>, %arg4: memref<2x10240x16xf32, #tpu.memory_space<hbm>>, %arg5: memref<10240x16xf32, #tpu.memory_space<vmem_shared>>, %arg6: memref<50x128xi32, #tpu.memory_space<vmem>>, %arg7: memref<2x5x128x16xf32, #tpu.memory_space<vmem>>, %arg8: memref<128x16xf32, #tpu.memory_space<vmem>>, %arg9: memref<!tpu.dma_semaphore, #tpu.memory_space<semaphore_mem>>, %arg10: memref<!tpu.dma_semaphore, #tpu.memory_space<semaphore_mem>>) attributes {dimension_semantics = [#tpu.dimension_semantics<core_parallel>, #tpu.dimension_semantics<subcore_parallel>], iteration_bounds = array<i64: 2, 16>, scalar_prefetch = 0 : i64, scratch_operands = 6 : i64, tpu.core_type = #tpu.core_type<sc_vector_subcore>, window_params = [{transform_indices = #map}, {transform_indices = #map1}, {transform_indices = #map1}]} {
    %mul3A = arith.constant 16 : i32
    %mul3A_0 = arith.muli %arg0, %mul3A : i32
    %add3A = arith.addi %mul3A_0, %arg1 : i32
    %scan3A = arith.constant 0 : i32
    %scan3A_1 = arith.constant 0 : i32
    %scan3A_2 = arith.constant 128 : i32
    %scan3A_3 = arith.addi %scan3A_1, %scan3A_2 : i32
    %scan3A_4 = arith.constant 1 : i32
    scf.for %scan3A_19 = %scan3A_1 to %scan3A_3 step %scan3A_4  : i32 {
      %broadcast_in_dim3A = arith.constant 0.000000e+00 : f32
      %broadcast_in_dim3A_20 = vector.broadcast %broadcast_in_dim3A : f32 to vector<16xf32>
      %swap3A = arith.index_cast %scan3A_19 : i32 to index
      %swap3A_21 = arith.constant 0 : index
      %swap3A_22 = tpu.vector_load %arg8[%swap3A, %swap3A_21] {strides = array<i32>} : memref<128x16xf32, #tpu.memory_space<vmem>>, vector<1x16xf32>,
      %swap3A_23 = vector.shape_cast %swap3A_22 : vector<1x16xf32> to vector<16xf32>
      %swap3A_24 = vector.shape_cast %broadcast_in_dim3A_20 : vector<16xf32> to vector<1x16xf32>
      tpu.vector_store %arg8[%swap3A, %swap3A_21], %swap3A_24 {strides = array<i32>} : memref<128x16xf32, #tpu.memory_space<vmem>>, vector<1x16xf32>,
    }
    %scan3A_5 = arith.constant 128 : i32
    %scan3A_6 = arith.constant 0 : i32
    %scan3A_7 = arith.constant 0 : i32
    %scan3A_8 = arith.constant 5 : i32
    %scan3A_9 = arith.addi %scan3A_7, %scan3A_8 : i32
    %scan3A_10 = arith.constant 1 : i32
    scf.for %scan3A_19 = %scan3A_7 to %scan3A_9 step %scan3A_10  : i32 {
      %mul3A_20 = arith.constant 640 : i32
      %mul3A_21 = arith.muli %arg1, %mul3A_20 : i32
      %mul3A_22 = arith.constant 128 : i32
      %mul3A_23 = arith.muli %scan3A_19, %mul3A_22 : i32
      %add3A_24 = arith.addi %mul3A_21, %mul3A_23 : i32
      "tpu.region"() ({
        %run_scoped3A = tpu.sem_alloc : memref<!tpu.dma_semaphore, #tpu.memory_space<semaphore_mem>>
        %dma_start3A = arith.constant 0 : i32
        %dma_start3A_25 = tpu.memref_slice %arg5[%add3A_24, %dma_start3A] : memref<10240x16xf32, #tpu.memory_space<vmem_shared>> -> memref<128x16xf32, #tpu.memory_space<vmem_shared>>
        %dma_start3A_26 = arith.constant 0 : i32
        %dma_start3A_27 = tpu.memref_slice %arg5[%add3A_24, %dma_start3A_26] : memref<10240x16xf32, #tpu.memory_space<vmem_shared>> -> memref<128x16xf32, #tpu.memory_space<vmem_shared>>
        tpu.enqueue_dma source(%arg8 : memref<128x16xf32, #tpu.memory_space<vmem>>) target(%dma_start3A_27 : memref<128x16xf32, #tpu.memory_space<vmem_shared>>) target_semaphore(%run_scoped3A : memref<!tpu.dma_semaphore, #tpu.memory_space<semaphore_mem>>)
        %dma_wait3A = arith.constant 0 : i32
        %dma_wait3A_28 = tpu.memref_slice %arg5[%add3A_24, %dma_wait3A] : memref<10240x16xf32, #tpu.memory_space<vmem_shared>> -> memref<128x16xf32, #tpu.memory_space<vmem_shared>>
        %dma_wait3A_29 = arith.constant 0 : i32
        %dma_wait3A_30 = tpu.memref_slice %arg5[%add3A_24, %dma_wait3A_29] : memref<10240x16xf32, #tpu.memory_space<vmem_shared>> -> memref<128x16xf32, #tpu.memory_space<vmem_shared>>
        tpu.wait_dma2 semaphore(%run_scoped3A : memref<!tpu.dma_semaphore, #tpu.memory_space<semaphore_mem>>) src(%arg8 : memref<128x16xf32, #tpu.memory_space<vmem>>) dst(%dma_wait3A_30 : memref<128x16xf32, #tpu.memory_space<vmem_shared>>)
        tpu.yield
      }) : () -> ()
    }
    %scan3A_11 = arith.constant 5 : i32
    %barrier3A = arith.constant 0 : index
    tpu.barrier barrier_id(%barrier3A)
    %lt3A = arith.constant 25 : i32
    %lt3A_12 = arith.cmpi slt, %add3A, %lt3A : i32
    %convert_element_type3A = arith.extui %lt3A_12 : i1 to i32
    %cond3A = arith.constant 0 : i32
    %cond3A_13 = arith.cmpi ne, %convert_element_type3A, %cond3A : i32
    scf.if %cond3A_13 {
      "tpu.region"() ({
        %run_scoped3A = tpu.sem_alloc : memref<!tpu.dma_semaphore, #tpu.memory_space<semaphore_mem>>
        %dma_start3A = arith.constant 0 : i32
        %dma_start3A_25 = arith.constant 0 : i32
        %dma_start3A_26 = tpu.memref_slice %arg3[%add3A, %dma_start3A, %dma_start3A_25] : memref<25x50x128xi32, #tpu.memory_space<hbm>> -> memref<1x50x128xi32, #tpu.memory_space<hbm>>
        %dma_start3A_27 = tpu.memref_squeeze %dma_start3A_26 : memref<1x50x128xi32, #tpu.memory_space<hbm>> -> memref<50x128xi32, #tpu.memory_space<hbm>>
        %dma_start3A_28 = arith.constant 0 : i32
        %dma_start3A_29 = arith.constant 0 : i32
        %dma_start3A_30 = tpu.memref_slice %arg3[%add3A, %dma_start3A_28, %dma_start3A_29] : memref<25x50x128xi32, #tpu.memory_space<hbm>> -> memref<1x50x128xi32, #tpu.memory_space<hbm>>
        %dma_start3A_31 = tpu.memref_squeeze %dma_start3A_30 : memref<1x50x128xi32, #tpu.memory_space<hbm>> -> memref<50x128xi32, #tpu.memory_space<hbm>>
        tpu.enqueue_dma source(%dma_start3A_31 : memref<50x128xi32, #tpu.memory_space<hbm>>) target(%arg6 : memref<50x128xi32, #tpu.memory_space<vmem>>) target_semaphore(%run_scoped3A : memref<!tpu.dma_semaphore, #tpu.memory_space<semaphore_mem>>)
        %dma_wait3A = arith.constant 0 : i32
        %dma_wait3A_32 = arith.constant 0 : i32
        %dma_wait3A_33 = tpu.memref_slice %arg3[%add3A, %dma_wait3A, %dma_wait3A_32] : memref<25x50x128xi32, #tpu.memory_space<hbm>> -> memref<1x50x128xi32, #tpu.memory_space<hbm>>
        %dma_wait3A_34 = tpu.memref_squeeze %dma_wait3A_33 : memref<1x50x128xi32, #tpu.memory_space<hbm>> -> memref<50x128xi32, #tpu.memory_space<hbm>>
        %dma_wait3A_35 = arith.constant 0 : i32
        %dma_wait3A_36 = arith.constant 0 : i32
        %dma_wait3A_37 = tpu.memref_slice %arg3[%add3A, %dma_wait3A_35, %dma_wait3A_36] : memref<25x50x128xi32, #tpu.memory_space<hbm>> -> memref<1x50x128xi32, #tpu.memory_space<hbm>>
        %dma_wait3A_38 = tpu.memref_squeeze %dma_wait3A_37 : memref<1x50x128xi32, #tpu.memory_space<hbm>> -> memref<50x128xi32, #tpu.memory_space<hbm>>
        tpu.wait_dma2 semaphore(%run_scoped3A : memref<!tpu.dma_semaphore, #tpu.memory_space<semaphore_mem>>) src(%dma_wait3A_38 : memref<50x128xi32, #tpu.memory_space<hbm>>) dst(%arg6 : memref<50x128xi32, #tpu.memory_space<vmem>>)
        tpu.yield
      }) : () -> ()
      %scan3A_19 = arith.constant 0 : i32
      %scan3A_20 = arith.constant 0 : i32
      %scan3A_21 = arith.constant 11 : i32
      %scan3A_22 = arith.addi %scan3A_20, %scan3A_21 : i32
      %scan3A_23 = arith.constant 1 : i32
      scf.for %scan3A_25 = %scan3A_20 to %scan3A_22 step %scan3A_23  : i32 {
        %lt3A_26 = arith.constant 10 : i32
        %lt3A_27 = arith.cmpi slt, %scan3A_25, %lt3A_26 : i32
        %convert_element_type3A_28 = arith.extui %lt3A_27 : i1 to i32
        %cond3A_29 = arith.constant 0 : i32
        %cond3A_30 = arith.cmpi ne, %convert_element_type3A_28, %cond3A_29 : i32
        scf.if %cond3A_30 {
          %mul3A_35 = arith.constant 5 : i32
          %mul3A_36 = arith.muli %scan3A_25, %mul3A_35 : i32
          %jit3A = arith.constant 2 : i32
          %eq3A = arith.constant 0 : i32
          %eq3A_37 = arith.cmpi eq, %jit3A, %eq3A : i32
          %jit3A_38 = arith.constant 1 : i32
          %select_n3A = arith.select %eq3A_37, %jit3A_38, %jit3A : i32
          %rem3A = arith.remsi %scan3A_25, %select_n3A : i32
          %ne3A = arith.constant 0 : i32
          %ne3A_39 = arith.cmpi ne, %rem3A, %ne3A : i32
          %lt3A_40 = arith.constant 0 : i32
          %lt3A_41 = arith.cmpi slt, %rem3A, %lt3A_40 : i32
          %lt3A_42 = arith.constant 0 : i32
          %lt3A_43 = arith.cmpi slt, %select_n3A, %lt3A_42 : i32
          %ne3A_44 = arith.xori %lt3A_41, %lt3A_43 : i1
          %and3A = arith.andi %ne3A_44, %ne3A_39 : i1
          %add3A_45 = arith.addi %rem3A, %select_n3A : i32
          %select_n3A_46 = arith.select %and3A, %add3A_45, %rem3A : i32
          %dma_start3A = arith.constant 0 : i32
          %dma_start3A_47 = arith.constant 0 : i32
          %dma_start3A_48 = arith.constant 0 : i32
          %dma_start3A_49 = tpu.memref_slice %arg7[%select_n3A_46, %dma_start3A, %dma_start3A_47, %dma_start3A_48] : memref<2x5x128x16xf32, #tpu.memory_space<vmem>> -> memref<1x5x128x16xf32, #tpu.memory_space<vmem>>
          %dma_start3A_50 = tpu.memref_squeeze %dma_start3A_49 : memref<1x5x128x16xf32, #tpu.memory_space<vmem>> -> memref<5x128x16xf32, #tpu.memory_space<vmem>>
          %dma_start3A_51 = arith.constant 0 : i32
          %dma_start3A_52 = arith.constant 0 : i32
          %dma_start3A_53 = arith.constant 0 : i32
          %dma_start3A_54 = tpu.memref_slice %arg2[%add3A, %dma_start3A_51, %dma_start3A_52, %dma_start3A_53] : memref<25x50x128x16xf32, #tpu.memory_space<hbm>> -> memref<1x50x128x16xf32, #tpu.memory_space<hbm>>
          %dma_start3A_55 = tpu.memref_squeeze %dma_start3A_54 : memref<1x50x128x16xf32, #tpu.memory_space<hbm>> -> memref<50x128x16xf32, #tpu.memory_space<hbm>>
          %dma_start3A_56 = arith.constant 0 : i32
          %dma_start3A_57 = arith.constant 0 : i32
          %dma_start3A_58 = tpu.memref_slice %dma_start3A_55[%mul3A_36, %dma_start3A_56, %dma_start3A_57] : memref<50x128x16xf32, #tpu.memory_space<hbm>> -> memref<5x128x16xf32, #tpu.memory_space<hbm>>
          %dma_start3A_59 = arith.constant 0 : i32
          %dma_start3A_60 = arith.constant 0 : i32
          %dma_start3A_61 = arith.constant 0 : i32
          %dma_start3A_62 = tpu.memref_slice %arg7[%select_n3A_46, %dma_start3A_59, %dma_start3A_60, %dma_start3A_61] : memref<2x5x128x16xf32, #tpu.memory_space<vmem>> -> memref<1x5x128x16xf32, #tpu.memory_space<vmem>>
          %dma_start3A_63 = tpu.memref_squeeze %dma_start3A_62 : memref<1x5x128x16xf32, #tpu.memory_space<vmem>> -> memref<5x128x16xf32, #tpu.memory_space<vmem>>
          %dma_start3A_64 = arith.constant 0 : i32
          %dma_start3A_65 = arith.constant 0 : i32
          %dma_start3A_66 = arith.constant 0 : i32
          %dma_start3A_67 = tpu.memref_slice %arg2[%add3A, %dma_start3A_64, %dma_start3A_65, %dma_start3A_66] : memref<25x50x128x16xf32, #tpu.memory_space<hbm>> -> memref<1x50x128x16xf32, #tpu.memory_space<hbm>>
          %dma_start3A_68 = tpu.memref_squeeze %dma_start3A_67 : memref<1x50x128x16xf32, #tpu.memory_space<hbm>> -> memref<50x128x16xf32, #tpu.memory_space<hbm>>
          %dma_start3A_69 = arith.constant 0 : i32
          %dma_start3A_70 = arith.constant 0 : i32
          %dma_start3A_71 = tpu.memref_slice %dma_start3A_68[%mul3A_36, %dma_start3A_69, %dma_start3A_70] : memref<50x128x16xf32, #tpu.memory_space<hbm>> -> memref<5x128x16xf32, #tpu.memory_space<hbm>>
          tpu.enqueue_dma source(%dma_start3A_71 : memref<5x128x16xf32, #tpu.memory_space<hbm>>) target(%dma_start3A_63 : memref<5x128x16xf32, #tpu.memory_space<vmem>>) target_semaphore(%arg10 : memref<!tpu.dma_semaphore, #tpu.memory_space<semaphore_mem>>)
          %dma_wait3A = arith.constant 0 : i32
          %dma_wait3A_72 = arith.constant 0 : i32
          %dma_wait3A_73 = arith.constant 0 : i32
          %dma_wait3A_74 = tpu.memref_slice %arg7[%select_n3A_46, %dma_wait3A, %dma_wait3A_72, %dma_wait3A_73] : memref<2x5x128x16xf32, #tpu.memory_space<vmem>> -> memref<1x5x128x16xf32, #tpu.memory_space<vmem>>
          %dma_wait3A_75 = tpu.memref_squeeze %dma_wait3A_74 : memref<1x5x128x16xf32, #tpu.memory_space<vmem>> -> memref<5x128x16xf32, #tpu.memory_space<vmem>>
          %dma_wait3A_76 = arith.constant 0 : i32
          %dma_wait3A_77 = arith.constant 0 : i32
          %dma_wait3A_78 = arith.constant 0 : i32
          %dma_wait3A_79 = tpu.memref_slice %arg2[%add3A, %dma_wait3A_76, %dma_wait3A_77, %dma_wait3A_78] : memref<25x50x128x16xf32, #tpu.memory_space<hbm>> -> memref<1x50x128x16xf32, #tpu.memory_space<hbm>>
          %dma_wait3A_80 = tpu.memref_squeeze %dma_wait3A_79 : memref<1x50x128x16xf32, #tpu.memory_space<hbm>> -> memref<50x128x16xf32, #tpu.memory_space<hbm>>
          %dma_wait3A_81 = arith.constant 0 : i32
          %dma_wait3A_82 = arith.constant 0 : i32
          %dma_wait3A_83 = tpu.memref_slice %dma_wait3A_80[%mul3A_36, %dma_wait3A_81, %dma_wait3A_82] : memref<50x128x16xf32, #tpu.memory_space<hbm>> -> memref<5x128x16xf32, #tpu.memory_space<hbm>>
          %dma_wait3A_84 = arith.constant 0 : i32
          %dma_wait3A_85 = arith.constant 0 : i32
          %dma_wait3A_86 = arith.constant 0 : i32
          %dma_wait3A_87 = tpu.memref_slice %arg7[%select_n3A_46, %dma_wait3A_84, %dma_wait3A_85, %dma_wait3A_86] : memref<2x5x128x16xf32, #tpu.memory_space<vmem>> -> memref<1x5x128x16xf32, #tpu.memory_space<vmem>>
          %dma_wait3A_88 = tpu.memref_squeeze %dma_wait3A_87 : memref<1x5x128x16xf32, #tpu.memory_space<vmem>> -> memref<5x128x16xf32, #tpu.memory_space<vmem>>
          %dma_wait3A_89 = arith.constant 0 : i32
          %dma_wait3A_90 = arith.constant 0 : i32
          %dma_wait3A_91 = arith.constant 0 : i32
          %dma_wait3A_92 = tpu.memref_slice %arg2[%add3A, %dma_wait3A_89, %dma_wait3A_90, %dma_wait3A_91] : memref<25x50x128x16xf32, #tpu.memory_space<hbm>> -> memref<1x50x128x16xf32, #tpu.memory_space<hbm>>
          %dma_wait3A_93 = tpu.memref_squeeze %dma_wait3A_92 : memref<1x50x128x16xf32, #tpu.memory_space<hbm>> -> memref<50x128x16xf32, #tpu.memory_space<hbm>>
          %dma_wait3A_94 = arith.constant 0 : i32
          %dma_wait3A_95 = arith.constant 0 : i32
          %dma_wait3A_96 = tpu.memref_slice %dma_wait3A_93[%mul3A_36, %dma_wait3A_94, %dma_wait3A_95] : memref<50x128x16xf32, #tpu.memory_space<hbm>> -> memref<5x128x16xf32, #tpu.memory_space<hbm>>
          tpu.wait_dma2 semaphore(%arg10 : memref<!tpu.dma_semaphore, #tpu.memory_space<semaphore_mem>>) src(%dma_wait3A_96 : memref<5x128x16xf32, #tpu.memory_space<hbm>>) dst(%dma_wait3A_88 : memref<5x128x16xf32, #tpu.memory_space<vmem>>)
          %jit3A_97 = arith.constant 2 : i32
          %eq3A_98 = arith.constant 0 : i32
          %eq3A_99 = arith.cmpi eq, %jit3A_97, %eq3A_98 : i32
          %jit3A_100 = arith.constant 1 : i32
          %select_n3A_101 = arith.select %eq3A_99, %jit3A_100, %jit3A_97 : i32
          %rem3A_102 = arith.remsi %scan3A_25, %select_n3A_101 : i32
          %ne3A_103 = arith.constant 0 : i32
          %ne3A_104 = arith.cmpi ne, %rem3A_102, %ne3A_103 : i32
          %lt3A_105 = arith.constant 0 : i32
          %lt3A_106 = arith.cmpi slt, %rem3A_102, %lt3A_105 : i32
          %lt3A_107 = arith.constant 0 : i32
          %lt3A_108 = arith.cmpi slt, %select_n3A_101, %lt3A_107 : i32
          %ne3A_109 = arith.xori %lt3A_106, %lt3A_108 : i1
          %and3A_110 = arith.andi %ne3A_109, %ne3A_104 : i1
          %add3A_111 = arith.addi %rem3A_102, %select_n3A_101 : i32
          %select_n3A_112 = arith.select %and3A_110, %add3A_111, %rem3A_102 : i32
          %mul3A_113 = arith.constant 5 : i32
          %mul3A_114 = arith.muli %scan3A_25, %mul3A_113 : i32
          %add3A_115 = arith.constant 0 : i32
          %add3A_116 = arith.addi %mul3A_114, %add3A_115 : i32
          %dma_start3A_117 = arith.constant 0 : i32
          %dma_start3A_118 = arith.constant 0 : i32
          %dma_start3A_119 = arith.constant 0 : i32
          %dma_start3A_120 = arith.constant 0 : i32
          %dma_start3A_121 = tpu.memref_slice %arg7[%select_n3A_112, %dma_start3A_118, %dma_start3A_119, %dma_start3A_120] : memref<2x5x128x16xf32, #tpu.memory_space<vmem>> -> memref<1x5x128x16xf32, #tpu.memory_space<vmem>>
          %dma_start3A_122 = tpu.memref_squeeze %dma_start3A_121 : memref<1x5x128x16xf32, #tpu.memory_space<vmem>> -> memref<5x128x16xf32, #tpu.memory_space<vmem>>
          %dma_start3A_123 = arith.constant 0 : i32
          %dma_start3A_124 = arith.constant 0 : i32
          %dma_start3A_125 = tpu.memref_slice %dma_start3A_122[%dma_start3A_117, %dma_start3A_123, %dma_start3A_124] : memref<5x128x16xf32, #tpu.memory_space<vmem>> -> memref<1x128x16xf32, #tpu.memory_space<vmem>>
          %dma_start3A_126 = tpu.memref_squeeze %dma_start3A_125 : memref<1x128x16xf32, #tpu.memory_space<vmem>> -> memref<128x16xf32, #tpu.memory_space<vmem>>
          %dma_start3A_127 = arith.constant 0 : i32
          %dma_start3A_128 = tpu.memref_slice %arg6[%add3A_116, %dma_start3A_127] : memref<50x128xi32, #tpu.memory_space<vmem>> -> memref<1x128xi32, #tpu.memory_space<vmem>>
          %dma_start3A_129 = tpu.memref_squeeze %dma_start3A_128 : memref<1x128xi32, #tpu.memory_space<vmem>> -> memref<128xi32, #tpu.memory_space<vmem>>
          %dma_start3A_130 = arith.constant 0 : i32
          %dma_start3A_131 = arith.constant 0 : i32
          %dma_start3A_132 = tpu.memref_slice %arg5[%dma_start3A_130, %dma_start3A_131] : memref<10240x16xf32, #tpu.memory_space<vmem_shared>> -> memref<10240x16xf32, #tpu.memory_space<vmem_shared>>
          tpu.enqueue_indirect_dma source(%dma_start3A_126 : memref<128x16xf32, #tpu.memory_space<vmem>>) target(%dma_start3A_132 : memref<10240x16xf32, #tpu.memory_space<vmem_shared>>) offsets(%dma_start3A_129 : memref<128xi32, #tpu.memory_space<vmem>>) semaphore(%arg9 : memref<!tpu.dma_semaphore, #tpu.memory_space<semaphore_mem>>) {add = true}
          %jit3A_133 = arith.constant 2 : i32
          %eq3A_134 = arith.constant 0 : i32
          %eq3A_135 = arith.cmpi eq, %jit3A_133, %eq3A_134 : i32
          %jit3A_136 = arith.constant 1 : i32
          %select_n3A_137 = arith.select %eq3A_135, %jit3A_136, %jit3A_133 : i32
          %rem3A_138 = arith.remsi %scan3A_25, %select_n3A_137 : i32
          %ne3A_139 = arith.constant 0 : i32
          %ne3A_140 = arith.cmpi ne, %rem3A_138, %ne3A_139 : i32
          %lt3A_141 = arith.constant 0 : i32
          %lt3A_142 = arith.cmpi slt, %rem3A_138, %lt3A_141 : i32
          %lt3A_143 = arith.constant 0 : i32
          %lt3A_144 = arith.cmpi slt, %select_n3A_137, %lt3A_143 : i32
          %ne3A_145 = arith.xori %lt3A_142, %lt3A_144 : i1
          %and3A_146 = arith.andi %ne3A_145, %ne3A_140 : i1
          %add3A_147 = arith.addi %rem3A_138, %select_n3A_137 : i32
          %select_n3A_148 = arith.select %and3A_146, %add3A_147, %rem3A_138 : i32
          %mul3A_149 = arith.constant 5 : i32
          %mul3A_150 = arith.muli %scan3A_25, %mul3A_149 : i32
          %add3A_151 = arith.constant 1 : i32
          %add3A_152 = arith.addi %mul3A_150, %add3A_151 : i32
          %dma_start3A_153 = arith.constant 1 : i32
          %dma_start3A_154 = arith.constant 0 : i32
          %dma_start3A_155 = arith.constant 0 : i32
          %dma_start3A_156 = arith.constant 0 : i32
          %dma_start3A_157 = tpu.memref_slice %arg7[%select_n3A_148, %dma_start3A_154, %dma_start3A_155, %dma_start3A_156] : memref<2x5x128x16xf32, #tpu.memory_space<vmem>> -> memref<1x5x128x16xf32, #tpu.memory_space<vmem>>
          %dma_start3A_158 = tpu.memref_squeeze %dma_start3A_157 : memref<1x5x128x16xf32, #tpu.memory_space<vmem>> -> memref<5x128x16xf32, #tpu.memory_space<vmem>>
          %dma_start3A_159 = arith.constant 0 : i32
          %dma_start3A_160 = arith.constant 0 : i32
          %dma_start3A_161 = tpu.memref_slice %dma_start3A_158[%dma_start3A_153, %dma_start3A_159, %dma_start3A_160] : memref<5x128x16xf32, #tpu.memory_space<vmem>> -> memref<1x128x16xf32, #tpu.memory_space<vmem>>
          %dma_start3A_162 = tpu.memref_squeeze %dma_start3A_161 : memref<1x128x16xf32, #tpu.memory_space<vmem>> -> memref<128x16xf32, #tpu.memory_space<vmem>>
          %dma_start3A_163 = arith.constant 0 : i32
          %dma_start3A_164 = tpu.memref_slice %arg6[%add3A_152, %dma_start3A_163] : memref<50x128xi32, #tpu.memory_space<vmem>> -> memref<1x128xi32, #tpu.memory_space<vmem>>
          %dma_start3A_165 = tpu.memref_squeeze %dma_start3A_164 : memref<1x128xi32, #tpu.memory_space<vmem>> -> memref<128xi32, #tpu.memory_space<vmem>>
          %dma_start3A_166 = arith.constant 0 : i32
          %dma_start3A_167 = arith.constant 0 : i32
          %dma_start3A_168 = tpu.memref_slice %arg5[%dma_start3A_166, %dma_start3A_167] : memref<10240x16xf32, #tpu.memory_space<vmem_shared>> -> memref<10240x16xf32, #tpu.memory_space<vmem_shared>>
          tpu.enqueue_indirect_dma source(%dma_start3A_162 : memref<128x16xf32, #tpu.memory_space<vmem>>) target(%dma_start3A_168 : memref<10240x16xf32, #tpu.memory_space<vmem_shared>>) offsets(%dma_start3A_165 : memref<128xi32, #tpu.memory_space<vmem>>) semaphore(%arg9 : memref<!tpu.dma_semaphore, #tpu.memory_space<semaphore_mem>>) {add = true}
          %jit3A_169 = arith.constant 2 : i32
          %eq3A_170 = arith.constant 0 : i32
          %eq3A_171 = arith.cmpi eq, %jit3A_169, %eq3A_170 : i32
          %jit3A_172 = arith.constant 1 : i32
          %select_n3A_173 = arith.select %eq3A_171, %jit3A_172, %jit3A_169 : i32
          %rem3A_174 = arith.remsi %scan3A_25, %select_n3A_173 : i32
          %ne3A_175 = arith.constant 0 : i32
          %ne3A_176 = arith.cmpi ne, %rem3A_174, %ne3A_175 : i32
          %lt3A_177 = arith.constant 0 : i32
          %lt3A_178 = arith.cmpi slt, %rem3A_174, %lt3A_177 : i32
          %lt3A_179 = arith.constant 0 : i32
          %lt3A_180 = arith.cmpi slt, %select_n3A_173, %lt3A_179 : i32
          %ne3A_181 = arith.xori %lt3A_178, %lt3A_180 : i1
          %and3A_182 = arith.andi %ne3A_181, %ne3A_176 : i1
          %add3A_183 = arith.addi %rem3A_174, %select_n3A_173 : i32
          %select_n3A_184 = arith.select %and3A_182, %add3A_183, %rem3A_174 : i32
          %mul3A_185 = arith.constant 5 : i32
          %mul3A_186 = arith.muli %scan3A_25, %mul3A_185 : i32
          %add3A_187 = arith.constant 2 : i32
          %add3A_188 = arith.addi %mul3A_186, %add3A_187 : i32
          %dma_start3A_189 = arith.constant 2 : i32
          %dma_start3A_190 = arith.constant 0 : i32
          %dma_start3A_191 = arith.constant 0 : i32
          %dma_start3A_192 = arith.constant 0 : i32
          %dma_start3A_193 = tpu.memref_slice %arg7[%select_n3A_184, %dma_start3A_190, %dma_start3A_191, %dma_start3A_192] : memref<2x5x128x16xf32, #tpu.memory_space<vmem>> -> memref<1x5x128x16xf32, #tpu.memory_space<vmem>>
          %dma_start3A_194 = tpu.memref_squeeze %dma_start3A_193 : memref<1x5x128x16xf32, #tpu.memory_space<vmem>> -> memref<5x128x16xf32, #tpu.memory_space<vmem>>
          %dma_start3A_195 = arith.constant 0 : i32
          %dma_start3A_196 = arith.constant 0 : i32
          %dma_start3A_197 = tpu.memref_slice %dma_start3A_194[%dma_start3A_189, %dma_start3A_195, %dma_start3A_196] : memref<5x128x16xf32, #tpu.memory_space<vmem>> -> memref<1x128x16xf32, #tpu.memory_space<vmem>>
          %dma_start3A_198 = tpu.memref_squeeze %dma_start3A_197 : memref<1x128x16xf32, #tpu.memory_space<vmem>> -> memref<128x16xf32, #tpu.memory_space<vmem>>
          %dma_start3A_199 = arith.constant 0 : i32
          %dma_start3A_200 = tpu.memref_slice %arg6[%add3A_188, %dma_start3A_199] : memref<50x128xi32, #tpu.memory_space<vmem>> -> memref<1x128xi32, #tpu.memory_space<vmem>>
          %dma_start3A_201 = tpu.memref_squeeze %dma_start3A_200 : memref<1x128xi32, #tpu.memory_space<vmem>> -> memref<128xi32, #tpu.memory_space<vmem>>
          %dma_start3A_202 = arith.constant 0 : i32
          %dma_start3A_203 = arith.constant 0 : i32
          %dma_start3A_204 = tpu.memref_slice %arg5[%dma_start3A_202, %dma_start3A_203] : memref<10240x16xf32, #tpu.memory_space<vmem_shared>> -> memref<10240x16xf32, #tpu.memory_space<vmem_shared>>
          tpu.enqueue_indirect_dma source(%dma_start3A_198 : memref<128x16xf32, #tpu.memory_space<vmem>>) target(%dma_start3A_204 : memref<10240x16xf32, #tpu.memory_space<vmem_shared>>) offsets(%dma_start3A_201 : memref<128xi32, #tpu.memory_space<vmem>>) semaphore(%arg9 : memref<!tpu.dma_semaphore, #tpu.memory_space<semaphore_mem>>) {add = true}
          %jit3A_205 = arith.constant 2 : i32
          %eq3A_206 = arith.constant 0 : i32
          %eq3A_207 = arith.cmpi eq, %jit3A_205, %eq3A_206 : i32
          %jit3A_208 = arith.constant 1 : i32
          %select_n3A_209 = arith.select %eq3A_207, %jit3A_208, %jit3A_205 : i32
          %rem3A_210 = arith.remsi %scan3A_25, %select_n3A_209 : i32
          %ne3A_211 = arith.constant 0 : i32
          %ne3A_212 = arith.cmpi ne, %rem3A_210, %ne3A_211 : i32
          %lt3A_213 = arith.constant 0 : i32
          %lt3A_214 = arith.cmpi slt, %rem3A_210, %lt3A_213 : i32
          %lt3A_215 = arith.constant 0 : i32
          %lt3A_216 = arith.cmpi slt, %select_n3A_209, %lt3A_215 : i32
          %ne3A_217 = arith.xori %lt3A_214, %lt3A_216 : i1
          %and3A_218 = arith.andi %ne3A_217, %ne3A_212 : i1
          %add3A_219 = arith.addi %rem3A_210, %select_n3A_209 : i32
          %select_n3A_220 = arith.select %and3A_218, %add3A_219, %rem3A_210 : i32
          %mul3A_221 = arith.constant 5 : i32
          %mul3A_222 = arith.muli %scan3A_25, %mul3A_221 : i32
          %add3A_223 = arith.constant 3 : i32
          %add3A_224 = arith.addi %mul3A_222, %add3A_223 : i32
          %dma_start3A_225 = arith.constant 3 : i32
          %dma_start3A_226 = arith.constant 0 : i32
          %dma_start3A_227 = arith.constant 0 : i32
          %dma_start3A_228 = arith.constant 0 : i32
          %dma_start3A_229 = tpu.memref_slice %arg7[%select_n3A_220, %dma_start3A_226, %dma_start3A_227, %dma_start3A_228] : memref<2x5x128x16xf32, #tpu.memory_space<vmem>> -> memref<1x5x128x16xf32, #tpu.memory_space<vmem>>
          %dma_start3A_230 = tpu.memref_squeeze %dma_start3A_229 : memref<1x5x128x16xf32, #tpu.memory_space<vmem>> -> memref<5x128x16xf32, #tpu.memory_space<vmem>>
          %dma_start3A_231 = arith.constant 0 : i32
          %dma_start3A_232 = arith.constant 0 : i32
          %dma_start3A_233 = tpu.memref_slice %dma_start3A_230[%dma_start3A_225, %dma_start3A_231, %dma_start3A_232] : memref<5x128x16xf32, #tpu.memory_space<vmem>> -> memref<1x128x16xf32, #tpu.memory_space<vmem>>
          %dma_start3A_234 = tpu.memref_squeeze %dma_start3A_233 : memref<1x128x16xf32, #tpu.memory_space<vmem>> -> memref<128x16xf32, #tpu.memory_space<vmem>>
          %dma_start3A_235 = arith.constant 0 : i32
          %dma_start3A_236 = tpu.memref_slice %arg6[%add3A_224, %dma_start3A_235] : memref<50x128xi32, #tpu.memory_space<vmem>> -> memref<1x128xi32, #tpu.memory_space<vmem>>
          %dma_start3A_237 = tpu.memref_squeeze %dma_start3A_236 : memref<1x128xi32, #tpu.memory_space<vmem>> -> memref<128xi32, #tpu.memory_space<vmem>>
          %dma_start3A_238 = arith.constant 0 : i32
          %dma_start3A_239 = arith.constant 0 : i32
          %dma_start3A_240 = tpu.memref_slice %arg5[%dma_start3A_238, %dma_start3A_239] : memref<10240x16xf32, #tpu.memory_space<vmem_shared>> -> memref<10240x16xf32, #tpu.memory_space<vmem_shared>>
          tpu.enqueue_indirect_dma source(%dma_start3A_234 : memref<128x16xf32, #tpu.memory_space<vmem>>) target(%dma_start3A_240 : memref<10240x16xf32, #tpu.memory_space<vmem_shared>>) offsets(%dma_start3A_237 : memref<128xi32, #tpu.memory_space<vmem>>) semaphore(%arg9 : memref<!tpu.dma_semaphore, #tpu.memory_space<semaphore_mem>>) {add = true}
          %jit3A_241 = arith.constant 2 : i32
          %eq3A_242 = arith.constant 0 : i32
          %eq3A_243 = arith.cmpi eq, %jit3A_241, %eq3A_242 : i32
          %jit3A_244 = arith.constant 1 : i32
          %select_n3A_245 = arith.select %eq3A_243, %jit3A_244, %jit3A_241 : i32
          %rem3A_246 = arith.remsi %scan3A_25, %select_n3A_245 : i32
          %ne3A_247 = arith.constant 0 : i32
          %ne3A_248 = arith.cmpi ne, %rem3A_246, %ne3A_247 : i32
          %lt3A_249 = arith.constant 0 : i32
          %lt3A_250 = arith.cmpi slt, %rem3A_246, %lt3A_249 : i32
          %lt3A_251 = arith.constant 0 : i32
          %lt3A_252 = arith.cmpi slt, %select_n3A_245, %lt3A_251 : i32
          %ne3A_253 = arith.xori %lt3A_250, %lt3A_252 : i1
          %and3A_254 = arith.andi %ne3A_253, %ne3A_248 : i1
          %add3A_255 = arith.addi %rem3A_246, %select_n3A_245 : i32
          %select_n3A_256 = arith.select %and3A_254, %add3A_255, %rem3A_246 : i32
          %mul3A_257 = arith.constant 5 : i32
          %mul3A_258 = arith.muli %scan3A_25, %mul3A_257 : i32
          %add3A_259 = arith.constant 4 : i32
          %add3A_260 = arith.addi %mul3A_258, %add3A_259 : i32
          %dma_start3A_261 = arith.constant 4 : i32
          %dma_start3A_262 = arith.constant 0 : i32
          %dma_start3A_263 = arith.constant 0 : i32
          %dma_start3A_264 = arith.constant 0 : i32
          %dma_start3A_265 = tpu.memref_slice %arg7[%select_n3A_256, %dma_start3A_262, %dma_start3A_263, %dma_start3A_264] : memref<2x5x128x16xf32, #tpu.memory_space<vmem>> -> memref<1x5x128x16xf32, #tpu.memory_space<vmem>>
          %dma_start3A_266 = tpu.memref_squeeze %dma_start3A_265 : memref<1x5x128x16xf32, #tpu.memory_space<vmem>> -> memref<5x128x16xf32, #tpu.memory_space<vmem>>
          %dma_start3A_267 = arith.constant 0 : i32
          %dma_start3A_268 = arith.constant 0 : i32
          %dma_start3A_269 = tpu.memref_slice %dma_start3A_266[%dma_start3A_261, %dma_start3A_267, %dma_start3A_268] : memref<5x128x16xf32, #tpu.memory_space<vmem>> -> memref<1x128x16xf32, #tpu.memory_space<vmem>>
          %dma_start3A_270 = tpu.memref_squeeze %dma_start3A_269 : memref<1x128x16xf32, #tpu.memory_space<vmem>> -> memref<128x16xf32, #tpu.memory_space<vmem>>
          %dma_start3A_271 = arith.constant 0 : i32
          %dma_start3A_272 = tpu.memref_slice %arg6[%add3A_260, %dma_start3A_271] : memref<50x128xi32, #tpu.memory_space<vmem>> -> memref<1x128xi32, #tpu.memory_space<vmem>>
          %dma_start3A_273 = tpu.memref_squeeze %dma_start3A_272 : memref<1x128xi32, #tpu.memory_space<vmem>> -> memref<128xi32, #tpu.memory_space<vmem>>
          %dma_start3A_274 = arith.constant 0 : i32
          %dma_start3A_275 = arith.constant 0 : i32
          %dma_start3A_276 = tpu.memref_slice %arg5[%dma_start3A_274, %dma_start3A_275] : memref<10240x16xf32, #tpu.memory_space<vmem_shared>> -> memref<10240x16xf32, #tpu.memory_space<vmem_shared>>
          tpu.enqueue_indirect_dma source(%dma_start3A_270 : memref<128x16xf32, #tpu.memory_space<vmem>>) target(%dma_start3A_276 : memref<10240x16xf32, #tpu.memory_space<vmem_shared>>) offsets(%dma_start3A_273 : memref<128xi32, #tpu.memory_space<vmem>>) semaphore(%arg9 : memref<!tpu.dma_semaphore, #tpu.memory_space<semaphore_mem>>) {add = true}
        } else {
        }
        %gt3A = arith.constant 0 : i32
        %gt3A_31 = arith.cmpi sgt, %scan3A_25, %gt3A : i32
        %convert_element_type3A_32 = arith.extui %gt3A_31 : i1 to i32
        %cond3A_33 = arith.constant 0 : i32
        %cond3A_34 = arith.cmpi ne, %convert_element_type3A_32, %cond3A_33 : i32
        scf.if %cond3A_34 {
          %sub3A = arith.constant 1 : i32
          %sub3A_35 = arith.subi %scan3A_25, %sub3A : i32
          %jit3A = arith.constant 2 : i32
          %eq3A = arith.constant 0 : i32
          %eq3A_36 = arith.cmpi eq, %jit3A, %eq3A : i32
          %jit3A_37 = arith.constant 1 : i32
          %select_n3A = arith.select %eq3A_36, %jit3A_37, %jit3A : i32
          %rem3A = arith.remsi %sub3A_35, %select_n3A : i32
          %ne3A = arith.constant 0 : i32
          %ne3A_38 = arith.cmpi ne, %rem3A, %ne3A : i32
          %lt3A_39 = arith.constant 0 : i32
          %lt3A_40 = arith.cmpi slt, %rem3A, %lt3A_39 : i32
          %lt3A_41 = arith.constant 0 : i32
          %lt3A_42 = arith.cmpi slt, %select_n3A, %lt3A_41 : i32
          %ne3A_43 = arith.xori %lt3A_40, %lt3A_42 : i1
          %and3A = arith.andi %ne3A_43, %ne3A_38 : i1
          %add3A_44 = arith.addi %rem3A, %select_n3A : i32
          %select_n3A_45 = arith.select %and3A, %add3A_44, %rem3A : i32
          %mul3A_46 = arith.constant 5 : i32
          %mul3A_47 = arith.muli %sub3A_35, %mul3A_46 : i32
          %add3A_48 = arith.constant 0 : i32
          %add3A_49 = arith.addi %mul3A_47, %add3A_48 : i32
          %dma_wait3A = arith.constant 0 : i32
          %dma_wait3A_50 = arith.constant 0 : i32
          %dma_wait3A_51 = arith.constant 0 : i32
          %dma_wait3A_52 = arith.constant 0 : i32
          %dma_wait3A_53 = tpu.memref_slice %arg7[%select_n3A_45, %dma_wait3A_50, %dma_wait3A_51, %dma_wait3A_52] : memref<2x5x128x16xf32, #tpu.memory_space<vmem>> -> memref<1x5x128x16xf32, #tpu.memory_space<vmem>>
          %dma_wait3A_54 = tpu.memref_squeeze %dma_wait3A_53 : memref<1x5x128x16xf32, #tpu.memory_space<vmem>> -> memref<5x128x16xf32, #tpu.memory_space<vmem>>
          %dma_wait3A_55 = arith.constant 0 : i32
          %dma_wait3A_56 = arith.constant 0 : i32
          %dma_wait3A_57 = tpu.memref_slice %dma_wait3A_54[%dma_wait3A, %dma_wait3A_55, %dma_wait3A_56] : memref<5x128x16xf32, #tpu.memory_space<vmem>> -> memref<1x128x16xf32, #tpu.memory_space<vmem>>
          %dma_wait3A_58 = tpu.memref_squeeze %dma_wait3A_57 : memref<1x128x16xf32, #tpu.memory_space<vmem>> -> memref<128x16xf32, #tpu.memory_space<vmem>>
          %dma_wait3A_59 = arith.constant 0 : i32
          %dma_wait3A_60 = tpu.memref_slice %arg6[%add3A_49, %dma_wait3A_59] : memref<50x128xi32, #tpu.memory_space<vmem>> -> memref<1x128xi32, #tpu.memory_space<vmem>>
          %dma_wait3A_61 = tpu.memref_squeeze %dma_wait3A_60 : memref<1x128xi32, #tpu.memory_space<vmem>> -> memref<128xi32, #tpu.memory_space<vmem>>
          %dma_wait3A_62 = arith.constant 0 : i32
          %dma_wait3A_63 = arith.constant 0 : i32
          %dma_wait3A_64 = tpu.memref_slice %arg5[%dma_wait3A_62, %dma_wait3A_63] : memref<10240x16xf32, #tpu.memory_space<vmem_shared>> -> memref<10240x16xf32, #tpu.memory_space<vmem_shared>>
          tpu.wait_indirect_dma semaphore(%arg9 : memref<!tpu.dma_semaphore, #tpu.memory_space<semaphore_mem>>) src(%dma_wait3A_58 : memref<128x16xf32, #tpu.memory_space<vmem>>) dst(%dma_wait3A_64 : memref<10240x16xf32, #tpu.memory_space<vmem_shared>>)
          %jit3A_65 = arith.constant 2 : i32
          %eq3A_66 = arith.constant 0 : i32
          %eq3A_67 = arith.cmpi eq, %jit3A_65, %eq3A_66 : i32
          %jit3A_68 = arith.constant 1 : i32
          %select_n3A_69 = arith.select %eq3A_67, %jit3A_68, %jit3A_65 : i32
          %rem3A_70 = arith.remsi %sub3A_35, %select_n3A_69 : i32
          %ne3A_71 = arith.constant 0 : i32
          %ne3A_72 = arith.cmpi ne, %rem3A_70, %ne3A_71 : i32
          %lt3A_73 = arith.constant 0 : i32
          %lt3A_74 = arith.cmpi slt, %rem3A_70, %lt3A_73 : i32
          %lt3A_75 = arith.constant 0 : i32
          %lt3A_76 = arith.cmpi slt, %select_n3A_69, %lt3A_75 : i32
          %ne3A_77 = arith.xori %lt3A_74, %lt3A_76 : i1
          %and3A_78 = arith.andi %ne3A_77, %ne3A_72 : i1
          %add3A_79 = arith.addi %rem3A_70, %select_n3A_69 : i32
          %select_n3A_80 = arith.select %and3A_78, %add3A_79, %rem3A_70 : i32
          %mul3A_81 = arith.constant 5 : i32
          %mul3A_82 = arith.muli %sub3A_35, %mul3A_81 : i32
          %add3A_83 = arith.constant 1 : i32
          %add3A_84 = arith.addi %mul3A_82, %add3A_83 : i32
          %dma_wait3A_85 = arith.constant 1 : i32
          %dma_wait3A_86 = arith.constant 0 : i32
          %dma_wait3A_87 = arith.constant 0 : i32
          %dma_wait3A_88 = arith.constant 0 : i32
          %dma_wait3A_89 = tpu.memref_slice %arg7[%select_n3A_80, %dma_wait3A_86, %dma_wait3A_87, %dma_wait3A_88] : memref<2x5x128x16xf32, #tpu.memory_space<vmem>> -> memref<1x5x128x16xf32, #tpu.memory_space<vmem>>
          %dma_wait3A_90 = tpu.memref_squeeze %dma_wait3A_89 : memref<1x5x128x16xf32, #tpu.memory_space<vmem>> -> memref<5x128x16xf32, #tpu.memory_space<vmem>>
          %dma_wait3A_91 = arith.constant 0 : i32
          %dma_wait3A_92 = arith.constant 0 : i32
          %dma_wait3A_93 = tpu.memref_slice %dma_wait3A_90[%dma_wait3A_85, %dma_wait3A_91, %dma_wait3A_92] : memref<5x128x16xf32, #tpu.memory_space<vmem>> -> memref<1x128x16xf32, #tpu.memory_space<vmem>>
          %dma_wait3A_94 = tpu.memref_squeeze %dma_wait3A_93 : memref<1x128x16xf32, #tpu.memory_space<vmem>> -> memref<128x16xf32, #tpu.memory_space<vmem>>
          %dma_wait3A_95 = arith.constant 0 : i32
          %dma_wait3A_96 = tpu.memref_slice %arg6[%add3A_84, %dma_wait3A_95] : memref<50x128xi32, #tpu.memory_space<vmem>> -> memref<1x128xi32, #tpu.memory_space<vmem>>
          %dma_wait3A_97 = tpu.memref_squeeze %dma_wait3A_96 : memref<1x128xi32, #tpu.memory_space<vmem>> -> memref<128xi32, #tpu.memory_space<vmem>>
          %dma_wait3A_98 = arith.constant 0 : i32
          %dma_wait3A_99 = arith.constant 0 : i32
          %dma_wait3A_100 = tpu.memref_slice %arg5[%dma_wait3A_98, %dma_wait3A_99] : memref<10240x16xf32, #tpu.memory_space<vmem_shared>> -> memref<10240x16xf32, #tpu.memory_space<vmem_shared>>
          tpu.wait_indirect_dma semaphore(%arg9 : memref<!tpu.dma_semaphore, #tpu.memory_space<semaphore_mem>>) src(%dma_wait3A_94 : memref<128x16xf32, #tpu.memory_space<vmem>>) dst(%dma_wait3A_100 : memref<10240x16xf32, #tpu.memory_space<vmem_shared>>)
          %jit3A_101 = arith.constant 2 : i32
          %eq3A_102 = arith.constant 0 : i32
          %eq3A_103 = arith.cmpi eq, %jit3A_101, %eq3A_102 : i32
          %jit3A_104 = arith.constant 1 : i32
          %select_n3A_105 = arith.select %eq3A_103, %jit3A_104, %jit3A_101 : i32
          %rem3A_106 = arith.remsi %sub3A_35, %select_n3A_105 : i32
          %ne3A_107 = arith.constant 0 : i32
          %ne3A_108 = arith.cmpi ne, %rem3A_106, %ne3A_107 : i32
          %lt3A_109 = arith.constant 0 : i32
          %lt3A_110 = arith.cmpi slt, %rem3A_106, %lt3A_109 : i32
          %lt3A_111 = arith.constant 0 : i32
          %lt3A_112 = arith.cmpi slt, %select_n3A_105, %lt3A_111 : i32
          %ne3A_113 = arith.xori %lt3A_110, %lt3A_112 : i1
          %and3A_114 = arith.andi %ne3A_113, %ne3A_108 : i1
          %add3A_115 = arith.addi %rem3A_106, %select_n3A_105 : i32
          %select_n3A_116 = arith.select %and3A_114, %add3A_115, %rem3A_106 : i32
          %mul3A_117 = arith.constant 5 : i32
          %mul3A_118 = arith.muli %sub3A_35, %mul3A_117 : i32
          %add3A_119 = arith.constant 2 : i32
          %add3A_120 = arith.addi %mul3A_118, %add3A_119 : i32
          %dma_wait3A_121 = arith.constant 2 : i32
          %dma_wait3A_122 = arith.constant 0 : i32
          %dma_wait3A_123 = arith.constant 0 : i32
          %dma_wait3A_124 = arith.constant 0 : i32
          %dma_wait3A_125 = tpu.memref_slice %arg7[%select_n3A_116, %dma_wait3A_122, %dma_wait3A_123, %dma_wait3A_124] : memref<2x5x128x16xf32, #tpu.memory_space<vmem>> -> memref<1x5x128x16xf32, #tpu.memory_space<vmem>>
          %dma_wait3A_126 = tpu.memref_squeeze %dma_wait3A_125 : memref<1x5x128x16xf32, #tpu.memory_space<vmem>> -> memref<5x128x16xf32, #tpu.memory_space<vmem>>
          %dma_wait3A_127 = arith.constant 0 : i32
          %dma_wait3A_128 = arith.constant 0 : i32
          %dma_wait3A_129 = tpu.memref_slice %dma_wait3A_126[%dma_wait3A_121, %dma_wait3A_127, %dma_wait3A_128] : memref<5x128x16xf32, #tpu.memory_space<vmem>> -> memref<1x128x16xf32, #tpu.memory_space<vmem>>
          %dma_wait3A_130 = tpu.memref_squeeze %dma_wait3A_129 : memref<1x128x16xf32, #tpu.memory_space<vmem>> -> memref<128x16xf32, #tpu.memory_space<vmem>>
          %dma_wait3A_131 = arith.constant 0 : i32
          %dma_wait3A_132 = tpu.memref_slice %arg6[%add3A_120, %dma_wait3A_131] : memref<50x128xi32, #tpu.memory_space<vmem>> -> memref<1x128xi32, #tpu.memory_space<vmem>>
          %dma_wait3A_133 = tpu.memref_squeeze %dma_wait3A_132 : memref<1x128xi32, #tpu.memory_space<vmem>> -> memref<128xi32, #tpu.memory_space<vmem>>
          %dma_wait3A_134 = arith.constant 0 : i32
          %dma_wait3A_135 = arith.constant 0 : i32
          %dma_wait3A_136 = tpu.memref_slice %arg5[%dma_wait3A_134, %dma_wait3A_135] : memref<10240x16xf32, #tpu.memory_space<vmem_shared>> -> memref<10240x16xf32, #tpu.memory_space<vmem_shared>>
          tpu.wait_indirect_dma semaphore(%arg9 : memref<!tpu.dma_semaphore, #tpu.memory_space<semaphore_mem>>) src(%dma_wait3A_130 : memref<128x16xf32, #tpu.memory_space<vmem>>) dst(%dma_wait3A_136 : memref<10240x16xf32, #tpu.memory_space<vmem_shared>>)
          %jit3A_137 = arith.constant 2 : i32
          %eq3A_138 = arith.constant 0 : i32
          %eq3A_139 = arith.cmpi eq, %jit3A_137, %eq3A_138 : i32
          %jit3A_140 = arith.constant 1 : i32
          %select_n3A_141 = arith.select %eq3A_139, %jit3A_140, %jit3A_137 : i32
          %rem3A_142 = arith.remsi %sub3A_35, %select_n3A_141 : i32
          %ne3A_143 = arith.constant 0 : i32
          %ne3A_144 = arith.cmpi ne, %rem3A_142, %ne3A_143 : i32
          %lt3A_145 = arith.constant 0 : i32
          %lt3A_146 = arith.cmpi slt, %rem3A_142, %lt3A_145 : i32
          %lt3A_147 = arith.constant 0 : i32
          %lt3A_148 = arith.cmpi slt, %select_n3A_141, %lt3A_147 : i32
          %ne3A_149 = arith.xori %lt3A_146, %lt3A_148 : i1
          %and3A_150 = arith.andi %ne3A_149, %ne3A_144 : i1
          %add3A_151 = arith.addi %rem3A_142, %select_n3A_141 : i32
          %select_n3A_152 = arith.select %and3A_150, %add3A_151, %rem3A_142 : i32
          %mul3A_153 = arith.constant 5 : i32
          %mul3A_154 = arith.muli %sub3A_35, %mul3A_153 : i32
          %add3A_155 = arith.constant 3 : i32
          %add3A_156 = arith.addi %mul3A_154, %add3A_155 : i32
          %dma_wait3A_157 = arith.constant 3 : i32
          %dma_wait3A_158 = arith.constant 0 : i32
          %dma_wait3A_159 = arith.constant 0 : i32
          %dma_wait3A_160 = arith.constant 0 : i32
          %dma_wait3A_161 = tpu.memref_slice %arg7[%select_n3A_152, %dma_wait3A_158, %dma_wait3A_159, %dma_wait3A_160] : memref<2x5x128x16xf32, #tpu.memory_space<vmem>> -> memref<1x5x128x16xf32, #tpu.memory_space<vmem>>
          %dma_wait3A_162 = tpu.memref_squeeze %dma_wait3A_161 : memref<1x5x128x16xf32, #tpu.memory_space<vmem>> -> memref<5x128x16xf32, #tpu.memory_space<vmem>>
          %dma_wait3A_163 = arith.constant 0 : i32
          %dma_wait3A_164 = arith.constant 0 : i32
          %dma_wait3A_165 = tpu.memref_slice %dma_wait3A_162[%dma_wait3A_157, %dma_wait3A_163, %dma_wait3A_164] : memref<5x128x16xf32, #tpu.memory_space<vmem>> -> memref<1x128x16xf32, #tpu.memory_space<vmem>>
          %dma_wait3A_166 = tpu.memref_squeeze %dma_wait3A_165 : memref<1x128x16xf32, #tpu.memory_space<vmem>> -> memref<128x16xf32, #tpu.memory_space<vmem>>
          %dma_wait3A_167 = arith.constant 0 : i32
          %dma_wait3A_168 = tpu.memref_slice %arg6[%add3A_156, %dma_wait3A_167] : memref<50x128xi32, #tpu.memory_space<vmem>> -> memref<1x128xi32, #tpu.memory_space<vmem>>
          %dma_wait3A_169 = tpu.memref_squeeze %dma_wait3A_168 : memref<1x128xi32, #tpu.memory_space<vmem>> -> memref<128xi32, #tpu.memory_space<vmem>>
          %dma_wait3A_170 = arith.constant 0 : i32
          %dma_wait3A_171 = arith.constant 0 : i32
          %dma_wait3A_172 = tpu.memref_slice %arg5[%dma_wait3A_170, %dma_wait3A_171] : memref<10240x16xf32, #tpu.memory_space<vmem_shared>> -> memref<10240x16xf32, #tpu.memory_space<vmem_shared>>
          tpu.wait_indirect_dma semaphore(%arg9 : memref<!tpu.dma_semaphore, #tpu.memory_space<semaphore_mem>>) src(%dma_wait3A_166 : memref<128x16xf32, #tpu.memory_space<vmem>>) dst(%dma_wait3A_172 : memref<10240x16xf32, #tpu.memory_space<vmem_shared>>)
          %jit3A_173 = arith.constant 2 : i32
          %eq3A_174 = arith.constant 0 : i32
          %eq3A_175 = arith.cmpi eq, %jit3A_173, %eq3A_174 : i32
          %jit3A_176 = arith.constant 1 : i32
          %select_n3A_177 = arith.select %eq3A_175, %jit3A_176, %jit3A_173 : i32
          %rem3A_178 = arith.remsi %sub3A_35, %select_n3A_177 : i32
          %ne3A_179 = arith.constant 0 : i32
          %ne3A_180 = arith.cmpi ne, %rem3A_178, %ne3A_179 : i32
          %lt3A_181 = arith.constant 0 : i32
          %lt3A_182 = arith.cmpi slt, %rem3A_178, %lt3A_181 : i32
          %lt3A_183 = arith.constant 0 : i32
          %lt3A_184 = arith.cmpi slt, %select_n3A_177, %lt3A_183 : i32
          %ne3A_185 = arith.xori %lt3A_182, %lt3A_184 : i1
          %and3A_186 = arith.andi %ne3A_185, %ne3A_180 : i1
          %add3A_187 = arith.addi %rem3A_178, %select_n3A_177 : i32
          %select_n3A_188 = arith.select %and3A_186, %add3A_187, %rem3A_178 : i32
          %mul3A_189 = arith.constant 5 : i32
          %mul3A_190 = arith.muli %sub3A_35, %mul3A_189 : i32
          %add3A_191 = arith.constant 4 : i32
          %add3A_192 = arith.addi %mul3A_190, %add3A_191 : i32
          %dma_wait3A_193 = arith.constant 4 : i32
          %dma_wait3A_194 = arith.constant 0 : i32
          %dma_wait3A_195 = arith.constant 0 : i32
          %dma_wait3A_196 = arith.constant 0 : i32
          %dma_wait3A_197 = tpu.memref_slice %arg7[%select_n3A_188, %dma_wait3A_194, %dma_wait3A_195, %dma_wait3A_196] : memref<2x5x128x16xf32, #tpu.memory_space<vmem>> -> memref<1x5x128x16xf32, #tpu.memory_space<vmem>>
          %dma_wait3A_198 = tpu.memref_squeeze %dma_wait3A_197 : memref<1x5x128x16xf32, #tpu.memory_space<vmem>> -> memref<5x128x16xf32, #tpu.memory_space<vmem>>
          %dma_wait3A_199 = arith.constant 0 : i32
          %dma_wait3A_200 = arith.constant 0 : i32
          %dma_wait3A_201 = tpu.memref_slice %dma_wait3A_198[%dma_wait3A_193, %dma_wait3A_199, %dma_wait3A_200] : memref<5x128x16xf32, #tpu.memory_space<vmem>> -> memref<1x128x16xf32, #tpu.memory_space<vmem>>
          %dma_wait3A_202 = tpu.memref_squeeze %dma_wait3A_201 : memref<1x128x16xf32, #tpu.memory_space<vmem>> -> memref<128x16xf32, #tpu.memory_space<vmem>>
          %dma_wait3A_203 = arith.constant 0 : i32
          %dma_wait3A_204 = tpu.memref_slice %arg6[%add3A_192, %dma_wait3A_203] : memref<50x128xi32, #tpu.memory_space<vmem>> -> memref<1x128xi32, #tpu.memory_space<vmem>>
          %dma_wait3A_205 = tpu.memref_squeeze %dma_wait3A_204 : memref<1x128xi32, #tpu.memory_space<vmem>> -> memref<128xi32, #tpu.memory_space<vmem>>
          %dma_wait3A_206 = arith.constant 0 : i32
          %dma_wait3A_207 = arith.constant 0 : i32
          %dma_wait3A_208 = tpu.memref_slice %arg5[%dma_wait3A_206, %dma_wait3A_207] : memref<10240x16xf32, #tpu.memory_space<vmem_shared>> -> memref<10240x16xf32, #tpu.memory_space<vmem_shared>>
          tpu.wait_indirect_dma semaphore(%arg9 : memref<!tpu.dma_semaphore, #tpu.memory_space<semaphore_mem>>) src(%dma_wait3A_202 : memref<128x16xf32, #tpu.memory_space<vmem>>) dst(%dma_wait3A_208 : memref<10240x16xf32, #tpu.memory_space<vmem_shared>>)
        } else {
        }
      }
      %scan3A_24 = arith.constant 11 : i32
    } else {
    }
    %barrier3A_14 = arith.constant 0 : index
    tpu.barrier barrier_id(%barrier3A_14)
    %mul3A_15 = arith.constant 640 : i32
    %mul3A_16 = arith.muli %arg1, %mul3A_15 : i32
    %mul3A_17 = arith.constant 640 : i32
    %mul3A_18 = arith.muli %arg1, %mul3A_17 : i32
    "tpu.region"() ({
      %run_scoped3A = tpu.sem_alloc : memref<!tpu.dma_semaphore, #tpu.memory_space<semaphore_mem>>
      %dma_start3A = arith.constant 0 : i32
      %dma_start3A_19 = arith.constant 0 : i32
      %dma_start3A_20 = tpu.memref_slice %arg4[%arg0, %dma_start3A, %dma_start3A_19] : memref<2x10240x16xf32, #tpu.memory_space<hbm>> -> memref<1x10240x16xf32, #tpu.memory_space<hbm>>
      %dma_start3A_21 = tpu.memref_squeeze %dma_start3A_20 : memref<1x10240x16xf32, #tpu.memory_space<hbm>> -> memref<10240x16xf32, #tpu.memory_space<hbm>>
      %dma_start3A_22 = arith.constant 0 : i32
      %dma_start3A_23 = tpu.memref_slice %dma_start3A_21[%mul3A_18, %dma_start3A_22] : memref<10240x16xf32, #tpu.memory_space<hbm>> -> memref<640x16xf32, #tpu.memory_space<hbm>>
      %dma_start3A_24 = arith.constant 0 : i32
      %dma_start3A_25 = tpu.memref_slice %arg5[%mul3A_16, %dma_start3A_24] : memref<10240x16xf32, #tpu.memory_space<vmem_shared>> -> memref<640x16xf32, #tpu.memory_space<vmem_shared>>
      tpu.enqueue_dma source(%dma_start3A_25 : memref<640x16xf32, #tpu.memory_space<vmem_shared>>) target(%dma_start3A_23 : memref<640x16xf32, #tpu.memory_space<hbm>>) target_semaphore(%run_scoped3A : memref<!tpu.dma_semaphore, #tpu.memory_space<semaphore_mem>>)
      %dma_wait3A = arith.constant 0 : i32
      %dma_wait3A_26 = arith.constant 0 : i32
      %dma_wait3A_27 = tpu.memref_slice %arg4[%arg0, %dma_wait3A, %dma_wait3A_26] : memref<2x10240x16xf32, #tpu.memory_space<hbm>> -> memref<1x10240x16xf32, #tpu.memory_space<hbm>>
      %dma_wait3A_28 = tpu.memref_squeeze %dma_wait3A_27 : memref<1x10240x16xf32, #tpu.memory_space<hbm>> -> memref<10240x16xf32, #tpu.memory_space<hbm>>
      %dma_wait3A_29 = arith.constant 0 : i32
      %dma_wait3A_30 = tpu.memref_slice %dma_wait3A_28[%mul3A_18, %dma_wait3A_29] : memref<10240x16xf32, #tpu.memory_space<hbm>> -> memref<640x16xf32, #tpu.memory_space<hbm>>
      %dma_wait3A_31 = arith.constant 0 : i32
      %dma_wait3A_32 = tpu.memref_slice %arg5[%mul3A_16, %dma_wait3A_31] : memref<10240x16xf32, #tpu.memory_space<vmem_shared>> -> memref<640x16xf32, #tpu.memory_space<vmem_shared>>
      tpu.wait_dma2 semaphore(%run_scoped3A : memref<!tpu.dma_semaphore, #tpu.memory_space<semaphore_mem>>) src(%dma_wait3A_32 : memref<640x16xf32, #tpu.memory_space<vmem_shared>>) dst(%dma_wait3A_30 : memref<640x16xf32, #tpu.memory_space<hbm>>)
      tpu.yield
    }) : () -> ()
    return
  }
}

#map = affine_map<(d0, d1) -> (0, 0, 0, 0)>
#map1 = affine_map<(d0, d1) -> (0, 0, 0)>
module attributes {stable_mosaic.version = 14 : i64} {
  func.func @_sc_scatter_add(%arg0: i32, %arg1: i32, %arg2: memref<25x50x128x16xf32, #tpu.memory_space<hbm>>, %arg3: memref<25x50x128xi32, #tpu.memory_space<hbm>>, %arg4: memref<2x10240x16xf32, #tpu.memory_space<hbm>>, %arg5: memref<10240x16xf32, #tpu.memory_space<vmem_shared>>, %arg6: memref<50x128xi32, #tpu.memory_space<vmem>>, %arg7: memref<2x5x128x16xf32, #tpu.memory_space<vmem>>, %arg8: memref<128x16xf32, #tpu.memory_space<vmem>>, %arg9: memref<!tpu.dma_semaphore, #tpu.memory_space<semaphore_mem>>, %arg10: memref<!tpu.dma_semaphore, #tpu.memory_space<semaphore_mem>>) attributes {dimension_semantics = [#tpu.dimension_semantics<core_parallel>, #tpu.dimension_semantics<subcore_parallel>], iteration_bounds = array<i64: 2, 16>, scalar_prefetch = 0 : i64, scratch_operands = 6 : i64, tpu.core_type = #tpu.core_type<sc_vector_subcore>, window_params = [{transform_indices = #map}, {transform_indices = #map1}, {transform_indices = #map1}]} {
    %mul3A = arith.constant 16 : i32
    %mul3A_0 = arith.muli %arg0, %mul3A : i32
    %add3A = arith.addi %mul3A_0, %arg1 : i32
    %scan3A = arith.constant 0 : i32
    %scan3A_1 = arith.constant 0 : i32
    %scan3A_2 = arith.constant 128 : i32
    %scan3A_3 = arith.addi %scan3A_1, %scan3A_2 : i32
    %scan3A_4 = arith.constant 1 : i32
    scf.for %scan3A_19 = %scan3A_1 to %scan3A_3 step %scan3A_4  : i32 {
      %broadcast_in_dim3A = arith.constant 0.000000e+00 : f32
      %broadcast_in_dim3A_20 = vector.broadcast %broadcast_in_dim3A : f32 to vector<16xf32>
      %swap3A = arith.index_cast %scan3A_19 : i32 to index
      %swap3A_21 = arith.constant 0 : index
      %swap3A_22 = tpu.vector_load %arg8[%swap3A, %swap3A_21] {strides = array<i32>} : memref<128x16xf32, #tpu.memory_space<vmem>>, vector<1x16xf32>,
      %swap3A_23 = vector.shape_cast %swap3A_22 : vector<1x16xf32> to vector<16xf32>
      %swap3A_24 = vector.shape_cast %broadcast_in_dim3A_20 : vector<16xf32> to vector<1x16xf32>
      tpu.vector_store %arg8[%swap3A, %swap3A_21], %swap3A_24 {strides = array<i32>} : memref<128x16xf32, #tpu.memory_space<vmem>>, vector<1x16xf32>,
    }
    %scan3A_5 = arith.constant 128 : i32
    %scan3A_6 = arith.constant 0 : i32
    %scan3A_7 = arith.constant 0 : i32
    %scan3A_8 = arith.constant 5 : i32
    %scan3A_9 = arith.addi %scan3A_7, %scan3A_8 : i32
    %scan3A_10 = arith.constant 1 : i32
    scf.for %scan3A_19 = %scan3A_7 to %scan3A_9 step %scan3A_10  : i32 {
      %mul3A_20 = arith.constant 640 : i32
      %mul3A_21 = arith.muli %arg1, %mul3A_20 : i32
      %mul3A_22 = arith.constant 128 : i32
      %mul3A_23 = arith.muli %scan3A_19, %mul3A_22 : i32
      %add3A_24 = arith.addi %mul3A_21, %mul3A_23 : i32
      "tpu.region"() ({
        %run_scoped3A = tpu.sem_alloc : memref<!tpu.dma_semaphore, #tpu.memory_space<semaphore_mem>>
        %dma_start3A = arith.constant 0 : i32
        %dma_start3A_25 = tpu.memref_slice %arg5[%add3A_24, %dma_start3A] : memref<10240x16xf32, #tpu.memory_space<vmem_shared>> -> memref<128x16xf32, #tpu.memory_space<vmem_shared>>
        %dma_start3A_26 = arith.constant 0 : i32
        %dma_start3A_27 = tpu.memref_slice %arg5[%add3A_24, %dma_start3A_26] : memref<10240x16xf32, #tpu.memory_space<vmem_shared>> -> memref<128x16xf32, #tpu.memory_space<vmem_shared>>
        tpu.enqueue_dma source(%arg8 : memref<128x16xf32, #tpu.memory_space<vmem>>) target(%dma_start3A_27 : memref<128x16xf32, #tpu.memory_space<vmem_shared>>) target_semaphore(%run_scoped3A : memref<!tpu.dma_semaphore, #tpu.memory_space<semaphore_mem>>)
        %dma_wait3A = arith.constant 0 : i32
        %dma_wait3A_28 = tpu.memref_slice %arg5[%add3A_24, %dma_wait3A] : memref<10240x16xf32, #tpu.memory_space<vmem_shared>> -> memref<128x16xf32, #tpu.memory_space<vmem_shared>>
        %dma_wait3A_29 = arith.constant 0 : i32
        %dma_wait3A_30 = tpu.memref_slice %arg5[%add3A_24, %dma_wait3A_29] : memref<10240x16xf32, #tpu.memory_space<vmem_shared>> -> memref<128x16xf32, #tpu.memory_space<vmem_shared>>
        tpu.wait_dma2 semaphore(%run_scoped3A : memref<!tpu.dma_semaphore, #tpu.memory_space<semaphore_mem>>) src(%arg8 : memref<128x16xf32, #tpu.memory_space<vmem>>) dst(%dma_wait3A_30 : memref<128x16xf32, #tpu.memory_space<vmem_shared>>)
        tpu.yield
      }) : () -> ()
    }
    %scan3A_11 = arith.constant 5 : i32
    %barrier3A = arith.constant 0 : index
    tpu.barrier barrier_id(%barrier3A)
    %lt3A = arith.constant 25 : i32
    %lt3A_12 = arith.cmpi slt, %add3A, %lt3A : i32
    %convert_element_type3A = arith.extui %lt3A_12 : i1 to i32
    %cond3A = arith.constant 0 : i32
    %cond3A_13 = arith.cmpi ne, %convert_element_type3A, %cond3A : i32
    scf.if %cond3A_13 {
      "tpu.region"() ({
        %run_scoped3A = tpu.sem_alloc : memref<!tpu.dma_semaphore, #tpu.memory_space<semaphore_mem>>
        %dma_start3A = arith.constant 0 : i32
        %dma_start3A_25 = arith.constant 0 : i32
        %dma_start3A_26 = tpu.memref_slice %arg3[%add3A, %dma_start3A, %dma_start3A_25] : memref<25x50x128xi32, #tpu.memory_space<hbm>> -> memref<1x50x128xi32, #tpu.memory_space<hbm>>
        %dma_start3A_27 = tpu.memref_squeeze %dma_start3A_26 : memref<1x50x128xi32, #tpu.memory_space<hbm>> -> memref<50x128xi32, #tpu.memory_space<hbm>>
        %dma_start3A_28 = arith.constant 0 : i32
        %dma_start3A_29 = arith.constant 0 : i32
        %dma_start3A_30 = tpu.memref_slice %arg3[%add3A, %dma_start3A_28, %dma_start3A_29] : memref<25x50x128xi32, #tpu.memory_space<hbm>> -> memref<1x50x128xi32, #tpu.memory_space<hbm>>
        %dma_start3A_31 = tpu.memref_squeeze %dma_start3A_30 : memref<1x50x128xi32, #tpu.memory_space<hbm>> -> memref<50x128xi32, #tpu.memory_space<hbm>>
        tpu.enqueue_dma source(%dma_start3A_31 : memref<50x128xi32, #tpu.memory_space<hbm>>) target(%arg6 : memref<50x128xi32, #tpu.memory_space<vmem>>) target_semaphore(%run_scoped3A : memref<!tpu.dma_semaphore, #tpu.memory_space<semaphore_mem>>)
        %dma_wait3A = arith.constant 0 : i32
        %dma_wait3A_32 = arith.constant 0 : i32
        %dma_wait3A_33 = tpu.memref_slice %arg3[%add3A, %dma_wait3A, %dma_wait3A_32] : memref<25x50x128xi32, #tpu.memory_space<hbm>> -> memref<1x50x128xi32, #tpu.memory_space<hbm>>
        %dma_wait3A_34 = tpu.memref_squeeze %dma_wait3A_33 : memref<1x50x128xi32, #tpu.memory_space<hbm>> -> memref<50x128xi32, #tpu.memory_space<hbm>>
        %dma_wait3A_35 = arith.constant 0 : i32
        %dma_wait3A_36 = arith.constant 0 : i32
        %dma_wait3A_37 = tpu.memref_slice %arg3[%add3A, %dma_wait3A_35, %dma_wait3A_36] : memref<25x50x128xi32, #tpu.memory_space<hbm>> -> memref<1x50x128xi32, #tpu.memory_space<hbm>>
        %dma_wait3A_38 = tpu.memref_squeeze %dma_wait3A_37 : memref<1x50x128xi32, #tpu.memory_space<hbm>> -> memref<50x128xi32, #tpu.memory_space<hbm>>
        tpu.wait_dma2 semaphore(%run_scoped3A : memref<!tpu.dma_semaphore, #tpu.memory_space<semaphore_mem>>) src(%dma_wait3A_38 : memref<50x128xi32, #tpu.memory_space<hbm>>) dst(%arg6 : memref<50x128xi32, #tpu.memory_space<vmem>>)
        tpu.yield
      }) : () -> ()
      %scan3A_19 = arith.constant 0 : i32
      %scan3A_20 = arith.constant 0 : i32
      %scan3A_21 = arith.constant 11 : i32
      %scan3A_22 = arith.addi %scan3A_20, %scan3A_21 : i32
      %scan3A_23 = arith.constant 1 : i32
      scf.for %scan3A_25 = %scan3A_20 to %scan3A_22 step %scan3A_23  : i32 {
        %lt3A_26 = arith.constant 10 : i32
        %lt3A_27 = arith.cmpi slt, %scan3A_25, %lt3A_26 : i32
        %convert_element_type3A_28 = arith.extui %lt3A_27 : i1 to i32
        %cond3A_29 = arith.constant 0 : i32
        %cond3A_30 = arith.cmpi ne, %convert_element_type3A_28, %cond3A_29 : i32
        scf.if %cond3A_30 {
          %mul3A_35 = arith.constant 5 : i32
          %mul3A_36 = arith.muli %scan3A_25, %mul3A_35 : i32
          %jit3A = arith.constant 2 : i32
          %eq3A = arith.constant 0 : i32
          %eq3A_37 = arith.cmpi eq, %jit3A, %eq3A : i32
          %jit3A_38 = arith.constant 1 : i32
          %select_n3A = arith.select %eq3A_37, %jit3A_38, %jit3A : i32
          %rem3A = arith.remsi %scan3A_25, %select_n3A : i32
          %ne3A = arith.constant 0 : i32
          %ne3A_39 = arith.cmpi ne, %rem3A, %ne3A : i32
          %lt3A_40 = arith.constant 0 : i32
          %lt3A_41 = arith.cmpi slt, %rem3A, %lt3A_40 : i32
          %lt3A_42 = arith.constant 0 : i32
          %lt3A_43 = arith.cmpi slt, %select_n3A, %lt3A_42 : i32
          %ne3A_44 = arith.xori %lt3A_41, %lt3A_43 : i1
          %and3A = arith.andi %ne3A_44, %ne3A_39 : i1
          %add3A_45 = arith.addi %rem3A, %select_n3A : i32
          %select_n3A_46 = arith.select %and3A, %add3A_45, %rem3A : i32
          %dma_start3A = arith.constant 0 : i32
          %dma_start3A_47 = arith.constant 0 : i32
          %dma_start3A_48 = arith.constant 0 : i32
          %dma_start3A_49 = tpu.memref_slice %arg7[%select_n3A_46, %dma_start3A, %dma_start3A_47, %dma_start3A_48] : memref<2x5x128x16xf32, #tpu.memory_space<vmem>> -> memref<1x5x128x16xf32, #tpu.memory_space<vmem>>
          %dma_start3A_50 = tpu.memref_squeeze %dma_start3A_49 : memref<1x5x128x16xf32, #tpu.memory_space<vmem>> -> memref<5x128x16xf32, #tpu.memory_space<vmem>>
          %dma_start3A_51 = arith.constant 0 : i32
          %dma_start3A_52 = arith.constant 0 : i32
          %dma_start3A_53 = arith.constant 0 : i32
          %dma_start3A_54 = tpu.memref_slice %arg2[%add3A, %dma_start3A_51, %dma_start3A_52, %dma_start3A_53] : memref<25x50x128x16xf32, #tpu.memory_space<hbm>> -> memref<1x50x128x16xf32, #tpu.memory_space<hbm>>
          %dma_start3A_55 = tpu.memref_squeeze %dma_start3A_54 : memref<1x50x128x16xf32, #tpu.memory_space<hbm>> -> memref<50x128x16xf32, #tpu.memory_space<hbm>>
          %dma_start3A_56 = arith.constant 0 : i32
          %dma_start3A_57 = arith.constant 0 : i32
          %dma_start3A_58 = tpu.memref_slice %dma_start3A_55[%mul3A_36, %dma_start3A_56, %dma_start3A_57] : memref<50x128x16xf32, #tpu.memory_space<hbm>> -> memref<5x128x16xf32, #tpu.memory_space<hbm>>
          %dma_start3A_59 = arith.constant 0 : i32
          %dma_start3A_60 = arith.constant 0 : i32
          %dma_start3A_61 = arith.constant 0 : i32
          %dma_start3A_62 = tpu.memref_slice %arg7[%select_n3A_46, %dma_start3A_59, %dma_start3A_60, %dma_start3A_61] : memref<2x5x128x16xf32, #tpu.memory_space<vmem>> -> memref<1x5x128x16xf32, #tpu.memory_space<vmem>>
          %dma_start3A_63 = tpu.memref_squeeze %dma_start3A_62 : memref<1x5x128x16xf32, #tpu.memory_space<vmem>> -> memref<5x128x16xf32, #tpu.memory_space<vmem>>
          %dma_start3A_64 = arith.constant 0 : i32
          %dma_start3A_65 = arith.constant 0 : i32
          %dma_start3A_66 = arith.constant 0 : i32
          %dma_start3A_67 = tpu.memref_slice %arg2[%add3A, %dma_start3A_64, %dma_start3A_65, %dma_start3A_66] : memref<25x50x128x16xf32, #tpu.memory_space<hbm>> -> memref<1x50x128x16xf32, #tpu.memory_space<hbm>>
          %dma_start3A_68 = tpu.memref_squeeze %dma_start3A_67 : memref<1x50x128x16xf32, #tpu.memory_space<hbm>> -> memref<50x128x16xf32, #tpu.memory_space<hbm>>
          %dma_start3A_69 = arith.constant 0 : i32
          %dma_start3A_70 = arith.constant 0 : i32
          %dma_start3A_71 = tpu.memref_slice %dma_start3A_68[%mul3A_36, %dma_start3A_69, %dma_start3A_70] : memref<50x128x16xf32, #tpu.memory_space<hbm>> -> memref<5x128x16xf32, #tpu.memory_space<hbm>>
          tpu.enqueue_dma source(%dma_start3A_71 : memref<5x128x16xf32, #tpu.memory_space<hbm>>) target(%dma_start3A_63 : memref<5x128x16xf32, #tpu.memory_space<vmem>>) target_semaphore(%arg10 : memref<!tpu.dma_semaphore, #tpu.memory_space<semaphore_mem>>)
          %dma_wait3A = arith.constant 0 : i32
          %dma_wait3A_72 = arith.constant 0 : i32
          %dma_wait3A_73 = arith.constant 0 : i32
          %dma_wait3A_74 = tpu.memref_slice %arg7[%select_n3A_46, %dma_wait3A, %dma_wait3A_72, %dma_wait3A_73] : memref<2x5x128x16xf32, #tpu.memory_space<vmem>> -> memref<1x5x128x16xf32, #tpu.memory_space<vmem>>
          %dma_wait3A_75 = tpu.memref_squeeze %dma_wait3A_74 : memref<1x5x128x16xf32, #tpu.memory_space<vmem>> -> memref<5x128x16xf32, #tpu.memory_space<vmem>>
          %dma_wait3A_76 = arith.constant 0 : i32
          %dma_wait3A_77 = arith.constant 0 : i32
          %dma_wait3A_78 = arith.constant 0 : i32
          %dma_wait3A_79 = tpu.memref_slice %arg2[%add3A, %dma_wait3A_76, %dma_wait3A_77, %dma_wait3A_78] : memref<25x50x128x16xf32, #tpu.memory_space<hbm>> -> memref<1x50x128x16xf32, #tpu.memory_space<hbm>>
          %dma_wait3A_80 = tpu.memref_squeeze %dma_wait3A_79 : memref<1x50x128x16xf32, #tpu.memory_space<hbm>> -> memref<50x128x16xf32, #tpu.memory_space<hbm>>
          %dma_wait3A_81 = arith.constant 0 : i32
          %dma_wait3A_82 = arith.constant 0 : i32
          %dma_wait3A_83 = tpu.memref_slice %dma_wait3A_80[%mul3A_36, %dma_wait3A_81, %dma_wait3A_82] : memref<50x128x16xf32, #tpu.memory_space<hbm>> -> memref<5x128x16xf32, #tpu.memory_space<hbm>>
          %dma_wait3A_84 = arith.constant 0 : i32
          %dma_wait3A_85 = arith.constant 0 : i32
          %dma_wait3A_86 = arith.constant 0 : i32
          %dma_wait3A_87 = tpu.memref_slice %arg7[%select_n3A_46, %dma_wait3A_84, %dma_wait3A_85, %dma_wait3A_86] : memref<2x5x128x16xf32, #tpu.memory_space<vmem>> -> memref<1x5x128x16xf32, #tpu.memory_space<vmem>>
          %dma_wait3A_88 = tpu.memref_squeeze %dma_wait3A_87 : memref<1x5x128x16xf32, #tpu.memory_space<vmem>> -> memref<5x128x16xf32, #tpu.memory_space<vmem>>
          %dma_wait3A_89 = arith.constant 0 : i32
          %dma_wait3A_90 = arith.constant 0 : i32
          %dma_wait3A_91 = arith.constant 0 : i32
          %dma_wait3A_92 = tpu.memref_slice %arg2[%add3A, %dma_wait3A_89, %dma_wait3A_90, %dma_wait3A_91] : memref<25x50x128x16xf32, #tpu.memory_space<hbm>> -> memref<1x50x128x16xf32, #tpu.memory_space<hbm>>
          %dma_wait3A_93 = tpu.memref_squeeze %dma_wait3A_92 : memref<1x50x128x16xf32, #tpu.memory_space<hbm>> -> memref<50x128x16xf32, #tpu.memory_space<hbm>>
          %dma_wait3A_94 = arith.constant 0 : i32
          %dma_wait3A_95 = arith.constant 0 : i32
          %dma_wait3A_96 = tpu.memref_slice %dma_wait3A_93[%mul3A_36, %dma_wait3A_94, %dma_wait3A_95] : memref<50x128x16xf32, #tpu.memory_space<hbm>> -> memref<5x128x16xf32, #tpu.memory_space<hbm>>
          tpu.wait_dma2 semaphore(%arg10 : memref<!tpu.dma_semaphore, #tpu.memory_space<semaphore_mem>>) src(%dma_wait3A_96 : memref<5x128x16xf32, #tpu.memory_space<hbm>>) dst(%dma_wait3A_88 : memref<5x128x16xf32, #tpu.memory_space<vmem>>)
          %jit3A_97 = arith.constant 2 : i32
          %eq3A_98 = arith.constant 0 : i32
          %eq3A_99 = arith.cmpi eq, %jit3A_97, %eq3A_98 : i32
          %jit3A_100 = arith.constant 1 : i32
          %select_n3A_101 = arith.select %eq3A_99, %jit3A_100, %jit3A_97 : i32
          %rem3A_102 = arith.remsi %scan3A_25, %select_n3A_101 : i32
          %ne3A_103 = arith.constant 0 : i32
          %ne3A_104 = arith.cmpi ne, %rem3A_102, %ne3A_103 : i32
          %lt3A_105 = arith.constant 0 : i32
          %lt3A_106 = arith.cmpi slt, %rem3A_102, %lt3A_105 : i32
          %lt3A_107 = arith.constant 0 : i32
          %lt3A_108 = arith.cmpi slt, %select_n3A_101, %lt3A_107 : i32
          %ne3A_109 = arith.xori %lt3A_106, %lt3A_108 : i1
          %and3A_110 = arith.andi %ne3A_109, %ne3A_104 : i1
          %add3A_111 = arith.addi %rem3A_102, %select_n3A_101 : i32
          %select_n3A_112 = arith.select %and3A_110, %add3A_111, %rem3A_102 : i32
          %mul3A_113 = arith.constant 5 : i32
          %mul3A_114 = arith.muli %scan3A_25, %mul3A_113 : i32
          %add3A_115 = arith.constant 0 : i32
          %add3A_116 = arith.addi %mul3A_114, %add3A_115 : i32
          %dma_start3A_117 = arith.constant 0 : i32
          %dma_start3A_118 = arith.constant 0 : i32
          %dma_start3A_119 = arith.constant 0 : i32
          %dma_start3A_120 = arith.constant 0 : i32
          %dma_start3A_121 = tpu.memref_slice %arg7[%select_n3A_112, %dma_start3A_118, %dma_start3A_119, %dma_start3A_120] : memref<2x5x128x16xf32, #tpu.memory_space<vmem>> -> memref<1x5x128x16xf32, #tpu.memory_space<vmem>>
          %dma_start3A_122 = tpu.memref_squeeze %dma_start3A_121 : memref<1x5x128x16xf32, #tpu.memory_space<vmem>> -> memref<5x128x16xf32, #tpu.memory_space<vmem>>
          %dma_start3A_123 = arith.constant 0 : i32
          %dma_start3A_124 = arith.constant 0 : i32
          %dma_start3A_125 = tpu.memref_slice %dma_start3A_122[%dma_start3A_117, %dma_start3A_123, %dma_start3A_124] : memref<5x128x16xf32, #tpu.memory_space<vmem>> -> memref<1x128x16xf32, #tpu.memory_space<vmem>>
          %dma_start3A_126 = tpu.memref_squeeze %dma_start3A_125 : memref<1x128x16xf32, #tpu.memory_space<vmem>> -> memref<128x16xf32, #tpu.memory_space<vmem>>
          %dma_start3A_127 = arith.constant 0 : i32
          %dma_start3A_128 = tpu.memref_slice %arg6[%add3A_116, %dma_start3A_127] : memref<50x128xi32, #tpu.memory_space<vmem>> -> memref<1x128xi32, #tpu.memory_space<vmem>>
          %dma_start3A_129 = tpu.memref_squeeze %dma_start3A_128 : memref<1x128xi32, #tpu.memory_space<vmem>> -> memref<128xi32, #tpu.memory_space<vmem>>
          %dma_start3A_130 = arith.constant 0 : i32
          %dma_start3A_131 = arith.constant 0 : i32
          %dma_start3A_132 = tpu.memref_slice %arg5[%dma_start3A_130, %dma_start3A_131] : memref<10240x16xf32, #tpu.memory_space<vmem_shared>> -> memref<10240x16xf32, #tpu.memory_space<vmem_shared>>
          tpu.enqueue_indirect_dma source(%dma_start3A_126 : memref<128x16xf32, #tpu.memory_space<vmem>>) target(%dma_start3A_132 : memref<10240x16xf32, #tpu.memory_space<vmem_shared>>) offsets(%dma_start3A_129 : memref<128xi32, #tpu.memory_space<vmem>>) semaphore(%arg9 : memref<!tpu.dma_semaphore, #tpu.memory_space<semaphore_mem>>) {add = true}
          %jit3A_133 = arith.constant 2 : i32
          %eq3A_134 = arith.constant 0 : i32
          %eq3A_135 = arith.cmpi eq, %jit3A_133, %eq3A_134 : i32
          %jit3A_136 = arith.constant 1 : i32
          %select_n3A_137 = arith.select %eq3A_135, %jit3A_136, %jit3A_133 : i32
          %rem3A_138 = arith.remsi %scan3A_25, %select_n3A_137 : i32
          %ne3A_139 = arith.constant 0 : i32
          %ne3A_140 = arith.cmpi ne, %rem3A_138, %ne3A_139 : i32
          %lt3A_141 = arith.constant 0 : i32
          %lt3A_142 = arith.cmpi slt, %rem3A_138, %lt3A_141 : i32
          %lt3A_143 = arith.constant 0 : i32
          %lt3A_144 = arith.cmpi slt, %select_n3A_137, %lt3A_143 : i32
          %ne3A_145 = arith.xori %lt3A_142, %lt3A_144 : i1
          %and3A_146 = arith.andi %ne3A_145, %ne3A_140 : i1
          %add3A_147 = arith.addi %rem3A_138, %select_n3A_137 : i32
          %select_n3A_148 = arith.select %and3A_146, %add3A_147, %rem3A_138 : i32
          %mul3A_149 = arith.constant 5 : i32
          %mul3A_150 = arith.muli %scan3A_25, %mul3A_149 : i32
          %add3A_151 = arith.constant 1 : i32
          %add3A_152 = arith.addi %mul3A_150, %add3A_151 : i32
          %dma_start3A_153 = arith.constant 1 : i32
          %dma_start3A_154 = arith.constant 0 : i32
          %dma_start3A_155 = arith.constant 0 : i32
          %dma_start3A_156 = arith.constant 0 : i32
          %dma_start3A_157 = tpu.memref_slice %arg7[%select_n3A_148, %dma_start3A_154, %dma_start3A_155, %dma_start3A_156] : memref<2x5x128x16xf32, #tpu.memory_space<vmem>> -> memref<1x5x128x16xf32, #tpu.memory_space<vmem>>
          %dma_start3A_158 = tpu.memref_squeeze %dma_start3A_157 : memref<1x5x128x16xf32, #tpu.memory_space<vmem>> -> memref<5x128x16xf32, #tpu.memory_space<vmem>>
          %dma_start3A_159 = arith.constant 0 : i32
          %dma_start3A_160 = arith.constant 0 : i32
          %dma_start3A_161 = tpu.memref_slice %dma_start3A_158[%dma_start3A_153, %dma_start3A_159, %dma_start3A_160] : memref<5x128x16xf32, #tpu.memory_space<vmem>> -> memref<1x128x16xf32, #tpu.memory_space<vmem>>
          %dma_start3A_162 = tpu.memref_squeeze %dma_start3A_161 : memref<1x128x16xf32, #tpu.memory_space<vmem>> -> memref<128x16xf32, #tpu.memory_space<vmem>>
          %dma_start3A_163 = arith.constant 0 : i32
          %dma_start3A_164 = tpu.memref_slice %arg6[%add3A_152, %dma_start3A_163] : memref<50x128xi32, #tpu.memory_space<vmem>> -> memref<1x128xi32, #tpu.memory_space<vmem>>
          %dma_start3A_165 = tpu.memref_squeeze %dma_start3A_164 : memref<1x128xi32, #tpu.memory_space<vmem>> -> memref<128xi32, #tpu.memory_space<vmem>>
          %dma_start3A_166 = arith.constant 0 : i32
          %dma_start3A_167 = arith.constant 0 : i32
          %dma_start3A_168 = tpu.memref_slice %arg5[%dma_start3A_166, %dma_start3A_167] : memref<10240x16xf32, #tpu.memory_space<vmem_shared>> -> memref<10240x16xf32, #tpu.memory_space<vmem_shared>>
          tpu.enqueue_indirect_dma source(%dma_start3A_162 : memref<128x16xf32, #tpu.memory_space<vmem>>) target(%dma_start3A_168 : memref<10240x16xf32, #tpu.memory_space<vmem_shared>>) offsets(%dma_start3A_165 : memref<128xi32, #tpu.memory_space<vmem>>) semaphore(%arg9 : memref<!tpu.dma_semaphore, #tpu.memory_space<semaphore_mem>>) {add = true}
          %jit3A_169 = arith.constant 2 : i32
          %eq3A_170 = arith.constant 0 : i32
          %eq3A_171 = arith.cmpi eq, %jit3A_169, %eq3A_170 : i32
          %jit3A_172 = arith.constant 1 : i32
          %select_n3A_173 = arith.select %eq3A_171, %jit3A_172, %jit3A_169 : i32
          %rem3A_174 = arith.remsi %scan3A_25, %select_n3A_173 : i32
          %ne3A_175 = arith.constant 0 : i32
          %ne3A_176 = arith.cmpi ne, %rem3A_174, %ne3A_175 : i32
          %lt3A_177 = arith.constant 0 : i32
          %lt3A_178 = arith.cmpi slt, %rem3A_174, %lt3A_177 : i32
          %lt3A_179 = arith.constant 0 : i32
          %lt3A_180 = arith.cmpi slt, %select_n3A_173, %lt3A_179 : i32
          %ne3A_181 = arith.xori %lt3A_178, %lt3A_180 : i1
          %and3A_182 = arith.andi %ne3A_181, %ne3A_176 : i1
          %add3A_183 = arith.addi %rem3A_174, %select_n3A_173 : i32
          %select_n3A_184 = arith.select %and3A_182, %add3A_183, %rem3A_174 : i32
          %mul3A_185 = arith.constant 5 : i32
          %mul3A_186 = arith.muli %scan3A_25, %mul3A_185 : i32
          %add3A_187 = arith.constant 2 : i32
          %add3A_188 = arith.addi %mul3A_186, %add3A_187 : i32
          %dma_start3A_189 = arith.constant 2 : i32
          %dma_start3A_190 = arith.constant 0 : i32
          %dma_start3A_191 = arith.constant 0 : i32
          %dma_start3A_192 = arith.constant 0 : i32
          %dma_start3A_193 = tpu.memref_slice %arg7[%select_n3A_184, %dma_start3A_190, %dma_start3A_191, %dma_start3A_192] : memref<2x5x128x16xf32, #tpu.memory_space<vmem>> -> memref<1x5x128x16xf32, #tpu.memory_space<vmem>>
          %dma_start3A_194 = tpu.memref_squeeze %dma_start3A_193 : memref<1x5x128x16xf32, #tpu.memory_space<vmem>> -> memref<5x128x16xf32, #tpu.memory_space<vmem>>
          %dma_start3A_195 = arith.constant 0 : i32
          %dma_start3A_196 = arith.constant 0 : i32
          %dma_start3A_197 = tpu.memref_slice %dma_start3A_194[%dma_start3A_189, %dma_start3A_195, %dma_start3A_196] : memref<5x128x16xf32, #tpu.memory_space<vmem>> -> memref<1x128x16xf32, #tpu.memory_space<vmem>>
          %dma_start3A_198 = tpu.memref_squeeze %dma_start3A_197 : memref<1x128x16xf32, #tpu.memory_space<vmem>> -> memref<128x16xf32, #tpu.memory_space<vmem>>
          %dma_start3A_199 = arith.constant 0 : i32
          %dma_start3A_200 = tpu.memref_slice %arg6[%add3A_188, %dma_start3A_199] : memref<50x128xi32, #tpu.memory_space<vmem>> -> memref<1x128xi32, #tpu.memory_space<vmem>>
          %dma_start3A_201 = tpu.memref_squeeze %dma_start3A_200 : memref<1x128xi32, #tpu.memory_space<vmem>> -> memref<128xi32, #tpu.memory_space<vmem>>
          %dma_start3A_202 = arith.constant 0 : i32
          %dma_start3A_203 = arith.constant 0 : i32
          %dma_start3A_204 = tpu.memref_slice %arg5[%dma_start3A_202, %dma_start3A_203] : memref<10240x16xf32, #tpu.memory_space<vmem_shared>> -> memref<10240x16xf32, #tpu.memory_space<vmem_shared>>
          tpu.enqueue_indirect_dma source(%dma_start3A_198 : memref<128x16xf32, #tpu.memory_space<vmem>>) target(%dma_start3A_204 : memref<10240x16xf32, #tpu.memory_space<vmem_shared>>) offsets(%dma_start3A_201 : memref<128xi32, #tpu.memory_space<vmem>>) semaphore(%arg9 : memref<!tpu.dma_semaphore, #tpu.memory_space<semaphore_mem>>) {add = true}
          %jit3A_205 = arith.constant 2 : i32
          %eq3A_206 = arith.constant 0 : i32
          %eq3A_207 = arith.cmpi eq, %jit3A_205, %eq3A_206 : i32
          %jit3A_208 = arith.constant 1 : i32
          %select_n3A_209 = arith.select %eq3A_207, %jit3A_208, %jit3A_205 : i32
          %rem3A_210 = arith.remsi %scan3A_25, %select_n3A_209 : i32
          %ne3A_211 = arith.constant 0 : i32
          %ne3A_212 = arith.cmpi ne, %rem3A_210, %ne3A_211 : i32
          %lt3A_213 = arith.constant 0 : i32
          %lt3A_214 = arith.cmpi slt, %rem3A_210, %lt3A_213 : i32
          %lt3A_215 = arith.constant 0 : i32
          %lt3A_216 = arith.cmpi slt, %select_n3A_209, %lt3A_215 : i32
          %ne3A_217 = arith.xori %lt3A_214, %lt3A_216 : i1
          %and3A_218 = arith.andi %ne3A_217, %ne3A_212 : i1
          %add3A_219 = arith.addi %rem3A_210, %select_n3A_209 : i32
          %select_n3A_220 = arith.select %and3A_218, %add3A_219, %rem3A_210 : i32
          %mul3A_221 = arith.constant 5 : i32
          %mul3A_222 = arith.muli %scan3A_25, %mul3A_221 : i32
          %add3A_223 = arith.constant 3 : i32
          %add3A_224 = arith.addi %mul3A_222, %add3A_223 : i32
          %dma_start3A_225 = arith.constant 3 : i32
          %dma_start3A_226 = arith.constant 0 : i32
          %dma_start3A_227 = arith.constant 0 : i32
          %dma_start3A_228 = arith.constant 0 : i32
          %dma_start3A_229 = tpu.memref_slice %arg7[%select_n3A_220, %dma_start3A_226, %dma_start3A_227, %dma_start3A_228] : memref<2x5x128x16xf32, #tpu.memory_space<vmem>> -> memref<1x5x128x16xf32, #tpu.memory_space<vmem>>
          %dma_start3A_230 = tpu.memref_squeeze %dma_start3A_229 : memref<1x5x128x16xf32, #tpu.memory_space<vmem>> -> memref<5x128x16xf32, #tpu.memory_space<vmem>>
          %dma_start3A_231 = arith.constant 0 : i32
          %dma_start3A_232 = arith.constant 0 : i32
          %dma_start3A_233 = tpu.memref_slice %dma_start3A_230[%dma_start3A_225, %dma_start3A_231, %dma_start3A_232] : memref<5x128x16xf32, #tpu.memory_space<vmem>> -> memref<1x128x16xf32, #tpu.memory_space<vmem>>
          %dma_start3A_234 = tpu.memref_squeeze %dma_start3A_233 : memref<1x128x16xf32, #tpu.memory_space<vmem>> -> memref<128x16xf32, #tpu.memory_space<vmem>>
          %dma_start3A_235 = arith.constant 0 : i32
          %dma_start3A_236 = tpu.memref_slice %arg6[%add3A_224, %dma_start3A_235] : memref<50x128xi32, #tpu.memory_space<vmem>> -> memref<1x128xi32, #tpu.memory_space<vmem>>
          %dma_start3A_237 = tpu.memref_squeeze %dma_start3A_236 : memref<1x128xi32, #tpu.memory_space<vmem>> -> memref<128xi32, #tpu.memory_space<vmem>>
          %dma_start3A_238 = arith.constant 0 : i32
          %dma_start3A_239 = arith.constant 0 : i32
          %dma_start3A_240 = tpu.memref_slice %arg5[%dma_start3A_238, %dma_start3A_239] : memref<10240x16xf32, #tpu.memory_space<vmem_shared>> -> memref<10240x16xf32, #tpu.memory_space<vmem_shared>>
          tpu.enqueue_indirect_dma source(%dma_start3A_234 : memref<128x16xf32, #tpu.memory_space<vmem>>) target(%dma_start3A_240 : memref<10240x16xf32, #tpu.memory_space<vmem_shared>>) offsets(%dma_start3A_237 : memref<128xi32, #tpu.memory_space<vmem>>) semaphore(%arg9 : memref<!tpu.dma_semaphore, #tpu.memory_space<semaphore_mem>>) {add = true}
          %jit3A_241 = arith.constant 2 : i32
          %eq3A_242 = arith.constant 0 : i32
          %eq3A_243 = arith.cmpi eq, %jit3A_241, %eq3A_242 : i32
          %jit3A_244 = arith.constant 1 : i32
          %select_n3A_245 = arith.select %eq3A_243, %jit3A_244, %jit3A_241 : i32
          %rem3A_246 = arith.remsi %scan3A_25, %select_n3A_245 : i32
          %ne3A_247 = arith.constant 0 : i32
          %ne3A_248 = arith.cmpi ne, %rem3A_246, %ne3A_247 : i32
          %lt3A_249 = arith.constant 0 : i32
          %lt3A_250 = arith.cmpi slt, %rem3A_246, %lt3A_249 : i32
          %lt3A_251 = arith.constant 0 : i32
          %lt3A_252 = arith.cmpi slt, %select_n3A_245, %lt3A_251 : i32
          %ne3A_253 = arith.xori %lt3A_250, %lt3A_252 : i1
          %and3A_254 = arith.andi %ne3A_253, %ne3A_248 : i1
          %add3A_255 = arith.addi %rem3A_246, %select_n3A_245 : i32
          %select_n3A_256 = arith.select %and3A_254, %add3A_255, %rem3A_246 : i32
          %mul3A_257 = arith.constant 5 : i32
          %mul3A_258 = arith.muli %scan3A_25, %mul3A_257 : i32
          %add3A_259 = arith.constant 4 : i32
          %add3A_260 = arith.addi %mul3A_258, %add3A_259 : i32
          %dma_start3A_261 = arith.constant 4 : i32
          %dma_start3A_262 = arith.constant 0 : i32
          %dma_start3A_263 = arith.constant 0 : i32
          %dma_start3A_264 = arith.constant 0 : i32
          %dma_start3A_265 = tpu.memref_slice %arg7[%select_n3A_256, %dma_start3A_262, %dma_start3A_263, %dma_start3A_264] : memref<2x5x128x16xf32, #tpu.memory_space<vmem>> -> memref<1x5x128x16xf32, #tpu.memory_space<vmem>>
          %dma_start3A_266 = tpu.memref_squeeze %dma_start3A_265 : memref<1x5x128x16xf32, #tpu.memory_space<vmem>> -> memref<5x128x16xf32, #tpu.memory_space<vmem>>
          %dma_start3A_267 = arith.constant 0 : i32
          %dma_start3A_268 = arith.constant 0 : i32
          %dma_start3A_269 = tpu.memref_slice %dma_start3A_266[%dma_start3A_261, %dma_start3A_267, %dma_start3A_268] : memref<5x128x16xf32, #tpu.memory_space<vmem>> -> memref<1x128x16xf32, #tpu.memory_space<vmem>>
          %dma_start3A_270 = tpu.memref_squeeze %dma_start3A_269 : memref<1x128x16xf32, #tpu.memory_space<vmem>> -> memref<128x16xf32, #tpu.memory_space<vmem>>
          %dma_start3A_271 = arith.constant 0 : i32
          %dma_start3A_272 = tpu.memref_slice %arg6[%add3A_260, %dma_start3A_271] : memref<50x128xi32, #tpu.memory_space<vmem>> -> memref<1x128xi32, #tpu.memory_space<vmem>>
          %dma_start3A_273 = tpu.memref_squeeze %dma_start3A_272 : memref<1x128xi32, #tpu.memory_space<vmem>> -> memref<128xi32, #tpu.memory_space<vmem>>
          %dma_start3A_274 = arith.constant 0 : i32
          %dma_start3A_275 = arith.constant 0 : i32
          %dma_start3A_276 = tpu.memref_slice %arg5[%dma_start3A_274, %dma_start3A_275] : memref<10240x16xf32, #tpu.memory_space<vmem_shared>> -> memref<10240x16xf32, #tpu.memory_space<vmem_shared>>
          tpu.enqueue_indirect_dma source(%dma_start3A_270 : memref<128x16xf32, #tpu.memory_space<vmem>>) target(%dma_start3A_276 : memref<10240x16xf32, #tpu.memory_space<vmem_shared>>) offsets(%dma_start3A_273 : memref<128xi32, #tpu.memory_space<vmem>>) semaphore(%arg9 : memref<!tpu.dma_semaphore, #tpu.memory_space<semaphore_mem>>) {add = true}
        } else {
        }
        %gt3A = arith.constant 0 : i32
        %gt3A_31 = arith.cmpi sgt, %scan3A_25, %gt3A : i32
        %convert_element_type3A_32 = arith.extui %gt3A_31 : i1 to i32
        %cond3A_33 = arith.constant 0 : i32
        %cond3A_34 = arith.cmpi ne, %convert_element_type3A_32, %cond3A_33 : i32
        scf.if %cond3A_34 {
          %sub3A = arith.constant 1 : i32
          %sub3A_35 = arith.subi %scan3A_25, %sub3A : i32
          %jit3A = arith.constant 2 : i32
          %eq3A = arith.constant 0 : i32
          %eq3A_36 = arith.cmpi eq, %jit3A, %eq3A : i32
          %jit3A_37 = arith.constant 1 : i32
          %select_n3A = arith.select %eq3A_36, %jit3A_37, %jit3A : i32
          %rem3A = arith.remsi %sub3A_35, %select_n3A : i32
          %ne3A = arith.constant 0 : i32
          %ne3A_38 = arith.cmpi ne, %rem3A, %ne3A : i32
          %lt3A_39 = arith.constant 0 : i32
          %lt3A_40 = arith.cmpi slt, %rem3A, %lt3A_39 : i32
          %lt3A_41 = arith.constant 0 : i32
          %lt3A_42 = arith.cmpi slt, %select_n3A, %lt3A_41 : i32
          %ne3A_43 = arith.xori %lt3A_40, %lt3A_42 : i1
          %and3A = arith.andi %ne3A_43, %ne3A_38 : i1
          %add3A_44 = arith.addi %rem3A, %select_n3A : i32
          %select_n3A_45 = arith.select %and3A, %add3A_44, %rem3A : i32
          %mul3A_46 = arith.constant 5 : i32
          %mul3A_47 = arith.muli %sub3A_35, %mul3A_46 : i32
          %add3A_48 = arith.constant 0 : i32
          %add3A_49 = arith.addi %mul3A_47, %add3A_48 : i32
          %dma_wait3A = arith.constant 0 : i32
          %dma_wait3A_50 = arith.constant 0 : i32
          %dma_wait3A_51 = arith.constant 0 : i32
          %dma_wait3A_52 = arith.constant 0 : i32
          %dma_wait3A_53 = tpu.memref_slice %arg7[%select_n3A_45, %dma_wait3A_50, %dma_wait3A_51, %dma_wait3A_52] : memref<2x5x128x16xf32, #tpu.memory_space<vmem>> -> memref<1x5x128x16xf32, #tpu.memory_space<vmem>>
          %dma_wait3A_54 = tpu.memref_squeeze %dma_wait3A_53 : memref<1x5x128x16xf32, #tpu.memory_space<vmem>> -> memref<5x128x16xf32, #tpu.memory_space<vmem>>
          %dma_wait3A_55 = arith.constant 0 : i32
          %dma_wait3A_56 = arith.constant 0 : i32
          %dma_wait3A_57 = tpu.memref_slice %dma_wait3A_54[%dma_wait3A, %dma_wait3A_55, %dma_wait3A_56] : memref<5x128x16xf32, #tpu.memory_space<vmem>> -> memref<1x128x16xf32, #tpu.memory_space<vmem>>
          %dma_wait3A_58 = tpu.memref_squeeze %dma_wait3A_57 : memref<1x128x16xf32, #tpu.memory_space<vmem>> -> memref<128x16xf32, #tpu.memory_space<vmem>>
          %dma_wait3A_59 = arith.constant 0 : i32
          %dma_wait3A_60 = tpu.memref_slice %arg6[%add3A_49, %dma_wait3A_59] : memref<50x128xi32, #tpu.memory_space<vmem>> -> memref<1x128xi32, #tpu.memory_space<vmem>>
          %dma_wait3A_61 = tpu.memref_squeeze %dma_wait3A_60 : memref<1x128xi32, #tpu.memory_space<vmem>> -> memref<128xi32, #tpu.memory_space<vmem>>
          %dma_wait3A_62 = arith.constant 0 : i32
          %dma_wait3A_63 = arith.constant 0 : i32
          %dma_wait3A_64 = tpu.memref_slice %arg5[%dma_wait3A_62, %dma_wait3A_63] : memref<10240x16xf32, #tpu.memory_space<vmem_shared>> -> memref<10240x16xf32, #tpu.memory_space<vmem_shared>>
          tpu.wait_indirect_dma semaphore(%arg9 : memref<!tpu.dma_semaphore, #tpu.memory_space<semaphore_mem>>) src(%dma_wait3A_58 : memref<128x16xf32, #tpu.memory_space<vmem>>) dst(%dma_wait3A_64 : memref<10240x16xf32, #tpu.memory_space<vmem_shared>>)
          %jit3A_65 = arith.constant 2 : i32
          %eq3A_66 = arith.constant 0 : i32
          %eq3A_67 = arith.cmpi eq, %jit3A_65, %eq3A_66 : i32
          %jit3A_68 = arith.constant 1 : i32
          %select_n3A_69 = arith.select %eq3A_67, %jit3A_68, %jit3A_65 : i32
          %rem3A_70 = arith.remsi %sub3A_35, %select_n3A_69 : i32
          %ne3A_71 = arith.constant 0 : i32
          %ne3A_72 = arith.cmpi ne, %rem3A_70, %ne3A_71 : i32
          %lt3A_73 = arith.constant 0 : i32
          %lt3A_74 = arith.cmpi slt, %rem3A_70, %lt3A_73 : i32
          %lt3A_75 = arith.constant 0 : i32
          %lt3A_76 = arith.cmpi slt, %select_n3A_69, %lt3A_75 : i32
          %ne3A_77 = arith.xori %lt3A_74, %lt3A_76 : i1
          %and3A_78 = arith.andi %ne3A_77, %ne3A_72 : i1
          %add3A_79 = arith.addi %rem3A_70, %select_n3A_69 : i32
          %select_n3A_80 = arith.select %and3A_78, %add3A_79, %rem3A_70 : i32
          %mul3A_81 = arith.constant 5 : i32
          %mul3A_82 = arith.muli %sub3A_35, %mul3A_81 : i32
          %add3A_83 = arith.constant 1 : i32
          %add3A_84 = arith.addi %mul3A_82, %add3A_83 : i32
          %dma_wait3A_85 = arith.constant 1 : i32
          %dma_wait3A_86 = arith.constant 0 : i32
          %dma_wait3A_87 = arith.constant 0 : i32
          %dma_wait3A_88 = arith.constant 0 : i32
          %dma_wait3A_89 = tpu.memref_slice %arg7[%select_n3A_80, %dma_wait3A_86, %dma_wait3A_87, %dma_wait3A_88] : memref<2x5x128x16xf32, #tpu.memory_space<vmem>> -> memref<1x5x128x16xf32, #tpu.memory_space<vmem>>
          %dma_wait3A_90 = tpu.memref_squeeze %dma_wait3A_89 : memref<1x5x128x16xf32, #tpu.memory_space<vmem>> -> memref<5x128x16xf32, #tpu.memory_space<vmem>>
          %dma_wait3A_91 = arith.constant 0 : i32
          %dma_wait3A_92 = arith.constant 0 : i32
          %dma_wait3A_93 = tpu.memref_slice %dma_wait3A_90[%dma_wait3A_85, %dma_wait3A_91, %dma_wait3A_92] : memref<5x128x16xf32, #tpu.memory_space<vmem>> -> memref<1x128x16xf32, #tpu.memory_space<vmem>>
          %dma_wait3A_94 = tpu.memref_squeeze %dma_wait3A_93 : memref<1x128x16xf32, #tpu.memory_space<vmem>> -> memref<128x16xf32, #tpu.memory_space<vmem>>
          %dma_wait3A_95 = arith.constant 0 : i32
          %dma_wait3A_96 = tpu.memref_slice %arg6[%add3A_84, %dma_wait3A_95] : memref<50x128xi32, #tpu.memory_space<vmem>> -> memref<1x128xi32, #tpu.memory_space<vmem>>
          %dma_wait3A_97 = tpu.memref_squeeze %dma_wait3A_96 : memref<1x128xi32, #tpu.memory_space<vmem>> -> memref<128xi32, #tpu.memory_space<vmem>>
          %dma_wait3A_98 = arith.constant 0 : i32
          %dma_wait3A_99 = arith.constant 0 : i32
          %dma_wait3A_100 = tpu.memref_slice %arg5[%dma_wait3A_98, %dma_wait3A_99] : memref<10240x16xf32, #tpu.memory_space<vmem_shared>> -> memref<10240x16xf32, #tpu.memory_space<vmem_shared>>
          tpu.wait_indirect_dma semaphore(%arg9 : memref<!tpu.dma_semaphore, #tpu.memory_space<semaphore_mem>>) src(%dma_wait3A_94 : memref<128x16xf32, #tpu.memory_space<vmem>>) dst(%dma_wait3A_100 : memref<10240x16xf32, #tpu.memory_space<vmem_shared>>)
          %jit3A_101 = arith.constant 2 : i32
          %eq3A_102 = arith.constant 0 : i32
          %eq3A_103 = arith.cmpi eq, %jit3A_101, %eq3A_102 : i32
          %jit3A_104 = arith.constant 1 : i32
          %select_n3A_105 = arith.select %eq3A_103, %jit3A_104, %jit3A_101 : i32
          %rem3A_106 = arith.remsi %sub3A_35, %select_n3A_105 : i32
          %ne3A_107 = arith.constant 0 : i32
          %ne3A_108 = arith.cmpi ne, %rem3A_106, %ne3A_107 : i32
          %lt3A_109 = arith.constant 0 : i32
          %lt3A_110 = arith.cmpi slt, %rem3A_106, %lt3A_109 : i32
          %lt3A_111 = arith.constant 0 : i32
          %lt3A_112 = arith.cmpi slt, %select_n3A_105, %lt3A_111 : i32
          %ne3A_113 = arith.xori %lt3A_110, %lt3A_112 : i1
          %and3A_114 = arith.andi %ne3A_113, %ne3A_108 : i1
          %add3A_115 = arith.addi %rem3A_106, %select_n3A_105 : i32
          %select_n3A_116 = arith.select %and3A_114, %add3A_115, %rem3A_106 : i32
          %mul3A_117 = arith.constant 5 : i32
          %mul3A_118 = arith.muli %sub3A_35, %mul3A_117 : i32
          %add3A_119 = arith.constant 2 : i32
          %add3A_120 = arith.addi %mul3A_118, %add3A_119 : i32
          %dma_wait3A_121 = arith.constant 2 : i32
          %dma_wait3A_122 = arith.constant 0 : i32
          %dma_wait3A_123 = arith.constant 0 : i32
          %dma_wait3A_124 = arith.constant 0 : i32
          %dma_wait3A_125 = tpu.memref_slice %arg7[%select_n3A_116, %dma_wait3A_122, %dma_wait3A_123, %dma_wait3A_124] : memref<2x5x128x16xf32, #tpu.memory_space<vmem>> -> memref<1x5x128x16xf32, #tpu.memory_space<vmem>>
          %dma_wait3A_126 = tpu.memref_squeeze %dma_wait3A_125 : memref<1x5x128x16xf32, #tpu.memory_space<vmem>> -> memref<5x128x16xf32, #tpu.memory_space<vmem>>
          %dma_wait3A_127 = arith.constant 0 : i32
          %dma_wait3A_128 = arith.constant 0 : i32
          %dma_wait3A_129 = tpu.memref_slice %dma_wait3A_126[%dma_wait3A_121, %dma_wait3A_127, %dma_wait3A_128] : memref<5x128x16xf32, #tpu.memory_space<vmem>> -> memref<1x128x16xf32, #tpu.memory_space<vmem>>
          %dma_wait3A_130 = tpu.memref_squeeze %dma_wait3A_129 : memref<1x128x16xf32, #tpu.memory_space<vmem>> -> memref<128x16xf32, #tpu.memory_space<vmem>>
          %dma_wait3A_131 = arith.constant 0 : i32
          %dma_wait3A_132 = tpu.memref_slice %arg6[%add3A_120, %dma_wait3A_131] : memref<50x128xi32, #tpu.memory_space<vmem>> -> memref<1x128xi32, #tpu.memory_space<vmem>>
          %dma_wait3A_133 = tpu.memref_squeeze %dma_wait3A_132 : memref<1x128xi32, #tpu.memory_space<vmem>> -> memref<128xi32, #tpu.memory_space<vmem>>
          %dma_wait3A_134 = arith.constant 0 : i32
          %dma_wait3A_135 = arith.constant 0 : i32
          %dma_wait3A_136 = tpu.memref_slice %arg5[%dma_wait3A_134, %dma_wait3A_135] : memref<10240x16xf32, #tpu.memory_space<vmem_shared>> -> memref<10240x16xf32, #tpu.memory_space<vmem_shared>>
          tpu.wait_indirect_dma semaphore(%arg9 : memref<!tpu.dma_semaphore, #tpu.memory_space<semaphore_mem>>) src(%dma_wait3A_130 : memref<128x16xf32, #tpu.memory_space<vmem>>) dst(%dma_wait3A_136 : memref<10240x16xf32, #tpu.memory_space<vmem_shared>>)
          %jit3A_137 = arith.constant 2 : i32
          %eq3A_138 = arith.constant 0 : i32
          %eq3A_139 = arith.cmpi eq, %jit3A_137, %eq3A_138 : i32
          %jit3A_140 = arith.constant 1 : i32
          %select_n3A_141 = arith.select %eq3A_139, %jit3A_140, %jit3A_137 : i32
          %rem3A_142 = arith.remsi %sub3A_35, %select_n3A_141 : i32
          %ne3A_143 = arith.constant 0 : i32
          %ne3A_144 = arith.cmpi ne, %rem3A_142, %ne3A_143 : i32
          %lt3A_145 = arith.constant 0 : i32
          %lt3A_146 = arith.cmpi slt, %rem3A_142, %lt3A_145 : i32
          %lt3A_147 = arith.constant 0 : i32
          %lt3A_148 = arith.cmpi slt, %select_n3A_141, %lt3A_147 : i32
          %ne3A_149 = arith.xori %lt3A_146, %lt3A_148 : i1
          %and3A_150 = arith.andi %ne3A_149, %ne3A_144 : i1
          %add3A_151 = arith.addi %rem3A_142, %select_n3A_141 : i32
          %select_n3A_152 = arith.select %and3A_150, %add3A_151, %rem3A_142 : i32
          %mul3A_153 = arith.constant 5 : i32
          %mul3A_154 = arith.muli %sub3A_35, %mul3A_153 : i32
          %add3A_155 = arith.constant 3 : i32
          %add3A_156 = arith.addi %mul3A_154, %add3A_155 : i32
          %dma_wait3A_157 = arith.constant 3 : i32
          %dma_wait3A_158 = arith.constant 0 : i32
          %dma_wait3A_159 = arith.constant 0 : i32
          %dma_wait3A_160 = arith.constant 0 : i32
          %dma_wait3A_161 = tpu.memref_slice %arg7[%select_n3A_152, %dma_wait3A_158, %dma_wait3A_159, %dma_wait3A_160] : memref<2x5x128x16xf32, #tpu.memory_space<vmem>> -> memref<1x5x128x16xf32, #tpu.memory_space<vmem>>
          %dma_wait3A_162 = tpu.memref_squeeze %dma_wait3A_161 : memref<1x5x128x16xf32, #tpu.memory_space<vmem>> -> memref<5x128x16xf32, #tpu.memory_space<vmem>>
          %dma_wait3A_163 = arith.constant 0 : i32
          %dma_wait3A_164 = arith.constant 0 : i32
          %dma_wait3A_165 = tpu.memref_slice %dma_wait3A_162[%dma_wait3A_157, %dma_wait3A_163, %dma_wait3A_164] : memref<5x128x16xf32, #tpu.memory_space<vmem>> -> memref<1x128x16xf32, #tpu.memory_space<vmem>>
          %dma_wait3A_166 = tpu.memref_squeeze %dma_wait3A_165 : memref<1x128x16xf32, #tpu.memory_space<vmem>> -> memref<128x16xf32, #tpu.memory_space<vmem>>
          %dma_wait3A_167 = arith.constant 0 : i32
          %dma_wait3A_168 = tpu.memref_slice %arg6[%add3A_156, %dma_wait3A_167] : memref<50x128xi32, #tpu.memory_space<vmem>> -> memref<1x128xi32, #tpu.memory_space<vmem>>
          %dma_wait3A_169 = tpu.memref_squeeze %dma_wait3A_168 : memref<1x128xi32, #tpu.memory_space<vmem>> -> memref<128xi32, #tpu.memory_space<vmem>>
          %dma_wait3A_170 = arith.constant 0 : i32
          %dma_wait3A_171 = arith.constant 0 : i32
          %dma_wait3A_172 = tpu.memref_slice %arg5[%dma_wait3A_170, %dma_wait3A_171] : memref<10240x16xf32, #tpu.memory_space<vmem_shared>> -> memref<10240x16xf32, #tpu.memory_space<vmem_shared>>
          tpu.wait_indirect_dma semaphore(%arg9 : memref<!tpu.dma_semaphore, #tpu.memory_space<semaphore_mem>>) src(%dma_wait3A_166 : memref<128x16xf32, #tpu.memory_space<vmem>>) dst(%dma_wait3A_172 : memref<10240x16xf32, #tpu.memory_space<vmem_shared>>)
          %jit3A_173 = arith.constant 2 : i32
          %eq3A_174 = arith.constant 0 : i32
          %eq3A_175 = arith.cmpi eq, %jit3A_173, %eq3A_174 : i32
          %jit3A_176 = arith.constant 1 : i32
          %select_n3A_177 = arith.select %eq3A_175, %jit3A_176, %jit3A_173 : i32
          %rem3A_178 = arith.remsi %sub3A_35, %select_n3A_177 : i32
          %ne3A_179 = arith.constant 0 : i32
          %ne3A_180 = arith.cmpi ne, %rem3A_178, %ne3A_179 : i32
          %lt3A_181 = arith.constant 0 : i32
          %lt3A_182 = arith.cmpi slt, %rem3A_178, %lt3A_181 : i32
          %lt3A_183 = arith.constant 0 : i32
          %lt3A_184 = arith.cmpi slt, %select_n3A_177, %lt3A_183 : i32
          %ne3A_185 = arith.xori %lt3A_182, %lt3A_184 : i1
          %and3A_186 = arith.andi %ne3A_185, %ne3A_180 : i1
          %add3A_187 = arith.addi %rem3A_178, %select_n3A_177 : i32
          %select_n3A_188 = arith.select %and3A_186, %add3A_187, %rem3A_178 : i32
          %mul3A_189 = arith.constant 5 : i32
          %mul3A_190 = arith.muli %sub3A_35, %mul3A_189 : i32
          %add3A_191 = arith.constant 4 : i32
          %add3A_192 = arith.addi %mul3A_190, %add3A_191 : i32
          %dma_wait3A_193 = arith.constant 4 : i32
          %dma_wait3A_194 = arith.constant 0 : i32
          %dma_wait3A_195 = arith.constant 0 : i32
          %dma_wait3A_196 = arith.constant 0 : i32
          %dma_wait3A_197 = tpu.memref_slice %arg7[%select_n3A_188, %dma_wait3A_194, %dma_wait3A_195, %dma_wait3A_196] : memref<2x5x128x16xf32, #tpu.memory_space<vmem>> -> memref<1x5x128x16xf32, #tpu.memory_space<vmem>>
          %dma_wait3A_198 = tpu.memref_squeeze %dma_wait3A_197 : memref<1x5x128x16xf32, #tpu.memory_space<vmem>> -> memref<5x128x16xf32, #tpu.memory_space<vmem>>
          %dma_wait3A_199 = arith.constant 0 : i32
          %dma_wait3A_200 = arith.constant 0 : i32
          %dma_wait3A_201 = tpu.memref_slice %dma_wait3A_198[%dma_wait3A_193, %dma_wait3A_199, %dma_wait3A_200] : memref<5x128x16xf32, #tpu.memory_space<vmem>> -> memref<1x128x16xf32, #tpu.memory_space<vmem>>
          %dma_wait3A_202 = tpu.memref_squeeze %dma_wait3A_201 : memref<1x128x16xf32, #tpu.memory_space<vmem>> -> memref<128x16xf32, #tpu.memory_space<vmem>>
          %dma_wait3A_203 = arith.constant 0 : i32
          %dma_wait3A_204 = tpu.memref_slice %arg6[%add3A_192, %dma_wait3A_203] : memref<50x128xi32, #tpu.memory_space<vmem>> -> memref<1x128xi32, #tpu.memory_space<vmem>>
          %dma_wait3A_205 = tpu.memref_squeeze %dma_wait3A_204 : memref<1x128xi32, #tpu.memory_space<vmem>> -> memref<128xi32, #tpu.memory_space<vmem>>
          %dma_wait3A_206 = arith.constant 0 : i32
          %dma_wait3A_207 = arith.constant 0 : i32
          %dma_wait3A_208 = tpu.memref_slice %arg5[%dma_wait3A_206, %dma_wait3A_207] : memref<10240x16xf32, #tpu.memory_space<vmem_shared>> -> memref<10240x16xf32, #tpu.memory_space<vmem_shared>>
          tpu.wait_indirect_dma semaphore(%arg9 : memref<!tpu.dma_semaphore, #tpu.memory_space<semaphore_mem>>) src(%dma_wait3A_202 : memref<128x16xf32, #tpu.memory_space<vmem>>) dst(%dma_wait3A_208 : memref<10240x16xf32, #tpu.memory_space<vmem_shared>>)
        } else {
        }
      }
      %scan3A_24 = arith.constant 11 : i32
    } else {
    }
    %barrier3A_14 = arith.constant 0 : index
    tpu.barrier barrier_id(%barrier3A_14)
    %mul3A_15 = arith.constant 640 : i32
    %mul3A_16 = arith.muli %arg1, %mul3A_15 : i32
    %mul3A_17 = arith.constant 640 : i32
    %mul3A_18 = arith.muli %arg1, %mul3A_17 : i32
    "tpu.region"() ({
      %run_scoped3A = tpu.sem_alloc : memref<!tpu.dma_semaphore, #tpu.memory_space<semaphore_mem>>
      %dma_start3A = arith.constant 0 : i32
      %dma_start3A_19 = arith.constant 0 : i32
      %dma_start3A_20 = tpu.memref_slice %arg4[%arg0, %dma_start3A, %dma_start3A_19] : memref<2x10240x16xf32, #tpu.memory_space<hbm>> -> memref<1x10240x16xf32, #tpu.memory_space<hbm>>
      %dma_start3A_21 = tpu.memref_squeeze %dma_start3A_20 : memref<1x10240x16xf32, #tpu.memory_space<hbm>> -> memref<10240x16xf32, #tpu.memory_space<hbm>>
      %dma_start3A_22 = arith.constant 0 : i32
      %dma_start3A_23 = tpu.memref_slice %dma_start3A_21[%mul3A_18, %dma_start3A_22] : memref<10240x16xf32, #tpu.memory_space<hbm>> -> memref<640x16xf32, #tpu.memory_space<hbm>>
      %dma_start3A_24 = arith.constant 0 : i32
      %dma_start3A_25 = tpu.memref_slice %arg5[%mul3A_16, %dma_start3A_24] : memref<10240x16xf32, #tpu.memory_space<vmem_shared>> -> memref<640x16xf32, #tpu.memory_space<vmem_shared>>
      tpu.enqueue_dma source(%dma_start3A_25 : memref<640x16xf32, #tpu.memory_space<vmem_shared>>) target(%dma_start3A_23 : memref<640x16xf32, #tpu.memory_space<hbm>>) target_semaphore(%run_scoped3A : memref<!tpu.dma_semaphore, #tpu.memory_space<semaphore_mem>>)
      %dma_wait3A = arith.constant 0 : i32
      %dma_wait3A_26 = arith.constant 0 : i32
      %dma_wait3A_27 = tpu.memref_slice %arg4[%arg0, %dma_wait3A, %dma_wait3A_26] : memref<2x10240x16xf32, #tpu.memory_space<hbm>> -> memref<1x10240x16xf32, #tpu.memory_space<hbm>>
      %dma_wait3A_28 = tpu.memref_squeeze %dma_wait3A_27 : memref<1x10240x16xf32, #tpu.memory_space<hbm>> -> memref<10240x16xf32, #tpu.memory_space<hbm>>
      %dma_wait3A_29 = arith.constant 0 : i32
      %dma_wait3A_30 = tpu.memref_slice %dma_wait3A_28[%mul3A_18, %dma_wait3A_29] : memref<10240x16xf32, #tpu.memory_space<hbm>> -> memref<640x16xf32, #tpu.memory_space<hbm>>
      %dma_wait3A_31 = arith.constant 0 : i32
      %dma_wait3A_32 = tpu.memref_slice %arg5[%mul3A_16, %dma_wait3A_31] : memref<10240x16xf32, #tpu.memory_space<vmem_shared>> -> memref<640x16xf32, #tpu.memory_space<vmem_shared>>
      tpu.wait_dma2 semaphore(%run_scoped3A : memref<!tpu.dma_semaphore, #tpu.memory_space<semaphore_mem>>) src(%dma_wait3A_32 : memref<640x16xf32, #tpu.memory_space<vmem_shared>>) dst(%dma_wait3A_30 : memref<640x16xf32, #tpu.memory_space<hbm>>)
      tpu.yield
    }) : () -> ()
    return
  }
}

#map = affine_map<(d0, d1) -> (0, 0)>
#map1 = affine_map<(d0, d1) -> (0, 0, 0)>
#map2 = affine_map<(d0, d1) -> (0, 0, 0, 0)>
module attributes {stable_mosaic.version = 14 : i64} {
  func.func @_sc_gather(%arg0: i32, %arg1: i32, %arg2: memref<10240x16xf32, #tpu.memory_space<hbm>>, %arg3: memref<25x50x128xi32, #tpu.memory_space<hbm>>, %arg4: memref<25x50x128x16xf32, #tpu.memory_space<hbm>>, %arg5: memref<10240x16xf32, #tpu.memory_space<vmem_shared>>, %arg6: memref<50x128xi32, #tpu.memory_space<vmem>>, %arg7: memref<2x5x128x16xf32, #tpu.memory_space<vmem>>, %arg8: memref<!tpu.dma_semaphore, #tpu.memory_space<semaphore_mem>>, %arg9: memref<!tpu.dma_semaphore, #tpu.memory_space<semaphore_mem>>) attributes {dimension_semantics = [#tpu.dimension_semantics<core_parallel>, #tpu.dimension_semantics<subcore_parallel>], iteration_bounds = array<i64: 2, 16>, scalar_prefetch = 0 : i64, scratch_operands = 5 : i64, tpu.core_type = #tpu.core_type<sc_vector_subcore>, window_params = [{transform_indices = #map}, {transform_indices = #map1}, {transform_indices = #map2}]} {
    %mul3A = arith.constant 16 : i32
    %mul3A_0 = arith.muli %arg0, %mul3A : i32
    %add3A = arith.addi %mul3A_0, %arg1 : i32
    %mul3A_1 = arith.constant 640 : i32
    %mul3A_2 = arith.muli %arg1, %mul3A_1 : i32
    %mul3A_3 = arith.constant 640 : i32
    %mul3A_4 = arith.muli %arg1, %mul3A_3 : i32
    "tpu.region"() ({
      %run_scoped3A = tpu.sem_alloc : memref<!tpu.dma_semaphore, #tpu.memory_space<semaphore_mem>>
      %dma_start3A = arith.constant 0 : i32
      %dma_start3A_7 = tpu.memref_slice %arg5[%mul3A_4, %dma_start3A] : memref<10240x16xf32, #tpu.memory_space<vmem_shared>> -> memref<640x16xf32, #tpu.memory_space<vmem_shared>>
      %dma_start3A_8 = arith.constant 0 : i32
      %dma_start3A_9 = tpu.memref_slice %arg2[%mul3A_2, %dma_start3A_8] : memref<10240x16xf32, #tpu.memory_space<hbm>> -> memref<640x16xf32, #tpu.memory_space<hbm>>
      tpu.enqueue_dma source(%dma_start3A_9 : memref<640x16xf32, #tpu.memory_space<hbm>>) target(%dma_start3A_7 : memref<640x16xf32, #tpu.memory_space<vmem_shared>>) target_semaphore(%run_scoped3A : memref<!tpu.dma_semaphore, #tpu.memory_space<semaphore_mem>>)
      %dma_wait3A = arith.constant 0 : i32
      %dma_wait3A_10 = tpu.memref_slice %arg5[%mul3A_4, %dma_wait3A] : memref<10240x16xf32, #tpu.memory_space<vmem_shared>> -> memref<640x16xf32, #tpu.memory_space<vmem_shared>>
      %dma_wait3A_11 = arith.constant 0 : i32
      %dma_wait3A_12 = tpu.memref_slice %arg2[%mul3A_2, %dma_wait3A_11] : memref<10240x16xf32, #tpu.memory_space<hbm>> -> memref<640x16xf32, #tpu.memory_space<hbm>>
      tpu.wait_dma2 semaphore(%run_scoped3A : memref<!tpu.dma_semaphore, #tpu.memory_space<semaphore_mem>>) src(%dma_wait3A_12 : memref<640x16xf32, #tpu.memory_space<hbm>>) dst(%dma_wait3A_10 : memref<640x16xf32, #tpu.memory_space<vmem_shared>>)
      tpu.yield
    }) : () -> ()
    %barrier3A = arith.constant 0 : index
    tpu.barrier barrier_id(%barrier3A)
    %lt3A = arith.constant 25 : i32
    %lt3A_5 = arith.cmpi slt, %add3A, %lt3A : i32
    %convert_element_type3A = arith.extui %lt3A_5 : i1 to i32
    %cond3A = arith.constant 0 : i32
    %cond3A_6 = arith.cmpi ne, %convert_element_type3A, %cond3A : i32
    scf.if %cond3A_6 {
      "tpu.region"() ({
        %run_scoped3A = tpu.sem_alloc : memref<!tpu.dma_semaphore, #tpu.memory_space<semaphore_mem>>
        %dma_start3A = arith.constant 0 : i32
        %dma_start3A_12 = arith.constant 0 : i32
        %dma_start3A_13 = tpu.memref_slice %arg3[%add3A, %dma_start3A, %dma_start3A_12] : memref<25x50x128xi32, #tpu.memory_space<hbm>> -> memref<1x50x128xi32, #tpu.memory_space<hbm>>
        %dma_start3A_14 = tpu.memref_squeeze %dma_start3A_13 : memref<1x50x128xi32, #tpu.memory_space<hbm>> -> memref<50x128xi32, #tpu.memory_space<hbm>>
        %dma_start3A_15 = arith.constant 0 : i32
        %dma_start3A_16 = arith.constant 0 : i32
        %dma_start3A_17 = tpu.memref_slice %arg3[%add3A, %dma_start3A_15, %dma_start3A_16] : memref<25x50x128xi32, #tpu.memory_space<hbm>> -> memref<1x50x128xi32, #tpu.memory_space<hbm>>
        %dma_start3A_18 = tpu.memref_squeeze %dma_start3A_17 : memref<1x50x128xi32, #tpu.memory_space<hbm>> -> memref<50x128xi32, #tpu.memory_space<hbm>>
        tpu.enqueue_dma source(%dma_start3A_18 : memref<50x128xi32, #tpu.memory_space<hbm>>) target(%arg6 : memref<50x128xi32, #tpu.memory_space<vmem>>) target_semaphore(%run_scoped3A : memref<!tpu.dma_semaphore, #tpu.memory_space<semaphore_mem>>)
        %dma_wait3A = arith.constant 0 : i32
        %dma_wait3A_19 = arith.constant 0 : i32
        %dma_wait3A_20 = tpu.memref_slice %arg3[%add3A, %dma_wait3A, %dma_wait3A_19] : memref<25x50x128xi32, #tpu.memory_space<hbm>> -> memref<1x50x128xi32, #tpu.memory_space<hbm>>
        %dma_wait3A_21 = tpu.memref_squeeze %dma_wait3A_20 : memref<1x50x128xi32, #tpu.memory_space<hbm>> -> memref<50x128xi32, #tpu.memory_space<hbm>>
        %dma_wait3A_22 = arith.constant 0 : i32
        %dma_wait3A_23 = arith.constant 0 : i32
        %dma_wait3A_24 = tpu.memref_slice %arg3[%add3A, %dma_wait3A_22, %dma_wait3A_23] : memref<25x50x128xi32, #tpu.memory_space<hbm>> -> memref<1x50x128xi32, #tpu.memory_space<hbm>>
        %dma_wait3A_25 = tpu.memref_squeeze %dma_wait3A_24 : memref<1x50x128xi32, #tpu.memory_space<hbm>> -> memref<50x128xi32, #tpu.memory_space<hbm>>
        tpu.wait_dma2 semaphore(%run_scoped3A : memref<!tpu.dma_semaphore, #tpu.memory_space<semaphore_mem>>) src(%dma_wait3A_25 : memref<50x128xi32, #tpu.memory_space<hbm>>) dst(%arg6 : memref<50x128xi32, #tpu.memory_space<vmem>>)
        tpu.yield
      }) : () -> ()
      %scan3A = arith.constant 0 : i32
      %scan3A_7 = arith.constant 0 : i32
      %scan3A_8 = arith.constant 11 : i32
      %scan3A_9 = arith.addi %scan3A_7, %scan3A_8 : i32
      %scan3A_10 = arith.constant 1 : i32
      scf.for %scan3A_12 = %scan3A_7 to %scan3A_9 step %scan3A_10  : i32 {
        %lt3A_13 = arith.constant 10 : i32
        %lt3A_14 = arith.cmpi slt, %scan3A_12, %lt3A_13 : i32
        %convert_element_type3A_15 = arith.extui %lt3A_14 : i1 to i32
        %cond3A_16 = arith.constant 0 : i32
        %cond3A_17 = arith.cmpi ne, %convert_element_type3A_15, %cond3A_16 : i32
        scf.if %cond3A_17 {
          %mul3A_22 = arith.constant 5 : i32
          %mul3A_23 = arith.muli %scan3A_12, %mul3A_22 : i32
          %add3A_24 = arith.constant 0 : i32
          %add3A_25 = arith.addi %mul3A_23, %add3A_24 : i32
          %jit3A = arith.constant 2 : i32
          %eq3A = arith.constant 0 : i32
          %eq3A_26 = arith.cmpi eq, %jit3A, %eq3A : i32
          %jit3A_27 = arith.constant 1 : i32
          %select_n3A = arith.select %eq3A_26, %jit3A_27, %jit3A : i32
          %rem3A = arith.remsi %scan3A_12, %select_n3A : i32
          %ne3A = arith.constant 0 : i32
          %ne3A_28 = arith.cmpi ne, %rem3A, %ne3A : i32
          %lt3A_29 = arith.constant 0 : i32
          %lt3A_30 = arith.cmpi slt, %rem3A, %lt3A_29 : i32
          %lt3A_31 = arith.constant 0 : i32
          %lt3A_32 = arith.cmpi slt, %select_n3A, %lt3A_31 : i32
          %ne3A_33 = arith.xori %lt3A_30, %lt3A_32 : i1
          %and3A = arith.andi %ne3A_33, %ne3A_28 : i1
          %add3A_34 = arith.addi %rem3A, %select_n3A : i32
          %select_n3A_35 = arith.select %and3A, %add3A_34, %rem3A : i32
          %dma_start3A = arith.constant 0 : i32
          %dma_start3A_36 = arith.constant 0 : i32
          %dma_start3A_37 = arith.constant 0 : i32
          %dma_start3A_38 = arith.constant 0 : i32
          %dma_start3A_39 = tpu.memref_slice %arg7[%select_n3A_35, %dma_start3A_36, %dma_start3A_37, %dma_start3A_38] : memref<2x5x128x16xf32, #tpu.memory_space<vmem>> -> memref<1x5x128x16xf32, #tpu.memory_space<vmem>>
          %dma_start3A_40 = tpu.memref_squeeze %dma_start3A_39 : memref<1x5x128x16xf32, #tpu.memory_space<vmem>> -> memref<5x128x16xf32, #tpu.memory_space<vmem>>
          %dma_start3A_41 = arith.constant 0 : i32
          %dma_start3A_42 = arith.constant 0 : i32
          %dma_start3A_43 = tpu.memref_slice %dma_start3A_40[%dma_start3A, %dma_start3A_41, %dma_start3A_42] : memref<5x128x16xf32, #tpu.memory_space<vmem>> -> memref<1x128x16xf32, #tpu.memory_space<vmem>>
          %dma_start3A_44 = tpu.memref_squeeze %dma_start3A_43 : memref<1x128x16xf32, #tpu.memory_space<vmem>> -> memref<128x16xf32, #tpu.memory_space<vmem>>
          %dma_start3A_45 = arith.constant 0 : i32
          %dma_start3A_46 = tpu.memref_slice %arg6[%add3A_25, %dma_start3A_45] : memref<50x128xi32, #tpu.memory_space<vmem>> -> memref<1x128xi32, #tpu.memory_space<vmem>>
          %dma_start3A_47 = tpu.memref_squeeze %dma_start3A_46 : memref<1x128xi32, #tpu.memory_space<vmem>> -> memref<128xi32, #tpu.memory_space<vmem>>
          %dma_start3A_48 = arith.constant 0 : i32
          %dma_start3A_49 = arith.constant 0 : i32
          %dma_start3A_50 = tpu.memref_slice %arg5[%dma_start3A_48, %dma_start3A_49] : memref<10240x16xf32, #tpu.memory_space<vmem_shared>> -> memref<10240x16xf32, #tpu.memory_space<vmem_shared>>
          tpu.enqueue_indirect_dma source(%dma_start3A_50 : memref<10240x16xf32, #tpu.memory_space<vmem_shared>>) target(%dma_start3A_44 : memref<128x16xf32, #tpu.memory_space<vmem>>) offsets(%dma_start3A_47 : memref<128xi32, #tpu.memory_space<vmem>>) semaphore(%arg8 : memref<!tpu.dma_semaphore, #tpu.memory_space<semaphore_mem>>)
          %mul3A_51 = arith.constant 5 : i32
          %mul3A_52 = arith.muli %scan3A_12, %mul3A_51 : i32
          %add3A_53 = arith.constant 1 : i32
          %add3A_54 = arith.addi %mul3A_52, %add3A_53 : i32
          %jit3A_55 = arith.constant 2 : i32
          %eq3A_56 = arith.constant 0 : i32
          %eq3A_57 = arith.cmpi eq, %jit3A_55, %eq3A_56 : i32
          %jit3A_58 = arith.constant 1 : i32
          %select_n3A_59 = arith.select %eq3A_57, %jit3A_58, %jit3A_55 : i32
          %rem3A_60 = arith.remsi %scan3A_12, %select_n3A_59 : i32
          %ne3A_61 = arith.constant 0 : i32
          %ne3A_62 = arith.cmpi ne, %rem3A_60, %ne3A_61 : i32
          %lt3A_63 = arith.constant 0 : i32
          %lt3A_64 = arith.cmpi slt, %rem3A_60, %lt3A_63 : i32
          %lt3A_65 = arith.constant 0 : i32
          %lt3A_66 = arith.cmpi slt, %select_n3A_59, %lt3A_65 : i32
          %ne3A_67 = arith.xori %lt3A_64, %lt3A_66 : i1
          %and3A_68 = arith.andi %ne3A_67, %ne3A_62 : i1
          %add3A_69 = arith.addi %rem3A_60, %select_n3A_59 : i32
          %select_n3A_70 = arith.select %and3A_68, %add3A_69, %rem3A_60 : i32
          %dma_start3A_71 = arith.constant 1 : i32
          %dma_start3A_72 = arith.constant 0 : i32
          %dma_start3A_73 = arith.constant 0 : i32
          %dma_start3A_74 = arith.constant 0 : i32
          %dma_start3A_75 = tpu.memref_slice %arg7[%select_n3A_70, %dma_start3A_72, %dma_start3A_73, %dma_start3A_74] : memref<2x5x128x16xf32, #tpu.memory_space<vmem>> -> memref<1x5x128x16xf32, #tpu.memory_space<vmem>>
          %dma_start3A_76 = tpu.memref_squeeze %dma_start3A_75 : memref<1x5x128x16xf32, #tpu.memory_space<vmem>> -> memref<5x128x16xf32, #tpu.memory_space<vmem>>
          %dma_start3A_77 = arith.constant 0 : i32
          %dma_start3A_78 = arith.constant 0 : i32
          %dma_start3A_79 = tpu.memref_slice %dma_start3A_76[%dma_start3A_71, %dma_start3A_77, %dma_start3A_78] : memref<5x128x16xf32, #tpu.memory_space<vmem>> -> memref<1x128x16xf32, #tpu.memory_space<vmem>>
          %dma_start3A_80 = tpu.memref_squeeze %dma_start3A_79 : memref<1x128x16xf32, #tpu.memory_space<vmem>> -> memref<128x16xf32, #tpu.memory_space<vmem>>
          %dma_start3A_81 = arith.constant 0 : i32
          %dma_start3A_82 = tpu.memref_slice %arg6[%add3A_54, %dma_start3A_81] : memref<50x128xi32, #tpu.memory_space<vmem>> -> memref<1x128xi32, #tpu.memory_space<vmem>>
          %dma_start3A_83 = tpu.memref_squeeze %dma_start3A_82 : memref<1x128xi32, #tpu.memory_space<vmem>> -> memref<128xi32, #tpu.memory_space<vmem>>
          %dma_start3A_84 = arith.constant 0 : i32
          %dma_start3A_85 = arith.constant 0 : i32
          %dma_start3A_86 = tpu.memref_slice %arg5[%dma_start3A_84, %dma_start3A_85] : memref<10240x16xf32, #tpu.memory_space<vmem_shared>> -> memref<10240x16xf32, #tpu.memory_space<vmem_shared>>
          tpu.enqueue_indirect_dma source(%dma_start3A_86 : memref<10240x16xf32, #tpu.memory_space<vmem_shared>>) target(%dma_start3A_80 : memref<128x16xf32, #tpu.memory_space<vmem>>) offsets(%dma_start3A_83 : memref<128xi32, #tpu.memory_space<vmem>>) semaphore(%arg8 : memref<!tpu.dma_semaphore, #tpu.memory_space<semaphore_mem>>)
          %mul3A_87 = arith.constant 5 : i32
          %mul3A_88 = arith.muli %scan3A_12, %mul3A_87 : i32
          %add3A_89 = arith.constant 2 : i32
          %add3A_90 = arith.addi %mul3A_88, %add3A_89 : i32
          %jit3A_91 = arith.constant 2 : i32
          %eq3A_92 = arith.constant 0 : i32
          %eq3A_93 = arith.cmpi eq, %jit3A_91, %eq3A_92 : i32
          %jit3A_94 = arith.constant 1 : i32
          %select_n3A_95 = arith.select %eq3A_93, %jit3A_94, %jit3A_91 : i32
          %rem3A_96 = arith.remsi %scan3A_12, %select_n3A_95 : i32
          %ne3A_97 = arith.constant 0 : i32
          %ne3A_98 = arith.cmpi ne, %rem3A_96, %ne3A_97 : i32
          %lt3A_99 = arith.constant 0 : i32
          %lt3A_100 = arith.cmpi slt, %rem3A_96, %lt3A_99 : i32
          %lt3A_101 = arith.constant 0 : i32
          %lt3A_102 = arith.cmpi slt, %select_n3A_95, %lt3A_101 : i32
          %ne3A_103 = arith.xori %lt3A_100, %lt3A_102 : i1
          %and3A_104 = arith.andi %ne3A_103, %ne3A_98 : i1
          %add3A_105 = arith.addi %rem3A_96, %select_n3A_95 : i32
          %select_n3A_106 = arith.select %and3A_104, %add3A_105, %rem3A_96 : i32
          %dma_start3A_107 = arith.constant 2 : i32
          %dma_start3A_108 = arith.constant 0 : i32
          %dma_start3A_109 = arith.constant 0 : i32
          %dma_start3A_110 = arith.constant 0 : i32
          %dma_start3A_111 = tpu.memref_slice %arg7[%select_n3A_106, %dma_start3A_108, %dma_start3A_109, %dma_start3A_110] : memref<2x5x128x16xf32, #tpu.memory_space<vmem>> -> memref<1x5x128x16xf32, #tpu.memory_space<vmem>>
          %dma_start3A_112 = tpu.memref_squeeze %dma_start3A_111 : memref<1x5x128x16xf32, #tpu.memory_space<vmem>> -> memref<5x128x16xf32, #tpu.memory_space<vmem>>
          %dma_start3A_113 = arith.constant 0 : i32
          %dma_start3A_114 = arith.constant 0 : i32
          %dma_start3A_115 = tpu.memref_slice %dma_start3A_112[%dma_start3A_107, %dma_start3A_113, %dma_start3A_114] : memref<5x128x16xf32, #tpu.memory_space<vmem>> -> memref<1x128x16xf32, #tpu.memory_space<vmem>>
          %dma_start3A_116 = tpu.memref_squeeze %dma_start3A_115 : memref<1x128x16xf32, #tpu.memory_space<vmem>> -> memref<128x16xf32, #tpu.memory_space<vmem>>
          %dma_start3A_117 = arith.constant 0 : i32
          %dma_start3A_118 = tpu.memref_slice %arg6[%add3A_90, %dma_start3A_117] : memref<50x128xi32, #tpu.memory_space<vmem>> -> memref<1x128xi32, #tpu.memory_space<vmem>>
          %dma_start3A_119 = tpu.memref_squeeze %dma_start3A_118 : memref<1x128xi32, #tpu.memory_space<vmem>> -> memref<128xi32, #tpu.memory_space<vmem>>
          %dma_start3A_120 = arith.constant 0 : i32
          %dma_start3A_121 = arith.constant 0 : i32
          %dma_start3A_122 = tpu.memref_slice %arg5[%dma_start3A_120, %dma_start3A_121] : memref<10240x16xf32, #tpu.memory_space<vmem_shared>> -> memref<10240x16xf32, #tpu.memory_space<vmem_shared>>
          tpu.enqueue_indirect_dma source(%dma_start3A_122 : memref<10240x16xf32, #tpu.memory_space<vmem_shared>>) target(%dma_start3A_116 : memref<128x16xf32, #tpu.memory_space<vmem>>) offsets(%dma_start3A_119 : memref<128xi32, #tpu.memory_space<vmem>>) semaphore(%arg8 : memref<!tpu.dma_semaphore, #tpu.memory_space<semaphore_mem>>)
          %mul3A_123 = arith.constant 5 : i32
          %mul3A_124 = arith.muli %scan3A_12, %mul3A_123 : i32
          %add3A_125 = arith.constant 3 : i32
          %add3A_126 = arith.addi %mul3A_124, %add3A_125 : i32
          %jit3A_127 = arith.constant 2 : i32
          %eq3A_128 = arith.constant 0 : i32
          %eq3A_129 = arith.cmpi eq, %jit3A_127, %eq3A_128 : i32
          %jit3A_130 = arith.constant 1 : i32
          %select_n3A_131 = arith.select %eq3A_129, %jit3A_130, %jit3A_127 : i32
          %rem3A_132 = arith.remsi %scan3A_12, %select_n3A_131 : i32
          %ne3A_133 = arith.constant 0 : i32
          %ne3A_134 = arith.cmpi ne, %rem3A_132, %ne3A_133 : i32
          %lt3A_135 = arith.constant 0 : i32
          %lt3A_136 = arith.cmpi slt, %rem3A_132, %lt3A_135 : i32
          %lt3A_137 = arith.constant 0 : i32
          %lt3A_138 = arith.cmpi slt, %select_n3A_131, %lt3A_137 : i32
          %ne3A_139 = arith.xori %lt3A_136, %lt3A_138 : i1
          %and3A_140 = arith.andi %ne3A_139, %ne3A_134 : i1
          %add3A_141 = arith.addi %rem3A_132, %select_n3A_131 : i32
          %select_n3A_142 = arith.select %and3A_140, %add3A_141, %rem3A_132 : i32
          %dma_start3A_143 = arith.constant 3 : i32
          %dma_start3A_144 = arith.constant 0 : i32
          %dma_start3A_145 = arith.constant 0 : i32
          %dma_start3A_146 = arith.constant 0 : i32
          %dma_start3A_147 = tpu.memref_slice %arg7[%select_n3A_142, %dma_start3A_144, %dma_start3A_145, %dma_start3A_146] : memref<2x5x128x16xf32, #tpu.memory_space<vmem>> -> memref<1x5x128x16xf32, #tpu.memory_space<vmem>>
          %dma_start3A_148 = tpu.memref_squeeze %dma_start3A_147 : memref<1x5x128x16xf32, #tpu.memory_space<vmem>> -> memref<5x128x16xf32, #tpu.memory_space<vmem>>
          %dma_start3A_149 = arith.constant 0 : i32
          %dma_start3A_150 = arith.constant 0 : i32
          %dma_start3A_151 = tpu.memref_slice %dma_start3A_148[%dma_start3A_143, %dma_start3A_149, %dma_start3A_150] : memref<5x128x16xf32, #tpu.memory_space<vmem>> -> memref<1x128x16xf32, #tpu.memory_space<vmem>>
          %dma_start3A_152 = tpu.memref_squeeze %dma_start3A_151 : memref<1x128x16xf32, #tpu.memory_space<vmem>> -> memref<128x16xf32, #tpu.memory_space<vmem>>
          %dma_start3A_153 = arith.constant 0 : i32
          %dma_start3A_154 = tpu.memref_slice %arg6[%add3A_126, %dma_start3A_153] : memref<50x128xi32, #tpu.memory_space<vmem>> -> memref<1x128xi32, #tpu.memory_space<vmem>>
          %dma_start3A_155 = tpu.memref_squeeze %dma_start3A_154 : memref<1x128xi32, #tpu.memory_space<vmem>> -> memref<128xi32, #tpu.memory_space<vmem>>
          %dma_start3A_156 = arith.constant 0 : i32
          %dma_start3A_157 = arith.constant 0 : i32
          %dma_start3A_158 = tpu.memref_slice %arg5[%dma_start3A_156, %dma_start3A_157] : memref<10240x16xf32, #tpu.memory_space<vmem_shared>> -> memref<10240x16xf32, #tpu.memory_space<vmem_shared>>
          tpu.enqueue_indirect_dma source(%dma_start3A_158 : memref<10240x16xf32, #tpu.memory_space<vmem_shared>>) target(%dma_start3A_152 : memref<128x16xf32, #tpu.memory_space<vmem>>) offsets(%dma_start3A_155 : memref<128xi32, #tpu.memory_space<vmem>>) semaphore(%arg8 : memref<!tpu.dma_semaphore, #tpu.memory_space<semaphore_mem>>)
          %mul3A_159 = arith.constant 5 : i32
          %mul3A_160 = arith.muli %scan3A_12, %mul3A_159 : i32
          %add3A_161 = arith.constant 4 : i32
          %add3A_162 = arith.addi %mul3A_160, %add3A_161 : i32
          %jit3A_163 = arith.constant 2 : i32
          %eq3A_164 = arith.constant 0 : i32
          %eq3A_165 = arith.cmpi eq, %jit3A_163, %eq3A_164 : i32
          %jit3A_166 = arith.constant 1 : i32
          %select_n3A_167 = arith.select %eq3A_165, %jit3A_166, %jit3A_163 : i32
          %rem3A_168 = arith.remsi %scan3A_12, %select_n3A_167 : i32
          %ne3A_169 = arith.constant 0 : i32
          %ne3A_170 = arith.cmpi ne, %rem3A_168, %ne3A_169 : i32
          %lt3A_171 = arith.constant 0 : i32
          %lt3A_172 = arith.cmpi slt, %rem3A_168, %lt3A_171 : i32
          %lt3A_173 = arith.constant 0 : i32
          %lt3A_174 = arith.cmpi slt, %select_n3A_167, %lt3A_173 : i32
          %ne3A_175 = arith.xori %lt3A_172, %lt3A_174 : i1
          %and3A_176 = arith.andi %ne3A_175, %ne3A_170 : i1
          %add3A_177 = arith.addi %rem3A_168, %select_n3A_167 : i32
          %select_n3A_178 = arith.select %and3A_176, %add3A_177, %rem3A_168 : i32
          %dma_start3A_179 = arith.constant 4 : i32
          %dma_start3A_180 = arith.constant 0 : i32
          %dma_start3A_181 = arith.constant 0 : i32
          %dma_start3A_182 = arith.constant 0 : i32
          %dma_start3A_183 = tpu.memref_slice %arg7[%select_n3A_178, %dma_start3A_180, %dma_start3A_181, %dma_start3A_182] : memref<2x5x128x16xf32, #tpu.memory_space<vmem>> -> memref<1x5x128x16xf32, #tpu.memory_space<vmem>>
          %dma_start3A_184 = tpu.memref_squeeze %dma_start3A_183 : memref<1x5x128x16xf32, #tpu.memory_space<vmem>> -> memref<5x128x16xf32, #tpu.memory_space<vmem>>
          %dma_start3A_185 = arith.constant 0 : i32
          %dma_start3A_186 = arith.constant 0 : i32
          %dma_start3A_187 = tpu.memref_slice %dma_start3A_184[%dma_start3A_179, %dma_start3A_185, %dma_start3A_186] : memref<5x128x16xf32, #tpu.memory_space<vmem>> -> memref<1x128x16xf32, #tpu.memory_space<vmem>>
          %dma_start3A_188 = tpu.memref_squeeze %dma_start3A_187 : memref<1x128x16xf32, #tpu.memory_space<vmem>> -> memref<128x16xf32, #tpu.memory_space<vmem>>
          %dma_start3A_189 = arith.constant 0 : i32
          %dma_start3A_190 = tpu.memref_slice %arg6[%add3A_162, %dma_start3A_189] : memref<50x128xi32, #tpu.memory_space<vmem>> -> memref<1x128xi32, #tpu.memory_space<vmem>>
          %dma_start3A_191 = tpu.memref_squeeze %dma_start3A_190 : memref<1x128xi32, #tpu.memory_space<vmem>> -> memref<128xi32, #tpu.memory_space<vmem>>
          %dma_start3A_192 = arith.constant 0 : i32
          %dma_start3A_193 = arith.constant 0 : i32
          %dma_start3A_194 = tpu.memref_slice %arg5[%dma_start3A_192, %dma_start3A_193] : memref<10240x16xf32, #tpu.memory_space<vmem_shared>> -> memref<10240x16xf32, #tpu.memory_space<vmem_shared>>
          tpu.enqueue_indirect_dma source(%dma_start3A_194 : memref<10240x16xf32, #tpu.memory_space<vmem_shared>>) target(%dma_start3A_188 : memref<128x16xf32, #tpu.memory_space<vmem>>) offsets(%dma_start3A_191 : memref<128xi32, #tpu.memory_space<vmem>>) semaphore(%arg8 : memref<!tpu.dma_semaphore, #tpu.memory_space<semaphore_mem>>)
        } else {
        }
        %gt3A = arith.constant 0 : i32
        %gt3A_18 = arith.cmpi sgt, %scan3A_12, %gt3A : i32
        %convert_element_type3A_19 = arith.extui %gt3A_18 : i1 to i32
        %cond3A_20 = arith.constant 0 : i32
        %cond3A_21 = arith.cmpi ne, %convert_element_type3A_19, %cond3A_20 : i32
        scf.if %cond3A_21 {
          %sub3A = arith.constant 1 : i32
          %sub3A_22 = arith.subi %scan3A_12, %sub3A : i32
          %mul3A_23 = arith.constant 5 : i32
          %mul3A_24 = arith.muli %sub3A_22, %mul3A_23 : i32
          %add3A_25 = arith.constant 0 : i32
          %add3A_26 = arith.addi %mul3A_24, %add3A_25 : i32
          %jit3A = arith.constant 2 : i32
          %eq3A = arith.constant 0 : i32
          %eq3A_27 = arith.cmpi eq, %jit3A, %eq3A : i32
          %jit3A_28 = arith.constant 1 : i32
          %select_n3A = arith.select %eq3A_27, %jit3A_28, %jit3A : i32
          %rem3A = arith.remsi %sub3A_22, %select_n3A : i32
          %ne3A = arith.constant 0 : i32
          %ne3A_29 = arith.cmpi ne, %rem3A, %ne3A : i32
          %lt3A_30 = arith.constant 0 : i32
          %lt3A_31 = arith.cmpi slt, %rem3A, %lt3A_30 : i32
          %lt3A_32 = arith.constant 0 : i32
          %lt3A_33 = arith.cmpi slt, %select_n3A, %lt3A_32 : i32
          %ne3A_34 = arith.xori %lt3A_31, %lt3A_33 : i1
          %and3A = arith.andi %ne3A_34, %ne3A_29 : i1
          %add3A_35 = arith.addi %rem3A, %select_n3A : i32
          %select_n3A_36 = arith.select %and3A, %add3A_35, %rem3A : i32
          %dma_wait3A = arith.constant 0 : i32
          %dma_wait3A_37 = arith.constant 0 : i32
          %dma_wait3A_38 = arith.constant 0 : i32
          %dma_wait3A_39 = arith.constant 0 : i32
          %dma_wait3A_40 = tpu.memref_slice %arg7[%select_n3A_36, %dma_wait3A_37, %dma_wait3A_38, %dma_wait3A_39] : memref<2x5x128x16xf32, #tpu.memory_space<vmem>> -> memref<1x5x128x16xf32, #tpu.memory_space<vmem>>
          %dma_wait3A_41 = tpu.memref_squeeze %dma_wait3A_40 : memref<1x5x128x16xf32, #tpu.memory_space<vmem>> -> memref<5x128x16xf32, #tpu.memory_space<vmem>>
          %dma_wait3A_42 = arith.constant 0 : i32
          %dma_wait3A_43 = arith.constant 0 : i32
          %dma_wait3A_44 = tpu.memref_slice %dma_wait3A_41[%dma_wait3A, %dma_wait3A_42, %dma_wait3A_43] : memref<5x128x16xf32, #tpu.memory_space<vmem>> -> memref<1x128x16xf32, #tpu.memory_space<vmem>>
          %dma_wait3A_45 = tpu.memref_squeeze %dma_wait3A_44 : memref<1x128x16xf32, #tpu.memory_space<vmem>> -> memref<128x16xf32, #tpu.memory_space<vmem>>
          %dma_wait3A_46 = arith.constant 0 : i32
          %dma_wait3A_47 = tpu.memref_slice %arg6[%add3A_26, %dma_wait3A_46] : memref<50x128xi32, #tpu.memory_space<vmem>> -> memref<1x128xi32, #tpu.memory_space<vmem>>
          %dma_wait3A_48 = tpu.memref_squeeze %dma_wait3A_47 : memref<1x128xi32, #tpu.memory_space<vmem>> -> memref<128xi32, #tpu.memory_space<vmem>>
          %dma_wait3A_49 = arith.constant 0 : i32
          %dma_wait3A_50 = arith.constant 0 : i32
          %dma_wait3A_51 = tpu.memref_slice %arg5[%dma_wait3A_49, %dma_wait3A_50] : memref<10240x16xf32, #tpu.memory_space<vmem_shared>> -> memref<10240x16xf32, #tpu.memory_space<vmem_shared>>
          tpu.wait_indirect_dma semaphore(%arg8 : memref<!tpu.dma_semaphore, #tpu.memory_space<semaphore_mem>>) src(%dma_wait3A_51 : memref<10240x16xf32, #tpu.memory_space<vmem_shared>>) dst(%dma_wait3A_45 : memref<128x16xf32, #tpu.memory_space<vmem>>)
          %mul3A_52 = arith.constant 5 : i32
          %mul3A_53 = arith.muli %sub3A_22, %mul3A_52 : i32
          %add3A_54 = arith.constant 1 : i32
          %add3A_55 = arith.addi %mul3A_53, %add3A_54 : i32
          %jit3A_56 = arith.constant 2 : i32
          %eq3A_57 = arith.constant 0 : i32
          %eq3A_58 = arith.cmpi eq, %jit3A_56, %eq3A_57 : i32
          %jit3A_59 = arith.constant 1 : i32
          %select_n3A_60 = arith.select %eq3A_58, %jit3A_59, %jit3A_56 : i32
          %rem3A_61 = arith.remsi %sub3A_22, %select_n3A_60 : i32
          %ne3A_62 = arith.constant 0 : i32
          %ne3A_63 = arith.cmpi ne, %rem3A_61, %ne3A_62 : i32
          %lt3A_64 = arith.constant 0 : i32
          %lt3A_65 = arith.cmpi slt, %rem3A_61, %lt3A_64 : i32
          %lt3A_66 = arith.constant 0 : i32
          %lt3A_67 = arith.cmpi slt, %select_n3A_60, %lt3A_66 : i32
          %ne3A_68 = arith.xori %lt3A_65, %lt3A_67 : i1
          %and3A_69 = arith.andi %ne3A_68, %ne3A_63 : i1
          %add3A_70 = arith.addi %rem3A_61, %select_n3A_60 : i32
          %select_n3A_71 = arith.select %and3A_69, %add3A_70, %rem3A_61 : i32
          %dma_wait3A_72 = arith.constant 1 : i32
          %dma_wait3A_73 = arith.constant 0 : i32
          %dma_wait3A_74 = arith.constant 0 : i32
          %dma_wait3A_75 = arith.constant 0 : i32
          %dma_wait3A_76 = tpu.memref_slice %arg7[%select_n3A_71, %dma_wait3A_73, %dma_wait3A_74, %dma_wait3A_75] : memref<2x5x128x16xf32, #tpu.memory_space<vmem>> -> memref<1x5x128x16xf32, #tpu.memory_space<vmem>>
          %dma_wait3A_77 = tpu.memref_squeeze %dma_wait3A_76 : memref<1x5x128x16xf32, #tpu.memory_space<vmem>> -> memref<5x128x16xf32, #tpu.memory_space<vmem>>
          %dma_wait3A_78 = arith.constant 0 : i32
          %dma_wait3A_79 = arith.constant 0 : i32
          %dma_wait3A_80 = tpu.memref_slice %dma_wait3A_77[%dma_wait3A_72, %dma_wait3A_78, %dma_wait3A_79] : memref<5x128x16xf32, #tpu.memory_space<vmem>> -> memref<1x128x16xf32, #tpu.memory_space<vmem>>
          %dma_wait3A_81 = tpu.memref_squeeze %dma_wait3A_80 : memref<1x128x16xf32, #tpu.memory_space<vmem>> -> memref<128x16xf32, #tpu.memory_space<vmem>>
          %dma_wait3A_82 = arith.constant 0 : i32
          %dma_wait3A_83 = tpu.memref_slice %arg6[%add3A_55, %dma_wait3A_82] : memref<50x128xi32, #tpu.memory_space<vmem>> -> memref<1x128xi32, #tpu.memory_space<vmem>>
          %dma_wait3A_84 = tpu.memref_squeeze %dma_wait3A_83 : memref<1x128xi32, #tpu.memory_space<vmem>> -> memref<128xi32, #tpu.memory_space<vmem>>
          %dma_wait3A_85 = arith.constant 0 : i32
          %dma_wait3A_86 = arith.constant 0 : i32
          %dma_wait3A_87 = tpu.memref_slice %arg5[%dma_wait3A_85, %dma_wait3A_86] : memref<10240x16xf32, #tpu.memory_space<vmem_shared>> -> memref<10240x16xf32, #tpu.memory_space<vmem_shared>>
          tpu.wait_indirect_dma semaphore(%arg8 : memref<!tpu.dma_semaphore, #tpu.memory_space<semaphore_mem>>) src(%dma_wait3A_87 : memref<10240x16xf32, #tpu.memory_space<vmem_shared>>) dst(%dma_wait3A_81 : memref<128x16xf32, #tpu.memory_space<vmem>>)
          %mul3A_88 = arith.constant 5 : i32
          %mul3A_89 = arith.muli %sub3A_22, %mul3A_88 : i32
          %add3A_90 = arith.constant 2 : i32
          %add3A_91 = arith.addi %mul3A_89, %add3A_90 : i32
          %jit3A_92 = arith.constant 2 : i32
          %eq3A_93 = arith.constant 0 : i32
          %eq3A_94 = arith.cmpi eq, %jit3A_92, %eq3A_93 : i32
          %jit3A_95 = arith.constant 1 : i32
          %select_n3A_96 = arith.select %eq3A_94, %jit3A_95, %jit3A_92 : i32
          %rem3A_97 = arith.remsi %sub3A_22, %select_n3A_96 : i32
          %ne3A_98 = arith.constant 0 : i32
          %ne3A_99 = arith.cmpi ne, %rem3A_97, %ne3A_98 : i32
          %lt3A_100 = arith.constant 0 : i32
          %lt3A_101 = arith.cmpi slt, %rem3A_97, %lt3A_100 : i32
          %lt3A_102 = arith.constant 0 : i32
          %lt3A_103 = arith.cmpi slt, %select_n3A_96, %lt3A_102 : i32
          %ne3A_104 = arith.xori %lt3A_101, %lt3A_103 : i1
          %and3A_105 = arith.andi %ne3A_104, %ne3A_99 : i1
          %add3A_106 = arith.addi %rem3A_97, %select_n3A_96 : i32
          %select_n3A_107 = arith.select %and3A_105, %add3A_106, %rem3A_97 : i32
          %dma_wait3A_108 = arith.constant 2 : i32
          %dma_wait3A_109 = arith.constant 0 : i32
          %dma_wait3A_110 = arith.constant 0 : i32
          %dma_wait3A_111 = arith.constant 0 : i32
          %dma_wait3A_112 = tpu.memref_slice %arg7[%select_n3A_107, %dma_wait3A_109, %dma_wait3A_110, %dma_wait3A_111] : memref<2x5x128x16xf32, #tpu.memory_space<vmem>> -> memref<1x5x128x16xf32, #tpu.memory_space<vmem>>
          %dma_wait3A_113 = tpu.memref_squeeze %dma_wait3A_112 : memref<1x5x128x16xf32, #tpu.memory_space<vmem>> -> memref<5x128x16xf32, #tpu.memory_space<vmem>>
          %dma_wait3A_114 = arith.constant 0 : i32
          %dma_wait3A_115 = arith.constant 0 : i32
          %dma_wait3A_116 = tpu.memref_slice %dma_wait3A_113[%dma_wait3A_108, %dma_wait3A_114, %dma_wait3A_115] : memref<5x128x16xf32, #tpu.memory_space<vmem>> -> memref<1x128x16xf32, #tpu.memory_space<vmem>>
          %dma_wait3A_117 = tpu.memref_squeeze %dma_wait3A_116 : memref<1x128x16xf32, #tpu.memory_space<vmem>> -> memref<128x16xf32, #tpu.memory_space<vmem>>
          %dma_wait3A_118 = arith.constant 0 : i32
          %dma_wait3A_119 = tpu.memref_slice %arg6[%add3A_91, %dma_wait3A_118] : memref<50x128xi32, #tpu.memory_space<vmem>> -> memref<1x128xi32, #tpu.memory_space<vmem>>
          %dma_wait3A_120 = tpu.memref_squeeze %dma_wait3A_119 : memref<1x128xi32, #tpu.memory_space<vmem>> -> memref<128xi32, #tpu.memory_space<vmem>>
          %dma_wait3A_121 = arith.constant 0 : i32
          %dma_wait3A_122 = arith.constant 0 : i32
          %dma_wait3A_123 = tpu.memref_slice %arg5[%dma_wait3A_121, %dma_wait3A_122] : memref<10240x16xf32, #tpu.memory_space<vmem_shared>> -> memref<10240x16xf32, #tpu.memory_space<vmem_shared>>
          tpu.wait_indirect_dma semaphore(%arg8 : memref<!tpu.dma_semaphore, #tpu.memory_space<semaphore_mem>>) src(%dma_wait3A_123 : memref<10240x16xf32, #tpu.memory_space<vmem_shared>>) dst(%dma_wait3A_117 : memref<128x16xf32, #tpu.memory_space<vmem>>)
          %mul3A_124 = arith.constant 5 : i32
          %mul3A_125 = arith.muli %sub3A_22, %mul3A_124 : i32
          %add3A_126 = arith.constant 3 : i32
          %add3A_127 = arith.addi %mul3A_125, %add3A_126 : i32
          %jit3A_128 = arith.constant 2 : i32
          %eq3A_129 = arith.constant 0 : i32
          %eq3A_130 = arith.cmpi eq, %jit3A_128, %eq3A_129 : i32
          %jit3A_131 = arith.constant 1 : i32
          %select_n3A_132 = arith.select %eq3A_130, %jit3A_131, %jit3A_128 : i32
          %rem3A_133 = arith.remsi %sub3A_22, %select_n3A_132 : i32
          %ne3A_134 = arith.constant 0 : i32
          %ne3A_135 = arith.cmpi ne, %rem3A_133, %ne3A_134 : i32
          %lt3A_136 = arith.constant 0 : i32
          %lt3A_137 = arith.cmpi slt, %rem3A_133, %lt3A_136 : i32
          %lt3A_138 = arith.constant 0 : i32
          %lt3A_139 = arith.cmpi slt, %select_n3A_132, %lt3A_138 : i32
          %ne3A_140 = arith.xori %lt3A_137, %lt3A_139 : i1
          %and3A_141 = arith.andi %ne3A_140, %ne3A_135 : i1
          %add3A_142 = arith.addi %rem3A_133, %select_n3A_132 : i32
          %select_n3A_143 = arith.select %and3A_141, %add3A_142, %rem3A_133 : i32
          %dma_wait3A_144 = arith.constant 3 : i32
          %dma_wait3A_145 = arith.constant 0 : i32
          %dma_wait3A_146 = arith.constant 0 : i32
          %dma_wait3A_147 = arith.constant 0 : i32
          %dma_wait3A_148 = tpu.memref_slice %arg7[%select_n3A_143, %dma_wait3A_145, %dma_wait3A_146, %dma_wait3A_147] : memref<2x5x128x16xf32, #tpu.memory_space<vmem>> -> memref<1x5x128x16xf32, #tpu.memory_space<vmem>>
          %dma_wait3A_149 = tpu.memref_squeeze %dma_wait3A_148 : memref<1x5x128x16xf32, #tpu.memory_space<vmem>> -> memref<5x128x16xf32, #tpu.memory_space<vmem>>
          %dma_wait3A_150 = arith.constant 0 : i32
          %dma_wait3A_151 = arith.constant 0 : i32
          %dma_wait3A_152 = tpu.memref_slice %dma_wait3A_149[%dma_wait3A_144, %dma_wait3A_150, %dma_wait3A_151] : memref<5x128x16xf32, #tpu.memory_space<vmem>> -> memref<1x128x16xf32, #tpu.memory_space<vmem>>
          %dma_wait3A_153 = tpu.memref_squeeze %dma_wait3A_152 : memref<1x128x16xf32, #tpu.memory_space<vmem>> -> memref<128x16xf32, #tpu.memory_space<vmem>>
          %dma_wait3A_154 = arith.constant 0 : i32
          %dma_wait3A_155 = tpu.memref_slice %arg6[%add3A_127, %dma_wait3A_154] : memref<50x128xi32, #tpu.memory_space<vmem>> -> memref<1x128xi32, #tpu.memory_space<vmem>>
          %dma_wait3A_156 = tpu.memref_squeeze %dma_wait3A_155 : memref<1x128xi32, #tpu.memory_space<vmem>> -> memref<128xi32, #tpu.memory_space<vmem>>
          %dma_wait3A_157 = arith.constant 0 : i32
          %dma_wait3A_158 = arith.constant 0 : i32
          %dma_wait3A_159 = tpu.memref_slice %arg5[%dma_wait3A_157, %dma_wait3A_158] : memref<10240x16xf32, #tpu.memory_space<vmem_shared>> -> memref<10240x16xf32, #tpu.memory_space<vmem_shared>>
          tpu.wait_indirect_dma semaphore(%arg8 : memref<!tpu.dma_semaphore, #tpu.memory_space<semaphore_mem>>) src(%dma_wait3A_159 : memref<10240x16xf32, #tpu.memory_space<vmem_shared>>) dst(%dma_wait3A_153 : memref<128x16xf32, #tpu.memory_space<vmem>>)
          %mul3A_160 = arith.constant 5 : i32
          %mul3A_161 = arith.muli %sub3A_22, %mul3A_160 : i32
          %add3A_162 = arith.constant 4 : i32
          %add3A_163 = arith.addi %mul3A_161, %add3A_162 : i32
          %jit3A_164 = arith.constant 2 : i32
          %eq3A_165 = arith.constant 0 : i32
          %eq3A_166 = arith.cmpi eq, %jit3A_164, %eq3A_165 : i32
          %jit3A_167 = arith.constant 1 : i32
          %select_n3A_168 = arith.select %eq3A_166, %jit3A_167, %jit3A_164 : i32
          %rem3A_169 = arith.remsi %sub3A_22, %select_n3A_168 : i32
          %ne3A_170 = arith.constant 0 : i32
          %ne3A_171 = arith.cmpi ne, %rem3A_169, %ne3A_170 : i32
          %lt3A_172 = arith.constant 0 : i32
          %lt3A_173 = arith.cmpi slt, %rem3A_169, %lt3A_172 : i32
          %lt3A_174 = arith.constant 0 : i32
          %lt3A_175 = arith.cmpi slt, %select_n3A_168, %lt3A_174 : i32
          %ne3A_176 = arith.xori %lt3A_173, %lt3A_175 : i1
          %and3A_177 = arith.andi %ne3A_176, %ne3A_171 : i1
          %add3A_178 = arith.addi %rem3A_169, %select_n3A_168 : i32
          %select_n3A_179 = arith.select %and3A_177, %add3A_178, %rem3A_169 : i32
          %dma_wait3A_180 = arith.constant 4 : i32
          %dma_wait3A_181 = arith.constant 0 : i32
          %dma_wait3A_182 = arith.constant 0 : i32
          %dma_wait3A_183 = arith.constant 0 : i32
          %dma_wait3A_184 = tpu.memref_slice %arg7[%select_n3A_179, %dma_wait3A_181, %dma_wait3A_182, %dma_wait3A_183] : memref<2x5x128x16xf32, #tpu.memory_space<vmem>> -> memref<1x5x128x16xf32, #tpu.memory_space<vmem>>
          %dma_wait3A_185 = tpu.memref_squeeze %dma_wait3A_184 : memref<1x5x128x16xf32, #tpu.memory_space<vmem>> -> memref<5x128x16xf32, #tpu.memory_space<vmem>>
          %dma_wait3A_186 = arith.constant 0 : i32
          %dma_wait3A_187 = arith.constant 0 : i32
          %dma_wait3A_188 = tpu.memref_slice %dma_wait3A_185[%dma_wait3A_180, %dma_wait3A_186, %dma_wait3A_187] : memref<5x128x16xf32, #tpu.memory_space<vmem>> -> memref<1x128x16xf32, #tpu.memory_space<vmem>>
          %dma_wait3A_189 = tpu.memref_squeeze %dma_wait3A_188 : memref<1x128x16xf32, #tpu.memory_space<vmem>> -> memref<128x16xf32, #tpu.memory_space<vmem>>
          %dma_wait3A_190 = arith.constant 0 : i32
          %dma_wait3A_191 = tpu.memref_slice %arg6[%add3A_163, %dma_wait3A_190] : memref<50x128xi32, #tpu.memory_space<vmem>> -> memref<1x128xi32, #tpu.memory_space<vmem>>
          %dma_wait3A_192 = tpu.memref_squeeze %dma_wait3A_191 : memref<1x128xi32, #tpu.memory_space<vmem>> -> memref<128xi32, #tpu.memory_space<vmem>>
          %dma_wait3A_193 = arith.constant 0 : i32
          %dma_wait3A_194 = arith.constant 0 : i32
          %dma_wait3A_195 = tpu.memref_slice %arg5[%dma_wait3A_193, %dma_wait3A_194] : memref<10240x16xf32, #tpu.memory_space<vmem_shared>> -> memref<10240x16xf32, #tpu.memory_space<vmem_shared>>
          tpu.wait_indirect_dma semaphore(%arg8 : memref<!tpu.dma_semaphore, #tpu.memory_space<semaphore_mem>>) src(%dma_wait3A_195 : memref<10240x16xf32, #tpu.memory_space<vmem_shared>>) dst(%dma_wait3A_189 : memref<128x16xf32, #tpu.memory_space<vmem>>)
          %jit3A_196 = arith.constant 2 : i32
          %eq3A_197 = arith.constant 0 : i32
          %eq3A_198 = arith.cmpi eq, %jit3A_196, %eq3A_197 : i32
          %jit3A_199 = arith.constant 1 : i32
          %select_n3A_200 = arith.select %eq3A_198, %jit3A_199, %jit3A_196 : i32
          %rem3A_201 = arith.remsi %sub3A_22, %select_n3A_200 : i32
          %ne3A_202 = arith.constant 0 : i32
          %ne3A_203 = arith.cmpi ne, %rem3A_201, %ne3A_202 : i32
          %lt3A_204 = arith.constant 0 : i32
          %lt3A_205 = arith.cmpi slt, %rem3A_201, %lt3A_204 : i32
          %lt3A_206 = arith.constant 0 : i32
          %lt3A_207 = arith.cmpi slt, %select_n3A_200, %lt3A_206 : i32
          %ne3A_208 = arith.xori %lt3A_205, %lt3A_207 : i1
          %and3A_209 = arith.andi %ne3A_208, %ne3A_203 : i1
          %add3A_210 = arith.addi %rem3A_201, %select_n3A_200 : i32
          %select_n3A_211 = arith.select %and3A_209, %add3A_210, %rem3A_201 : i32
          %mul3A_212 = arith.constant 5 : i32
          %mul3A_213 = arith.muli %sub3A_22, %mul3A_212 : i32
          %dma_start3A = arith.constant 0 : i32
          %dma_start3A_214 = arith.constant 0 : i32
          %dma_start3A_215 = arith.constant 0 : i32
          %dma_start3A_216 = tpu.memref_slice %arg7[%select_n3A_211, %dma_start3A, %dma_start3A_214, %dma_start3A_215] : memref<2x5x128x16xf32, #tpu.memory_space<vmem>> -> memref<1x5x128x16xf32, #tpu.memory_space<vmem>>
          %dma_start3A_217 = tpu.memref_squeeze %dma_start3A_216 : memref<1x5x128x16xf32, #tpu.memory_space<vmem>> -> memref<5x128x16xf32, #tpu.memory_space<vmem>>
          %dma_start3A_218 = arith.constant 0 : i32
          %dma_start3A_219 = arith.constant 0 : i32
          %dma_start3A_220 = arith.constant 0 : i32
          %dma_start3A_221 = tpu.memref_slice %arg4[%add3A, %dma_start3A_218, %dma_start3A_219, %dma_start3A_220] : memref<25x50x128x16xf32, #tpu.memory_space<hbm>> -> memref<1x50x128x16xf32, #tpu.memory_space<hbm>>
          %dma_start3A_222 = tpu.memref_squeeze %dma_start3A_221 : memref<1x50x128x16xf32, #tpu.memory_space<hbm>> -> memref<50x128x16xf32, #tpu.memory_space<hbm>>
          %dma_start3A_223 = arith.constant 0 : i32
          %dma_start3A_224 = arith.constant 0 : i32
          %dma_start3A_225 = tpu.memref_slice %dma_start3A_222[%mul3A_213, %dma_start3A_223, %dma_start3A_224] : memref<50x128x16xf32, #tpu.memory_space<hbm>> -> memref<5x128x16xf32, #tpu.memory_space<hbm>>
          %dma_start3A_226 = arith.constant 0 : i32
          %dma_start3A_227 = arith.constant 0 : i32
          %dma_start3A_228 = arith.constant 0 : i32
          %dma_start3A_229 = tpu.memref_slice %arg4[%add3A, %dma_start3A_226, %dma_start3A_227, %dma_start3A_228] : memref<25x50x128x16xf32, #tpu.memory_space<hbm>> -> memref<1x50x128x16xf32, #tpu.memory_space<hbm>>
          %dma_start3A_230 = tpu.memref_squeeze %dma_start3A_229 : memref<1x50x128x16xf32, #tpu.memory_space<hbm>> -> memref<50x128x16xf32, #tpu.memory_space<hbm>>
          %dma_start3A_231 = arith.constant 0 : i32
          %dma_start3A_232 = arith.constant 0 : i32
          %dma_start3A_233 = tpu.memref_slice %dma_start3A_230[%mul3A_213, %dma_start3A_231, %dma_start3A_232] : memref<50x128x16xf32, #tpu.memory_space<hbm>> -> memref<5x128x16xf32, #tpu.memory_space<hbm>>
          %dma_start3A_234 = arith.constant 0 : i32
          %dma_start3A_235 = arith.constant 0 : i32
          %dma_start3A_236 = arith.constant 0 : i32
          %dma_start3A_237 = tpu.memref_slice %arg7[%select_n3A_211, %dma_start3A_234, %dma_start3A_235, %dma_start3A_236] : memref<2x5x128x16xf32, #tpu.memory_space<vmem>> -> memref<1x5x128x16xf32, #tpu.memory_space<vmem>>
          %dma_start3A_238 = tpu.memref_squeeze %dma_start3A_237 : memref<1x5x128x16xf32, #tpu.memory_space<vmem>> -> memref<5x128x16xf32, #tpu.memory_space<vmem>>
          tpu.enqueue_dma source(%dma_start3A_238 : memref<5x128x16xf32, #tpu.memory_space<vmem>>) target(%dma_start3A_233 : memref<5x128x16xf32, #tpu.memory_space<hbm>>) target_semaphore(%arg9 : memref<!tpu.dma_semaphore, #tpu.memory_space<semaphore_mem>>)
          %dma_wait3A_239 = arith.constant 0 : i32
          %dma_wait3A_240 = arith.constant 0 : i32
          %dma_wait3A_241 = arith.constant 0 : i32
          %dma_wait3A_242 = tpu.memref_slice %arg7[%select_n3A_211, %dma_wait3A_239, %dma_wait3A_240, %dma_wait3A_241] : memref<2x5x128x16xf32, #tpu.memory_space<vmem>> -> memref<1x5x128x16xf32, #tpu.memory_space<vmem>>
          %dma_wait3A_243 = tpu.memref_squeeze %dma_wait3A_242 : memref<1x5x128x16xf32, #tpu.memory_space<vmem>> -> memref<5x128x16xf32, #tpu.memory_space<vmem>>
          %dma_wait3A_244 = arith.constant 0 : i32
          %dma_wait3A_245 = arith.constant 0 : i32
          %dma_wait3A_246 = arith.constant 0 : i32
          %dma_wait3A_247 = tpu.memref_slice %arg4[%add3A, %dma_wait3A_244, %dma_wait3A_245, %dma_wait3A_246] : memref<25x50x128x16xf32, #tpu.memory_space<hbm>> -> memref<1x50x128x16xf32, #tpu.memory_space<hbm>>
          %dma_wait3A_248 = tpu.memref_squeeze %dma_wait3A_247 : memref<1x50x128x16xf32, #tpu.memory_space<hbm>> -> memref<50x128x16xf32, #tpu.memory_space<hbm>>
          %dma_wait3A_249 = arith.constant 0 : i32
          %dma_wait3A_250 = arith.constant 0 : i32
          %dma_wait3A_251 = tpu.memref_slice %dma_wait3A_248[%mul3A_213, %dma_wait3A_249, %dma_wait3A_250] : memref<50x128x16xf32, #tpu.memory_space<hbm>> -> memref<5x128x16xf32, #tpu.memory_space<hbm>>
          %dma_wait3A_252 = arith.constant 0 : i32
          %dma_wait3A_253 = arith.constant 0 : i32
          %dma_wait3A_254 = arith.constant 0 : i32
          %dma_wait3A_255 = tpu.memref_slice %arg4[%add3A, %dma_wait3A_252, %dma_wait3A_253, %dma_wait3A_254] : memref<25x50x128x16xf32, #tpu.memory_space<hbm>> -> memref<1x50x128x16xf32, #tpu.memory_space<hbm>>
          %dma_wait3A_256 = tpu.memref_squeeze %dma_wait3A_255 : memref<1x50x128x16xf32, #tpu.memory_space<hbm>> -> memref<50x128x16xf32, #tpu.memory_space<hbm>>
          %dma_wait3A_257 = arith.constant 0 : i32
          %dma_wait3A_258 = arith.constant 0 : i32
          %dma_wait3A_259 = tpu.memref_slice %dma_wait3A_256[%mul3A_213, %dma_wait3A_257, %dma_wait3A_258] : memref<50x128x16xf32, #tpu.memory_space<hbm>> -> memref<5x128x16xf32, #tpu.memory_space<hbm>>
          %dma_wait3A_260 = arith.constant 0 : i32
          %dma_wait3A_261 = arith.constant 0 : i32
          %dma_wait3A_262 = arith.constant 0 : i32
          %dma_wait3A_263 = tpu.memref_slice %arg7[%select_n3A_211, %dma_wait3A_260, %dma_wait3A_261, %dma_wait3A_262] : memref<2x5x128x16xf32, #tpu.memory_space<vmem>> -> memref<1x5x128x16xf32, #tpu.memory_space<vmem>>
          %dma_wait3A_264 = tpu.memref_squeeze %dma_wait3A_263 : memref<1x5x128x16xf32, #tpu.memory_space<vmem>> -> memref<5x128x16xf32, #tpu.memory_space<vmem>>
          tpu.wait_dma2 semaphore(%arg9 : memref<!tpu.dma_semaphore, #tpu.memory_space<semaphore_mem>>) src(%dma_wait3A_264 : memref<5x128x16xf32, #tpu.memory_space<vmem>>) dst(%dma_wait3A_259 : memref<5x128x16xf32, #tpu.memory_space<hbm>>)
        } else {
        }
      }
      %scan3A_11 = arith.constant 11 : i32
    } else {
    }
    return
  }
}

#map = affine_map<(d0, d1) -> (0, 0, 0, 0)>
#map1 = affine_map<(d0, d1) -> (0, 0, 0)>
module attributes {stable_mosaic.version = 14 : i64} {
  func.func @_sc_scatter_add(%arg0: i32, %arg1: i32, %arg2: memref<25x50x128x16xf32, #tpu.memory_space<hbm>>, %arg3: memref<25x50x128xi32, #tpu.memory_space<hbm>>, %arg4: memref<2x10240x16xf32, #tpu.memory_space<hbm>>, %arg5: memref<10240x16xf32, #tpu.memory_space<vmem_shared>>, %arg6: memref<50x128xi32, #tpu.memory_space<vmem>>, %arg7: memref<2x5x128x16xf32, #tpu.memory_space<vmem>>, %arg8: memref<128x16xf32, #tpu.memory_space<vmem>>, %arg9: memref<!tpu.dma_semaphore, #tpu.memory_space<semaphore_mem>>, %arg10: memref<!tpu.dma_semaphore, #tpu.memory_space<semaphore_mem>>) attributes {dimension_semantics = [#tpu.dimension_semantics<core_parallel>, #tpu.dimension_semantics<subcore_parallel>], iteration_bounds = array<i64: 2, 16>, scalar_prefetch = 0 : i64, scratch_operands = 6 : i64, tpu.core_type = #tpu.core_type<sc_vector_subcore>, window_params = [{transform_indices = #map}, {transform_indices = #map1}, {transform_indices = #map1}]} {
    %mul3A = arith.constant 16 : i32
    %mul3A_0 = arith.muli %arg0, %mul3A : i32
    %add3A = arith.addi %mul3A_0, %arg1 : i32
    %scan3A = arith.constant 0 : i32
    %scan3A_1 = arith.constant 0 : i32
    %scan3A_2 = arith.constant 128 : i32
    %scan3A_3 = arith.addi %scan3A_1, %scan3A_2 : i32
    %scan3A_4 = arith.constant 1 : i32
    scf.for %scan3A_19 = %scan3A_1 to %scan3A_3 step %scan3A_4  : i32 {
      %broadcast_in_dim3A = arith.constant 0.000000e+00 : f32
      %broadcast_in_dim3A_20 = vector.broadcast %broadcast_in_dim3A : f32 to vector<16xf32>
      %swap3A = arith.index_cast %scan3A_19 : i32 to index
      %swap3A_21 = arith.constant 0 : index
      %swap3A_22 = tpu.vector_load %arg8[%swap3A, %swap3A_21] {strides = array<i32>} : memref<128x16xf32, #tpu.memory_space<vmem>>, vector<1x16xf32>,
      %swap3A_23 = vector.shape_cast %swap3A_22 : vector<1x16xf32> to vector<16xf32>
      %swap3A_24 = vector.shape_cast %broadcast_in_dim3A_20 : vector<16xf32> to vector<1x16xf32>
      tpu.vector_store %arg8[%swap3A, %swap3A_21], %swap3A_24 {strides = array<i32>} : memref<128x16xf32, #tpu.memory_space<vmem>>, vector<1x16xf32>,
    }
    %scan3A_5 = arith.constant 128 : i32
    %scan3A_6 = arith.constant 0 : i32
    %scan3A_7 = arith.constant 0 : i32
    %scan3A_8 = arith.constant 5 : i32
    %scan3A_9 = arith.addi %scan3A_7, %scan3A_8 : i32
    %scan3A_10 = arith.constant 1 : i32
    scf.for %scan3A_19 = %scan3A_7 to %scan3A_9 step %scan3A_10  : i32 {
      %mul3A_20 = arith.constant 640 : i32
      %mul3A_21 = arith.muli %arg1, %mul3A_20 : i32
      %mul3A_22 = arith.constant 128 : i32
      %mul3A_23 = arith.muli %scan3A_19, %mul3A_22 : i32
      %add3A_24 = arith.addi %mul3A_21, %mul3A_23 : i32
      "tpu.region"() ({
        %run_scoped3A = tpu.sem_alloc : memref<!tpu.dma_semaphore, #tpu.memory_space<semaphore_mem>>
        %dma_start3A = arith.constant 0 : i32
        %dma_start3A_25 = tpu.memref_slice %arg5[%add3A_24, %dma_start3A] : memref<10240x16xf32, #tpu.memory_space<vmem_shared>> -> memref<128x16xf32, #tpu.memory_space<vmem_shared>>
        %dma_start3A_26 = arith.constant 0 : i32
        %dma_start3A_27 = tpu.memref_slice %arg5[%add3A_24, %dma_start3A_26] : memref<10240x16xf32, #tpu.memory_space<vmem_shared>> -> memref<128x16xf32, #tpu.memory_space<vmem_shared>>
        tpu.enqueue_dma source(%arg8 : memref<128x16xf32, #tpu.memory_space<vmem>>) target(%dma_start3A_27 : memref<128x16xf32, #tpu.memory_space<vmem_shared>>) target_semaphore(%run_scoped3A : memref<!tpu.dma_semaphore, #tpu.memory_space<semaphore_mem>>)
        %dma_wait3A = arith.constant 0 : i32
        %dma_wait3A_28 = tpu.memref_slice %arg5[%add3A_24, %dma_wait3A] : memref<10240x16xf32, #tpu.memory_space<vmem_shared>> -> memref<128x16xf32, #tpu.memory_space<vmem_shared>>
        %dma_wait3A_29 = arith.constant 0 : i32
        %dma_wait3A_30 = tpu.memref_slice %arg5[%add3A_24, %dma_wait3A_29] : memref<10240x16xf32, #tpu.memory_space<vmem_shared>> -> memref<128x16xf32, #tpu.memory_space<vmem_shared>>
        tpu.wait_dma2 semaphore(%run_scoped3A : memref<!tpu.dma_semaphore, #tpu.memory_space<semaphore_mem>>) src(%arg8 : memref<128x16xf32, #tpu.memory_space<vmem>>) dst(%dma_wait3A_30 : memref<128x16xf32, #tpu.memory_space<vmem_shared>>)
        tpu.yield
      }) : () -> ()
    }
    %scan3A_11 = arith.constant 5 : i32
    %barrier3A = arith.constant 0 : index
    tpu.barrier barrier_id(%barrier3A)
    %lt3A = arith.constant 25 : i32
    %lt3A_12 = arith.cmpi slt, %add3A, %lt3A : i32
    %convert_element_type3A = arith.extui %lt3A_12 : i1 to i32
    %cond3A = arith.constant 0 : i32
    %cond3A_13 = arith.cmpi ne, %convert_element_type3A, %cond3A : i32
    scf.if %cond3A_13 {
      "tpu.region"() ({
        %run_scoped3A = tpu.sem_alloc : memref<!tpu.dma_semaphore, #tpu.memory_space<semaphore_mem>>
        %dma_start3A = arith.constant 0 : i32
        %dma_start3A_25 = arith.constant 0 : i32
        %dma_start3A_26 = tpu.memref_slice %arg3[%add3A, %dma_start3A, %dma_start3A_25] : memref<25x50x128xi32, #tpu.memory_space<hbm>> -> memref<1x50x128xi32, #tpu.memory_space<hbm>>
        %dma_start3A_27 = tpu.memref_squeeze %dma_start3A_26 : memref<1x50x128xi32, #tpu.memory_space<hbm>> -> memref<50x128xi32, #tpu.memory_space<hbm>>
        %dma_start3A_28 = arith.constant 0 : i32
        %dma_start3A_29 = arith.constant 0 : i32
        %dma_start3A_30 = tpu.memref_slice %arg3[%add3A, %dma_start3A_28, %dma_start3A_29] : memref<25x50x128xi32, #tpu.memory_space<hbm>> -> memref<1x50x128xi32, #tpu.memory_space<hbm>>
        %dma_start3A_31 = tpu.memref_squeeze %dma_start3A_30 : memref<1x50x128xi32, #tpu.memory_space<hbm>> -> memref<50x128xi32, #tpu.memory_space<hbm>>
        tpu.enqueue_dma source(%dma_start3A_31 : memref<50x128xi32, #tpu.memory_space<hbm>>) target(%arg6 : memref<50x128xi32, #tpu.memory_space<vmem>>) target_semaphore(%run_scoped3A : memref<!tpu.dma_semaphore, #tpu.memory_space<semaphore_mem>>)
        %dma_wait3A = arith.constant 0 : i32
        %dma_wait3A_32 = arith.constant 0 : i32
        %dma_wait3A_33 = tpu.memref_slice %arg3[%add3A, %dma_wait3A, %dma_wait3A_32] : memref<25x50x128xi32, #tpu.memory_space<hbm>> -> memref<1x50x128xi32, #tpu.memory_space<hbm>>
        %dma_wait3A_34 = tpu.memref_squeeze %dma_wait3A_33 : memref<1x50x128xi32, #tpu.memory_space<hbm>> -> memref<50x128xi32, #tpu.memory_space<hbm>>
        %dma_wait3A_35 = arith.constant 0 : i32
        %dma_wait3A_36 = arith.constant 0 : i32
        %dma_wait3A_37 = tpu.memref_slice %arg3[%add3A, %dma_wait3A_35, %dma_wait3A_36] : memref<25x50x128xi32, #tpu.memory_space<hbm>> -> memref<1x50x128xi32, #tpu.memory_space<hbm>>
        %dma_wait3A_38 = tpu.memref_squeeze %dma_wait3A_37 : memref<1x50x128xi32, #tpu.memory_space<hbm>> -> memref<50x128xi32, #tpu.memory_space<hbm>>
        tpu.wait_dma2 semaphore(%run_scoped3A : memref<!tpu.dma_semaphore, #tpu.memory_space<semaphore_mem>>) src(%dma_wait3A_38 : memref<50x128xi32, #tpu.memory_space<hbm>>) dst(%arg6 : memref<50x128xi32, #tpu.memory_space<vmem>>)
        tpu.yield
      }) : () -> ()
      %scan3A_19 = arith.constant 0 : i32
      %scan3A_20 = arith.constant 0 : i32
      %scan3A_21 = arith.constant 11 : i32
      %scan3A_22 = arith.addi %scan3A_20, %scan3A_21 : i32
      %scan3A_23 = arith.constant 1 : i32
      scf.for %scan3A_25 = %scan3A_20 to %scan3A_22 step %scan3A_23  : i32 {
        %lt3A_26 = arith.constant 10 : i32
        %lt3A_27 = arith.cmpi slt, %scan3A_25, %lt3A_26 : i32
        %convert_element_type3A_28 = arith.extui %lt3A_27 : i1 to i32
        %cond3A_29 = arith.constant 0 : i32
        %cond3A_30 = arith.cmpi ne, %convert_element_type3A_28, %cond3A_29 : i32
        scf.if %cond3A_30 {
          %mul3A_35 = arith.constant 5 : i32
          %mul3A_36 = arith.muli %scan3A_25, %mul3A_35 : i32
          %jit3A = arith.constant 2 : i32
          %eq3A = arith.constant 0 : i32
          %eq3A_37 = arith.cmpi eq, %jit3A, %eq3A : i32
          %jit3A_38 = arith.constant 1 : i32
          %select_n3A = arith.select %eq3A_37, %jit3A_38, %jit3A : i32
          %rem3A = arith.remsi %scan3A_25, %select_n3A : i32
          %ne3A = arith.constant 0 : i32
          %ne3A_39 = arith.cmpi ne, %rem3A, %ne3A : i32
          %lt3A_40 = arith.constant 0 : i32
          %lt3A_41 = arith.cmpi slt, %rem3A, %lt3A_40 : i32
          %lt3A_42 = arith.constant 0 : i32
          %lt3A_43 = arith.cmpi slt, %select_n3A, %lt3A_42 : i32
          %ne3A_44 = arith.xori %lt3A_41, %lt3A_43 : i1
          %and3A = arith.andi %ne3A_44, %ne3A_39 : i1
          %add3A_45 = arith.addi %rem3A, %select_n3A : i32
          %select_n3A_46 = arith.select %and3A, %add3A_45, %rem3A : i32
          %dma_start3A = arith.constant 0 : i32
          %dma_start3A_47 = arith.constant 0 : i32
          %dma_start3A_48 = arith.constant 0 : i32
          %dma_start3A_49 = tpu.memref_slice %arg7[%select_n3A_46, %dma_start3A, %dma_start3A_47, %dma_start3A_48] : memref<2x5x128x16xf32, #tpu.memory_space<vmem>> -> memref<1x5x128x16xf32, #tpu.memory_space<vmem>>
          %dma_start3A_50 = tpu.memref_squeeze %dma_start3A_49 : memref<1x5x128x16xf32, #tpu.memory_space<vmem>> -> memref<5x128x16xf32, #tpu.memory_space<vmem>>
          %dma_start3A_51 = arith.constant 0 : i32
          %dma_start3A_52 = arith.constant 0 : i32
          %dma_start3A_53 = arith.constant 0 : i32
          %dma_start3A_54 = tpu.memref_slice %arg2[%add3A, %dma_start3A_51, %dma_start3A_52, %dma_start3A_53] : memref<25x50x128x16xf32, #tpu.memory_space<hbm>> -> memref<1x50x128x16xf32, #tpu.memory_space<hbm>>
          %dma_start3A_55 = tpu.memref_squeeze %dma_start3A_54 : memref<1x50x128x16xf32, #tpu.memory_space<hbm>> -> memref<50x128x16xf32, #tpu.memory_space<hbm>>
          %dma_start3A_56 = arith.constant 0 : i32
          %dma_start3A_57 = arith.constant 0 : i32
          %dma_start3A_58 = tpu.memref_slice %dma_start3A_55[%mul3A_36, %dma_start3A_56, %dma_start3A_57] : memref<50x128x16xf32, #tpu.memory_space<hbm>> -> memref<5x128x16xf32, #tpu.memory_space<hbm>>
          %dma_start3A_59 = arith.constant 0 : i32
          %dma_start3A_60 = arith.constant 0 : i32
          %dma_start3A_61 = arith.constant 0 : i32
          %dma_start3A_62 = tpu.memref_slice %arg7[%select_n3A_46, %dma_start3A_59, %dma_start3A_60, %dma_start3A_61] : memref<2x5x128x16xf32, #tpu.memory_space<vmem>> -> memref<1x5x128x16xf32, #tpu.memory_space<vmem>>
          %dma_start3A_63 = tpu.memref_squeeze %dma_start3A_62 : memref<1x5x128x16xf32, #tpu.memory_space<vmem>> -> memref<5x128x16xf32, #tpu.memory_space<vmem>>
          %dma_start3A_64 = arith.constant 0 : i32
          %dma_start3A_65 = arith.constant 0 : i32
          %dma_start3A_66 = arith.constant 0 : i32
          %dma_start3A_67 = tpu.memref_slice %arg2[%add3A, %dma_start3A_64, %dma_start3A_65, %dma_start3A_66] : memref<25x50x128x16xf32, #tpu.memory_space<hbm>> -> memref<1x50x128x16xf32, #tpu.memory_space<hbm>>
          %dma_start3A_68 = tpu.memref_squeeze %dma_start3A_67 : memref<1x50x128x16xf32, #tpu.memory_space<hbm>> -> memref<50x128x16xf32, #tpu.memory_space<hbm>>
          %dma_start3A_69 = arith.constant 0 : i32
          %dma_start3A_70 = arith.constant 0 : i32
          %dma_start3A_71 = tpu.memref_slice %dma_start3A_68[%mul3A_36, %dma_start3A_69, %dma_start3A_70] : memref<50x128x16xf32, #tpu.memory_space<hbm>> -> memref<5x128x16xf32, #tpu.memory_space<hbm>>
          tpu.enqueue_dma source(%dma_start3A_71 : memref<5x128x16xf32, #tpu.memory_space<hbm>>) target(%dma_start3A_63 : memref<5x128x16xf32, #tpu.memory_space<vmem>>) target_semaphore(%arg10 : memref<!tpu.dma_semaphore, #tpu.memory_space<semaphore_mem>>)
          %dma_wait3A = arith.constant 0 : i32
          %dma_wait3A_72 = arith.constant 0 : i32
          %dma_wait3A_73 = arith.constant 0 : i32
          %dma_wait3A_74 = tpu.memref_slice %arg7[%select_n3A_46, %dma_wait3A, %dma_wait3A_72, %dma_wait3A_73] : memref<2x5x128x16xf32, #tpu.memory_space<vmem>> -> memref<1x5x128x16xf32, #tpu.memory_space<vmem>>
          %dma_wait3A_75 = tpu.memref_squeeze %dma_wait3A_74 : memref<1x5x128x16xf32, #tpu.memory_space<vmem>> -> memref<5x128x16xf32, #tpu.memory_space<vmem>>
          %dma_wait3A_76 = arith.constant 0 : i32
          %dma_wait3A_77 = arith.constant 0 : i32
          %dma_wait3A_78 = arith.constant 0 : i32
          %dma_wait3A_79 = tpu.memref_slice %arg2[%add3A, %dma_wait3A_76, %dma_wait3A_77, %dma_wait3A_78] : memref<25x50x128x16xf32, #tpu.memory_space<hbm>> -> memref<1x50x128x16xf32, #tpu.memory_space<hbm>>
          %dma_wait3A_80 = tpu.memref_squeeze %dma_wait3A_79 : memref<1x50x128x16xf32, #tpu.memory_space<hbm>> -> memref<50x128x16xf32, #tpu.memory_space<hbm>>
          %dma_wait3A_81 = arith.constant 0 : i32
          %dma_wait3A_82 = arith.constant 0 : i32
          %dma_wait3A_83 = tpu.memref_slice %dma_wait3A_80[%mul3A_36, %dma_wait3A_81, %dma_wait3A_82] : memref<50x128x16xf32, #tpu.memory_space<hbm>> -> memref<5x128x16xf32, #tpu.memory_space<hbm>>
          %dma_wait3A_84 = arith.constant 0 : i32
          %dma_wait3A_85 = arith.constant 0 : i32
          %dma_wait3A_86 = arith.constant 0 : i32
          %dma_wait3A_87 = tpu.memref_slice %arg7[%select_n3A_46, %dma_wait3A_84, %dma_wait3A_85, %dma_wait3A_86] : memref<2x5x128x16xf32, #tpu.memory_space<vmem>> -> memref<1x5x128x16xf32, #tpu.memory_space<vmem>>
          %dma_wait3A_88 = tpu.memref_squeeze %dma_wait3A_87 : memref<1x5x128x16xf32, #tpu.memory_space<vmem>> -> memref<5x128x16xf32, #tpu.memory_space<vmem>>
          %dma_wait3A_89 = arith.constant 0 : i32
          %dma_wait3A_90 = arith.constant 0 : i32
          %dma_wait3A_91 = arith.constant 0 : i32
          %dma_wait3A_92 = tpu.memref_slice %arg2[%add3A, %dma_wait3A_89, %dma_wait3A_90, %dma_wait3A_91] : memref<25x50x128x16xf32, #tpu.memory_space<hbm>> -> memref<1x50x128x16xf32, #tpu.memory_space<hbm>>
          %dma_wait3A_93 = tpu.memref_squeeze %dma_wait3A_92 : memref<1x50x128x16xf32, #tpu.memory_space<hbm>> -> memref<50x128x16xf32, #tpu.memory_space<hbm>>
          %dma_wait3A_94 = arith.constant 0 : i32
          %dma_wait3A_95 = arith.constant 0 : i32
          %dma_wait3A_96 = tpu.memref_slice %dma_wait3A_93[%mul3A_36, %dma_wait3A_94, %dma_wait3A_95] : memref<50x128x16xf32, #tpu.memory_space<hbm>> -> memref<5x128x16xf32, #tpu.memory_space<hbm>>
          tpu.wait_dma2 semaphore(%arg10 : memref<!tpu.dma_semaphore, #tpu.memory_space<semaphore_mem>>) src(%dma_wait3A_96 : memref<5x128x16xf32, #tpu.memory_space<hbm>>) dst(%dma_wait3A_88 : memref<5x128x16xf32, #tpu.memory_space<vmem>>)
          %jit3A_97 = arith.constant 2 : i32
          %eq3A_98 = arith.constant 0 : i32
          %eq3A_99 = arith.cmpi eq, %jit3A_97, %eq3A_98 : i32
          %jit3A_100 = arith.constant 1 : i32
          %select_n3A_101 = arith.select %eq3A_99, %jit3A_100, %jit3A_97 : i32
          %rem3A_102 = arith.remsi %scan3A_25, %select_n3A_101 : i32
          %ne3A_103 = arith.constant 0 : i32
          %ne3A_104 = arith.cmpi ne, %rem3A_102, %ne3A_103 : i32
          %lt3A_105 = arith.constant 0 : i32
          %lt3A_106 = arith.cmpi slt, %rem3A_102, %lt3A_105 : i32
          %lt3A_107 = arith.constant 0 : i32
          %lt3A_108 = arith.cmpi slt, %select_n3A_101, %lt3A_107 : i32
          %ne3A_109 = arith.xori %lt3A_106, %lt3A_108 : i1
          %and3A_110 = arith.andi %ne3A_109, %ne3A_104 : i1
          %add3A_111 = arith.addi %rem3A_102, %select_n3A_101 : i32
          %select_n3A_112 = arith.select %and3A_110, %add3A_111, %rem3A_102 : i32
          %mul3A_113 = arith.constant 5 : i32
          %mul3A_114 = arith.muli %scan3A_25, %mul3A_113 : i32
          %add3A_115 = arith.constant 0 : i32
          %add3A_116 = arith.addi %mul3A_114, %add3A_115 : i32
          %dma_start3A_117 = arith.constant 0 : i32
          %dma_start3A_118 = arith.constant 0 : i32
          %dma_start3A_119 = arith.constant 0 : i32
          %dma_start3A_120 = arith.constant 0 : i32
          %dma_start3A_121 = tpu.memref_slice %arg7[%select_n3A_112, %dma_start3A_118, %dma_start3A_119, %dma_start3A_120] : memref<2x5x128x16xf32, #tpu.memory_space<vmem>> -> memref<1x5x128x16xf32, #tpu.memory_space<vmem>>
          %dma_start3A_122 = tpu.memref_squeeze %dma_start3A_121 : memref<1x5x128x16xf32, #tpu.memory_space<vmem>> -> memref<5x128x16xf32, #tpu.memory_space<vmem>>
          %dma_start3A_123 = arith.constant 0 : i32
          %dma_start3A_124 = arith.constant 0 : i32
          %dma_start3A_125 = tpu.memref_slice %dma_start3A_122[%dma_start3A_117, %dma_start3A_123, %dma_start3A_124] : memref<5x128x16xf32, #tpu.memory_space<vmem>> -> memref<1x128x16xf32, #tpu.memory_space<vmem>>
          %dma_start3A_126 = tpu.memref_squeeze %dma_start3A_125 : memref<1x128x16xf32, #tpu.memory_space<vmem>> -> memref<128x16xf32, #tpu.memory_space<vmem>>
          %dma_start3A_127 = arith.constant 0 : i32
          %dma_start3A_128 = tpu.memref_slice %arg6[%add3A_116, %dma_start3A_127] : memref<50x128xi32, #tpu.memory_space<vmem>> -> memref<1x128xi32, #tpu.memory_space<vmem>>
          %dma_start3A_129 = tpu.memref_squeeze %dma_start3A_128 : memref<1x128xi32, #tpu.memory_space<vmem>> -> memref<128xi32, #tpu.memory_space<vmem>>
          %dma_start3A_130 = arith.constant 0 : i32
          %dma_start3A_131 = arith.constant 0 : i32
          %dma_start3A_132 = tpu.memref_slice %arg5[%dma_start3A_130, %dma_start3A_131] : memref<10240x16xf32, #tpu.memory_space<vmem_shared>> -> memref<10240x16xf32, #tpu.memory_space<vmem_shared>>
          tpu.enqueue_indirect_dma source(%dma_start3A_126 : memref<128x16xf32, #tpu.memory_space<vmem>>) target(%dma_start3A_132 : memref<10240x16xf32, #tpu.memory_space<vmem_shared>>) offsets(%dma_start3A_129 : memref<128xi32, #tpu.memory_space<vmem>>) semaphore(%arg9 : memref<!tpu.dma_semaphore, #tpu.memory_space<semaphore_mem>>) {add = true}
          %jit3A_133 = arith.constant 2 : i32
          %eq3A_134 = arith.constant 0 : i32
          %eq3A_135 = arith.cmpi eq, %jit3A_133, %eq3A_134 : i32
          %jit3A_136 = arith.constant 1 : i32
          %select_n3A_137 = arith.select %eq3A_135, %jit3A_136, %jit3A_133 : i32
          %rem3A_138 = arith.remsi %scan3A_25, %select_n3A_137 : i32
          %ne3A_139 = arith.constant 0 : i32
          %ne3A_140 = arith.cmpi ne, %rem3A_138, %ne3A_139 : i32
          %lt3A_141 = arith.constant 0 : i32
          %lt3A_142 = arith.cmpi slt, %rem3A_138, %lt3A_141 : i32
          %lt3A_143 = arith.constant 0 : i32
          %lt3A_144 = arith.cmpi slt, %select_n3A_137, %lt3A_143 : i32
          %ne3A_145 = arith.xori %lt3A_142, %lt3A_144 : i1
          %and3A_146 = arith.andi %ne3A_145, %ne3A_140 : i1
          %add3A_147 = arith.addi %rem3A_138, %select_n3A_137 : i32
          %select_n3A_148 = arith.select %and3A_146, %add3A_147, %rem3A_138 : i32
          %mul3A_149 = arith.constant 5 : i32
          %mul3A_150 = arith.muli %scan3A_25, %mul3A_149 : i32
          %add3A_151 = arith.constant 1 : i32
          %add3A_152 = arith.addi %mul3A_150, %add3A_151 : i32
          %dma_start3A_153 = arith.constant 1 : i32
          %dma_start3A_154 = arith.constant 0 : i32
          %dma_start3A_155 = arith.constant 0 : i32
          %dma_start3A_156 = arith.constant 0 : i32
          %dma_start3A_157 = tpu.memref_slice %arg7[%select_n3A_148, %dma_start3A_154, %dma_start3A_155, %dma_start3A_156] : memref<2x5x128x16xf32, #tpu.memory_space<vmem>> -> memref<1x5x128x16xf32, #tpu.memory_space<vmem>>
          %dma_start3A_158 = tpu.memref_squeeze %dma_start3A_157 : memref<1x5x128x16xf32, #tpu.memory_space<vmem>> -> memref<5x128x16xf32, #tpu.memory_space<vmem>>
          %dma_start3A_159 = arith.constant 0 : i32
          %dma_start3A_160 = arith.constant 0 : i32
          %dma_start3A_161 = tpu.memref_slice %dma_start3A_158[%dma_start3A_153, %dma_start3A_159, %dma_start3A_160] : memref<5x128x16xf32, #tpu.memory_space<vmem>> -> memref<1x128x16xf32, #tpu.memory_space<vmem>>
          %dma_start3A_162 = tpu.memref_squeeze %dma_start3A_161 : memref<1x128x16xf32, #tpu.memory_space<vmem>> -> memref<128x16xf32, #tpu.memory_space<vmem>>
          %dma_start3A_163 = arith.constant 0 : i32
          %dma_start3A_164 = tpu.memref_slice %arg6[%add3A_152, %dma_start3A_163] : memref<50x128xi32, #tpu.memory_space<vmem>> -> memref<1x128xi32, #tpu.memory_space<vmem>>
          %dma_start3A_165 = tpu.memref_squeeze %dma_start3A_164 : memref<1x128xi32, #tpu.memory_space<vmem>> -> memref<128xi32, #tpu.memory_space<vmem>>
          %dma_start3A_166 = arith.constant 0 : i32
          %dma_start3A_167 = arith.constant 0 : i32
          %dma_start3A_168 = tpu.memref_slice %arg5[%dma_start3A_166, %dma_start3A_167] : memref<10240x16xf32, #tpu.memory_space<vmem_shared>> -> memref<10240x16xf32, #tpu.memory_space<vmem_shared>>
          tpu.enqueue_indirect_dma source(%dma_start3A_162 : memref<128x16xf32, #tpu.memory_space<vmem>>) target(%dma_start3A_168 : memref<10240x16xf32, #tpu.memory_space<vmem_shared>>) offsets(%dma_start3A_165 : memref<128xi32, #tpu.memory_space<vmem>>) semaphore(%arg9 : memref<!tpu.dma_semaphore, #tpu.memory_space<semaphore_mem>>) {add = true}
          %jit3A_169 = arith.constant 2 : i32
          %eq3A_170 = arith.constant 0 : i32
          %eq3A_171 = arith.cmpi eq, %jit3A_169, %eq3A_170 : i32
          %jit3A_172 = arith.constant 1 : i32
          %select_n3A_173 = arith.select %eq3A_171, %jit3A_172, %jit3A_169 : i32
          %rem3A_174 = arith.remsi %scan3A_25, %select_n3A_173 : i32
          %ne3A_175 = arith.constant 0 : i32
          %ne3A_176 = arith.cmpi ne, %rem3A_174, %ne3A_175 : i32
          %lt3A_177 = arith.constant 0 : i32
          %lt3A_178 = arith.cmpi slt, %rem3A_174, %lt3A_177 : i32
          %lt3A_179 = arith.constant 0 : i32
          %lt3A_180 = arith.cmpi slt, %select_n3A_173, %lt3A_179 : i32
          %ne3A_181 = arith.xori %lt3A_178, %lt3A_180 : i1
          %and3A_182 = arith.andi %ne3A_181, %ne3A_176 : i1
          %add3A_183 = arith.addi %rem3A_174, %select_n3A_173 : i32
          %select_n3A_184 = arith.select %and3A_182, %add3A_183, %rem3A_174 : i32
          %mul3A_185 = arith.constant 5 : i32
          %mul3A_186 = arith.muli %scan3A_25, %mul3A_185 : i32
          %add3A_187 = arith.constant 2 : i32
          %add3A_188 = arith.addi %mul3A_186, %add3A_187 : i32
          %dma_start3A_189 = arith.constant 2 : i32
          %dma_start3A_190 = arith.constant 0 : i32
          %dma_start3A_191 = arith.constant 0 : i32
          %dma_start3A_192 = arith.constant 0 : i32
          %dma_start3A_193 = tpu.memref_slice %arg7[%select_n3A_184, %dma_start3A_190, %dma_start3A_191, %dma_start3A_192] : memref<2x5x128x16xf32, #tpu.memory_space<vmem>> -> memref<1x5x128x16xf32, #tpu.memory_space<vmem>>
          %dma_start3A_194 = tpu.memref_squeeze %dma_start3A_193 : memref<1x5x128x16xf32, #tpu.memory_space<vmem>> -> memref<5x128x16xf32, #tpu.memory_space<vmem>>
          %dma_start3A_195 = arith.constant 0 : i32
          %dma_start3A_196 = arith.constant 0 : i32
          %dma_start3A_197 = tpu.memref_slice %dma_start3A_194[%dma_start3A_189, %dma_start3A_195, %dma_start3A_196] : memref<5x128x16xf32, #tpu.memory_space<vmem>> -> memref<1x128x16xf32, #tpu.memory_space<vmem>>
          %dma_start3A_198 = tpu.memref_squeeze %dma_start3A_197 : memref<1x128x16xf32, #tpu.memory_space<vmem>> -> memref<128x16xf32, #tpu.memory_space<vmem>>
          %dma_start3A_199 = arith.constant 0 : i32
          %dma_start3A_200 = tpu.memref_slice %arg6[%add3A_188, %dma_start3A_199] : memref<50x128xi32, #tpu.memory_space<vmem>> -> memref<1x128xi32, #tpu.memory_space<vmem>>
          %dma_start3A_201 = tpu.memref_squeeze %dma_start3A_200 : memref<1x128xi32, #tpu.memory_space<vmem>> -> memref<128xi32, #tpu.memory_space<vmem>>
          %dma_start3A_202 = arith.constant 0 : i32
          %dma_start3A_203 = arith.constant 0 : i32
          %dma_start3A_204 = tpu.memref_slice %arg5[%dma_start3A_202, %dma_start3A_203] : memref<10240x16xf32, #tpu.memory_space<vmem_shared>> -> memref<10240x16xf32, #tpu.memory_space<vmem_shared>>
          tpu.enqueue_indirect_dma source(%dma_start3A_198 : memref<128x16xf32, #tpu.memory_space<vmem>>) target(%dma_start3A_204 : memref<10240x16xf32, #tpu.memory_space<vmem_shared>>) offsets(%dma_start3A_201 : memref<128xi32, #tpu.memory_space<vmem>>) semaphore(%arg9 : memref<!tpu.dma_semaphore, #tpu.memory_space<semaphore_mem>>) {add = true}
          %jit3A_205 = arith.constant 2 : i32
          %eq3A_206 = arith.constant 0 : i32
          %eq3A_207 = arith.cmpi eq, %jit3A_205, %eq3A_206 : i32
          %jit3A_208 = arith.constant 1 : i32
          %select_n3A_209 = arith.select %eq3A_207, %jit3A_208, %jit3A_205 : i32
          %rem3A_210 = arith.remsi %scan3A_25, %select_n3A_209 : i32
          %ne3A_211 = arith.constant 0 : i32
          %ne3A_212 = arith.cmpi ne, %rem3A_210, %ne3A_211 : i32
          %lt3A_213 = arith.constant 0 : i32
          %lt3A_214 = arith.cmpi slt, %rem3A_210, %lt3A_213 : i32
          %lt3A_215 = arith.constant 0 : i32
          %lt3A_216 = arith.cmpi slt, %select_n3A_209, %lt3A_215 : i32
          %ne3A_217 = arith.xori %lt3A_214, %lt3A_216 : i1
          %and3A_218 = arith.andi %ne3A_217, %ne3A_212 : i1
          %add3A_219 = arith.addi %rem3A_210, %select_n3A_209 : i32
          %select_n3A_220 = arith.select %and3A_218, %add3A_219, %rem3A_210 : i32
          %mul3A_221 = arith.constant 5 : i32
          %mul3A_222 = arith.muli %scan3A_25, %mul3A_221 : i32
          %add3A_223 = arith.constant 3 : i32
          %add3A_224 = arith.addi %mul3A_222, %add3A_223 : i32
          %dma_start3A_225 = arith.constant 3 : i32
          %dma_start3A_226 = arith.constant 0 : i32
          %dma_start3A_227 = arith.constant 0 : i32
          %dma_start3A_228 = arith.constant 0 : i32
          %dma_start3A_229 = tpu.memref_slice %arg7[%select_n3A_220, %dma_start3A_226, %dma_start3A_227, %dma_start3A_228] : memref<2x5x128x16xf32, #tpu.memory_space<vmem>> -> memref<1x5x128x16xf32, #tpu.memory_space<vmem>>
          %dma_start3A_230 = tpu.memref_squeeze %dma_start3A_229 : memref<1x5x128x16xf32, #tpu.memory_space<vmem>> -> memref<5x128x16xf32, #tpu.memory_space<vmem>>
          %dma_start3A_231 = arith.constant 0 : i32
          %dma_start3A_232 = arith.constant 0 : i32
          %dma_start3A_233 = tpu.memref_slice %dma_start3A_230[%dma_start3A_225, %dma_start3A_231, %dma_start3A_232] : memref<5x128x16xf32, #tpu.memory_space<vmem>> -> memref<1x128x16xf32, #tpu.memory_space<vmem>>
          %dma_start3A_234 = tpu.memref_squeeze %dma_start3A_233 : memref<1x128x16xf32, #tpu.memory_space<vmem>> -> memref<128x16xf32, #tpu.memory_space<vmem>>
          %dma_start3A_235 = arith.constant 0 : i32
          %dma_start3A_236 = tpu.memref_slice %arg6[%add3A_224, %dma_start3A_235] : memref<50x128xi32, #tpu.memory_space<vmem>> -> memref<1x128xi32, #tpu.memory_space<vmem>>
          %dma_start3A_237 = tpu.memref_squeeze %dma_start3A_236 : memref<1x128xi32, #tpu.memory_space<vmem>> -> memref<128xi32, #tpu.memory_space<vmem>>
          %dma_start3A_238 = arith.constant 0 : i32
          %dma_start3A_239 = arith.constant 0 : i32
          %dma_start3A_240 = tpu.memref_slice %arg5[%dma_start3A_238, %dma_start3A_239] : memref<10240x16xf32, #tpu.memory_space<vmem_shared>> -> memref<10240x16xf32, #tpu.memory_space<vmem_shared>>
          tpu.enqueue_indirect_dma source(%dma_start3A_234 : memref<128x16xf32, #tpu.memory_space<vmem>>) target(%dma_start3A_240 : memref<10240x16xf32, #tpu.memory_space<vmem_shared>>) offsets(%dma_start3A_237 : memref<128xi32, #tpu.memory_space<vmem>>) semaphore(%arg9 : memref<!tpu.dma_semaphore, #tpu.memory_space<semaphore_mem>>) {add = true}
          %jit3A_241 = arith.constant 2 : i32
          %eq3A_242 = arith.constant 0 : i32
          %eq3A_243 = arith.cmpi eq, %jit3A_241, %eq3A_242 : i32
          %jit3A_244 = arith.constant 1 : i32
          %select_n3A_245 = arith.select %eq3A_243, %jit3A_244, %jit3A_241 : i32
          %rem3A_246 = arith.remsi %scan3A_25, %select_n3A_245 : i32
          %ne3A_247 = arith.constant 0 : i32
          %ne3A_248 = arith.cmpi ne, %rem3A_246, %ne3A_247 : i32
          %lt3A_249 = arith.constant 0 : i32
          %lt3A_250 = arith.cmpi slt, %rem3A_246, %lt3A_249 : i32
          %lt3A_251 = arith.constant 0 : i32
          %lt3A_252 = arith.cmpi slt, %select_n3A_245, %lt3A_251 : i32
          %ne3A_253 = arith.xori %lt3A_250, %lt3A_252 : i1
          %and3A_254 = arith.andi %ne3A_253, %ne3A_248 : i1
          %add3A_255 = arith.addi %rem3A_246, %select_n3A_245 : i32
          %select_n3A_256 = arith.select %and3A_254, %add3A_255, %rem3A_246 : i32
          %mul3A_257 = arith.constant 5 : i32
          %mul3A_258 = arith.muli %scan3A_25, %mul3A_257 : i32
          %add3A_259 = arith.constant 4 : i32
          %add3A_260 = arith.addi %mul3A_258, %add3A_259 : i32
          %dma_start3A_261 = arith.constant 4 : i32
          %dma_start3A_262 = arith.constant 0 : i32
          %dma_start3A_263 = arith.constant 0 : i32
          %dma_start3A_264 = arith.constant 0 : i32
          %dma_start3A_265 = tpu.memref_slice %arg7[%select_n3A_256, %dma_start3A_262, %dma_start3A_263, %dma_start3A_264] : memref<2x5x128x16xf32, #tpu.memory_space<vmem>> -> memref<1x5x128x16xf32, #tpu.memory_space<vmem>>
          %dma_start3A_266 = tpu.memref_squeeze %dma_start3A_265 : memref<1x5x128x16xf32, #tpu.memory_space<vmem>> -> memref<5x128x16xf32, #tpu.memory_space<vmem>>
          %dma_start3A_267 = arith.constant 0 : i32
          %dma_start3A_268 = arith.constant 0 : i32
          %dma_start3A_269 = tpu.memref_slice %dma_start3A_266[%dma_start3A_261, %dma_start3A_267, %dma_start3A_268] : memref<5x128x16xf32, #tpu.memory_space<vmem>> -> memref<1x128x16xf32, #tpu.memory_space<vmem>>
          %dma_start3A_270 = tpu.memref_squeeze %dma_start3A_269 : memref<1x128x16xf32, #tpu.memory_space<vmem>> -> memref<128x16xf32, #tpu.memory_space<vmem>>
          %dma_start3A_271 = arith.constant 0 : i32
          %dma_start3A_272 = tpu.memref_slice %arg6[%add3A_260, %dma_start3A_271] : memref<50x128xi32, #tpu.memory_space<vmem>> -> memref<1x128xi32, #tpu.memory_space<vmem>>
          %dma_start3A_273 = tpu.memref_squeeze %dma_start3A_272 : memref<1x128xi32, #tpu.memory_space<vmem>> -> memref<128xi32, #tpu.memory_space<vmem>>
          %dma_start3A_274 = arith.constant 0 : i32
          %dma_start3A_275 = arith.constant 0 : i32
          %dma_start3A_276 = tpu.memref_slice %arg5[%dma_start3A_274, %dma_start3A_275] : memref<10240x16xf32, #tpu.memory_space<vmem_shared>> -> memref<10240x16xf32, #tpu.memory_space<vmem_shared>>
          tpu.enqueue_indirect_dma source(%dma_start3A_270 : memref<128x16xf32, #tpu.memory_space<vmem>>) target(%dma_start3A_276 : memref<10240x16xf32, #tpu.memory_space<vmem_shared>>) offsets(%dma_start3A_273 : memref<128xi32, #tpu.memory_space<vmem>>) semaphore(%arg9 : memref<!tpu.dma_semaphore, #tpu.memory_space<semaphore_mem>>) {add = true}
        } else {
        }
        %gt3A = arith.constant 0 : i32
        %gt3A_31 = arith.cmpi sgt, %scan3A_25, %gt3A : i32
        %convert_element_type3A_32 = arith.extui %gt3A_31 : i1 to i32
        %cond3A_33 = arith.constant 0 : i32
        %cond3A_34 = arith.cmpi ne, %convert_element_type3A_32, %cond3A_33 : i32
        scf.if %cond3A_34 {
          %sub3A = arith.constant 1 : i32
          %sub3A_35 = arith.subi %scan3A_25, %sub3A : i32
          %jit3A = arith.constant 2 : i32
          %eq3A = arith.constant 0 : i32
          %eq3A_36 = arith.cmpi eq, %jit3A, %eq3A : i32
          %jit3A_37 = arith.constant 1 : i32
          %select_n3A = arith.select %eq3A_36, %jit3A_37, %jit3A : i32
          %rem3A = arith.remsi %sub3A_35, %select_n3A : i32
          %ne3A = arith.constant 0 : i32
          %ne3A_38 = arith.cmpi ne, %rem3A, %ne3A : i32
          %lt3A_39 = arith.constant 0 : i32
          %lt3A_40 = arith.cmpi slt, %rem3A, %lt3A_39 : i32
          %lt3A_41 = arith.constant 0 : i32
          %lt3A_42 = arith.cmpi slt, %select_n3A, %lt3A_41 : i32
          %ne3A_43 = arith.xori %lt3A_40, %lt3A_42 : i1
          %and3A = arith.andi %ne3A_43, %ne3A_38 : i1
          %add3A_44 = arith.addi %rem3A, %select_n3A : i32
          %select_n3A_45 = arith.select %and3A, %add3A_44, %rem3A : i32
          %mul3A_46 = arith.constant 5 : i32
          %mul3A_47 = arith.muli %sub3A_35, %mul3A_46 : i32
          %add3A_48 = arith.constant 0 : i32
          %add3A_49 = arith.addi %mul3A_47, %add3A_48 : i32
          %dma_wait3A = arith.constant 0 : i32
          %dma_wait3A_50 = arith.constant 0 : i32
          %dma_wait3A_51 = arith.constant 0 : i32
          %dma_wait3A_52 = arith.constant 0 : i32
          %dma_wait3A_53 = tpu.memref_slice %arg7[%select_n3A_45, %dma_wait3A_50, %dma_wait3A_51, %dma_wait3A_52] : memref<2x5x128x16xf32, #tpu.memory_space<vmem>> -> memref<1x5x128x16xf32, #tpu.memory_space<vmem>>
          %dma_wait3A_54 = tpu.memref_squeeze %dma_wait3A_53 : memref<1x5x128x16xf32, #tpu.memory_space<vmem>> -> memref<5x128x16xf32, #tpu.memory_space<vmem>>
          %dma_wait3A_55 = arith.constant 0 : i32
          %dma_wait3A_56 = arith.constant 0 : i32
          %dma_wait3A_57 = tpu.memref_slice %dma_wait3A_54[%dma_wait3A, %dma_wait3A_55, %dma_wait3A_56] : memref<5x128x16xf32, #tpu.memory_space<vmem>> -> memref<1x128x16xf32, #tpu.memory_space<vmem>>
          %dma_wait3A_58 = tpu.memref_squeeze %dma_wait3A_57 : memref<1x128x16xf32, #tpu.memory_space<vmem>> -> memref<128x16xf32, #tpu.memory_space<vmem>>
          %dma_wait3A_59 = arith.constant 0 : i32
          %dma_wait3A_60 = tpu.memref_slice %arg6[%add3A_49, %dma_wait3A_59] : memref<50x128xi32, #tpu.memory_space<vmem>> -> memref<1x128xi32, #tpu.memory_space<vmem>>
          %dma_wait3A_61 = tpu.memref_squeeze %dma_wait3A_60 : memref<1x128xi32, #tpu.memory_space<vmem>> -> memref<128xi32, #tpu.memory_space<vmem>>
          %dma_wait3A_62 = arith.constant 0 : i32
          %dma_wait3A_63 = arith.constant 0 : i32
          %dma_wait3A_64 = tpu.memref_slice %arg5[%dma_wait3A_62, %dma_wait3A_63] : memref<10240x16xf32, #tpu.memory_space<vmem_shared>> -> memref<10240x16xf32, #tpu.memory_space<vmem_shared>>
          tpu.wait_indirect_dma semaphore(%arg9 : memref<!tpu.dma_semaphore, #tpu.memory_space<semaphore_mem>>) src(%dma_wait3A_58 : memref<128x16xf32, #tpu.memory_space<vmem>>) dst(%dma_wait3A_64 : memref<10240x16xf32, #tpu.memory_space<vmem_shared>>)
          %jit3A_65 = arith.constant 2 : i32
          %eq3A_66 = arith.constant 0 : i32
          %eq3A_67 = arith.cmpi eq, %jit3A_65, %eq3A_66 : i32
          %jit3A_68 = arith.constant 1 : i32
          %select_n3A_69 = arith.select %eq3A_67, %jit3A_68, %jit3A_65 : i32
          %rem3A_70 = arith.remsi %sub3A_35, %select_n3A_69 : i32
          %ne3A_71 = arith.constant 0 : i32
          %ne3A_72 = arith.cmpi ne, %rem3A_70, %ne3A_71 : i32
          %lt3A_73 = arith.constant 0 : i32
          %lt3A_74 = arith.cmpi slt, %rem3A_70, %lt3A_73 : i32
          %lt3A_75 = arith.constant 0 : i32
          %lt3A_76 = arith.cmpi slt, %select_n3A_69, %lt3A_75 : i32
          %ne3A_77 = arith.xori %lt3A_74, %lt3A_76 : i1
          %and3A_78 = arith.andi %ne3A_77, %ne3A_72 : i1
          %add3A_79 = arith.addi %rem3A_70, %select_n3A_69 : i32
          %select_n3A_80 = arith.select %and3A_78, %add3A_79, %rem3A_70 : i32
          %mul3A_81 = arith.constant 5 : i32
          %mul3A_82 = arith.muli %sub3A_35, %mul3A_81 : i32
          %add3A_83 = arith.constant 1 : i32
          %add3A_84 = arith.addi %mul3A_82, %add3A_83 : i32
          %dma_wait3A_85 = arith.constant 1 : i32
          %dma_wait3A_86 = arith.constant 0 : i32
          %dma_wait3A_87 = arith.constant 0 : i32
          %dma_wait3A_88 = arith.constant 0 : i32
          %dma_wait3A_89 = tpu.memref_slice %arg7[%select_n3A_80, %dma_wait3A_86, %dma_wait3A_87, %dma_wait3A_88] : memref<2x5x128x16xf32, #tpu.memory_space<vmem>> -> memref<1x5x128x16xf32, #tpu.memory_space<vmem>>
          %dma_wait3A_90 = tpu.memref_squeeze %dma_wait3A_89 : memref<1x5x128x16xf32, #tpu.memory_space<vmem>> -> memref<5x128x16xf32, #tpu.memory_space<vmem>>
          %dma_wait3A_91 = arith.constant 0 : i32
          %dma_wait3A_92 = arith.constant 0 : i32
          %dma_wait3A_93 = tpu.memref_slice %dma_wait3A_90[%dma_wait3A_85, %dma_wait3A_91, %dma_wait3A_92] : memref<5x128x16xf32, #tpu.memory_space<vmem>> -> memref<1x128x16xf32, #tpu.memory_space<vmem>>
          %dma_wait3A_94 = tpu.memref_squeeze %dma_wait3A_93 : memref<1x128x16xf32, #tpu.memory_space<vmem>> -> memref<128x16xf32, #tpu.memory_space<vmem>>
          %dma_wait3A_95 = arith.constant 0 : i32
          %dma_wait3A_96 = tpu.memref_slice %arg6[%add3A_84, %dma_wait3A_95] : memref<50x128xi32, #tpu.memory_space<vmem>> -> memref<1x128xi32, #tpu.memory_space<vmem>>
          %dma_wait3A_97 = tpu.memref_squeeze %dma_wait3A_96 : memref<1x128xi32, #tpu.memory_space<vmem>> -> memref<128xi32, #tpu.memory_space<vmem>>
          %dma_wait3A_98 = arith.constant 0 : i32
          %dma_wait3A_99 = arith.constant 0 : i32
          %dma_wait3A_100 = tpu.memref_slice %arg5[%dma_wait3A_98, %dma_wait3A_99] : memref<10240x16xf32, #tpu.memory_space<vmem_shared>> -> memref<10240x16xf32, #tpu.memory_space<vmem_shared>>
          tpu.wait_indirect_dma semaphore(%arg9 : memref<!tpu.dma_semaphore, #tpu.memory_space<semaphore_mem>>) src(%dma_wait3A_94 : memref<128x16xf32, #tpu.memory_space<vmem>>) dst(%dma_wait3A_100 : memref<10240x16xf32, #tpu.memory_space<vmem_shared>>)
          %jit3A_101 = arith.constant 2 : i32
          %eq3A_102 = arith.constant 0 : i32
          %eq3A_103 = arith.cmpi eq, %jit3A_101, %eq3A_102 : i32
          %jit3A_104 = arith.constant 1 : i32
          %select_n3A_105 = arith.select %eq3A_103, %jit3A_104, %jit3A_101 : i32
          %rem3A_106 = arith.remsi %sub3A_35, %select_n3A_105 : i32
          %ne3A_107 = arith.constant 0 : i32
          %ne3A_108 = arith.cmpi ne, %rem3A_106, %ne3A_107 : i32
          %lt3A_109 = arith.constant 0 : i32
          %lt3A_110 = arith.cmpi slt, %rem3A_106, %lt3A_109 : i32
          %lt3A_111 = arith.constant 0 : i32
          %lt3A_112 = arith.cmpi slt, %select_n3A_105, %lt3A_111 : i32
          %ne3A_113 = arith.xori %lt3A_110, %lt3A_112 : i1
          %and3A_114 = arith.andi %ne3A_113, %ne3A_108 : i1
          %add3A_115 = arith.addi %rem3A_106, %select_n3A_105 : i32
          %select_n3A_116 = arith.select %and3A_114, %add3A_115, %rem3A_106 : i32
          %mul3A_117 = arith.constant 5 : i32
          %mul3A_118 = arith.muli %sub3A_35, %mul3A_117 : i32
          %add3A_119 = arith.constant 2 : i32
          %add3A_120 = arith.addi %mul3A_118, %add3A_119 : i32
          %dma_wait3A_121 = arith.constant 2 : i32
          %dma_wait3A_122 = arith.constant 0 : i32
          %dma_wait3A_123 = arith.constant 0 : i32
          %dma_wait3A_124 = arith.constant 0 : i32
          %dma_wait3A_125 = tpu.memref_slice %arg7[%select_n3A_116, %dma_wait3A_122, %dma_wait3A_123, %dma_wait3A_124] : memref<2x5x128x16xf32, #tpu.memory_space<vmem>> -> memref<1x5x128x16xf32, #tpu.memory_space<vmem>>
          %dma_wait3A_126 = tpu.memref_squeeze %dma_wait3A_125 : memref<1x5x128x16xf32, #tpu.memory_space<vmem>> -> memref<5x128x16xf32, #tpu.memory_space<vmem>>
          %dma_wait3A_127 = arith.constant 0 : i32
          %dma_wait3A_128 = arith.constant 0 : i32
          %dma_wait3A_129 = tpu.memref_slice %dma_wait3A_126[%dma_wait3A_121, %dma_wait3A_127, %dma_wait3A_128] : memref<5x128x16xf32, #tpu.memory_space<vmem>> -> memref<1x128x16xf32, #tpu.memory_space<vmem>>
          %dma_wait3A_130 = tpu.memref_squeeze %dma_wait3A_129 : memref<1x128x16xf32, #tpu.memory_space<vmem>> -> memref<128x16xf32, #tpu.memory_space<vmem>>
          %dma_wait3A_131 = arith.constant 0 : i32
          %dma_wait3A_132 = tpu.memref_slice %arg6[%add3A_120, %dma_wait3A_131] : memref<50x128xi32, #tpu.memory_space<vmem>> -> memref<1x128xi32, #tpu.memory_space<vmem>>
          %dma_wait3A_133 = tpu.memref_squeeze %dma_wait3A_132 : memref<1x128xi32, #tpu.memory_space<vmem>> -> memref<128xi32, #tpu.memory_space<vmem>>
          %dma_wait3A_134 = arith.constant 0 : i32
          %dma_wait3A_135 = arith.constant 0 : i32
          %dma_wait3A_136 = tpu.memref_slice %arg5[%dma_wait3A_134, %dma_wait3A_135] : memref<10240x16xf32, #tpu.memory_space<vmem_shared>> -> memref<10240x16xf32, #tpu.memory_space<vmem_shared>>
          tpu.wait_indirect_dma semaphore(%arg9 : memref<!tpu.dma_semaphore, #tpu.memory_space<semaphore_mem>>) src(%dma_wait3A_130 : memref<128x16xf32, #tpu.memory_space<vmem>>) dst(%dma_wait3A_136 : memref<10240x16xf32, #tpu.memory_space<vmem_shared>>)
          %jit3A_137 = arith.constant 2 : i32
          %eq3A_138 = arith.constant 0 : i32
          %eq3A_139 = arith.cmpi eq, %jit3A_137, %eq3A_138 : i32
          %jit3A_140 = arith.constant 1 : i32
          %select_n3A_141 = arith.select %eq3A_139, %jit3A_140, %jit3A_137 : i32
          %rem3A_142 = arith.remsi %sub3A_35, %select_n3A_141 : i32
          %ne3A_143 = arith.constant 0 : i32
          %ne3A_144 = arith.cmpi ne, %rem3A_142, %ne3A_143 : i32
          %lt3A_145 = arith.constant 0 : i32
          %lt3A_146 = arith.cmpi slt, %rem3A_142, %lt3A_145 : i32
          %lt3A_147 = arith.constant 0 : i32
          %lt3A_148 = arith.cmpi slt, %select_n3A_141, %lt3A_147 : i32
          %ne3A_149 = arith.xori %lt3A_146, %lt3A_148 : i1
          %and3A_150 = arith.andi %ne3A_149, %ne3A_144 : i1
          %add3A_151 = arith.addi %rem3A_142, %select_n3A_141 : i32
          %select_n3A_152 = arith.select %and3A_150, %add3A_151, %rem3A_142 : i32
          %mul3A_153 = arith.constant 5 : i32
          %mul3A_154 = arith.muli %sub3A_35, %mul3A_153 : i32
          %add3A_155 = arith.constant 3 : i32
          %add3A_156 = arith.addi %mul3A_154, %add3A_155 : i32
          %dma_wait3A_157 = arith.constant 3 : i32
          %dma_wait3A_158 = arith.constant 0 : i32
          %dma_wait3A_159 = arith.constant 0 : i32
          %dma_wait3A_160 = arith.constant 0 : i32
          %dma_wait3A_161 = tpu.memref_slice %arg7[%select_n3A_152, %dma_wait3A_158, %dma_wait3A_159, %dma_wait3A_160] : memref<2x5x128x16xf32, #tpu.memory_space<vmem>> -> memref<1x5x128x16xf32, #tpu.memory_space<vmem>>
          %dma_wait3A_162 = tpu.memref_squeeze %dma_wait3A_161 : memref<1x5x128x16xf32, #tpu.memory_space<vmem>> -> memref<5x128x16xf32, #tpu.memory_space<vmem>>
          %dma_wait3A_163 = arith.constant 0 : i32
          %dma_wait3A_164 = arith.constant 0 : i32
          %dma_wait3A_165 = tpu.memref_slice %dma_wait3A_162[%dma_wait3A_157, %dma_wait3A_163, %dma_wait3A_164] : memref<5x128x16xf32, #tpu.memory_space<vmem>> -> memref<1x128x16xf32, #tpu.memory_space<vmem>>
          %dma_wait3A_166 = tpu.memref_squeeze %dma_wait3A_165 : memref<1x128x16xf32, #tpu.memory_space<vmem>> -> memref<128x16xf32, #tpu.memory_space<vmem>>
          %dma_wait3A_167 = arith.constant 0 : i32
          %dma_wait3A_168 = tpu.memref_slice %arg6[%add3A_156, %dma_wait3A_167] : memref<50x128xi32, #tpu.memory_space<vmem>> -> memref<1x128xi32, #tpu.memory_space<vmem>>
          %dma_wait3A_169 = tpu.memref_squeeze %dma_wait3A_168 : memref<1x128xi32, #tpu.memory_space<vmem>> -> memref<128xi32, #tpu.memory_space<vmem>>
          %dma_wait3A_170 = arith.constant 0 : i32
          %dma_wait3A_171 = arith.constant 0 : i32
          %dma_wait3A_172 = tpu.memref_slice %arg5[%dma_wait3A_170, %dma_wait3A_171] : memref<10240x16xf32, #tpu.memory_space<vmem_shared>> -> memref<10240x16xf32, #tpu.memory_space<vmem_shared>>
          tpu.wait_indirect_dma semaphore(%arg9 : memref<!tpu.dma_semaphore, #tpu.memory_space<semaphore_mem>>) src(%dma_wait3A_166 : memref<128x16xf32, #tpu.memory_space<vmem>>) dst(%dma_wait3A_172 : memref<10240x16xf32, #tpu.memory_space<vmem_shared>>)
          %jit3A_173 = arith.constant 2 : i32
          %eq3A_174 = arith.constant 0 : i32
          %eq3A_175 = arith.cmpi eq, %jit3A_173, %eq3A_174 : i32
          %jit3A_176 = arith.constant 1 : i32
          %select_n3A_177 = arith.select %eq3A_175, %jit3A_176, %jit3A_173 : i32
          %rem3A_178 = arith.remsi %sub3A_35, %select_n3A_177 : i32
          %ne3A_179 = arith.constant 0 : i32
          %ne3A_180 = arith.cmpi ne, %rem3A_178, %ne3A_179 : i32
          %lt3A_181 = arith.constant 0 : i32
          %lt3A_182 = arith.cmpi slt, %rem3A_178, %lt3A_181 : i32
          %lt3A_183 = arith.constant 0 : i32
          %lt3A_184 = arith.cmpi slt, %select_n3A_177, %lt3A_183 : i32
          %ne3A_185 = arith.xori %lt3A_182, %lt3A_184 : i1
          %and3A_186 = arith.andi %ne3A_185, %ne3A_180 : i1
          %add3A_187 = arith.addi %rem3A_178, %select_n3A_177 : i32
          %select_n3A_188 = arith.select %and3A_186, %add3A_187, %rem3A_178 : i32
          %mul3A_189 = arith.constant 5 : i32
          %mul3A_190 = arith.muli %sub3A_35, %mul3A_189 : i32
          %add3A_191 = arith.constant 4 : i32
          %add3A_192 = arith.addi %mul3A_190, %add3A_191 : i32
          %dma_wait3A_193 = arith.constant 4 : i32
          %dma_wait3A_194 = arith.constant 0 : i32
          %dma_wait3A_195 = arith.constant 0 : i32
          %dma_wait3A_196 = arith.constant 0 : i32
          %dma_wait3A_197 = tpu.memref_slice %arg7[%select_n3A_188, %dma_wait3A_194, %dma_wait3A_195, %dma_wait3A_196] : memref<2x5x128x16xf32, #tpu.memory_space<vmem>> -> memref<1x5x128x16xf32, #tpu.memory_space<vmem>>
          %dma_wait3A_198 = tpu.memref_squeeze %dma_wait3A_197 : memref<1x5x128x16xf32, #tpu.memory_space<vmem>> -> memref<5x128x16xf32, #tpu.memory_space<vmem>>
          %dma_wait3A_199 = arith.constant 0 : i32
          %dma_wait3A_200 = arith.constant 0 : i32
          %dma_wait3A_201 = tpu.memref_slice %dma_wait3A_198[%dma_wait3A_193, %dma_wait3A_199, %dma_wait3A_200] : memref<5x128x16xf32, #tpu.memory_space<vmem>> -> memref<1x128x16xf32, #tpu.memory_space<vmem>>
          %dma_wait3A_202 = tpu.memref_squeeze %dma_wait3A_201 : memref<1x128x16xf32, #tpu.memory_space<vmem>> -> memref<128x16xf32, #tpu.memory_space<vmem>>
          %dma_wait3A_203 = arith.constant 0 : i32
          %dma_wait3A_204 = tpu.memref_slice %arg6[%add3A_192, %dma_wait3A_203] : memref<50x128xi32, #tpu.memory_space<vmem>> -> memref<1x128xi32, #tpu.memory_space<vmem>>
          %dma_wait3A_205 = tpu.memref_squeeze %dma_wait3A_204 : memref<1x128xi32, #tpu.memory_space<vmem>> -> memref<128xi32, #tpu.memory_space<vmem>>
          %dma_wait3A_206 = arith.constant 0 : i32
          %dma_wait3A_207 = arith.constant 0 : i32
          %dma_wait3A_208 = tpu.memref_slice %arg5[%dma_wait3A_206, %dma_wait3A_207] : memref<10240x16xf32, #tpu.memory_space<vmem_shared>> -> memref<10240x16xf32, #tpu.memory_space<vmem_shared>>
          tpu.wait_indirect_dma semaphore(%arg9 : memref<!tpu.dma_semaphore, #tpu.memory_space<semaphore_mem>>) src(%dma_wait3A_202 : memref<128x16xf32, #tpu.memory_space<vmem>>) dst(%dma_wait3A_208 : memref<10240x16xf32, #tpu.memory_space<vmem_shared>>)
        } else {
        }
      }
      %scan3A_24 = arith.constant 11 : i32
    } else {
    }
    %barrier3A_14 = arith.constant 0 : index
    tpu.barrier barrier_id(%barrier3A_14)
    %mul3A_15 = arith.constant 640 : i32
    %mul3A_16 = arith.muli %arg1, %mul3A_15 : i32
    %mul3A_17 = arith.constant 640 : i32
    %mul3A_18 = arith.muli %arg1, %mul3A_17 : i32
    "tpu.region"() ({
      %run_scoped3A = tpu.sem_alloc : memref<!tpu.dma_semaphore, #tpu.memory_space<semaphore_mem>>
      %dma_start3A = arith.constant 0 : i32
      %dma_start3A_19 = arith.constant 0 : i32
      %dma_start3A_20 = tpu.memref_slice %arg4[%arg0, %dma_start3A, %dma_start3A_19] : memref<2x10240x16xf32, #tpu.memory_space<hbm>> -> memref<1x10240x16xf32, #tpu.memory_space<hbm>>
      %dma_start3A_21 = tpu.memref_squeeze %dma_start3A_20 : memref<1x10240x16xf32, #tpu.memory_space<hbm>> -> memref<10240x16xf32, #tpu.memory_space<hbm>>
      %dma_start3A_22 = arith.constant 0 : i32
      %dma_start3A_23 = tpu.memref_slice %dma_start3A_21[%mul3A_18, %dma_start3A_22] : memref<10240x16xf32, #tpu.memory_space<hbm>> -> memref<640x16xf32, #tpu.memory_space<hbm>>
      %dma_start3A_24 = arith.constant 0 : i32
      %dma_start3A_25 = tpu.memref_slice %arg5[%mul3A_16, %dma_start3A_24] : memref<10240x16xf32, #tpu.memory_space<vmem_shared>> -> memref<640x16xf32, #tpu.memory_space<vmem_shared>>
      tpu.enqueue_dma source(%dma_start3A_25 : memref<640x16xf32, #tpu.memory_space<vmem_shared>>) target(%dma_start3A_23 : memref<640x16xf32, #tpu.memory_space<hbm>>) target_semaphore(%run_scoped3A : memref<!tpu.dma_semaphore, #tpu.memory_space<semaphore_mem>>)
      %dma_wait3A = arith.constant 0 : i32
      %dma_wait3A_26 = arith.constant 0 : i32
      %dma_wait3A_27 = tpu.memref_slice %arg4[%arg0, %dma_wait3A, %dma_wait3A_26] : memref<2x10240x16xf32, #tpu.memory_space<hbm>> -> memref<1x10240x16xf32, #tpu.memory_space<hbm>>
      %dma_wait3A_28 = tpu.memref_squeeze %dma_wait3A_27 : memref<1x10240x16xf32, #tpu.memory_space<hbm>> -> memref<10240x16xf32, #tpu.memory_space<hbm>>
      %dma_wait3A_29 = arith.constant 0 : i32
      %dma_wait3A_30 = tpu.memref_slice %dma_wait3A_28[%mul3A_18, %dma_wait3A_29] : memref<10240x16xf32, #tpu.memory_space<hbm>> -> memref<640x16xf32, #tpu.memory_space<hbm>>
      %dma_wait3A_31 = arith.constant 0 : i32
      %dma_wait3A_32 = tpu.memref_slice %arg5[%mul3A_16, %dma_wait3A_31] : memref<10240x16xf32, #tpu.memory_space<vmem_shared>> -> memref<640x16xf32, #tpu.memory_space<vmem_shared>>
      tpu.wait_dma2 semaphore(%run_scoped3A : memref<!tpu.dma_semaphore, #tpu.memory_space<semaphore_mem>>) src(%dma_wait3A_32 : memref<640x16xf32, #tpu.memory_space<vmem_shared>>) dst(%dma_wait3A_30 : memref<640x16xf32, #tpu.memory_space<hbm>>)
      tpu.yield
    }) : () -> ()
    return
  }
}

module attributes {stable_mosaic.version = 14 : i64} {
  func.func @_prep_body(%arg0: memref<1280x1024xf32, #tpu.memory_space<vmem>>, %arg1: memref<1024x128xf32, #tpu.memory_space<vmem>>, %arg2: memref<1x128xf32, #tpu.memory_space<vmem>>, %arg3: memref<1280x128xf32, #tpu.memory_space<vmem>>) attributes {dimension_semantics = [], scalar_prefetch = 0 : i64, scratch_operands = 0 : i64, tpu.core_type = #tpu.core_type<tc>} {
    %get3A = arith.constant 0 : index
    %get3A_0 = arith.constant 0 : index
    %get3A_1 = vector.load %arg0[%get3A, %get3A_0] : memref<1280x1024xf32, #tpu.memory_space<vmem>>, vector<1280x1024xf32>
    %get3A_2 = arith.constant 0 : index
    %get3A_3 = arith.constant 0 : index
    %get3A_4 = vector.load %arg1[%get3A_2, %get3A_3] : memref<1024x128xf32, #tpu.memory_space<vmem>>, vector<1024x128xf32>
    %dot_general3A = arith.constant dense<0.000000e+00> : vector<1280x128xf32>
    %dot_general3A_5 = tpu.matmul %get3A_1, %get3A_4, %dot_general3A {dimension_numbers = #tpu.dot_dimension_numbers<[1], [0], [0], [1], [0, 0, 1, 1], [], []>, transpose_lhs_hint = false} : vector<1280x1024xf32>, vector<1024x128xf32>, vector<1280x128xf32> -> vector<1280x128xf32>
    %get3A_6 = arith.constant 0 : index
    %get3A_7 = arith.constant 0 : index
    %get3A_8 = vector.load %arg2[%get3A_6, %get3A_7] : memref<1x128xf32, #tpu.memory_space<vmem>>, vector<1x128xf32>
    %add3A = vector.broadcast %get3A_8 : vector<1x128xf32> to vector<1280x128xf32>
    %add3A_9 = arith.addf %dot_general3A_5, %add3A : vector<1280x128xf32>
    %max3A = arith.constant 0.000000e+00 : f32
    %max3A_10 = vector.broadcast %max3A : f32 to vector<1280x128xf32>
    %max3A_11 = arith.maximumf %add3A_9, %max3A_10 : vector<1280x128xf32>
    %swap3A = arith.constant 0 : index
    %swap3A_12 = arith.constant 0 : index
    %swap3A_13 = vector.load %arg3[%swap3A, %swap3A_12] : memref<1280x128xf32, #tpu.memory_space<vmem>>, vector<1280x128xf32>
    tpu.vector_store %arg3[%swap3A, %swap3A_12], %max3A_11 {strides = array<i32>} : memref<1280x128xf32, #tpu.memory_space<vmem>>, vector<1280x128xf32>,
    return
  }
}

module attributes {stable_mosaic.version = 14 : i64} {
  func.func @_msg_body(%arg0: i32, %arg1: memref<2000x128xf32, #tpu.memory_space<vmem>>, %arg2: memref<2000x128xf32, #tpu.memory_space<vmem>>, %arg3: memref<128x128xf32, #tpu.memory_space<vmem>>, %arg4: memref<1x128xf32, #tpu.memory_space<vmem>>, %arg5: memref<128x2048xf32, #tpu.memory_space<vmem>>, %arg6: memref<1x2048xf32, #tpu.memory_space<vmem>>, %arg7: memref<128x2048xf32, #tpu.memory_space<vmem>>, %arg8: memref<2048x128xf32, #tpu.memory_space<vmem>>, %arg9: memref<2000x128xf32, #tpu.memory_space<vmem>>) attributes {dimension_semantics = [#tpu.dimension_semantics<arbitrary>], iteration_bounds = array<i64: 10>, scalar_prefetch = 0 : i64, scratch_operands = 0 : i64, tpu.core_type = #tpu.core_type<tc>, window_params = [{transform_indices = @transform_0, window_bounds = array<i64: 2000, 128>}, {transform_indices = @transform_1, window_bounds = array<i64: 2000, 128>}, {pipeline_mode = #tpu.pipeline_mode<synchronous>, transform_indices = @transform_2, window_bounds = array<i64: 128, 128>}, {pipeline_mode = #tpu.pipeline_mode<synchronous>, transform_indices = @transform_3, window_bounds = array<i64: 1, 128>}, {pipeline_mode = #tpu.pipeline_mode<synchronous>, transform_indices = @transform_4, window_bounds = array<i64: 128, 2048>}, {pipeline_mode = #tpu.pipeline_mode<synchronous>, transform_indices = @transform_5, window_bounds = array<i64: 1, 2048>}, {pipeline_mode = #tpu.pipeline_mode<synchronous>, transform_indices = @transform_6, window_bounds = array<i64: 128, 2048>}, {pipeline_mode = #tpu.pipeline_mode<synchronous>, transform_indices = @transform_7, window_bounds = array<i64: 2048, 128>}, {transform_indices = @transform_8, window_bounds = array<i64: 2000, 128>}]} {
    %get3A = arith.constant 0 : index
    %get3A_0 = arith.constant 0 : index
    %get3A_1 = vector.load %arg1[%get3A, %get3A_0] : memref<2000x128xf32, #tpu.memory_space<vmem>>, vector<2000x128xf32>
    %get3A_2 = arith.constant 0 : index
    %get3A_3 = arith.constant 0 : index
    %get3A_4 = vector.load %arg3[%get3A_2, %get3A_3] : memref<128x128xf32, #tpu.memory_space<vmem>>, vector<128x128xf32>
    %dot_general3A = arith.constant dense<0.000000e+00> : vector<2000x128xf32>
    %dot_general3A_5 = tpu.matmul %get3A_1, %get3A_4, %dot_general3A {dimension_numbers = #tpu.dot_dimension_numbers<[1], [0], [0], [1], [0, 0, 1, 1], [], []>, transpose_lhs_hint = false} : vector<2000x128xf32>, vector<128x128xf32>, vector<2000x128xf32> -> vector<2000x128xf32>
    %get3A_6 = arith.constant 0 : index
    %get3A_7 = arith.constant 0 : index
    %get3A_8 = vector.load %arg4[%get3A_6, %get3A_7] : memref<1x128xf32, #tpu.memory_space<vmem>>, vector<1x128xf32>
    %add3A = vector.broadcast %get3A_8 : vector<1x128xf32> to vector<2000x128xf32>
    %add3A_9 = arith.addf %dot_general3A_5, %add3A : vector<2000x128xf32>
    %mul3A = arith.constant 5.000000e-01 : f32
    %mul3A_10 = vector.broadcast %mul3A : f32 to vector<2000x128xf32>
    %mul3A_11 = arith.mulf %mul3A_10, %add3A_9 : vector<2000x128xf32>
    %div3A = arith.constant 1.41421354 : f32
    %div3A_12 = vector.broadcast %div3A : f32 to vector<2000x128xf32>
    %div3A_13 = arith.divf %add3A_9, %div3A_12 : vector<2000x128xf32>
    %erf3A = math.erf %div3A_13 : vector<2000x128xf32>
    %add3A_14 = arith.constant 1.000000e+00 : f32
    %add3A_15 = vector.broadcast %add3A_14 : f32 to vector<2000x128xf32>
    %add3A_16 = arith.addf %add3A_15, %erf3A : vector<2000x128xf32>
    %mul3A_17 = arith.mulf %mul3A_11, %add3A_16 : vector<2000x128xf32>
    %get3A_18 = arith.constant 0 : index
    %get3A_19 = arith.constant 0 : index
    %get3A_20 = vector.load %arg5[%get3A_18, %get3A_19] : memref<128x2048xf32, #tpu.memory_space<vmem>>, vector<128x2048xf32>
    %dot_general3A_21 = arith.constant dense<0.000000e+00> : vector<2000x2048xf32>
    %dot_general3A_22 = tpu.matmul %mul3A_17, %get3A_20, %dot_general3A_21 {dimension_numbers = #tpu.dot_dimension_numbers<[1], [0], [0], [1], [0, 0, 1, 1], [], []>, transpose_lhs_hint = false} : vector<2000x128xf32>, vector<128x2048xf32>, vector<2000x2048xf32> -> vector<2000x2048xf32>
    %get3A_23 = arith.constant 0 : index
    %get3A_24 = arith.constant 0 : index
    %get3A_25 = vector.load %arg6[%get3A_23, %get3A_24] : memref<1x2048xf32, #tpu.memory_space<vmem>>, vector<1x2048xf32>
    %add3A_26 = vector.broadcast %get3A_25 : vector<1x2048xf32> to vector<2000x2048xf32>
    %add3A_27 = arith.addf %dot_general3A_22, %add3A_26 : vector<2000x2048xf32>
    %get3A_28 = arith.constant 0 : index
    %get3A_29 = arith.constant 0 : index
    %get3A_30 = vector.load %arg2[%get3A_28, %get3A_29] : memref<2000x128xf32, #tpu.memory_space<vmem>>, vector<2000x128xf32>
    %get3A_31 = arith.constant 0 : index
    %get3A_32 = arith.constant 0 : index
    %get3A_33 = vector.load %arg7[%get3A_31, %get3A_32] : memref<128x2048xf32, #tpu.memory_space<vmem>>, vector<128x2048xf32>
    %dot_general3A_34 = arith.constant dense<0.000000e+00> : vector<2000x2048xf32>
    %dot_general3A_35 = tpu.matmul %get3A_30, %get3A_33, %dot_general3A_34 {dimension_numbers = #tpu.dot_dimension_numbers<[1], [0], [0], [1], [0, 0, 1, 1], [], []>, transpose_lhs_hint = false} : vector<2000x128xf32>, vector<128x2048xf32>, vector<2000x2048xf32> -> vector<2000x2048xf32>
    %mul3A_36 = arith.mulf %add3A_27, %dot_general3A_35 : vector<2000x2048xf32>
    %get3A_37 = arith.constant 0 : index
    %get3A_38 = arith.constant 0 : index
    %get3A_39 = vector.load %arg8[%get3A_37, %get3A_38] : memref<2048x128xf32, #tpu.memory_space<vmem>>, vector<2048x128xf32>
    %dot_general3A_40 = arith.constant dense<0.000000e+00> : vector<2000x128xf32>
    %dot_general3A_41 = tpu.matmul %mul3A_36, %get3A_39, %dot_general3A_40 {dimension_numbers = #tpu.dot_dimension_numbers<[1], [0], [0], [1], [0, 0, 1, 1], [], []>, transpose_lhs_hint = false} : vector<2000x2048xf32>, vector<2048x128xf32>, vector<2000x128xf32> -> vector<2000x128xf32>
    %swap3A = arith.constant 0 : index
    %swap3A_42 = arith.constant 0 : index
    %swap3A_43 = vector.load %arg9[%swap3A, %swap3A_42] : memref<2000x128xf32, #tpu.memory_space<vmem>>, vector<2000x128xf32>
    tpu.vector_store %arg9[%swap3A, %swap3A_42], %dot_general3A_41 {strides = array<i32>} : memref<2000x128xf32, #tpu.memory_space<vmem>>, vector<2000x128xf32>,
    return
  }
  func.func @transform_0(%arg0: i32) -> (i32, i32) {
    %c0_i32 = arith.constant 0 : i32
    %c0_i32_0 = arith.constant 0 : i32
    return %arg0, %c0_i32 : i32, i32
  }
  func.func @transform_1(%arg0: i32) -> (i32, i32) {
    %c0_i32 = arith.constant 0 : i32
    %c0_i32_0 = arith.constant 0 : i32
    return %arg0, %c0_i32 : i32, i32
  }
  func.func @transform_2(%arg0: i32) -> (i32, i32) {
    %c0_i32 = arith.constant 0 : i32
    %c0_i32_0 = arith.constant 0 : i32
    %c0_i32_1 = arith.constant 0 : i32
    return %c0_i32, %c0_i32_0 : i32, i32
  }
  func.func @transform_3(%arg0: i32) -> (i32, i32) {
    %c0_i32 = arith.constant 0 : i32
    %c0_i32_0 = arith.constant 0 : i32
    %c0_i32_1 = arith.constant 0 : i32
    return %c0_i32, %c0_i32_0 : i32, i32
  }
  func.func @transform_4(%arg0: i32) -> (i32, i32) {
    %c0_i32 = arith.constant 0 : i32
    %c0_i32_0 = arith.constant 0 : i32
    %c0_i32_1 = arith.constant 0 : i32
    return %c0_i32, %c0_i32_0 : i32, i32
  }
  func.func @transform_5(%arg0: i32) -> (i32, i32) {
    %c0_i32 = arith.constant 0 : i32
    %c0_i32_0 = arith.constant 0 : i32
    %c0_i32_1 = arith.constant 0 : i32
    return %c0_i32, %c0_i32_0 : i32, i32
  }
  func.func @transform_6(%arg0: i32) -> (i32, i32) {
    %c0_i32 = arith.constant 0 : i32
    %c0_i32_0 = arith.constant 0 : i32
    %c0_i32_1 = arith.constant 0 : i32
    return %c0_i32, %c0_i32_0 : i32, i32
  }
  func.func @transform_7(%arg0: i32) -> (i32, i32) {
    %c0_i32 = arith.constant 0 : i32
    %c0_i32_0 = arith.constant 0 : i32
    %c0_i32_1 = arith.constant 0 : i32
    return %c0_i32, %c0_i32_0 : i32, i32
  }
  func.func @transform_8(%arg0: i32) -> (i32, i32) {
    %c0_i32 = arith.constant 0 : i32
    %c0_i32_0 = arith.constant 0 : i32
    return %arg0, %c0_i32 : i32, i32
  }
}

module attributes {stable_mosaic.version = 14 : i64} {
  func.func @_update_body(%arg0: memref<1280x128xf32, #tpu.memory_space<vmem>>, %arg1: memref<2x1280x128xf32, #tpu.memory_space<vmem>>, %arg2: memref<2x1280x128xf32, #tpu.memory_space<vmem>>, %arg3: memref<128x128xf32, #tpu.memory_space<vmem>>, %arg4: memref<1x128xf32, #tpu.memory_space<vmem>>, %arg5: memref<128x128xf32, #tpu.memory_space<vmem>>, %arg6: memref<1x128xf32, #tpu.memory_space<vmem>>, %arg7: memref<1x128xf32, #tpu.memory_space<vmem>>, %arg8: memref<1280x128xf32, #tpu.memory_space<vmem>>) attributes {dimension_semantics = [], scalar_prefetch = 0 : i64, scratch_operands = 0 : i64, tpu.core_type = #tpu.core_type<tc>} {
    %get3A = arith.constant 0 : index
    %get3A_0 = arith.constant 0 : index
    %get3A_1 = vector.load %arg0[%get3A, %get3A_0] : memref<1280x128xf32, #tpu.memory_space<vmem>>, vector<1280x128xf32>
    %get3A_2 = arith.constant 0 : index
    %get3A_3 = arith.constant 0 : index
    %get3A_4 = arith.constant 0 : index
    %get3A_5 = vector.load %arg2[%get3A_2, %get3A_3, %get3A_4] : memref<2x1280x128xf32, #tpu.memory_space<vmem>>, vector<1x1280x128xf32>
    %get3A_6 = vector.shape_cast %get3A_5 : vector<1x1280x128xf32> to vector<1280x128xf32>
    %get3A_7 = arith.constant 1 : index
    %get3A_8 = arith.constant 0 : index
    %get3A_9 = arith.constant 0 : index
    %get3A_10 = vector.load %arg2[%get3A_7, %get3A_8, %get3A_9] : memref<2x1280x128xf32, #tpu.memory_space<vmem>>, vector<1x1280x128xf32>
    %get3A_11 = vector.shape_cast %get3A_10 : vector<1x1280x128xf32> to vector<1280x128xf32>
    %add3A = arith.addf %get3A_6, %get3A_11 : vector<1280x128xf32>
    %max3A = arith.constant 1.000000e+00 : f32
    %max3A_12 = vector.broadcast %max3A : f32 to vector<1280x128xf32>
    %max3A_13 = arith.maximumf %add3A, %max3A_12 : vector<1280x128xf32>
    %div3A = arith.constant 1.000000e+00 : f32
    %div3A_14 = vector.broadcast %div3A : f32 to vector<1280x128xf32>
    %div3A_15 = arith.divf %div3A_14, %max3A_13 : vector<1280x128xf32>
    %get3A_16 = arith.constant 0 : index
    %get3A_17 = arith.constant 0 : index
    %get3A_18 = arith.constant 0 : index
    %get3A_19 = vector.load %arg1[%get3A_16, %get3A_17, %get3A_18] : memref<2x1280x128xf32, #tpu.memory_space<vmem>>, vector<1x1280x128xf32>
    %get3A_20 = vector.shape_cast %get3A_19 : vector<1x1280x128xf32> to vector<1280x128xf32>
    %get3A_21 = arith.constant 1 : index
    %get3A_22 = arith.constant 0 : index
    %get3A_23 = arith.constant 0 : index
    %get3A_24 = vector.load %arg1[%get3A_21, %get3A_22, %get3A_23] : memref<2x1280x128xf32, #tpu.memory_space<vmem>>, vector<1x1280x128xf32>
    %get3A_25 = vector.shape_cast %get3A_24 : vector<1x1280x128xf32> to vector<1280x128xf32>
    %add3A_26 = arith.addf %get3A_20, %get3A_25 : vector<1280x128xf32>
    %mul3A = arith.mulf %add3A_26, %div3A_15 : vector<1280x128xf32>
    %get3A_27 = arith.constant 0 : index
    %get3A_28 = arith.constant 0 : index
    %get3A_29 = vector.load %arg3[%get3A_27, %get3A_28] : memref<128x128xf32, #tpu.memory_space<vmem>>, vector<128x128xf32>
    %dot_general3A = arith.constant dense<0.000000e+00> : vector<1280x128xf32>
    %dot_general3A_30 = tpu.matmul %get3A_1, %get3A_29, %dot_general3A {dimension_numbers = #tpu.dot_dimension_numbers<[1], [0], [0], [1], [0, 0, 1, 1], [], []>, transpose_lhs_hint = false} : vector<1280x128xf32>, vector<128x128xf32>, vector<1280x128xf32> -> vector<1280x128xf32>
    %get3A_31 = arith.constant 0 : index
    %get3A_32 = arith.constant 0 : index
    %get3A_33 = vector.load %arg4[%get3A_31, %get3A_32] : memref<1x128xf32, #tpu.memory_space<vmem>>, vector<1x128xf32>
    %add3A_34 = vector.broadcast %get3A_33 : vector<1x128xf32> to vector<1280x128xf32>
    %add3A_35 = arith.addf %dot_general3A_30, %add3A_34 : vector<1280x128xf32>
    %add3A_36 = arith.addf %add3A_35, %mul3A : vector<1280x128xf32>
    %max3A_37 = arith.constant 0.000000e+00 : f32
    %max3A_38 = vector.broadcast %max3A_37 : f32 to vector<1280x128xf32>
    %max3A_39 = arith.maximumf %add3A_36, %max3A_38 : vector<1280x128xf32>
    %add3A_40 = arith.addf %get3A_1, %max3A_39 : vector<1280x128xf32>
    %get3A_41 = arith.constant 0 : index
    %get3A_42 = arith.constant 0 : index
    %get3A_43 = vector.load %arg5[%get3A_41, %get3A_42] : memref<128x128xf32, #tpu.memory_space<vmem>>, vector<128x128xf32>
    %dot_general3A_44 = arith.constant dense<0.000000e+00> : vector<1280x128xf32>
    %dot_general3A_45 = tpu.matmul %add3A_40, %get3A_43, %dot_general3A_44 {dimension_numbers = #tpu.dot_dimension_numbers<[1], [0], [0], [1], [0, 0, 1, 1], [], []>, transpose_lhs_hint = false} : vector<1280x128xf32>, vector<128x128xf32>, vector<1280x128xf32> -> vector<1280x128xf32>
    %sub3A = arith.subf %add3A_40, %dot_general3A_45 : vector<1280x128xf32>
    %mul3A_46 = arith.mulf %sub3A, %sub3A : vector<1280x128xf32>
    %get3A_47 = arith.constant 0 : index
    %get3A_48 = arith.constant 0 : index
    %get3A_49 = vector.load %arg5[%get3A_47, %get3A_48] : memref<128x128xf32, #tpu.memory_space<vmem>>, vector<128x128xf32>
    %dot_general3A_50 = arith.constant dense<0.000000e+00> : vector<1280x128xf32>
    %dot_general3A_51 = tpu.matmul %mul3A_46, %get3A_49, %dot_general3A_50 {dimension_numbers = #tpu.dot_dimension_numbers<[1], [0], [0], [1], [0, 0, 1, 1], [], []>, transpose_lhs_hint = false} : vector<1280x128xf32>, vector<128x128xf32>, vector<1280x128xf32> -> vector<1280x128xf32>
    %add3A_52 = arith.constant 9.99999974E-6 : f32
    %add3A_53 = vector.broadcast %add3A_52 : f32 to vector<1280x128xf32>
    %add3A_54 = arith.addf %dot_general3A_51, %add3A_53 : vector<1280x128xf32>
    %rsqrt3A = math.rsqrt %add3A_54 : vector<1280x128xf32>
    %mul3A_55 = arith.mulf %sub3A, %rsqrt3A : vector<1280x128xf32>
    %get3A_56 = arith.constant 0 : index
    %get3A_57 = arith.constant 0 : index
    %get3A_58 = vector.load %arg6[%get3A_56, %get3A_57] : memref<1x128xf32, #tpu.memory_space<vmem>>, vector<1x128xf32>
    %mul3A_59 = vector.broadcast %get3A_58 : vector<1x128xf32> to vector<1280x128xf32>
    %mul3A_60 = arith.mulf %mul3A_55, %mul3A_59 : vector<1280x128xf32>
    %get3A_61 = arith.constant 0 : index
    %get3A_62 = arith.constant 0 : index
    %get3A_63 = vector.load %arg7[%get3A_61, %get3A_62] : memref<1x128xf32, #tpu.memory_space<vmem>>, vector<1x128xf32>
    %add3A_64 = vector.broadcast %get3A_63 : vector<1x128xf32> to vector<1280x128xf32>
    %add3A_65 = arith.addf %mul3A_60, %add3A_64 : vector<1280x128xf32>
    %swap3A = arith.constant 0 : index
    %swap3A_66 = arith.constant 0 : index
    %swap3A_67 = vector.load %arg8[%swap3A, %swap3A_66] : memref<1280x128xf32, #tpu.memory_space<vmem>>, vector<1280x128xf32>
    tpu.vector_store %arg8[%swap3A, %swap3A_66], %add3A_65 {strides = array<i32>} : memref<1280x128xf32, #tpu.memory_space<vmem>>, vector<1280x128xf32>,
    return
  }
}

module attributes {stable_mosaic.version = 14 : i64} {
  func.func @_pool_body(%arg0: memref<1280x128xf32, #tpu.memory_space<vmem>>, %arg1: memref<1280x8xi32, #tpu.memory_space<vmem>>, %arg2: memref<16x8xf32, #tpu.memory_space<vmem>>, %arg3: memref<1x8xf32, #tpu.memory_space<vmem>>, %arg4: memref<8x1xf32, #tpu.memory_space<vmem>>, %arg5: memref<1x1xf32, #tpu.memory_space<vmem>>, %arg6: memref<256x1xf32, #tpu.memory_space<vmem>>) attributes {dimension_semantics = [], scalar_prefetch = 0 : i64, scratch_operands = 0 : i64, tpu.core_type = #tpu.core_type<tc>} {
    %get3A = arith.constant 0 : index
    %get3A_0 = arith.constant 0 : index
    %get3A_1 = vector.load %arg0[%get3A, %get3A_0] : memref<1280x128xf32, #tpu.memory_space<vmem>>, vector<1280x128xf32>
    %get3A_2 = arith.constant 0 : index
    %get3A_3 = arith.constant 0 : index
    %get3A_4 = vector.load %arg1[%get3A_2, %get3A_3] : memref<1280x8xi32, #tpu.memory_space<vmem>>, vector<1280x8xi32>
    %iota3A = tpu.iota {dimensions = array<i32: 1>} : vector<1x256xi32>
    %broadcast_in_dim3A = arith.constant 0.000000e+00 : f32
    %broadcast_in_dim3A_5 = vector.broadcast %broadcast_in_dim3A : f32 to vector<256x16xf32>
    %broadcast_in_dim3A_6 = arith.constant 0.000000e+00 : f32
    %broadcast_in_dim3A_7 = vector.broadcast %broadcast_in_dim3A_6 : f32 to vector<256x1xf32>
    %slice3A = vector.extract_strided_slice %get3A_4 {offsets = [0, 0], sizes = [1280, 1], strides = [1, 1]} : vector<1280x8xi32> to vector<1280x1xi32>
    %eq3A = vector.broadcast %slice3A : vector<1280x1xi32> to vector<1280x256xi32>
    %eq3A_8 = vector.broadcast %iota3A : vector<1x256xi32> to vector<1280x256xi32>
    %eq3A_9 = arith.cmpi eq, %eq3A, %eq3A_8 : vector<1280x256xi32>
    %convert_element_type3A = arith.extui %eq3A_9 : vector<1280x256xi1> to vector<1280x256xi32>
    %convert_element_type3A_10 = arith.sitofp %convert_element_type3A : vector<1280x256xi32> to vector<1280x256xf32>
    %slice3A_11 = vector.extract_strided_slice %get3A_1 {offsets = [0, 0], sizes = [1280, 16], strides = [1, 1]} : vector<1280x128xf32> to vector<1280x16xf32>
    %dot_general3A = arith.constant dense<0.000000e+00> : vector<256x16xf32>
    %dot_general3A_12 = tpu.matmul %convert_element_type3A_10, %slice3A_11, %dot_general3A {dimension_numbers = #tpu.dot_dimension_numbers<[0], [0], [1], [1], [0, 1, 1, 1], [], []>, transpose_lhs_hint = false} : vector<1280x256xf32>, vector<1280x16xf32>, vector<256x16xf32> -> vector<256x16xf32>
    %add3A = arith.addf %broadcast_in_dim3A_5, %dot_general3A_12 : vector<256x16xf32>
    %broadcast_in_dim3A_13 = arith.constant 1.000000e+00 : f32
    %broadcast_in_dim3A_14 = vector.broadcast %broadcast_in_dim3A_13 : f32 to vector<1280x1xf32>
    %dot_general3A_15 = arith.constant dense<0.000000e+00> : vector<256x1xf32>
    %dot_general3A_16 = tpu.matmul %convert_element_type3A_10, %broadcast_in_dim3A_14, %dot_general3A_15 {dimension_numbers = #tpu.dot_dimension_numbers<[0], [0], [1], [1], [0, 1, 1, 1], [], []>, transpose_lhs_hint = false} : vector<1280x256xf32>, vector<1280x1xf32>, vector<256x1xf32> -> vector<256x1xf32>
    %add3A_17 = arith.addf %broadcast_in_dim3A_7, %dot_general3A_16 : vector<256x1xf32>
    %slice3A_18 = vector.extract_strided_slice %get3A_4 {offsets = [0, 1], sizes = [1280, 1], strides = [1, 1]} : vector<1280x8xi32> to vector<1280x1xi32>
    %eq3A_19 = vector.broadcast %slice3A_18 : vector<1280x1xi32> to vector<1280x256xi32>
    %eq3A_20 = vector.broadcast %iota3A : vector<1x256xi32> to vector<1280x256xi32>
    %eq3A_21 = arith.cmpi eq, %eq3A_19, %eq3A_20 : vector<1280x256xi32>
    %convert_element_type3A_22 = arith.extui %eq3A_21 : vector<1280x256xi1> to vector<1280x256xi32>
    %convert_element_type3A_23 = arith.sitofp %convert_element_type3A_22 : vector<1280x256xi32> to vector<1280x256xf32>
    %slice3A_24 = vector.extract_strided_slice %get3A_1 {offsets = [0, 16], sizes = [1280, 16], strides = [1, 1]} : vector<1280x128xf32> to vector<1280x16xf32>
    %dot_general3A_25 = arith.constant dense<0.000000e+00> : vector<256x16xf32>
    %dot_general3A_26 = tpu.matmul %convert_element_type3A_23, %slice3A_24, %dot_general3A_25 {dimension_numbers = #tpu.dot_dimension_numbers<[0], [0], [1], [1], [0, 1, 1, 1], [], []>, transpose_lhs_hint = false} : vector<1280x256xf32>, vector<1280x16xf32>, vector<256x16xf32> -> vector<256x16xf32>
    %add3A_27 = arith.addf %add3A, %dot_general3A_26 : vector<256x16xf32>
    %broadcast_in_dim3A_28 = arith.constant 1.000000e+00 : f32
    %broadcast_in_dim3A_29 = vector.broadcast %broadcast_in_dim3A_28 : f32 to vector<1280x1xf32>
    %dot_general3A_30 = arith.constant dense<0.000000e+00> : vector<256x1xf32>
    %dot_general3A_31 = tpu.matmul %convert_element_type3A_23, %broadcast_in_dim3A_29, %dot_general3A_30 {dimension_numbers = #tpu.dot_dimension_numbers<[0], [0], [1], [1], [0, 1, 1, 1], [], []>, transpose_lhs_hint = false} : vector<1280x256xf32>, vector<1280x1xf32>, vector<256x1xf32> -> vector<256x1xf32>
    %add3A_32 = arith.addf %add3A_17, %dot_general3A_31 : vector<256x1xf32>
    %slice3A_33 = vector.extract_strided_slice %get3A_4 {offsets = [0, 2], sizes = [1280, 1], strides = [1, 1]} : vector<1280x8xi32> to vector<1280x1xi32>
    %eq3A_34 = vector.broadcast %slice3A_33 : vector<1280x1xi32> to vector<1280x256xi32>
    %eq3A_35 = vector.broadcast %iota3A : vector<1x256xi32> to vector<1280x256xi32>
    %eq3A_36 = arith.cmpi eq, %eq3A_34, %eq3A_35 : vector<1280x256xi32>
    %convert_element_type3A_37 = arith.extui %eq3A_36 : vector<1280x256xi1> to vector<1280x256xi32>
    %convert_element_type3A_38 = arith.sitofp %convert_element_type3A_37 : vector<1280x256xi32> to vector<1280x256xf32>
    %slice3A_39 = vector.extract_strided_slice %get3A_1 {offsets = [0, 32], sizes = [1280, 16], strides = [1, 1]} : vector<1280x128xf32> to vector<1280x16xf32>
    %dot_general3A_40 = arith.constant dense<0.000000e+00> : vector<256x16xf32>
    %dot_general3A_41 = tpu.matmul %convert_element_type3A_38, %slice3A_39, %dot_general3A_40 {dimension_numbers = #tpu.dot_dimension_numbers<[0], [0], [1], [1], [0, 1, 1, 1], [], []>, transpose_lhs_hint = false} : vector<1280x256xf32>, vector<1280x16xf32>, vector<256x16xf32> -> vector<256x16xf32>
    %add3A_42 = arith.addf %add3A_27, %dot_general3A_41 : vector<256x16xf32>
    %broadcast_in_dim3A_43 = arith.constant 1.000000e+00 : f32
    %broadcast_in_dim3A_44 = vector.broadcast %broadcast_in_dim3A_43 : f32 to vector<1280x1xf32>
    %dot_general3A_45 = arith.constant dense<0.000000e+00> : vector<256x1xf32>
    %dot_general3A_46 = tpu.matmul %convert_element_type3A_38, %broadcast_in_dim3A_44, %dot_general3A_45 {dimension_numbers = #tpu.dot_dimension_numbers<[0], [0], [1], [1], [0, 1, 1, 1], [], []>, transpose_lhs_hint = false} : vector<1280x256xf32>, vector<1280x1xf32>, vector<256x1xf32> -> vector<256x1xf32>
    %add3A_47 = arith.addf %add3A_32, %dot_general3A_46 : vector<256x1xf32>
    %slice3A_48 = vector.extract_strided_slice %get3A_4 {offsets = [0, 3], sizes = [1280, 1], strides = [1, 1]} : vector<1280x8xi32> to vector<1280x1xi32>
    %eq3A_49 = vector.broadcast %slice3A_48 : vector<1280x1xi32> to vector<1280x256xi32>
    %eq3A_50 = vector.broadcast %iota3A : vector<1x256xi32> to vector<1280x256xi32>
    %eq3A_51 = arith.cmpi eq, %eq3A_49, %eq3A_50 : vector<1280x256xi32>
    %convert_element_type3A_52 = arith.extui %eq3A_51 : vector<1280x256xi1> to vector<1280x256xi32>
    %convert_element_type3A_53 = arith.sitofp %convert_element_type3A_52 : vector<1280x256xi32> to vector<1280x256xf32>
    %slice3A_54 = vector.extract_strided_slice %get3A_1 {offsets = [0, 48], sizes = [1280, 16], strides = [1, 1]} : vector<1280x128xf32> to vector<1280x16xf32>
    %dot_general3A_55 = arith.constant dense<0.000000e+00> : vector<256x16xf32>
    %dot_general3A_56 = tpu.matmul %convert_element_type3A_53, %slice3A_54, %dot_general3A_55 {dimension_numbers = #tpu.dot_dimension_numbers<[0], [0], [1], [1], [0, 1, 1, 1], [], []>, transpose_lhs_hint = false} : vector<1280x256xf32>, vector<1280x16xf32>, vector<256x16xf32> -> vector<256x16xf32>
    %add3A_57 = arith.addf %add3A_42, %dot_general3A_56 : vector<256x16xf32>
    %broadcast_in_dim3A_58 = arith.constant 1.000000e+00 : f32
    %broadcast_in_dim3A_59 = vector.broadcast %broadcast_in_dim3A_58 : f32 to vector<1280x1xf32>
    %dot_general3A_60 = arith.constant dense<0.000000e+00> : vector<256x1xf32>
    %dot_general3A_61 = tpu.matmul %convert_element_type3A_53, %broadcast_in_dim3A_59, %dot_general3A_60 {dimension_numbers = #tpu.dot_dimension_numbers<[0], [0], [1], [1], [0, 1, 1, 1], [], []>, transpose_lhs_hint = false} : vector<1280x256xf32>, vector<1280x1xf32>, vector<256x1xf32> -> vector<256x1xf32>
    %add3A_62 = arith.addf %add3A_47, %dot_general3A_61 : vector<256x1xf32>
    %slice3A_63 = vector.extract_strided_slice %get3A_4 {offsets = [0, 4], sizes = [1280, 1], strides = [1, 1]} : vector<1280x8xi32> to vector<1280x1xi32>
    %eq3A_64 = vector.broadcast %slice3A_63 : vector<1280x1xi32> to vector<1280x256xi32>
    %eq3A_65 = vector.broadcast %iota3A : vector<1x256xi32> to vector<1280x256xi32>
    %eq3A_66 = arith.cmpi eq, %eq3A_64, %eq3A_65 : vector<1280x256xi32>
    %convert_element_type3A_67 = arith.extui %eq3A_66 : vector<1280x256xi1> to vector<1280x256xi32>
    %convert_element_type3A_68 = arith.sitofp %convert_element_type3A_67 : vector<1280x256xi32> to vector<1280x256xf32>
    %slice3A_69 = vector.extract_strided_slice %get3A_1 {offsets = [0, 64], sizes = [1280, 16], strides = [1, 1]} : vector<1280x128xf32> to vector<1280x16xf32>
    %dot_general3A_70 = arith.constant dense<0.000000e+00> : vector<256x16xf32>
    %dot_general3A_71 = tpu.matmul %convert_element_type3A_68, %slice3A_69, %dot_general3A_70 {dimension_numbers = #tpu.dot_dimension_numbers<[0], [0], [1], [1], [0, 1, 1, 1], [], []>, transpose_lhs_hint = false} : vector<1280x256xf32>, vector<1280x16xf32>, vector<256x16xf32> -> vector<256x16xf32>
    %add3A_72 = arith.addf %add3A_57, %dot_general3A_71 : vector<256x16xf32>
    %broadcast_in_dim3A_73 = arith.constant 1.000000e+00 : f32
    %broadcast_in_dim3A_74 = vector.broadcast %broadcast_in_dim3A_73 : f32 to vector<1280x1xf32>
    %dot_general3A_75 = arith.constant dense<0.000000e+00> : vector<256x1xf32>
    %dot_general3A_76 = tpu.matmul %convert_element_type3A_68, %broadcast_in_dim3A_74, %dot_general3A_75 {dimension_numbers = #tpu.dot_dimension_numbers<[0], [0], [1], [1], [0, 1, 1, 1], [], []>, transpose_lhs_hint = false} : vector<1280x256xf32>, vector<1280x1xf32>, vector<256x1xf32> -> vector<256x1xf32>
    %add3A_77 = arith.addf %add3A_62, %dot_general3A_76 : vector<256x1xf32>
    %slice3A_78 = vector.extract_strided_slice %get3A_4 {offsets = [0, 5], sizes = [1280, 1], strides = [1, 1]} : vector<1280x8xi32> to vector<1280x1xi32>
    %eq3A_79 = vector.broadcast %slice3A_78 : vector<1280x1xi32> to vector<1280x256xi32>
    %eq3A_80 = vector.broadcast %iota3A : vector<1x256xi32> to vector<1280x256xi32>
    %eq3A_81 = arith.cmpi eq, %eq3A_79, %eq3A_80 : vector<1280x256xi32>
    %convert_element_type3A_82 = arith.extui %eq3A_81 : vector<1280x256xi1> to vector<1280x256xi32>
    %convert_element_type3A_83 = arith.sitofp %convert_element_type3A_82 : vector<1280x256xi32> to vector<1280x256xf32>
    %slice3A_84 = vector.extract_strided_slice %get3A_1 {offsets = [0, 80], sizes = [1280, 16], strides = [1, 1]} : vector<1280x128xf32> to vector<1280x16xf32>
    %dot_general3A_85 = arith.constant dense<0.000000e+00> : vector<256x16xf32>
    %dot_general3A_86 = tpu.matmul %convert_element_type3A_83, %slice3A_84, %dot_general3A_85 {dimension_numbers = #tpu.dot_dimension_numbers<[0], [0], [1], [1], [0, 1, 1, 1], [], []>, transpose_lhs_hint = false} : vector<1280x256xf32>, vector<1280x16xf32>, vector<256x16xf32> -> vector<256x16xf32>
    %add3A_87 = arith.addf %add3A_72, %dot_general3A_86 : vector<256x16xf32>
    %broadcast_in_dim3A_88 = arith.constant 1.000000e+00 : f32
    %broadcast_in_dim3A_89 = vector.broadcast %broadcast_in_dim3A_88 : f32 to vector<1280x1xf32>
    %dot_general3A_90 = arith.constant dense<0.000000e+00> : vector<256x1xf32>
    %dot_general3A_91 = tpu.matmul %convert_element_type3A_83, %broadcast_in_dim3A_89, %dot_general3A_90 {dimension_numbers = #tpu.dot_dimension_numbers<[0], [0], [1], [1], [0, 1, 1, 1], [], []>, transpose_lhs_hint = false} : vector<1280x256xf32>, vector<1280x1xf32>, vector<256x1xf32> -> vector<256x1xf32>
    %add3A_92 = arith.addf %add3A_77, %dot_general3A_91 : vector<256x1xf32>
    %slice3A_93 = vector.extract_strided_slice %get3A_4 {offsets = [0, 6], sizes = [1280, 1], strides = [1, 1]} : vector<1280x8xi32> to vector<1280x1xi32>
    %eq3A_94 = vector.broadcast %slice3A_93 : vector<1280x1xi32> to vector<1280x256xi32>
    %eq3A_95 = vector.broadcast %iota3A : vector<1x256xi32> to vector<1280x256xi32>
    %eq3A_96 = arith.cmpi eq, %eq3A_94, %eq3A_95 : vector<1280x256xi32>
    %convert_element_type3A_97 = arith.extui %eq3A_96 : vector<1280x256xi1> to vector<1280x256xi32>
    %convert_element_type3A_98 = arith.sitofp %convert_element_type3A_97 : vector<1280x256xi32> to vector<1280x256xf32>
    %slice3A_99 = vector.extract_strided_slice %get3A_1 {offsets = [0, 96], sizes = [1280, 16], strides = [1, 1]} : vector<1280x128xf32> to vector<1280x16xf32>
    %dot_general3A_100 = arith.constant dense<0.000000e+00> : vector<256x16xf32>
    %dot_general3A_101 = tpu.matmul %convert_element_type3A_98, %slice3A_99, %dot_general3A_100 {dimension_numbers = #tpu.dot_dimension_numbers<[0], [0], [1], [1], [0, 1, 1, 1], [], []>, transpose_lhs_hint = false} : vector<1280x256xf32>, vector<1280x16xf32>, vector<256x16xf32> -> vector<256x16xf32>
    %add3A_102 = arith.addf %add3A_87, %dot_general3A_101 : vector<256x16xf32>
    %broadcast_in_dim3A_103 = arith.constant 1.000000e+00 : f32
    %broadcast_in_dim3A_104 = vector.broadcast %broadcast_in_dim3A_103 : f32 to vector<1280x1xf32>
    %dot_general3A_105 = arith.constant dense<0.000000e+00> : vector<256x1xf32>
    %dot_general3A_106 = tpu.matmul %convert_element_type3A_98, %broadcast_in_dim3A_104, %dot_general3A_105 {dimension_numbers = #tpu.dot_dimension_numbers<[0], [0], [1], [1], [0, 1, 1, 1], [], []>, transpose_lhs_hint = false} : vector<1280x256xf32>, vector<1280x1xf32>, vector<256x1xf32> -> vector<256x1xf32>
    %add3A_107 = arith.addf %add3A_92, %dot_general3A_106 : vector<256x1xf32>
    %slice3A_108 = vector.extract_strided_slice %get3A_4 {offsets = [0, 7], sizes = [1280, 1], strides = [1, 1]} : vector<1280x8xi32> to vector<1280x1xi32>
    %eq3A_109 = vector.broadcast %slice3A_108 : vector<1280x1xi32> to vector<1280x256xi32>
    %eq3A_110 = vector.broadcast %iota3A : vector<1x256xi32> to vector<1280x256xi32>
    %eq3A_111 = arith.cmpi eq, %eq3A_109, %eq3A_110 : vector<1280x256xi32>
    %convert_element_type3A_112 = arith.extui %eq3A_111 : vector<1280x256xi1> to vector<1280x256xi32>
    %convert_element_type3A_113 = arith.sitofp %convert_element_type3A_112 : vector<1280x256xi32> to vector<1280x256xf32>
    %slice3A_114 = vector.extract_strided_slice %get3A_1 {offsets = [0, 112], sizes = [1280, 16], strides = [1, 1]} : vector<1280x128xf32> to vector<1280x16xf32>
    %dot_general3A_115 = arith.constant dense<0.000000e+00> : vector<256x16xf32>
    %dot_general3A_116 = tpu.matmul %convert_element_type3A_113, %slice3A_114, %dot_general3A_115 {dimension_numbers = #tpu.dot_dimension_numbers<[0], [0], [1], [1], [0, 1, 1, 1], [], []>, transpose_lhs_hint = false} : vector<1280x256xf32>, vector<1280x16xf32>, vector<256x16xf32> -> vector<256x16xf32>
    %add3A_117 = arith.addf %add3A_102, %dot_general3A_116 : vector<256x16xf32>
    %broadcast_in_dim3A_118 = arith.constant 1.000000e+00 : f32
    %broadcast_in_dim3A_119 = vector.broadcast %broadcast_in_dim3A_118 : f32 to vector<1280x1xf32>
    %dot_general3A_120 = arith.constant dense<0.000000e+00> : vector<256x1xf32>
    %dot_general3A_121 = tpu.matmul %convert_element_type3A_113, %broadcast_in_dim3A_119, %dot_general3A_120 {dimension_numbers = #tpu.dot_dimension_numbers<[0], [0], [1], [1], [0, 1, 1, 1], [], []>, transpose_lhs_hint = false} : vector<1280x256xf32>, vector<1280x1xf32>, vector<256x1xf32> -> vector<256x1xf32>
    %add3A_122 = arith.addf %add3A_107, %dot_general3A_121 : vector<256x1xf32>
    %max3A = arith.constant 1.000000e+00 : f32
    %max3A_123 = vector.broadcast %max3A : f32 to vector<256x1xf32>
    %max3A_124 = arith.maximumf %add3A_122, %max3A_123 : vector<256x1xf32>
    %div3A = vector.broadcast %max3A_124 : vector<256x1xf32> to vector<256x16xf32>
    %div3A_125 = arith.divf %add3A_117, %div3A : vector<256x16xf32>
    %get3A_126 = arith.constant 0 : index
    %get3A_127 = arith.constant 0 : index
    %get3A_128 = vector.load %arg2[%get3A_126, %get3A_127] : memref<16x8xf32, #tpu.memory_space<vmem>>, vector<16x8xf32>
    %dot_general3A_129 = arith.constant dense<0.000000e+00> : vector<256x8xf32>
    %dot_general3A_130 = tpu.matmul %div3A_125, %get3A_128, %dot_general3A_129 {dimension_numbers = #tpu.dot_dimension_numbers<[1], [0], [0], [1], [0, 0, 1, 1], [], []>, transpose_lhs_hint = false} : vector<256x16xf32>, vector<16x8xf32>, vector<256x8xf32> -> vector<256x8xf32>
    %get3A_131 = arith.constant 0 : index
    %get3A_132 = arith.constant 0 : index
    %get3A_133 = vector.load %arg3[%get3A_131, %get3A_132] : memref<1x8xf32, #tpu.memory_space<vmem>>, vector<1x8xf32>
    %add3A_134 = vector.broadcast %get3A_133 : vector<1x8xf32> to vector<256x8xf32>
    %add3A_135 = arith.addf %dot_general3A_130, %add3A_134 : vector<256x8xf32>
    %mul3A = arith.constant 5.000000e-01 : f32
    %mul3A_136 = vector.broadcast %mul3A : f32 to vector<256x8xf32>
    %mul3A_137 = arith.mulf %mul3A_136, %add3A_135 : vector<256x8xf32>
    %div3A_138 = arith.constant 1.41421354 : f32
    %div3A_139 = vector.broadcast %div3A_138 : f32 to vector<256x8xf32>
    %div3A_140 = arith.divf %add3A_135, %div3A_139 : vector<256x8xf32>
    %erf3A = math.erf %div3A_140 : vector<256x8xf32>
    %add3A_141 = arith.constant 1.000000e+00 : f32
    %add3A_142 = vector.broadcast %add3A_141 : f32 to vector<256x8xf32>
    %add3A_143 = arith.addf %add3A_142, %erf3A : vector<256x8xf32>
    %mul3A_144 = arith.mulf %mul3A_137, %add3A_143 : vector<256x8xf32>
    %get3A_145 = arith.constant 0 : index
    %get3A_146 = arith.constant 0 : index
    %get3A_147 = vector.load %arg4[%get3A_145, %get3A_146] : memref<8x1xf32, #tpu.memory_space<vmem>>, vector<8x1xf32>
    %dot_general3A_148 = arith.constant dense<0.000000e+00> : vector<256x1xf32>
    %dot_general3A_149 = tpu.matmul %mul3A_144, %get3A_147, %dot_general3A_148 {dimension_numbers = #tpu.dot_dimension_numbers<[1], [0], [0], [1], [0, 0, 1, 1], [], []>, transpose_lhs_hint = false} : vector<256x8xf32>, vector<8x1xf32>, vector<256x1xf32> -> vector<256x1xf32>
    %get3A_150 = arith.constant 0 : index
    %get3A_151 = arith.constant 0 : index
    %get3A_152 = vector.load %arg5[%get3A_150, %get3A_151] : memref<1x1xf32, #tpu.memory_space<vmem>>, vector<1x1xf32>
    %add3A_153 = vector.broadcast %get3A_152 : vector<1x1xf32> to vector<256x1xf32>
    %add3A_154 = arith.addf %dot_general3A_149, %add3A_153 : vector<256x1xf32>
    %swap3A = arith.constant 0 : index
    %swap3A_155 = arith.constant 0 : index
    %swap3A_156 = vector.load %arg6[%swap3A, %swap3A_155] : memref<256x1xf32, #tpu.memory_space<vmem>>, vector<256x1xf32>
    tpu.vector_store %arg6[%swap3A, %swap3A_155], %add3A_154 {strides = array<i32>} : memref<256x1xf32, #tpu.memory_space<vmem>>, vector<256x1xf32>,
    return
  }
}

</mosaic_0001>

<sc_bundles>
// kernel: kernel.16.cloned.1.call-start
scs
__scs_entry_jumppad:
0x0: {  	(pc) =	sbr.rel $0x88, $3  }
0x1: {  	(tag) =	ssettag $0x0;
	lr =	simm.s32 $0x1  }
0x2: {  	[smem:$0x3F8F] =	sst lr;
	_ =	strace $0xD0000000  }
0x3: {  	_ = 	snop  }
0x4: {  	_ = 	snop  }
0x5: {  	_ = 	snop  }
0x6: {  	_ = 	snop  }
0x7: {  	_ = 	snop  }
__scs_overlays_trampoline_lowered:
0x8: {  	[smem:$0x3F9E] =	sst s0  }
0x9: {  	[smem:$0x3F9F] =	sst s1  }
0xa: {  	[smem:$0x3FA0] =	sst s2  }
0xb: {  	[smem:$0x3FA1] =	sst s3  }
0xc: {  	[smem:$0x3FA2] =	sst s4  }
0xd: {  	[smem:$0x3FA3] =	sst s5  }
0xe: {  	[smem:$0x3FA4] =	sst s6  }
0xf: {  	[smem:$0x3FA5] =	sst s7  }
0x10: {  	[smem:$0x3FA6] =	sst s8  }
0x11: {  	[smem:$0x3FA7] =	sst s9;
	s0 =	simm.s32 @!p0 $0x0  }
0x12: {  	s1 =	sld [smem:$0x3F8D];
	s0 =	simm.s32 @p0 $0x1  }
0x13: {  	[smem:$0x3FA8] =	sst s0;
	s0 =	simm.s32 @!p1 $0x0  }
0x14: {  	s2 =	sld [smem:$0x3F8C];
	s0 =	simm.s32 @p1 $0x1  }
0x15: {  	[smem:$0x3FA9] =	sst s0;
	s0 =	simm.s32 @!p2 $0x0  }
0x16: {  	s3 =	sld [smem:$0x3FDB];
	s0 =	simm.s32 @p2 $0x1  }
0x17: {  	s4 =	simm.s32 $0x1BF5;
	[smem:$0x3FAB] =	sst s0  }
0x18: {  	s0 =	sld [smem:$0x3F8E];
	_ =	swait.ge [sflag:s4], $0x0  }
0x19: {  	s7 =	sld [smem:$0x3F8F]  }
0x1a: {  	s8 =	sadd.s32 $0xFFFFE003, lr  }
0x1b: {  	s9 =	sadd.s32 $0xFFFFFEF7, lr;
	s5 =	simm.s32 $0xFFFFFFFF;
	p2 =	slt.u32 s8, $0xFFFFF086  }
0x1c: {  	p1 =	slt.u32 s9, $0xF7A;
	s5 =	simm.s32 @!p2 $0x0  }
0x1d: {  	s5 =	simm.s32 @p1 $0x1;
	p0 =	seq.s32 s7, s2  }
0x1e: {  	s7 =	smul.u32 @!p0 $0xF7A, s2;
	p2 =	seq.s32 @!p0 s5, $0x0  }
0x1f: {  	s9 =	smul.u32 $0xF7A, s1;
	s8 =	simm.s32 @!p0 $0x1BF5;
	p2 =	por !p2, p0  }
0x20: {  	[sflag:s8] =	ssyncset.s32 @!p0 $0xFFFFF086;
	s6 =	sadd.s32 @!p0 s3, s7;
	s7 =	simm.s32 @!p0 $0x108  }
0x21: {  	s3 =	sadd.s32 s3, s9;
	s6 =	sadd.s32 @!p0 $0x88, s6;
	s7 =	simm.s32 @p2 $0x1082  }
0x22: {  	[simem:s7], [sflag:s8] =	dma.local @!p0 [hbm:s6], $0xF7A  }
0x23: {  	s9 =	sor.u32 $0xD0000000, s2;
	s6 =	simm.s32 $0x108;
	_ =	swait.ge @!p0 [sflag:s8], $0x0  }
0x24: {  	s3 =	sadd.s32 $0x88, s3;
	s6 =	simm.s32 @!p1 $0x1082;
	[sflag:s4] =	ssyncset.s32 $0xFFFFF086  }
0x25: {  	[simem:s6], [sflag:s4] =	dma.local [hbm:s3], $0xF7A  }
0x26: {  	[smem:$0x3F8F] =	sst s1;
	(tag) =	ssettag s2;
	_ =	strace s9  }
0x27: {  	s1 =	sld [smem:$0x3F9F]  }
0x28: {  	s2 =	sld [smem:$0x3FA0]  }
0x29: {  	s4 =	sld [smem:$0x3FA2]  }
0x2a: {  	p0 =	seq.s32 s5, $0x0;
	s5 =	sld [smem:$0x3FA3]  }
0x2b: {  	s6 =	sld [smem:$0x3FA4]  }
0x2c: {  	s7 =	sld [smem:$0x3FA5]  }
0x2d: {  	s3 =	simm.s32 $0x108;
	s8 =	sld [smem:$0x3FA6]  }
0x2e: {  	s3 =	simm.s32 @!p0 $0x1082;
	s9 =	sld [smem:$0x3FA7]  }
0x2f: {  	lr =	sadd.s32 s0, s3;
	s0 =	sld [smem:$0x3F9E]  }
0x30: {  	s3 =	sld [smem:$0x3FA1]  }
0x31: {  	[smem:$0x3FAA] =	sst s10  }
0x32: {  	s10 =	sld [smem:$0x3FA8];
	_ =	sdelay $0x3  }
0x33: {  	p0 =	seq.s32 s10, $0x1;
	s10 =	sld [smem:$0x3FAA];
	_ =	sdelay $0x3  }
0x34: {  	[smem:$0x3FAA] =	sst s10  }
0x35: {  	s10 =	sld [smem:$0x3FA9];
	_ =	sdelay $0x3  }
0x36: {  	p1 =	seq.s32 s10, $0x1;
	s10 =	sld [smem:$0x3FAA];
	_ =	sdelay $0x3  }
0x37: {  	[smem:$0x3FAA] =	sst s10  }
0x38: {  	s10 =	sld [smem:$0x3FAB]  }
0x39: {  	_ = 	snop;
	(pc) =	sbr.ind lr, $3  }
0x3a: {  	_ = 	snop  }
0x3b: {  	_ = 	snop  }
0x3c: {  	p2 =	seq.s32 s10, $0x1;
	s10 =	sld [smem:$0x3FAA]  }
0x3d: {  	_ =	shalt  }
0x3e: {  	_ =	shalt  }
0x3f: {  	_ =	shalt  }
0x40: {  	_ =	shalt  }
0x41: {  	_ =	shalt  }
0x42: {  	_ =	shalt  }
0x43: {  	_ =	shalt  }
0x44: {  	_ =	shalt  }
0x45: {  	_ =	shalt  }
0x46: {  	_ =	shalt  }
0x47: {  	_ =	shalt  }
0x48: {  	_ =	shalt  }
0x49: {  	_ =	shalt  }
0x4a: {  	_ =	shalt  }
0x4b: {  	_ =	shalt  }
0x4c: {  	_ =	shalt  }
0x4d: {  	_ =	shalt  }
0x4e: {  	_ =	shalt  }
0x4f: {  	_ =	shalt  }
0x50: {  	_ =	shalt  }
0x51: {  	_ =	shalt  }
0x52: {  	_ =	shalt  }
0x53: {  	_ =	shalt  }
0x54: {  	_ =	shalt  }
0x55: {  	_ =	shalt  }
0x56: {  	_ =	shalt  }
0x57: {  	_ =	shalt  }
0x58: {  	_ =	shalt  }
0x59: {  	_ =	shalt  }
0x5a: {  	_ =	shalt  }
0x5b: {  	_ =	shalt  }
0x5c: {  	_ =	shalt  }
0x5d: {  	_ =	shalt  }
0x5e: {  	_ =	shalt  }
0x5f: {  	_ =	shalt  }
0x60: {  	_ =	shalt  }
0x61: {  	_ =	shalt  }
0x62: {  	_ =	shalt  }
0x63: {  	_ =	shalt  }
0x64: {  	_ =	shalt  }
0x65: {  	_ =	shalt  }
0x66: {  	_ =	shalt  }
0x67: {  	_ =	shalt  }
0x68: {  	_ =	shalt  }
0x69: {  	_ =	shalt  }
0x6a: {  	_ =	shalt  }
0x6b: {  	_ =	shalt  }
0x6c: {  	_ =	shalt  }
0x6d: {  	_ =	shalt  }
0x6e: {  	_ =	shalt  }
0x6f: {  	_ =	shalt  }
0x70: {  	_ =	shalt  }
0x71: {  	_ =	shalt  }
0x72: {  	_ =	shalt  }
0x73: {  	_ =	shalt  }
0x74: {  	_ =	shalt  }
0x75: {  	_ =	shalt  }
0x76: {  	_ =	shalt  }
0x77: {  	_ =	shalt  }
0x78: {  	_ =	shalt  }
0x79: {  	_ =	shalt  }
0x7a: {  	_ =	shalt  }
0x7b: {  	_ =	shalt  }
0x7c: {  	_ =	shalt  }
0x7d: {  	_ =	shalt  }
0x7e: {  	_ =	shalt  }
0x7f: {  	_ =	shalt  }
0x80: {  	_ =	shalt  }
0x81: {  	_ =	shalt  }
0x82: {  	_ =	shalt  }
0x83: {  	_ =	shalt  }
0x84: {  	_ =	shalt  }
0x85: {  	_ =	shalt  }
0x86: {  	_ =	shalt  }
0x87: {  	_ =	shalt  }
.Lfunc_end0:
.L_simem_size_0:
called_computation_lowered:
.L_overlay_start_0:
0x88: {  	s2 =	sld [smem:$0x3FD9]  }
0x89: {  	s3 =	sld [smem:$0x3FFE];
	_ =	sdelay $0x1  }
0x8a: {  	s1 =	srdreg.scid  }
0x8b: {  	s0 =	sand.u32 $0x1, s1  }
0x8c: {  	s16 =	sshll.u32 s0, $0xA;
	s2 =	sadd.s32 s3, s2  }
0x8d: {  	s2 =	sadd.s32 s2, s16  }
0x8e: {  	[smem:$0x3FB6] =	sst s2  }
0x8f: {  	_ = 	snop  }
0x90: {  	(tm) =	ssettm $0x1  }
0x91: {  	s17 =	sld [smem:$0x3FFB];
	_ =	sdelay $0x3  }
0x92: {  	_ =	strace s17  }
0x93: {  	s2 =	sld [smem:$0x3FFC];
	_ =	sdelay $0x3  }
0x94: {  	_ =	strace s2  }
0x95: {  	s2 =	sld [smem:$0x3FFD];
	_ =	sdelay $0x3  }
0x96: {  	_ =	strace s2  }
0x97: {  	_ =	strace $0x8FFFFFFF  }
0x98: {  	s18 =	sld [smem:$0x3FDB];
	_ =	sdelay $0x1  }
0x99: {  	s19 =	simm.s32 $_scs_section_size  }
0x9a: {  	s4 =	simm.s32 $_size__tile_overlayer_lowered;
	s5 =	simm.s32 $_tile_overlayer_lowered  }
0x9b: {  	s22 =	simm.s32 $0x1BFF;
	s21 =	sshll.u32 s5, $0x1;
	s2 =	sadd.s32 s19, s18  }
0x9c: {  	s6 =	simm.s32 $0x0;
	s20 =	sshll.u32 s4, $0x1;
	s4 =	sadd.s32 s21, s2  }
0x9d: {  	[timem:s6], [sflag:s22] =	dma.local [hbm:s4], s20  }
0x9e: {  	_ =	swait.ge [sflag:s22], s20  }
0x9f: {  	s3 =	ssub.s32 $0x0, s20;
	[sflag:s22] =	ssyncset.done $0x0  }
0xa0: {  	[sflag:s22] =	ssyncadd.s32 s3;
	_ =	sdelay $0x1  }
0xa1: {  	s23 =	simm.s32 $0x1B8B  }
0xa2: {  	_ =	swait.ge [sflag:s23], $0x1  }
0xa3: {  	[sflag:s23] =	ssyncset.done $0x0  }
0xa4: {  	s25 =	simm.s32 $0x1B8E;
	s24 =	sld [smem:$0x3FFE];
	[sflag:s23] =	ssyncadd.s32 $0xFFFFFFFF  }
0xa5: {  	s26 =	simm.s32 $execute0_lowered;
	[smem:$0x3FD2] =	sst s25  }
0xa6: {  	s4 =	sshll.u32 s26, $0x1;
	_ =	strace $0x80000046;
	[dreg:$0x1] =	wrdreg $0xFFFFFFFF  }
0xa7: {  	s28 =	simm.s32 $_size_execute0_lowered;
	s2 =	sadd.s32 s2, s4;
	[dreg:$0x0] =	wrdreg $0x0  }
0xa8: {  	s4 =	sshll.u32 s28, $0x1;
	[dreg:$0x2] =	wrdreg s2  }
0xa9: {  	[dreg:$0x3] =	wrdreg s4  }
0xaa: {  	[dreg:$0x4] =	wrdreg $0xC0  }
0xab: {  	_ =	task [dreg:s6], $0x5FFFF  }
0xac: {  	[dreg:$0x1] =	wrdreg $0xFFFFFFFF  }
0xad: {  	[dreg:$0x0] =	wrdreg $0x60  }
0xae: {  	[dreg:$0x2] =	wrdreg s24  }
0xaf: {  	[dreg:$0x3] =	wrdreg $0x28000  }
0xb0: {  	[dreg:$0x4] =	wrdreg $0x0  }
0xb1: {  	[dreg:$0x5] =	wrdreg $0x9  }
0xb2: {  	_ =	task.clear_ibuf [dreg:s6], $0x6FFFF;
	_ =	strace $0x90000046  }
0xb3: {  	s29 =	simm.s32 $0x9;
	_ =	strace $0x80000048  }
0xb4: {  	_ =	swait.ge [sflag:s29], $0x1  }
0xb5: {  	[sflag:s29] =	ssyncadd.s32 $0xFFFFFFFF  }
0xb6: {  	_ =	strace $0x90000048  }
0xb7: {  	_ =	sfence  }
0xb8: {  	s30 =	sld [smem:$0x0];
	_ =	sdelay $0x2  }
0xb9: {  	s31 =	sshll.u32 s1, $0xD;
	s1 =	sshrl.u32 s1, $0x2  }
0xba: {  	s3 =	sand.u32 $0x4000, s31;
	s1 =	sadd.s32 s1, s30  }
0xbb: {  	s0 =	sor.u32 s3, s0;
	s1 =	sshll.u32 s1, $0x11  }
0xbc: {  	s0 =	sor.u32 s1, s0  }
0xbd: {  	s0 =	sadd.s32 $0x8F2B, s0  }
0xbe: {  	[sflag:s0] =	ssyncadd.remote.s32 $0x1  }
0xbf: {  	_ =	sfence.sel $0xFFFF  }
0xc0: {  	[dreg:$0x0] =	wrdreg $0xFFFFFFFF;
	(pc) =	sbr.abs _section_cstart, $3  }
0xc1: {  	[dreg:$0x1] =	wrdreg $0xFFFFFFFF  }
0xc2: {  	_ =	task.clear_ibuf [dreg:s6], $0x2FFFF;
	_ =	strace $0x9FFFFFFF  }
0xc3: {  	(tm) =	ssettm $0x7FFFFFFF  }
tec
execute0_lowered:
.L_overlay_start_1:
0x0: {  	(tag) =	ssettag $0x1  }
0x1: {  	s5 =	rddreg [dreg:$0x0]  }
0x2: {  	s0 =	srdreg.scid;
	s2 =	rddreg [dreg:$0x1]  }
0x3: {  	s28 =	stileid.u32;
	s3 =	rddreg [dreg:$0x2]  }
0x4: {  	s4 =	simm.s32 $0x0;
	s16 =	simm.s32 $0x4;
	s20 =	simm.s32 $0x1  }
0x5: {  	s21 =	simm.s32 $0x3;
	s22 =	simm.s32 $0x2;
	s10 =	smul.u32 $0x2800, s28  }
0x6: {  	s6 =	sand.u32 $0x1, s0;
	[smem:$0x7FF] =	sst s4;
	s11 =	smul.u32 $0xA000, s28  }
0x7: {  	s1 =	sshll.u32 s6, $0x4;
	_ =	strace $0x80000047;
	s29 =	smul.u32 $0x5000, s6  }
0x8: {  	s6 =	ssub.s32 $0x2, s6;
	s17 =	sor.u32 s28, s1;
	s23 =	sshrl.u32 s10, $0x3  }
0x9: {  	s30 =	sshrl.u32 s6, $0x1;
	s11 =	sshrl.u32 s11, $0x2;
	s7 =	smul.u32 $0x320, s17  }
0xa: {  	s18 =	sadd.s32 s10, s3;
	s25 =	sadd.s32 s10, s2;
	s8 =	smul.u32 $0x3200, s17  }
0xb: {  	s9 =	sadd.s32 s23, s5;
	s14 =	sadd.s32 s29, s5;
	s15 =	ssub.s32 s6, s30  }
0xc: {  	p0 =	sgt.u32 s17, $0x18;
	s17 =	sshrl.u32 s18, $0x3;
	s6 =	sadd.s32 $0x10400, s9  }
0xd: {  	s24 =	sadd.s32 $0x63600, s14;
	s10 =	smax.u32 s15, $0x1;
	s15 =	simm.s32 $0xDA00  }
.Ltmp0:
0xe: {  	s12 =	sadd.s32 s7, s5;
	s13 =	sadd.s32 s8, s5;
	(pc) =	sbr.rel .LBB2_1-.Ltmp0, $4  }
0xf: {  	s5 =	sadd.s32 s11, s2;
	s23 =	sadd.s32 s23, s24;
	s24 =	sshrl.u32 s25, $0x3  }
0x10: {  	s25 =	simm.s32 $0x0;
	s31 =	sadd.s32 $0x6400, s12;
	s8 =	sadd.s32 $0xB400, s12  }
0x11: {  	s9 =	sadd.s32 $0x15400, s13;
	s11 =	sadd.s32 $0x800, s5;
	s12 =	sadd.s32 $0x1000, s5  }
0x12: {  	v0 =	vimm.f32 $0.0e+00;
	v1 =	vimm.f32 $1.000000000e+00;
	s13 =	sadd.s32 $0x1800, s5;
	s14 =	sadd.s32 $0x2000, s5;
	[dreg:$0x4] =	wrdreg s31  }
.LBB2_10:
0x13: {  	s25 =	sadd.s32 $0x1, s25  }
0x14: {  	p1 =	sne.s32 s25, s10  }
.Ltmp1:
0x15: {  	[bflag:$0x0] =	sbarrier.arrive $0xFFFF;
	(pc) =	sbr.rel @!p1 .LBB2_11-.Ltmp1, $4  }
0x16: {  	[hbm:s23], [sflag:s26] =	dma.local [spmem:s24], $0x500  }
0x17: {  	_ =	swait.ge [sflag:s16], $0x500  }
0x18: {  	[sflag:s16] =	ssyncset.done $0x0  }
0x19: {  	[sflag:s16] =	ssyncadd.s32 $0xFFFFFB00  }
.LBB2_1:
0x1a: {  	s26 =	simm.s32 $0x40;
	s28 =	simm.s32 $0x0  }
.LBB2_2:
0x1b: {  	p1 =	sne.s32 s26, $0x1FC0;
	[tilespmem:s28+$0xDA00] =	vst v0;
	s28 =	smov.u32 s26;
	s26 =	sadd.s32 $0x40, s26  }
.Ltmp2:
0x1c: {  	(pc) =	sbr.rel @p1 .LBB2_2-.Ltmp2, $2  }
0x1d: {  	_ =	sdelay $0x2  }
0x1e: {  	s28 =	sshra.s32 s28, $0x2  }
0x1f: {  	[tilespmem:s28+$0xDA00] =	vst v0  }
0x20: {  	[spmem:s5] =	stream.linear.scatter [tilespmem:s15], [sflag:$0x4], $0x800, $0x38;
	[tilespmem:$0xE200] =	vst v63  }
0x21: {  	_ =	swait.ge [sflag:s16], $0x800  }
0x22: {  	[sflag:s16] =	ssyncset.done $0x0  }
0x23: {  	[sflag:s16] =	ssyncadd.s32 $0xFFFFF800  }
0x24: {  	[spmem:s11] =	stream.linear.scatter [tilespmem:s15], [sflag:$0x4], $0x800, $0x38;
	[tilespmem:$0xE200] =	vst v63  }
0x25: {  	_ =	swait.ge [sflag:s16], $0x800  }
0x26: {  	[sflag:s16] =	ssyncset.done $0x0  }
0x27: {  	[sflag:s16] =	ssyncadd.s32 $0xFFFFF800  }
0x28: {  	[spmem:s12] =	stream.linear.scatter [tilespmem:s15], [sflag:$0x4], $0x800, $0x38;
	[tilespmem:$0xE200] =	vst v63  }
0x29: {  	_ =	swait.ge [sflag:s16], $0x800  }
0x2a: {  	[sflag:s16] =	ssyncset.done $0x0  }
0x2b: {  	[sflag:s16] =	ssyncadd.s32 $0xFFFFF800  }
0x2c: {  	[spmem:s13] =	stream.linear.scatter [tilespmem:s15], [sflag:$0x4], $0x800, $0x38;
	[tilespmem:$0xE200] =	vst v63  }
0x2d: {  	_ =	swait.ge [sflag:s16], $0x800  }
0x2e: {  	[sflag:s16] =	ssyncset.done $0x0  }
0x2f: {  	[sflag:s16] =	ssyncadd.s32 $0xFFFFF800  }
0x30: {  	[spmem:s14] =	stream.linear.scatter [tilespmem:s15], [sflag:$0x4], $0x800, $0x38;
	[tilespmem:$0xE200] =	vst v63  }
0x31: {  	_ =	swait.ge [sflag:s16], $0x800  }
0x32: {  	[sflag:s16] =	ssyncset.done $0x0  }
0x33: {  	s26 =	simm.s32 $0x40;
	s28 =	simm.s32 $0x0;
	[sflag:s16] =	ssyncadd.s32 $0xFFFFF800  }
.LBB2_4:
0x34: {  	p1 =	sne.s32 s26, $0x1FC0;
	[tilespmem:s28+$0xD200] =	vst v1;
	s28 =	smov.u32 s26;
	s26 =	sadd.s32 $0x40, s26  }
.Ltmp3:
0x35: {  	(pc) =	sbr.rel @p1 .LBB2_4-.Ltmp3, $2  }
0x36: {  	_ =	sdelay $0x2  }
0x37: {  	s28 =	sshra.s32 s28, $0x2  }
0x38: {  	s0 =	stileid.u32  }
0x39: {  	s26 =	sshll.u32 s0, $0x6  }
0x3a: {  	[tilespmem:s28+$0xD200] =	vst v1;
	s26 =	sor.u32 $0x1C04, s26  }
0x3b: {  	[spmem:s17], [sflag:s26] =	dma.local [hbm:s6], $0x500  }
.Ltmp4:
0x3c: {  	_ =	swait.ge [sflag:s16], $0x500;
	(pc) =	sbr.rel @p0 .LBB2_10-.Ltmp4, $3  }
0x3d: {  	[sflag:s16] =	ssyncset.done $0x0  }
0x3e: {  	[sflag:s16] =	ssyncadd.s32 $0xFFFFFB00  }
0x3f: {  	[bflag:$0x0] =	sbarrier.arrive $0xFFFF;
	_ =	sdelay $0x1  }
0x40: {  	s28 =	simm.s32 $0x0;
	s0 =	rddreg [dreg:$0x4];
	s1 =	simm.s32 $0x5000  }
0x41: {  	[tilespmem:s1], [sflag:$0x4] =	stream.linear.gather [hbm4b:s0+s28], $0x1900, $0x38;
	[tilespmem:$0xE200] =	vst v63  }
0x42: {  	_ =	swait.ge [sflag:s16], $0x1900  }
0x43: {  	[sflag:s16] =	ssyncset.done $0x0  }
.Ltmp5:
0x44: {  	s31 =	simm.s32 $0x6900;
	[sflag:s16] =	ssyncadd.s32 $0xFFFFE700;
	(pc) =	sbr.rel .LBB2_7-.Ltmp5, $4  }
0x45: {  	[tilespmem:s31], [sflag:$0x4] =	stream.linear.gather [hbm4b:s8+s28], $0x1900, $0x38;
	[tilespmem:$0xE200] =	vst v63  }
0x46: {  	_ =	swait.ge [sflag:s16], $0x1900  }
0x47: {  	[sflag:s16] =	ssyncset.done $0x0  }
0x48: {  	s29 =	simm.s32 $0xFFFFFB00;
	s30 =	simm.s32 $0x0;
	[sflag:s16] =	ssyncadd.s32 $0xFFFFE700  }
.LBB2_9:
0x49: {  	s28 =	sadd.s32 $0xA00, s28  }
0x4a: {  	p1 =	sne.s32 s28, $0x6E00  }
.Ltmp6:
0x4b: {  	_ = 	snop;
	(pc) =	sbr.rel @!p1 .LBB2_10-.Ltmp6, $2  }
0x4c: {  	_ =	sdelay $0x2  }
0x4d: {  	s30 =	sadd.s32 $0x1, s30;
	s29 =	sadd.s32 $0x500, s29  }
.LBB2_7:
0x4e: {  	p1 =	seq.s32 s28, $0x6400  }
0x4f: {  	s31 =	sand.u32 @!p1 $0x1, s30  }
0x50: {  	p2 =	seq.s32 @!p1 s31, $0x1  }
0x51: {  	s31 =	simm.s32 @!p1 $0x2800;
	p2 =	por !p2, p1  }
0x52: {  	s1 =	sshra.s32 @!p1 s28, $0x2;
	s31 =	simm.s32 @p2 $0x0  }
0x53: {  	s0 =	simm.s32 @!p1 $0x80;
	s19 =	sadd.s32 @!p1 $0x5000, s1;
	s18 =	sor.u32 @!p1 $0x8200, s31  }
0x54: {  	[tilespmem:s18], [sflag:$0x1] =	stream.indirect.gather @!p1 [spmem:s3], $0x10, s19, s0, $0xb8;
	[tilespmem:$0xE200] =	vst v63  }
0x55: {  	s18 =	sadd.s32 @!p1 $0x6900, s1;
	s19 =	simm.s32 @!p1 $0xD200  }
0x56: {  	[spmem:s2] =	stream.indirect.scatter.add.f32 @!p1 [tilespmem:s19], [sflag:$0x3], $0x10, s18, s0, $0xb8;
	[tilespmem:$0xE200] =	vst v63  }
0x57: {  	s7 =	sadd.s32 @!p1 $0x5080, s1;
	s18 =	sadd.s32 @!p1 $0x8A00, s31  }
0x58: {  	[tilespmem:s18], [sflag:$0x1] =	stream.indirect.gather @!p1 [spmem:s3], $0x10, s7, s0, $0xb8;
	[tilespmem:$0xE200] =	vst v63  }
0x59: {  	s7 =	sadd.s32 @!p1 $0x6980, s1  }
0x5a: {  	[spmem:s2] =	stream.indirect.scatter.add.f32 @!p1 [tilespmem:s19], [sflag:$0x3], $0x10, s7, s0, $0xb8;
	[tilespmem:$0xE200] =	vst v63  }
0x5b: {  	s18 =	sadd.s32 @!p1 $0x5100, s1;
	s7 =	sor.u32 @!p1 $0x9200, s31  }
0x5c: {  	[tilespmem:s7], [sflag:$0x1] =	stream.indirect.gather @!p1 [spmem:s3], $0x10, s18, s0, $0xb8;
	[tilespmem:$0xE200] =	vst v63  }
0x5d: {  	s7 =	sadd.s32 @!p1 $0x6A00, s1  }
0x5e: {  	[spmem:s2] =	stream.indirect.scatter.add.f32 @!p1 [tilespmem:s19], [sflag:$0x3], $0x10, s7, s0, $0xb8;
	[tilespmem:$0xE200] =	vst v63  }
0x5f: {  	s18 =	sadd.s32 @!p1 $0x5180, s1;
	s7 =	sadd.s32 @!p1 $0x9A00, s31  }
0x60: {  	[tilespmem:s7], [sflag:$0x1] =	stream.indirect.gather @!p1 [spmem:s3], $0x10, s18, s0, $0xb8;
	[tilespmem:$0xE200] =	vst v63  }
0x61: {  	s7 =	sadd.s32 @!p1 $0x6A80, s1  }
0x62: {  	[spmem:s2] =	stream.indirect.scatter.add.f32 @!p1 [tilespmem:s19], [sflag:$0x3], $0x10, s7, s0, $0xb8;
	[tilespmem:$0xE200] =	vst v63  }
0x63: {  	s18 =	sadd.s32 @!p1 $0x5200, s1;
	s7 =	sadd.s32 @!p1 $0xA200, s31  }
0x64: {  	[tilespmem:s7], [sflag:$0x1] =	stream.indirect.gather @!p1 [spmem:s3], $0x10, s18, s0, $0xb8;
	[tilespmem:$0xE200] =	vst v63  }
0x65: {  	p2 =	seq.s32 @!p1 s28, $0x0;
	s1 =	sadd.s32 @!p1 $0x6B00, s1  }
0x66: {  	[spmem:s2] =	stream.indirect.scatter.add.f32 @!p1 [tilespmem:s19], [sflag:$0x3], $0x10, s1, s0, $0xb8;
	[tilespmem:$0xE200] =	vst v63  }
0x67: {  	p1 =	por p1, !p2  }
.Ltmp7:
0x68: {  	_ = 	snop;
	(pc) =	sbr.rel @!p1 .LBB2_9-.Ltmp7, $1  }
0x69: {  	_ =	sdelay $0x3  }
0x6a: {  	_ =	swait.ge [sflag:s20], $0x800  }
0x6b: {  	[sflag:s20] =	ssyncset.done $0x0  }
0x6c: {  	[sflag:s20] =	ssyncadd.s32 $0xFFFFF800  }
0x6d: {  	_ =	swait.ge [sflag:s21], $0x800  }
0x6e: {  	[sflag:s21] =	ssyncset.done $0x0  }
0x6f: {  	[sflag:s21] =	ssyncadd.s32 $0xFFFFF800  }
0x70: {  	_ =	swait.ge [sflag:s20], $0x800  }
0x71: {  	[sflag:s20] =	ssyncset.done $0x0  }
0x72: {  	[sflag:s20] =	ssyncadd.s32 $0xFFFFF800  }
0x73: {  	_ =	swait.ge [sflag:s21], $0x800  }
0x74: {  	[sflag:s21] =	ssyncset.done $0x0  }
0x75: {  	[sflag:s21] =	ssyncadd.s32 $0xFFFFF800  }
0x76: {  	_ =	swait.ge [sflag:s20], $0x800  }
0x77: {  	[sflag:s20] =	ssyncset.done $0x0  }
0x78: {  	[sflag:s20] =	ssyncadd.s32 $0xFFFFF800  }
0x79: {  	_ =	swait.ge [sflag:s21], $0x800  }
0x7a: {  	[sflag:s21] =	ssyncset.done $0x0  }
0x7b: {  	[sflag:s21] =	ssyncadd.s32 $0xFFFFF800  }
0x7c: {  	_ =	swait.ge [sflag:s20], $0x800  }
0x7d: {  	[sflag:s20] =	ssyncset.done $0x0  }
0x7e: {  	[sflag:s20] =	ssyncadd.s32 $0xFFFFF800  }
0x7f: {  	_ =	swait.ge [sflag:s21], $0x800  }
0x80: {  	[sflag:s21] =	ssyncset.done $0x0  }
0x81: {  	[sflag:s21] =	ssyncadd.s32 $0xFFFFF800  }
0x82: {  	_ =	swait.ge [sflag:s20], $0x800  }
0x83: {  	[sflag:s20] =	ssyncset.done $0x0  }
0x84: {  	[sflag:s20] =	ssyncadd.s32 $0xFFFFF800  }
0x85: {  	s0 =	sand.u32 $0x1, s30;
	s1 =	sadd.s32 s29, s9;
	_ =	swait.ge [sflag:s21], $0x800  }
0x86: {  	p1 =	seq.s32 s0, $0x1;
	s0 =	simm.s32 $0x8200;
	[sflag:s21] =	ssyncset.done $0x0  }
.Ltmp8:
0x87: {  	s0 =	simm.s32 @!p1 $0xAA00;
	[sflag:s21] =	ssyncadd.s32 $0xFFFFF800;
	(pc) =	sbr.rel .LBB2_9-.Ltmp8, $4  }
0x88: {  	[hbm4b:s1+s4] =	stream.linear.scatter [tilespmem:s0], [sflag:$0x2], $0x2800, $0x38;
	[tilespmem:$0xE200] =	vst v63  }
0x89: {  	_ =	swait.ge [sflag:s22], $0x2800  }
0x8a: {  	[sflag:s22] =	ssyncset.done $0x0  }
0x8b: {  	[sflag:s22] =	ssyncadd.s32 $0xFFFFD800  }
.LBB2_11:
0x8c: {  	_ =	sfence.sel $0x180000  }
0x8d: {  	[bflag:$0x0] =	sbarrier.arrive $0xFFFF  }
0x8e: {  	_ =	strace $0x90000047  }
0x8f: {  	s0 =	stileid.u32;
	[bflag:$0x2] =	sbarrier.arrive $0xFFFF  }
0x90: {  	p0 =	sne.s32 s0, $0x0;
	s0 =	rddreg [dreg:$0x3]  }
0x91: {  	s0 =	sadd.s32 @!p0 $0x100000, s0  }
0x92: {  	[sflag:s0] =	ssyncadd.tile.s32 @!p0 $0x1;
	_ =	shalt  }
.Lfunc_end2:
_tile_overlayer_lowered:
.L_overlay_start_2:
0x93: {  	(tag) =	ssettag $0x2  }
0x94: {  	s0 =	rddreg [dreg:$0x0];
	s2 =	stileid.u32  }
0x95: {  	s1 =	rddreg [dreg:$0x1];
	p0 =	sne.s32 s2, $0x0  }
0x96: {  	s3 =	rddreg [dreg:$0x2];
	[bflag:$0x3] =	sbarrier.arrive $0xFFFF;
	s2 =	simm.s32 @!p0 $0x1C04  }
0x97: {  	[timem:s3], [sflag:s2] =	dma.local @!p0 [hbm:s0], s1  }
0x98: {  	s0 =	simm.s32 @!p0 $0x4  }
0x99: {  	_ =	swait.ge @!p0 [sflag:s0], s1  }
0x9a: {  	s1 =	ssub.s32 @!p0 $0x0, s1;
	[sflag:s0] =	ssyncset.done @!p0 $0x0  }
0x9b: {  	[sflag:s0] =	ssyncadd.s32 @!p0 s1  }
0x9c: {  	[bflag:$0x3] =	sbarrier.arrive $0xFFFF  }
0x9d: {  	_ =	shalt  }

// kernel: kernel.19.cloned.1.call-start
scs
__scs_entry_jumppad:
0x0: {  	(pc) =	sbr.rel $0x88, $3  }
0x1: {  	(tag) =	ssettag $0x0;
	lr =	simm.s32 $0x1  }
0x2: {  	[smem:$0x3F8F] =	sst lr;
	_ =	strace $0xD0000000  }
0x3: {  	_ = 	snop  }
0x4: {  	_ = 	snop  }
0x5: {  	_ = 	snop  }
0x6: {  	_ = 	snop  }
0x7: {  	_ = 	snop  }
__scs_overlays_trampoline_lowered:
0x8: {  	[smem:$0x3F9E] =	sst s0  }
0x9: {  	[smem:$0x3F9F] =	sst s1  }
0xa: {  	[smem:$0x3FA0] =	sst s2  }
0xb: {  	[smem:$0x3FA1] =	sst s3  }
0xc: {  	[smem:$0x3FA2] =	sst s4  }
0xd: {  	[smem:$0x3FA3] =	sst s5  }
0xe: {  	[smem:$0x3FA4] =	sst s6  }
0xf: {  	[smem:$0x3FA5] =	sst s7  }
0x10: {  	[smem:$0x3FA6] =	sst s8  }
0x11: {  	[smem:$0x3FA7] =	sst s9;
	s0 =	simm.s32 @!p0 $0x0  }
0x12: {  	s1 =	sld [smem:$0x3F8D];
	s0 =	simm.s32 @p0 $0x1  }
0x13: {  	[smem:$0x3FA8] =	sst s0;
	s0 =	simm.s32 @!p1 $0x0  }
0x14: {  	s2 =	sld [smem:$0x3F8C];
	s0 =	simm.s32 @p1 $0x1  }
0x15: {  	[smem:$0x3FA9] =	sst s0;
	s0 =	simm.s32 @!p2 $0x0  }
0x16: {  	s3 =	sld [smem:$0x3FDB];
	s0 =	simm.s32 @p2 $0x1  }
0x17: {  	s4 =	simm.s32 $0x1BF5;
	[smem:$0x3FAB] =	sst s0  }
0x18: {  	s0 =	sld [smem:$0x3F8E];
	_ =	swait.ge [sflag:s4], $0x0  }
0x19: {  	s7 =	sld [smem:$0x3F8F]  }
0x1a: {  	s8 =	sadd.s32 $0xFFFFE003, lr  }
0x1b: {  	s9 =	sadd.s32 $0xFFFFFEF7, lr;
	s5 =	simm.s32 $0xFFFFFFFF;
	p2 =	slt.u32 s8, $0xFFFFF086  }
0x1c: {  	p1 =	slt.u32 s9, $0xF7A;
	s5 =	simm.s32 @!p2 $0x0  }
0x1d: {  	s5 =	simm.s32 @p1 $0x1;
	p0 =	seq.s32 s7, s2  }
0x1e: {  	s7 =	smul.u32 @!p0 $0xF7A, s2;
	p2 =	seq.s32 @!p0 s5, $0x0  }
0x1f: {  	s9 =	smul.u32 $0xF7A, s1;
	s8 =	simm.s32 @!p0 $0x1BF5;
	p2 =	por !p2, p0  }
0x20: {  	[sflag:s8] =	ssyncset.s32 @!p0 $0xFFFFF086;
	s6 =	sadd.s32 @!p0 s3, s7;
	s7 =	simm.s32 @!p0 $0x108  }
0x21: {  	s3 =	sadd.s32 s3, s9;
	s6 =	sadd.s32 @!p0 $0x88, s6;
	s7 =	simm.s32 @p2 $0x1082  }
0x22: {  	[simem:s7], [sflag:s8] =	dma.local @!p0 [hbm:s6], $0xF7A  }
0x23: {  	s9 =	sor.u32 $0xD0000000, s2;
	s6 =	simm.s32 $0x108;
	_ =	swait.ge @!p0 [sflag:s8], $0x0  }
0x24: {  	s3 =	sadd.s32 $0x88, s3;
	s6 =	simm.s32 @!p1 $0x1082;
	[sflag:s4] =	ssyncset.s32 $0xFFFFF086  }
0x25: {  	[simem:s6], [sflag:s4] =	dma.local [hbm:s3], $0xF7A  }
0x26: {  	[smem:$0x3F8F] =	sst s1;
	(tag) =	ssettag s2;
	_ =	strace s9  }
0x27: {  	s1 =	sld [smem:$0x3F9F]  }
0x28: {  	s2 =	sld [smem:$0x3FA0]  }
0x29: {  	s4 =	sld [smem:$0x3FA2]  }
0x2a: {  	p0 =	seq.s32 s5, $0x0;
	s5 =	sld [smem:$0x3FA3]  }
0x2b: {  	s6 =	sld [smem:$0x3FA4]  }
0x2c: {  	s7 =	sld [smem:$0x3FA5]  }
0x2d: {  	s3 =	simm.s32 $0x108;
	s8 =	sld [smem:$0x3FA6]  }
0x2e: {  	s3 =	simm.s32 @!p0 $0x1082;
	s9 =	sld [smem:$0x3FA7]  }
0x2f: {  	lr =	sadd.s32 s0, s3;
	s0 =	sld [smem:$0x3F9E]  }
0x30: {  	s3 =	sld [smem:$0x3FA1]  }
0x31: {  	[smem:$0x3FAA] =	sst s10  }
0x32: {  	s10 =	sld [smem:$0x3FA8];
	_ =	sdelay $0x3  }
0x33: {  	p0 =	seq.s32 s10, $0x1;
	s10 =	sld [smem:$0x3FAA];
	_ =	sdelay $0x3  }
0x34: {  	[smem:$0x3FAA] =	sst s10  }
0x35: {  	s10 =	sld [smem:$0x3FA9];
	_ =	sdelay $0x3  }
0x36: {  	p1 =	seq.s32 s10, $0x1;
	s10 =	sld [smem:$0x3FAA];
	_ =	sdelay $0x3  }
0x37: {  	[smem:$0x3FAA] =	sst s10  }
0x38: {  	s10 =	sld [smem:$0x3FAB]  }
0x39: {  	_ = 	snop;
	(pc) =	sbr.ind lr, $3  }
0x3a: {  	_ = 	snop  }
0x3b: {  	_ = 	snop  }
0x3c: {  	p2 =	seq.s32 s10, $0x1;
	s10 =	sld [smem:$0x3FAA]  }
0x3d: {  	_ =	shalt  }
0x3e: {  	_ =	shalt  }
0x3f: {  	_ =	shalt  }
0x40: {  	_ =	shalt  }
0x41: {  	_ =	shalt  }
0x42: {  	_ =	shalt  }
0x43: {  	_ =	shalt  }
0x44: {  	_ =	shalt  }
0x45: {  	_ =	shalt  }
0x46: {  	_ =	shalt  }
0x47: {  	_ =	shalt  }
0x48: {  	_ =	shalt  }
0x49: {  	_ =	shalt  }
0x4a: {  	_ =	shalt  }
0x4b: {  	_ =	shalt  }
0x4c: {  	_ =	shalt  }
0x4d: {  	_ =	shalt  }
0x4e: {  	_ =	shalt  }
0x4f: {  	_ =	shalt  }
0x50: {  	_ =	shalt  }
0x51: {  	_ =	shalt  }
0x52: {  	_ =	shalt  }
0x53: {  	_ =	shalt  }
0x54: {  	_ =	shalt  }
0x55: {  	_ =	shalt  }
0x56: {  	_ =	shalt  }
0x57: {  	_ =	shalt  }
0x58: {  	_ =	shalt  }
0x59: {  	_ =	shalt  }
0x5a: {  	_ =	shalt  }
0x5b: {  	_ =	shalt  }
0x5c: {  	_ =	shalt  }
0x5d: {  	_ =	shalt  }
0x5e: {  	_ =	shalt  }
0x5f: {  	_ =	shalt  }
0x60: {  	_ =	shalt  }
0x61: {  	_ =	shalt  }
0x62: {  	_ =	shalt  }
0x63: {  	_ =	shalt  }
0x64: {  	_ =	shalt  }
0x65: {  	_ =	shalt  }
0x66: {  	_ =	shalt  }
0x67: {  	_ =	shalt  }
0x68: {  	_ =	shalt  }
0x69: {  	_ =	shalt  }
0x6a: {  	_ =	shalt  }
0x6b: {  	_ =	shalt  }
0x6c: {  	_ =	shalt  }
0x6d: {  	_ =	shalt  }
0x6e: {  	_ =	shalt  }
0x6f: {  	_ =	shalt  }
0x70: {  	_ =	shalt  }
0x71: {  	_ =	shalt  }
0x72: {  	_ =	shalt  }
0x73: {  	_ =	shalt  }
0x74: {  	_ =	shalt  }
0x75: {  	_ =	shalt  }
0x76: {  	_ =	shalt  }
0x77: {  	_ =	shalt  }
0x78: {  	_ =	shalt  }
0x79: {  	_ =	shalt  }
0x7a: {  	_ =	shalt  }
0x7b: {  	_ =	shalt  }
0x7c: {  	_ =	shalt  }
0x7d: {  	_ =	shalt  }
0x7e: {  	_ =	shalt  }
0x7f: {  	_ =	shalt  }
0x80: {  	_ =	shalt  }
0x81: {  	_ =	shalt  }
0x82: {  	_ =	shalt  }
0x83: {  	_ =	shalt  }
0x84: {  	_ =	shalt  }
0x85: {  	_ =	shalt  }
0x86: {  	_ =	shalt  }
0x87: {  	_ =	shalt  }
.Lfunc_end0:
.L_simem_size_0:
called_computation.1_lowered:
.L_overlay_start_0:
0x88: {  	s2 =	sld [smem:$0x3FD9]  }
0x89: {  	s3 =	sld [smem:$0x3FFE];
	_ =	sdelay $0x1  }
0x8a: {  	s1 =	srdreg.scid  }
0x8b: {  	s0 =	sand.u32 $0x1, s1  }
0x8c: {  	s16 =	sshll.u32 s0, $0xA;
	s2 =	sadd.s32 s3, s2  }
0x8d: {  	s2 =	sadd.s32 s2, s16  }
0x8e: {  	[smem:$0x3FB6] =	sst s2  }
0x8f: {  	_ = 	snop  }
0x90: {  	(tm) =	ssettm $0x1  }
0x91: {  	s17 =	sld [smem:$0x3FFB];
	_ =	sdelay $0x3  }
0x92: {  	_ =	strace s17  }
0x93: {  	s2 =	sld [smem:$0x3FFC];
	_ =	sdelay $0x3  }
0x94: {  	_ =	strace s2  }
0x95: {  	s2 =	sld [smem:$0x3FFD];
	_ =	sdelay $0x3  }
0x96: {  	_ =	strace s2  }
0x97: {  	_ =	strace $0x8FFFFFFF  }
0x98: {  	s18 =	sld [smem:$0x3FDB];
	_ =	sdelay $0x1  }
0x99: {  	s19 =	simm.s32 $_scs_section_size  }
0x9a: {  	s4 =	simm.s32 $_size__tile_overlayer_lowered;
	s5 =	simm.s32 $_tile_overlayer_lowered  }
0x9b: {  	s22 =	simm.s32 $0x1BFF;
	s21 =	sshll.u32 s5, $0x1;
	s2 =	sadd.s32 s19, s18  }
0x9c: {  	s6 =	simm.s32 $0x0;
	s20 =	sshll.u32 s4, $0x1;
	s4 =	sadd.s32 s21, s2  }
0x9d: {  	[timem:s6], [sflag:s22] =	dma.local [hbm:s4], s20  }
0x9e: {  	_ =	swait.ge [sflag:s22], s20  }
0x9f: {  	s3 =	ssub.s32 $0x0, s20;
	[sflag:s22] =	ssyncset.done $0x0  }
0xa0: {  	[sflag:s22] =	ssyncadd.s32 s3;
	_ =	sdelay $0x1  }
0xa1: {  	s23 =	simm.s32 $0x1B8B  }
0xa2: {  	_ =	swait.ge [sflag:s23], $0x1  }
0xa3: {  	[sflag:s23] =	ssyncset.done $0x0  }
0xa4: {  	s25 =	simm.s32 $0x1B8E;
	s24 =	sld [smem:$0x3FFE];
	[sflag:s23] =	ssyncadd.s32 $0xFFFFFFFF  }
0xa5: {  	s26 =	simm.s32 $execute0_lowered;
	[smem:$0x3FD2] =	sst s25  }
0xa6: {  	s4 =	sshll.u32 s26, $0x1;
	_ =	strace $0x80000049;
	[dreg:$0x1] =	wrdreg $0xFFFFFFFF  }
0xa7: {  	s28 =	simm.s32 $_size_execute0_lowered;
	s2 =	sadd.s32 s2, s4;
	[dreg:$0x0] =	wrdreg $0x0  }
0xa8: {  	s4 =	sshll.u32 s28, $0x1;
	[dreg:$0x2] =	wrdreg s2  }
0xa9: {  	[dreg:$0x3] =	wrdreg s4  }
0xaa: {  	[dreg:$0x4] =	wrdreg $0xC0  }
0xab: {  	_ =	task [dreg:s6], $0x5FFFF  }
0xac: {  	[dreg:$0x1] =	wrdreg $0xFFFFFFFF  }
0xad: {  	[dreg:$0x0] =	wrdreg $0x60  }
0xae: {  	[dreg:$0x2] =	wrdreg s24  }
0xaf: {  	[dreg:$0x3] =	wrdreg $0x0  }
0xb0: {  	[dreg:$0x4] =	wrdreg $0x9  }
0xb1: {  	_ =	task.clear_ibuf [dreg:s6], $0x5FFFF;
	_ =	strace $0x90000049  }
0xb2: {  	s29 =	simm.s32 $0x9;
	_ =	strace $0x8000004B  }
0xb3: {  	_ =	swait.ge [sflag:s29], $0x1  }
0xb4: {  	[sflag:s29] =	ssyncadd.s32 $0xFFFFFFFF  }
0xb5: {  	_ =	strace $0x9000004B  }
0xb6: {  	_ =	sfence  }
0xb7: {  	s30 =	sld [smem:$0x0];
	_ =	sdelay $0x2  }
0xb8: {  	s31 =	sshll.u32 s1, $0xD;
	s1 =	sshrl.u32 s1, $0x2  }
0xb9: {  	s3 =	sand.u32 $0x4000, s31;
	s1 =	sadd.s32 s1, s30  }
0xba: {  	s0 =	sor.u32 s3, s0;
	s1 =	sshll.u32 s1, $0x11  }
0xbb: {  	s0 =	sor.u32 s1, s0  }
0xbc: {  	s0 =	sadd.s32 $0x8F2B, s0  }
0xbd: {  	[sflag:s0] =	ssyncadd.remote.s32 $0x1  }
0xbe: {  	_ =	sfence.sel $0xFFFF  }
0xbf: {  	[dreg:$0x0] =	wrdreg $0xFFFFFFFF;
	(pc) =	sbr.abs _section_cstart, $3  }
0xc0: {  	[dreg:$0x1] =	wrdreg $0xFFFFFFFF  }
0xc1: {  	_ =	task.clear_ibuf [dreg:s6], $0x2FFFF;
	_ =	strace $0x9FFFFFFF  }
0xc2: {  	(tm) =	ssettm $0x7FFFFFFF  }
0xc3: {  	_ =	shalt  }
tec
execute0_lowered:
.L_overlay_start_1:
0x0: {  	(tag) =	ssettag $0x1  }
0x1: {  	s0 =	srdreg.scid;
	s4 =	rddreg [dreg:$0x0]  }
0x2: {  	s2 =	rddreg [dreg:$0x1];
	s13 =	simm.s32 $0x3;
	s14 =	simm.s32 $0x2800  }
0x3: {  	s15 =	simm.s32 $0x4100;
	s16 =	simm.s32 $0x2;
	s17 =	simm.s32 $0x80  }
0x4: {  	s28 =	simm.s32 $0x6100;
	s29 =	simm.s32 $0x1;
	s1 =	sand.u32 $0x1, s0  }
0x5: {  	s30 =	simm.s32 $0x0;
	s0 =	stileid.u32;
	s7 =	smul.u32 $0x5000, s1  }
0x6: {  	s3 =	sshll.u32 s1, $0x4;
	s1 =	ssub.s32 $0x2, s1;
	s25 =	smul.u32 $0xA000, s0  }
0x7: {  	s9 =	smul.u32 $0x2800, s0;
	s12 =	sor.u32 s0, s3;
	s3 =	simm.s32 $0x0  }
0x8: {  	s26 =	sshrl.u32 s1, $0x1;
	s5 =	smul.u32 $0x3200, s12;
	[smem:$0x7FF] =	sst s3  }
0x9: {  	s6 =	smul.u32 $0x320, s12;
	s7 =	sadd.s32 s7, s4;
	s1 =	ssub.s32 s1, s26  }
0xa: {  	s31 =	sshrl.u32 s25, $0x2;
	s19 =	sshrl.u32 s9, $0x3;
	s20 =	sadd.s32 s9, s2  }
0xb: {  	p0 =	sgt.u32 s12, $0x18;
	s12 =	simm.s32 $0x9100;
	s26 =	simm.s32 $0x2A00  }
.Ltmp0:
0xc: {  	_ =	strace $0x8000004A;
	s18 =	sadd.s32 $0x6D600, s7;
	(pc) =	sbr.rel .LBB2_1-.Ltmp0, $4  }
0xd: {  	s7 =	smax.u32 s1, $0x1;
	s25 =	sshrl.u32 s20, $0x3;
	s8 =	sadd.s32 s5, s4  }
0xe: {  	s6 =	sadd.s32 s6, s4;
	s4 =	sadd.s32 s31, s2;
	s23 =	sadd.s32 s19, s18  }
0xf: {  	s5 =	sadd.s32 $0xB400, s6;
	s6 =	sadd.s32 $0x15400, s8;
	s8 =	sadd.s32 $0x800, s4  }
0x10: {  	v0 =	vimm.f32 $0.0e+00;
	s9 =	sadd.s32 $0x1000, s4;
	s10 =	sadd.s32 $0x1800, s4;
	s11 =	sadd.s32 $0x2000, s4  }
.LBB2_6:
0x11: {  	s18 =	sor.u32 $0x4100, s20;
	[sflag:s29] =	ssyncadd.s32 $0xFFFFF800;
	s19 =	sadd.s32 $0x500, s31  }
0x12: {  	[tilespmem:s18], [sflag:$0x2] =	stream.linear.gather [hbm4b:s19+s3], $0x2800, $0x38;
	[tilespmem:$0x9900] =	vst v63  }
0x13: {  	_ =	swait.ge [sflag:s16], $0x2800  }
0x14: {  	s1 =	sshra.s32 s1, $0x2;
	[sflag:s16] =	ssyncset.done $0x0  }
0x15: {  	s22 =	sadd.s32 $0x2A80, s1;
	[sflag:s16] =	ssyncadd.s32 $0xFFFFD800  }
0x16: {  	[spmem:s2] =	stream.indirect.scatter.add.f32 [tilespmem:s18], [sflag:$0x1], $0x10, s22, s17, $0xb8;
	[tilespmem:$0x9900] =	vst v63  }
0x17: {  	s24 =	sadd.s32 $0x4900, s20;
	s31 =	sadd.s32 $0x2B00, s1  }
0x18: {  	[spmem:s2] =	stream.indirect.scatter.add.f32 [tilespmem:s24], [sflag:$0x1], $0x10, s31, s17, $0xb8;
	[tilespmem:$0x9900] =	vst v63  }
0x19: {  	s19 =	sor.u32 $0x5100, s20;
	s21 =	sadd.s32 $0x2B80, s1  }
0x1a: {  	[spmem:s2] =	stream.indirect.scatter.add.f32 [tilespmem:s19], [sflag:$0x1], $0x10, s21, s17, $0xb8;
	[tilespmem:$0x9900] =	vst v63  }
0x1b: {  	s22 =	sadd.s32 $0x5900, s20;
	s24 =	sadd.s32 $0x2C00, s1  }
0x1c: {  	[spmem:s2] =	stream.indirect.scatter.add.f32 [tilespmem:s22], [sflag:$0x1], $0x10, s24, s17, $0xb8;
	[tilespmem:$0x9900] =	vst v63  }
0x1d: {  	s31 =	sadd.s32 $0x6100, s20;
	s1 =	sadd.s32 $0x2C80, s1  }
0x1e: {  	[spmem:s2] =	stream.indirect.scatter.add.f32 [tilespmem:s31], [sflag:$0x1], $0x10, s1, s17, $0xb8;
	[tilespmem:$0x9900] =	vst v63  }
0x1f: {  	_ =	swait.ge [sflag:s29], $0x800  }
0x20: {  	[sflag:s29] =	ssyncset.done $0x0  }
0x21: {  	[sflag:s29] =	ssyncadd.s32 $0xFFFFF800  }
0x22: {  	_ =	swait.ge [sflag:s29], $0x800  }
0x23: {  	[sflag:s29] =	ssyncset.done $0x0  }
0x24: {  	[sflag:s29] =	ssyncadd.s32 $0xFFFFF800  }
0x25: {  	_ =	swait.ge [sflag:s29], $0x800  }
0x26: {  	[sflag:s29] =	ssyncset.done $0x0  }
0x27: {  	[sflag:s29] =	ssyncadd.s32 $0xFFFFF800  }
0x28: {  	_ =	swait.ge [sflag:s29], $0x800  }
0x29: {  	[sflag:s29] =	ssyncset.done $0x0  }
0x2a: {  	[sflag:s29] =	ssyncadd.s32 $0xFFFFF800  }
0x2b: {  	_ =	swait.ge [sflag:s29], $0x800  }
0x2c: {  	[sflag:s29] =	ssyncset.done $0x0  }
0x2d: {  	[sflag:s29] =	ssyncadd.s32 $0xFFFFF800  }
0x2e: {  	_ =	swait.ge [sflag:s29], $0x800  }
0x2f: {  	[sflag:s29] =	ssyncset.done $0x0  }
0x30: {  	[sflag:s29] =	ssyncadd.s32 $0xFFFFF800  }
0x31: {  	_ =	swait.ge [sflag:s29], $0x800  }
0x32: {  	[sflag:s29] =	ssyncset.done $0x0  }
0x33: {  	[sflag:s29] =	ssyncadd.s32 $0xFFFFF800  }
0x34: {  	_ =	swait.ge [sflag:s29], $0x800  }
0x35: {  	[sflag:s29] =	ssyncset.done $0x0  }
0x36: {  	[sflag:s29] =	ssyncadd.s32 $0xFFFFF800  }
0x37: {  	_ =	swait.ge [sflag:s29], $0x800  }
0x38: {  	[sflag:s29] =	ssyncset.done $0x0  }
0x39: {  	[sflag:s29] =	ssyncadd.s32 $0xFFFFF800  }
0x3a: {  	_ =	swait.ge [sflag:s29], $0x800  }
0x3b: {  	[sflag:s29] =	ssyncset.done $0x0  }
0x3c: {  	[sflag:s29] =	ssyncadd.s32 $0xFFFFF800  }
.LBB2_7:
0x3d: {  	s30 =	sadd.s32 $0x1, s30  }
0x3e: {  	s1 =	sshll.u32 s0, $0x6;
	p1 =	sne.s32 s30, s7  }
.Ltmp1:
0x3f: {  	[bflag:$0x0] =	sbarrier.arrive $0xFFFF;
	s1 =	sor.u32 $0x1C03, s1;
	(pc) =	sbr.rel @!p1 .LBB2_8-.Ltmp1, $4  }
0x40: {  	[hbm:s23], [sflag:s1] =	dma.local [spmem:s25], $0x500  }
0x41: {  	_ =	swait.ge [sflag:s13], $0x500  }
0x42: {  	[sflag:s13] =	ssyncset.done $0x0  }
0x43: {  	[sflag:s13] =	ssyncadd.s32 $0xFFFFFB00  }
.LBB2_1:
0x44: {  	s1 =	simm.s32 $0x40;
	s18 =	simm.s32 $0x0  }
.LBB2_2:
0x45: {  	p1 =	sne.s32 s1, $0x1FC0;
	[tilespmem:s18+$0x9100] =	vst v0;
	s18 =	smov.u32 s1;
	s1 =	sadd.s32 $0x40, s1  }
.Ltmp2:
0x46: {  	(pc) =	sbr.rel @p1 .LBB2_2-.Ltmp2, $2  }
0x47: {  	_ =	sdelay $0x2  }
0x48: {  	s18 =	sshra.s32 s18, $0x2  }
0x49: {  	[tilespmem:s18+$0x9100] =	vst v0  }
0x4a: {  	[spmem:s4] =	stream.linear.scatter [tilespmem:s12], [sflag:$0x3], $0x800, $0x38;
	[tilespmem:$0x9900] =	vst v63  }
0x4b: {  	_ =	swait.ge [sflag:s13], $0x800  }
0x4c: {  	[sflag:s13] =	ssyncset.done $0x0  }
0x4d: {  	[sflag:s13] =	ssyncadd.s32 $0xFFFFF800  }
0x4e: {  	[spmem:s8] =	stream.linear.scatter [tilespmem:s12], [sflag:$0x3], $0x800, $0x38;
	[tilespmem:$0x9900] =	vst v63  }
0x4f: {  	_ =	swait.ge [sflag:s13], $0x800  }
0x50: {  	[sflag:s13] =	ssyncset.done $0x0  }
0x51: {  	[sflag:s13] =	ssyncadd.s32 $0xFFFFF800  }
0x52: {  	[spmem:s9] =	stream.linear.scatter [tilespmem:s12], [sflag:$0x3], $0x800, $0x38;
	[tilespmem:$0x9900] =	vst v63  }
0x53: {  	_ =	swait.ge [sflag:s13], $0x800  }
0x54: {  	[sflag:s13] =	ssyncset.done $0x0  }
0x55: {  	[sflag:s13] =	ssyncadd.s32 $0xFFFFF800  }
0x56: {  	[spmem:s10] =	stream.linear.scatter [tilespmem:s12], [sflag:$0x3], $0x800, $0x38;
	[tilespmem:$0x9900] =	vst v63  }
0x57: {  	_ =	swait.ge [sflag:s13], $0x800  }
0x58: {  	[sflag:s13] =	ssyncset.done $0x0  }
0x59: {  	[sflag:s13] =	ssyncadd.s32 $0xFFFFF800  }
0x5a: {  	[spmem:s11] =	stream.linear.scatter [tilespmem:s12], [sflag:$0x3], $0x800, $0x38;
	[tilespmem:$0x9900] =	vst v63  }
.Ltmp3:
0x5b: {  	_ =	swait.ge [sflag:s13], $0x800;
	(pc) =	sbr.rel @p0 .LBB2_7-.Ltmp3, $3  }
0x5c: {  	[sflag:s13] =	ssyncset.done $0x0  }
0x5d: {  	[sflag:s13] =	ssyncadd.s32 $0xFFFFF800  }
0x5e: {  	[bflag:$0x0] =	sbarrier.arrive $0xFFFF;
	_ =	sdelay $0x1  }
0x5f: {  	s1 =	simm.s32 $0x0  }
0x60: {  	[tilespmem:s14], [sflag:$0x3] =	stream.linear.gather [hbm4b:s5+s1], $0x1900, $0x38;
	[tilespmem:$0x9900] =	vst v63  }
0x61: {  	_ =	swait.ge [sflag:s13], $0x1900  }
0x62: {  	[sflag:s13] =	ssyncset.done $0x0  }
0x63: {  	[sflag:s13] =	ssyncadd.s32 $0xFFFFE700  }
0x64: {  	[tilespmem:s15], [sflag:$0x2] =	stream.linear.gather [hbm4b:s6+s1], $0x2800, $0x38;
	[tilespmem:$0x9900] =	vst v63  }
0x65: {  	_ =	swait.ge [sflag:s16], $0x2800  }
0x66: {  	[sflag:s16] =	ssyncset.done $0x0  }
0x67: {  	s24 =	simm.s32 $0x2880;
	[sflag:s16] =	ssyncadd.s32 $0xFFFFD800  }
0x68: {  	[spmem:s2] =	stream.indirect.scatter.add.f32 [tilespmem:s15], [sflag:$0x1], $0x10, s14, s17, $0xb8;
	[tilespmem:$0x9900] =	vst v63  }
0x69: {  	s18 =	simm.s32 $0x4900;
	s19 =	simm.s32 $0x5100;
	s22 =	simm.s32 $0x1  }
0x6a: {  	[spmem:s2] =	stream.indirect.scatter.add.f32 [tilespmem:s18], [sflag:$0x1], $0x10, s24, s17, $0xb8;
	[tilespmem:$0x9900] =	vst v63  }
0x6b: {  	s20 =	simm.s32 $0x2980;
	s1 =	sand.u32 $0x1, s22;
	s18 =	simm.s32 $0x2900  }
0x6c: {  	[spmem:s2] =	stream.indirect.scatter.add.f32 [tilespmem:s19], [sflag:$0x1], $0x10, s18, s17, $0xb8;
	[tilespmem:$0x9900] =	vst v63  }
0x6d: {  	s21 =	simm.s32 $0x5900;
	p1 =	seq.s32 s1, $0x1;
	s1 =	simm.s32 $0x2800  }
0x6e: {  	[spmem:s2] =	stream.indirect.scatter.add.f32 [tilespmem:s21], [sflag:$0x1], $0x10, s20, s17, $0xb8;
	[tilespmem:$0x9900] =	vst v63  }
0x6f: {  	s1 =	simm.s32 @!p1 $0x0  }
0x70: {  	[spmem:s2] =	stream.indirect.scatter.add.f32 [tilespmem:s28], [sflag:$0x1], $0x10, s26, s17, $0xb8;
	[tilespmem:$0x9900] =	vst v63  }
0x71: {  	s31 =	sadd.s32 $0x500, s6;
	s24 =	sor.u32 $0x4100, s1  }
0x72: {  	[tilespmem:s24], [sflag:$0x2] =	stream.linear.gather [hbm4b:s31+s3], $0x2800, $0x38;
	[tilespmem:$0x9900] =	vst v63  }
0x73: {  	_ =	swait.ge [sflag:s16], $0x2800  }
0x74: {  	[sflag:s16] =	ssyncset.done $0x0  }
0x75: {  	s19 =	simm.s32 $0x2A80;
	[sflag:s16] =	ssyncadd.s32 $0xFFFFD800  }
0x76: {  	[spmem:s2] =	stream.indirect.scatter.add.f32 [tilespmem:s24], [sflag:$0x1], $0x10, s19, s17, $0xb8;
	[tilespmem:$0x9900] =	vst v63  }
0x77: {  	s20 =	sadd.s32 $0x4900, s1;
	s21 =	simm.s32 $0x2B00  }
0x78: {  	[spmem:s2] =	stream.indirect.scatter.add.f32 [tilespmem:s20], [sflag:$0x1], $0x10, s21, s17, $0xb8;
	[tilespmem:$0x9900] =	vst v63  }
0x79: {  	s22 =	sor.u32 $0x5100, s1;
	s24 =	simm.s32 $0x2B80  }
0x7a: {  	[spmem:s2] =	stream.indirect.scatter.add.f32 [tilespmem:s22], [sflag:$0x1], $0x10, s24, s17, $0xb8;
	[tilespmem:$0x9900] =	vst v63  }
0x7b: {  	s20 =	sadd.s32 $0x5900, s1;
	s21 =	simm.s32 $0x2C00  }
0x7c: {  	[spmem:s2] =	stream.indirect.scatter.add.f32 [tilespmem:s20], [sflag:$0x1], $0x10, s21, s17, $0xb8;
	[tilespmem:$0x9900] =	vst v63  }
0x7d: {  	s1 =	sadd.s32 $0x6100, s1;
	s22 =	simm.s32 $0x2C80  }
0x7e: {  	[spmem:s2] =	stream.indirect.scatter.add.f32 [tilespmem:s1], [sflag:$0x1], $0x10, s22, s17, $0xb8;
	[tilespmem:$0x9900] =	vst v63  }
0x7f: {  	_ =	swait.ge [sflag:s29], $0x800  }
0x80: {  	[sflag:s29] =	ssyncset.done $0x0  }
0x81: {  	[sflag:s29] =	ssyncadd.s32 $0xFFFFF800  }
0x82: {  	_ =	swait.ge [sflag:s29], $0x800  }
0x83: {  	[sflag:s29] =	ssyncset.done $0x0  }
0x84: {  	[sflag:s29] =	ssyncadd.s32 $0xFFFFF800  }
0x85: {  	_ =	swait.ge [sflag:s29], $0x800  }
0x86: {  	[sflag:s29] =	ssyncset.done $0x0  }
0x87: {  	[sflag:s29] =	ssyncadd.s32 $0xFFFFF800  }
0x88: {  	_ =	swait.ge [sflag:s29], $0x800  }
0x89: {  	s18 =	simm.s32 $0x2;
	[sflag:s29] =	ssyncset.done $0x0  }
0x8a: {  	s19 =	simm.s32 $0x1400;
	s24 =	sand.u32 $0x1, s18;
	[sflag:s29] =	ssyncadd.s32 $0xFFFFF800  }
0x8b: {  	p1 =	seq.s32 s24, $0x1;
	s20 =	simm.s32 $0x2800;
	_ =	swait.ge [sflag:s29], $0x800  }
0x8c: {  	s20 =	simm.s32 @!p1 $0x0;
	s1 =	simm.s32 $0xA00;
	[sflag:s29] =	ssyncset.done $0x0  }
.LBB2_5:
0x8d: {  	s21 =	sor.u32 $0x4100, s20  }
0x8e: {  	[sflag:s29] =	ssyncadd.s32 $0xFFFFF800;
	s31 =	sadd.s32 $0x500, s31;
	s22 =	smov.u32 s19  }
0x8f: {  	[tilespmem:s21], [sflag:$0x2] =	stream.linear.gather [hbm4b:s31+s3], $0x2800, $0x38;
	[tilespmem:$0x9900] =	vst v63  }
0x90: {  	p1 =	sne.s32 s19, $0x5000;
	s19 =	sadd.s32 $0xA00, s19;
	_ =	swait.ge [sflag:s16], $0x2800  }
0x91: {  	s24 =	sshra.s32 s1, $0x2;
	s1 =	smov.u32 s22;
	[sflag:s16] =	ssyncset.done $0x0  }
0x92: {  	s22 =	sadd.s32 $0x2A80, s24;
	[sflag:s16] =	ssyncadd.s32 $0xFFFFD800  }
0x93: {  	[spmem:s2] =	stream.indirect.scatter.add.f32 [tilespmem:s21], [sflag:$0x1], $0x10, s22, s17, $0xb8;
	[tilespmem:$0x9900] =	vst v63  }
0x94: {  	s21 =	sadd.s32 $0x4900, s20;
	s22 =	sadd.s32 $0x2B00, s24  }
0x95: {  	[spmem:s2] =	stream.indirect.scatter.add.f32 [tilespmem:s21], [sflag:$0x1], $0x10, s22, s17, $0xb8;
	[tilespmem:$0x9900] =	vst v63  }
0x96: {  	s21 =	sor.u32 $0x5100, s20;
	s22 =	sadd.s32 $0x2B80, s24  }
0x97: {  	[spmem:s2] =	stream.indirect.scatter.add.f32 [tilespmem:s21], [sflag:$0x1], $0x10, s22, s17, $0xb8;
	[tilespmem:$0x9900] =	vst v63  }
0x98: {  	s21 =	sadd.s32 $0x5900, s20;
	s22 =	sadd.s32 $0x2C00, s24  }
0x99: {  	[spmem:s2] =	stream.indirect.scatter.add.f32 [tilespmem:s21], [sflag:$0x1], $0x10, s22, s17, $0xb8;
	[tilespmem:$0x9900] =	vst v63  }
0x9a: {  	s20 =	sadd.s32 $0x6100, s20;
	s21 =	sadd.s32 $0x2C80, s24  }
0x9b: {  	[spmem:s2] =	stream.indirect.scatter.add.f32 [tilespmem:s20], [sflag:$0x1], $0x10, s21, s17, $0xb8;
	[tilespmem:$0x9900] =	vst v63  }
0x9c: {  	_ =	swait.ge [sflag:s29], $0x800  }
0x9d: {  	[sflag:s29] =	ssyncset.done $0x0  }
0x9e: {  	[sflag:s29] =	ssyncadd.s32 $0xFFFFF800  }
0x9f: {  	_ =	swait.ge [sflag:s29], $0x800  }
0xa0: {  	[sflag:s29] =	ssyncset.done $0x0  }
0xa1: {  	[sflag:s29] =	ssyncadd.s32 $0xFFFFF800  }
0xa2: {  	_ =	swait.ge [sflag:s29], $0x800  }
0xa3: {  	[sflag:s29] =	ssyncset.done $0x0  }
0xa4: {  	[sflag:s29] =	ssyncadd.s32 $0xFFFFF800  }
.Ltmp4:
0xa5: {  	_ =	swait.ge [sflag:s29], $0x800;
	(pc) =	sbr.rel @p1 .LBB2_5-.Ltmp4, $4  }
0xa6: {  	s18 =	sadd.s32 $0x1, s18;
	[sflag:s29] =	ssyncset.done $0x0  }
0xa7: {  	s20 =	sand.u32 $0x1, s18;
	[sflag:s29] =	ssyncadd.s32 $0xFFFFF800  }
0xa8: {  	p2 =	seq.s32 s20, $0x1;
	s20 =	simm.s32 $0x2800;
	_ =	swait.ge [sflag:s29], $0x800  }
0xa9: {  	s20 =	simm.s32 @!p2 $0x0;
	[sflag:s29] =	ssyncset.done $0x0  }
.Ltmp5:
0xaa: {  	_ = 	snop;
	(pc) =	sbr.rel .LBB2_6-.Ltmp5, $1  }
0xab: {  	_ =	sdelay $0x3  }
.LBB2_8:
0xac: {  	_ =	sfence.sel $0x180000  }
0xad: {  	[bflag:$0x0] =	sbarrier.arrive $0xFFFF  }
0xae: {  	_ =	strace $0x9000004A  }
0xaf: {  	[bflag:$0x2] =	sbarrier.arrive $0xFFFF  }
0xb0: {  	p0 =	sne.s32 s0, $0x0;
	s0 =	rddreg [dreg:$0x2]  }
0xb1: {  	s0 =	sadd.s32 @!p0 $0x100000, s0  }
0xb2: {  	[sflag:s0] =	ssyncadd.tile.s32 @!p0 $0x1;
	_ =	shalt  }
.Lfunc_end2:
_tile_overlayer_lowered:
.L_overlay_start_2:
0xb3: {  	(tag) =	ssettag $0x2  }
0xb4: {  	s0 =	rddreg [dreg:$0x0];
	s2 =	stileid.u32  }
0xb5: {  	s1 =	rddreg [dreg:$0x1];
	p0 =	sne.s32 s2, $0x0  }
0xb6: {  	s3 =	rddreg [dreg:$0x2];
	[bflag:$0x3] =	sbarrier.arrive $0xFFFF;
	s2 =	simm.s32 @!p0 $0x1C03  }
0xb7: {  	[timem:s3], [sflag:s2] =	dma.local @!p0 [hbm:s0], s1  }
0xb8: {  	s0 =	simm.s32 @!p0 $0x3  }
0xb9: {  	_ =	swait.ge @!p0 [sflag:s0], s1  }
0xba: {  	s1 =	ssub.s32 @!p0 $0x0, s1;
	[sflag:s0] =	ssyncset.done @!p0 $0x0  }
0xbb: {  	[sflag:s0] =	ssyncadd.s32 @!p0 s1  }
0xbc: {  	[bflag:$0x3] =	sbarrier.arrive $0xFFFF  }
0xbd: {  	_ =	shalt  }

// kernel: kernel.22.cloned.1.call-start
scs
__scs_entry_jumppad:
0x0: {  	(pc) =	sbr.rel $0x88, $3  }
0x1: {  	(tag) =	ssettag $0x0;
	lr =	simm.s32 $0x1  }
0x2: {  	[smem:$0x3F8F] =	sst lr;
	_ =	strace $0xD0000000  }
0x3: {  	_ = 	snop  }
0x4: {  	_ = 	snop  }
0x5: {  	_ = 	snop  }
0x6: {  	_ = 	snop  }
0x7: {  	_ = 	snop  }
__scs_overlays_trampoline_lowered:
0x8: {  	[smem:$0x3F9E] =	sst s0  }
0x9: {  	[smem:$0x3F9F] =	sst s1  }
0xa: {  	[smem:$0x3FA0] =	sst s2  }
0xb: {  	[smem:$0x3FA1] =	sst s3  }
0xc: {  	[smem:$0x3FA2] =	sst s4  }
0xd: {  	[smem:$0x3FA3] =	sst s5  }
0xe: {  	[smem:$0x3FA4] =	sst s6  }
0xf: {  	[smem:$0x3FA5] =	sst s7  }
0x10: {  	[smem:$0x3FA6] =	sst s8  }
0x11: {  	[smem:$0x3FA7] =	sst s9;
	s0 =	simm.s32 @!p0 $0x0  }
0x12: {  	s1 =	sld [smem:$0x3F8D];
	s0 =	simm.s32 @p0 $0x1  }
0x13: {  	[smem:$0x3FA8] =	sst s0;
	s0 =	simm.s32 @!p1 $0x0  }
0x14: {  	s2 =	sld [smem:$0x3F8C];
	s0 =	simm.s32 @p1 $0x1  }
0x15: {  	[smem:$0x3FA9] =	sst s0;
	s0 =	simm.s32 @!p2 $0x0  }
0x16: {  	s3 =	sld [smem:$0x3FDB];
	s0 =	simm.s32 @p2 $0x1  }
0x17: {  	s4 =	simm.s32 $0x1BF5;
	[smem:$0x3FAB] =	sst s0  }
0x18: {  	s0 =	sld [smem:$0x3F8E];
	_ =	swait.ge [sflag:s4], $0x0  }
0x19: {  	s7 =	sld [smem:$0x3F8F]  }
0x1a: {  	s8 =	sadd.s32 $0xFFFFE003, lr  }
0x1b: {  	s9 =	sadd.s32 $0xFFFFFEF7, lr;
	s5 =	simm.s32 $0xFFFFFFFF;
	p2 =	slt.u32 s8, $0xFFFFF086  }
0x1c: {  	p1 =	slt.u32 s9, $0xF7A;
	s5 =	simm.s32 @!p2 $0x0  }
0x1d: {  	s5 =	simm.s32 @p1 $0x1;
	p0 =	seq.s32 s7, s2  }
0x1e: {  	s7 =	smul.u32 @!p0 $0xF7A, s2;
	p2 =	seq.s32 @!p0 s5, $0x0  }
0x1f: {  	s9 =	smul.u32 $0xF7A, s1;
	s8 =	simm.s32 @!p0 $0x1BF5;
	p2 =	por !p2, p0  }
0x20: {  	[sflag:s8] =	ssyncset.s32 @!p0 $0xFFFFF086;
	s6 =	sadd.s32 @!p0 s3, s7;
	s7 =	simm.s32 @!p0 $0x108  }
0x21: {  	s3 =	sadd.s32 s3, s9;
	s6 =	sadd.s32 @!p0 $0x88, s6;
	s7 =	simm.s32 @p2 $0x1082  }
0x22: {  	[simem:s7], [sflag:s8] =	dma.local @!p0 [hbm:s6], $0xF7A  }
0x23: {  	s9 =	sor.u32 $0xD0000000, s2;
	s6 =	simm.s32 $0x108;
	_ =	swait.ge @!p0 [sflag:s8], $0x0  }
0x24: {  	s3 =	sadd.s32 $0x88, s3;
	s6 =	simm.s32 @!p1 $0x1082;
	[sflag:s4] =	ssyncset.s32 $0xFFFFF086  }
0x25: {  	[simem:s6], [sflag:s4] =	dma.local [hbm:s3], $0xF7A  }
0x26: {  	[smem:$0x3F8F] =	sst s1;
	(tag) =	ssettag s2;
	_ =	strace s9  }
0x27: {  	s1 =	sld [smem:$0x3F9F]  }
0x28: {  	s2 =	sld [smem:$0x3FA0]  }
0x29: {  	s4 =	sld [smem:$0x3FA2]  }
0x2a: {  	p0 =	seq.s32 s5, $0x0;
	s5 =	sld [smem:$0x3FA3]  }
0x2b: {  	s6 =	sld [smem:$0x3FA4]  }
0x2c: {  	s7 =	sld [smem:$0x3FA5]  }
0x2d: {  	s3 =	simm.s32 $0x108;
	s8 =	sld [smem:$0x3FA6]  }
0x2e: {  	s3 =	simm.s32 @!p0 $0x1082;
	s9 =	sld [smem:$0x3FA7]  }
0x2f: {  	lr =	sadd.s32 s0, s3;
	s0 =	sld [smem:$0x3F9E]  }
0x30: {  	s3 =	sld [smem:$0x3FA1]  }
0x31: {  	[smem:$0x3FAA] =	sst s10  }
0x32: {  	s10 =	sld [smem:$0x3FA8];
	_ =	sdelay $0x3  }
0x33: {  	p0 =	seq.s32 s10, $0x1;
	s10 =	sld [smem:$0x3FAA];
	_ =	sdelay $0x3  }
0x34: {  	[smem:$0x3FAA] =	sst s10  }
0x35: {  	s10 =	sld [smem:$0x3FA9];
	_ =	sdelay $0x3  }
0x36: {  	p1 =	seq.s32 s10, $0x1;
	s10 =	sld [smem:$0x3FAA];
	_ =	sdelay $0x3  }
0x37: {  	[smem:$0x3FAA] =	sst s10  }
0x38: {  	s10 =	sld [smem:$0x3FAB]  }
0x39: {  	_ = 	snop;
	(pc) =	sbr.ind lr, $3  }
0x3a: {  	_ = 	snop  }
0x3b: {  	_ = 	snop  }
0x3c: {  	p2 =	seq.s32 s10, $0x1;
	s10 =	sld [smem:$0x3FAA]  }
0x3d: {  	_ =	shalt  }
0x3e: {  	_ =	shalt  }
0x3f: {  	_ =	shalt  }
0x40: {  	_ =	shalt  }
0x41: {  	_ =	shalt  }
0x42: {  	_ =	shalt  }
0x43: {  	_ =	shalt  }
0x44: {  	_ =	shalt  }
0x45: {  	_ =	shalt  }
0x46: {  	_ =	shalt  }
0x47: {  	_ =	shalt  }
0x48: {  	_ =	shalt  }
0x49: {  	_ =	shalt  }
0x4a: {  	_ =	shalt  }
0x4b: {  	_ =	shalt  }
0x4c: {  	_ =	shalt  }
0x4d: {  	_ =	shalt  }
0x4e: {  	_ =	shalt  }
0x4f: {  	_ =	shalt  }
0x50: {  	_ =	shalt  }
0x51: {  	_ =	shalt  }
0x52: {  	_ =	shalt  }
0x53: {  	_ =	shalt  }
0x54: {  	_ =	shalt  }
0x55: {  	_ =	shalt  }
0x56: {  	_ =	shalt  }
0x57: {  	_ =	shalt  }
0x58: {  	_ =	shalt  }
0x59: {  	_ =	shalt  }
0x5a: {  	_ =	shalt  }
0x5b: {  	_ =	shalt  }
0x5c: {  	_ =	shalt  }
0x5d: {  	_ =	shalt  }
0x5e: {  	_ =	shalt  }
0x5f: {  	_ =	shalt  }
0x60: {  	_ =	shalt  }
0x61: {  	_ =	shalt  }
0x62: {  	_ =	shalt  }
0x63: {  	_ =	shalt  }
0x64: {  	_ =	shalt  }
0x65: {  	_ =	shalt  }
0x66: {  	_ =	shalt  }
0x67: {  	_ =	shalt  }
0x68: {  	_ =	shalt  }
0x69: {  	_ =	shalt  }
0x6a: {  	_ =	shalt  }
0x6b: {  	_ =	shalt  }
0x6c: {  	_ =	shalt  }
0x6d: {  	_ =	shalt  }
0x6e: {  	_ =	shalt  }
0x6f: {  	_ =	shalt  }
0x70: {  	_ =	shalt  }
0x71: {  	_ =	shalt  }
0x72: {  	_ =	shalt  }
0x73: {  	_ =	shalt  }
0x74: {  	_ =	shalt  }
0x75: {  	_ =	shalt  }
0x76: {  	_ =	shalt  }
0x77: {  	_ =	shalt  }
0x78: {  	_ =	shalt  }
0x79: {  	_ =	shalt  }
0x7a: {  	_ =	shalt  }
0x7b: {  	_ =	shalt  }
0x7c: {  	_ =	shalt  }
0x7d: {  	_ =	shalt  }
0x7e: {  	_ =	shalt  }
0x7f: {  	_ =	shalt  }
0x80: {  	_ =	shalt  }
0x81: {  	_ =	shalt  }
0x82: {  	_ =	shalt  }
0x83: {  	_ =	shalt  }
0x84: {  	_ =	shalt  }
0x85: {  	_ =	shalt  }
0x86: {  	_ =	shalt  }
0x87: {  	_ =	shalt  }
.Lfunc_end0:
.L_simem_size_0:
called_computation.2_lowered:
.L_overlay_start_0:
0x88: {  	s2 =	sld [smem:$0x3FD9]  }
0x89: {  	s3 =	sld [smem:$0x3FFE];
	_ =	sdelay $0x1  }
0x8a: {  	s1 =	srdreg.scid  }
0x8b: {  	s0 =	sand.u32 $0x1, s1  }
0x8c: {  	s16 =	sshll.u32 s0, $0xA;
	s2 =	sadd.s32 s3, s2  }
0x8d: {  	s2 =	sadd.s32 s2, s16  }
0x8e: {  	[smem:$0x3FB6] =	sst s2  }
0x8f: {  	_ = 	snop  }
0x90: {  	(tm) =	ssettm $0x1  }
0x91: {  	s17 =	sld [smem:$0x3FFB];
	_ =	sdelay $0x3  }
0x92: {  	_ =	strace s17  }
0x93: {  	s2 =	sld [smem:$0x3FFC];
	_ =	sdelay $0x3  }
0x94: {  	_ =	strace s2  }
0x95: {  	s2 =	sld [smem:$0x3FFD];
	_ =	sdelay $0x3  }
0x96: {  	_ =	strace s2  }
0x97: {  	_ =	strace $0x8FFFFFFF  }
0x98: {  	s18 =	sld [smem:$0x3FDB];
	_ =	sdelay $0x1  }
0x99: {  	s19 =	simm.s32 $_scs_section_size  }
0x9a: {  	s4 =	simm.s32 $_size__tile_overlayer_lowered;
	s5 =	simm.s32 $_tile_overlayer_lowered  }
0x9b: {  	s22 =	simm.s32 $0x1BFF;
	s21 =	sshll.u32 s5, $0x1;
	s2 =	sadd.s32 s19, s18  }
0x9c: {  	s6 =	simm.s32 $0x0;
	s20 =	sshll.u32 s4, $0x1;
	s4 =	sadd.s32 s21, s2  }
0x9d: {  	[timem:s6], [sflag:s22] =	dma.local [hbm:s4], s20  }
0x9e: {  	_ =	swait.ge [sflag:s22], s20  }
0x9f: {  	s3 =	ssub.s32 $0x0, s20;
	[sflag:s22] =	ssyncset.done $0x0  }
0xa0: {  	[sflag:s22] =	ssyncadd.s32 s3;
	_ =	sdelay $0x1  }
0xa1: {  	s23 =	simm.s32 $0x1B8B  }
0xa2: {  	_ =	swait.ge [sflag:s23], $0x1  }
0xa3: {  	[sflag:s23] =	ssyncset.done $0x0  }
0xa4: {  	s25 =	simm.s32 $0x1B8E;
	s24 =	sld [smem:$0x3FFE];
	[sflag:s23] =	ssyncadd.s32 $0xFFFFFFFF  }
0xa5: {  	s26 =	simm.s32 $execute0_lowered;
	[smem:$0x3FD2] =	sst s25  }
0xa6: {  	s4 =	sshll.u32 s26, $0x1;
	_ =	strace $0x8000004C;
	[dreg:$0x1] =	wrdreg $0xFFFFFFFF  }
0xa7: {  	s28 =	simm.s32 $_size_execute0_lowered;
	s2 =	sadd.s32 s2, s4;
	[dreg:$0x0] =	wrdreg $0x0  }
0xa8: {  	s4 =	sshll.u32 s28, $0x1;
	[dreg:$0x2] =	wrdreg s2  }
0xa9: {  	[dreg:$0x3] =	wrdreg s4  }
0xaa: {  	[dreg:$0x4] =	wrdreg $0xC0  }
0xab: {  	_ =	task [dreg:s6], $0x5FFFF  }
0xac: {  	[dreg:$0x1] =	wrdreg $0xFFFFFFFF  }
0xad: {  	[dreg:$0x0] =	wrdreg $0x60  }
0xae: {  	[dreg:$0x2] =	wrdreg s24  }
0xaf: {  	[dreg:$0x3] =	wrdreg $0x0  }
0xb0: {  	[dreg:$0x4] =	wrdreg $0x9  }
0xb1: {  	_ =	task.clear_ibuf [dreg:s6], $0x5FFFF;
	_ =	strace $0x9000004C  }
0xb2: {  	s29 =	simm.s32 $0x9;
	_ =	strace $0x8000004E  }
0xb3: {  	_ =	swait.ge [sflag:s29], $0x1  }
0xb4: {  	[sflag:s29] =	ssyncadd.s32 $0xFFFFFFFF  }
0xb5: {  	_ =	strace $0x9000004E  }
0xb6: {  	_ =	sfence  }
0xb7: {  	s30 =	sld [smem:$0x0];
	_ =	sdelay $0x2  }
0xb8: {  	s31 =	sshll.u32 s1, $0xD;
	s1 =	sshrl.u32 s1, $0x2  }
0xb9: {  	s3 =	sand.u32 $0x4000, s31;
	s1 =	sadd.s32 s1, s30  }
0xba: {  	s0 =	sor.u32 s3, s0;
	s1 =	sshll.u32 s1, $0x11  }
0xbb: {  	s0 =	sor.u32 s1, s0  }
0xbc: {  	s0 =	sadd.s32 $0x8F2B, s0  }
0xbd: {  	[sflag:s0] =	ssyncadd.remote.s32 $0x1  }
0xbe: {  	_ =	sfence.sel $0xFFFF  }
0xbf: {  	[dreg:$0x0] =	wrdreg $0xFFFFFFFF;
	(pc) =	sbr.abs _section_cstart, $3  }
0xc0: {  	[dreg:$0x1] =	wrdreg $0xFFFFFFFF  }
0xc1: {  	_ =	task.clear_ibuf [dreg:s6], $0x2FFFF;
	_ =	strace $0x9FFFFFFF  }
0xc2: {  	(tm) =	ssettm $0x7FFFFFFF  }
0xc3: {  	_ =	shalt  }
tec
execute0_lowered:
.L_overlay_start_1:
0x0: {  	(tag) =	ssettag $0x1  }
0x1: {  	s0 =	rddreg [dreg:$0x0];
	s1 =	srdreg.scid  }
0x2: {  	s2 =	rddreg [dreg:$0x1];
	s28 =	stileid.u32;
	s3 =	simm.s32 $0x0  }
0x3: {  	s12 =	simm.s32 $0x80;
	s14 =	simm.s32 $0x2880;
	s15 =	simm.s32 $0x4900  }
0x4: {  	s16 =	simm.s32 $0x2900;
	s17 =	simm.s32 $0x5100;
	s18 =	simm.s32 $0x2980  }
0x5: {  	s19 =	simm.s32 $0x5900;
	s20 =	simm.s32 $0x2A00;
	s21 =	simm.s32 $0x6100  }
0x6: {  	s22 =	simm.s32 $0x1;
	s23 =	simm.s32 $0x2;
	s4 =	sand.u32 $0x1, s1  }
0x7: {  	s24 =	simm.s32 $0x0;
	s6 =	smul.u32 $0x2800, s28;
	s5 =	sshll.u32 s4, $0x4  }
0x8: {  	[smem:$0x7FF] =	sst s3;
	s31 =	sshll.u32 s28, $0x6;
	s9 =	sor.u32 s28, s5  }
0x9: {  	s4 =	ssub.s32 $0x2, s4;
	_ =	strace $0x8000004D;
	s5 =	smul.u32 $0x320, s9  }
0xa: {  	s7 =	sshrl.u32 s6, $0x3;
	s10 =	sshrl.u32 s4, $0x1;
	s8 =	smul.u32 $0x3200, s9  }
.Ltmp0:
0xb: {  	s30 =	sadd.s32 s6, s2;
	s7 =	sadd.s32 s7, s0;
	(pc) =	sbr.rel .LBB2_1-.Ltmp0, $4  }
0xc: {  	s29 =	ssub.s32 s4, s10;
	p0 =	sgt.u32 s9, $0x18;
	s9 =	sshrl.u32 s30, $0x3  }
0xd: {  	s10 =	simm.s32 $0x3;
	s4 =	sadd.s32 $0x10400, s7;
	s11 =	sadd.s32 s5, s0  }
0xe: {  	s0 =	sadd.s32 s8, s0;
	s5 =	sor.u32 $0x1C03, s31;
	s8 =	smax.u32 s29, $0x1  }
0xf: {  	s6 =	sadd.s32 $0x6400, s11;
	s7 =	sadd.s32 $0x15400, s0;
	s11 =	simm.s32 $0x2800  }
.LBB2_4:
0x10: {  	s0 =	sor.u32 $0x4100, s30;
	s1 =	sadd.s32 $0x2A80, s31;
	[sflag:s23] =	ssyncadd.s32 $0xFFFFD800  }
0x11: {  	[tilespmem:s0], [sflag:$0x1] =	stream.indirect.gather [spmem:s2], $0x10, s1, s12, $0xb8;
	[tilespmem:$0x9100] =	vst v63  }
0x12: {  	s26 =	sadd.s32 $0x4900, s30;
	s13 =	sadd.s32 $0x2B00, s31  }
0x13: {  	[tilespmem:s26], [sflag:$0x1] =	stream.indirect.gather [spmem:s2], $0x10, s13, s12, $0xb8;
	[tilespmem:$0x9100] =	vst v63  }
0x14: {  	s28 =	sor.u32 $0x5100, s30;
	s29 =	sadd.s32 $0x2B80, s31  }
0x15: {  	[tilespmem:s28], [sflag:$0x1] =	stream.indirect.gather [spmem:s2], $0x10, s29, s12, $0xb8;
	[tilespmem:$0x9100] =	vst v63  }
0x16: {  	s13 =	sadd.s32 $0x5900, s30;
	s26 =	sadd.s32 $0x2C00, s31  }
0x17: {  	[tilespmem:s13], [sflag:$0x1] =	stream.indirect.gather [spmem:s2], $0x10, s26, s12, $0xb8;
	[tilespmem:$0x9100] =	vst v63  }
0x18: {  	s28 =	sadd.s32 $0x6100, s30;
	s29 =	sadd.s32 $0x2C80, s31  }
0x19: {  	[tilespmem:s28], [sflag:$0x1] =	stream.indirect.gather [spmem:s2], $0x10, s29, s12, $0xb8;
	[tilespmem:$0x9100] =	vst v63  }
0x1a: {  	_ =	swait.ge [sflag:s22], $0x800  }
0x1b: {  	[sflag:s22] =	ssyncset.done $0x0  }
0x1c: {  	[sflag:s22] =	ssyncadd.s32 $0xFFFFF800  }
0x1d: {  	_ =	swait.ge [sflag:s22], $0x800  }
0x1e: {  	[sflag:s22] =	ssyncset.done $0x0  }
0x1f: {  	[sflag:s22] =	ssyncadd.s32 $0xFFFFF800  }
0x20: {  	_ =	swait.ge [sflag:s22], $0x800  }
0x21: {  	[sflag:s22] =	ssyncset.done $0x0  }
0x22: {  	[sflag:s22] =	ssyncadd.s32 $0xFFFFF800  }
0x23: {  	_ =	swait.ge [sflag:s22], $0x800  }
0x24: {  	[sflag:s22] =	ssyncset.done $0x0  }
0x25: {  	[sflag:s22] =	ssyncadd.s32 $0xFFFFF800  }
0x26: {  	_ =	swait.ge [sflag:s22], $0x800  }
0x27: {  	s1 =	simm.s32 $0x4100;
	[sflag:s22] =	ssyncset.done $0x0  }
0x28: {  	s1 =	simm.s32 @!p1 $0x6900;
	s30 =	sadd.s32 s25, s7;
	[sflag:s22] =	ssyncadd.s32 $0xFFFFF800  }
0x29: {  	[hbm4b:s30+s3] =	stream.linear.scatter [tilespmem:s1], [sflag:$0x2], $0x2800, $0x38;
	[tilespmem:$0x9100] =	vst v63  }
0x2a: {  	_ =	swait.ge [sflag:s23], $0x2800  }
0x2b: {  	[sflag:s23] =	ssyncset.done $0x0  }
0x2c: {  	[sflag:s23] =	ssyncadd.s32 $0xFFFFD800  }
0x2d: {  	_ =	swait.ge [sflag:s22], $0x800  }
0x2e: {  	[sflag:s22] =	ssyncset.done $0x0  }
0x2f: {  	[sflag:s22] =	ssyncadd.s32 $0xFFFFF800  }
0x30: {  	_ =	swait.ge [sflag:s22], $0x800  }
0x31: {  	[sflag:s22] =	ssyncset.done $0x0  }
0x32: {  	[sflag:s22] =	ssyncadd.s32 $0xFFFFF800  }
0x33: {  	_ =	swait.ge [sflag:s22], $0x800  }
0x34: {  	[sflag:s22] =	ssyncset.done $0x0  }
0x35: {  	[sflag:s22] =	ssyncadd.s32 $0xFFFFF800  }
0x36: {  	_ =	swait.ge [sflag:s22], $0x800  }
0x37: {  	[sflag:s22] =	ssyncset.done $0x0  }
0x38: {  	[sflag:s22] =	ssyncadd.s32 $0xFFFFF800  }
0x39: {  	_ =	swait.ge [sflag:s22], $0x800  }
0x3a: {  	s31 =	sadd.s32 $0x500, s25;
	[sflag:s22] =	ssyncset.done $0x0  }
0x3b: {  	s1 =	sadd.s32 s31, s7;
	[sflag:s22] =	ssyncadd.s32 $0xFFFFF800  }
0x3c: {  	[hbm4b:s1+s3] =	stream.linear.scatter [tilespmem:s0], [sflag:$0x2], $0x2800, $0x38;
	[tilespmem:$0x9100] =	vst v63  }
0x3d: {  	_ =	swait.ge [sflag:s23], $0x2800  }
0x3e: {  	[sflag:s23] =	ssyncset.done $0x0  }
0x3f: {  	[sflag:s23] =	ssyncadd.s32 $0xFFFFD800  }
.LBB2_5:
0x40: {  	s24 =	sadd.s32 $0x1, s24  }
0x41: {  	p1 =	sne.s32 s24, s8  }
.Ltmp1:
0x42: {  	_ = 	snop;
	(pc) =	sbr.rel @!p1 .LBB2_6-.Ltmp1, $1  }
0x43: {  	_ =	sdelay $0x3  }
.LBB2_1:
0x44: {  	[spmem:s9], [sflag:s5] =	dma.local [hbm:s4], $0x500  }
.Ltmp2:
0x45: {  	_ =	swait.ge [sflag:s10], $0x500;
	(pc) =	sbr.rel @p0 .LBB2_5-.Ltmp2, $3  }
0x46: {  	[sflag:s10] =	ssyncset.done $0x0  }
0x47: {  	[sflag:s10] =	ssyncadd.s32 $0xFFFFFB00  }
0x48: {  	[bflag:$0x0] =	sbarrier.arrive $0xFFFF;
	_ =	sdelay $0x1  }
0x49: {  	s0 =	simm.s32 $0x0  }
0x4a: {  	[tilespmem:s11], [sflag:$0x3] =	stream.linear.gather [hbm4b:s6+s0], $0x1900, $0x38;
	[tilespmem:$0x9100] =	vst v63  }
0x4b: {  	_ =	swait.ge [sflag:s10], $0x1900  }
0x4c: {  	[sflag:s10] =	ssyncset.done $0x0  }
0x4d: {  	s13 =	simm.s32 $0x4100;
	[sflag:s10] =	ssyncadd.s32 $0xFFFFE700  }
0x4e: {  	[tilespmem:s13], [sflag:$0x1] =	stream.indirect.gather [spmem:s2], $0x10, s11, s12, $0xb8;
	[tilespmem:$0x9100] =	vst v63  }
0x4f: {  	s25 =	simm.s32 $0x1  }
0x50: {  	[tilespmem:s15], [sflag:$0x1] =	stream.indirect.gather [spmem:s2], $0x10, s14, s12, $0xb8;
	[tilespmem:$0x9100] =	vst v63  }
0x51: {  	s0 =	sand.u32 $0x1, s25  }
0x52: {  	[tilespmem:s17], [sflag:$0x1] =	stream.indirect.gather [spmem:s2], $0x10, s16, s12, $0xb8;
	[tilespmem:$0x9100] =	vst v63  }
0x53: {  	p1 =	seq.s32 s0, $0x1;
	s0 =	simm.s32 $0x2800  }
0x54: {  	[tilespmem:s19], [sflag:$0x1] =	stream.indirect.gather [spmem:s2], $0x10, s18, s12, $0xb8;
	[tilespmem:$0x9100] =	vst v63  }
0x55: {  	s0 =	simm.s32 @!p1 $0x0  }
0x56: {  	[tilespmem:s21], [sflag:$0x1] =	stream.indirect.gather [spmem:s2], $0x10, s20, s12, $0xb8;
	[tilespmem:$0x9100] =	vst v63  }
0x57: {  	s26 =	simm.s32 $0x2A80;
	s25 =	sor.u32 $0x4100, s0  }
0x58: {  	[tilespmem:s25], [sflag:$0x1] =	stream.indirect.gather [spmem:s2], $0x10, s26, s12, $0xb8;
	[tilespmem:$0x9100] =	vst v63  }
0x59: {  	s28 =	simm.s32 $0x2B00;
	s26 =	sadd.s32 $0x4900, s0  }
0x5a: {  	[tilespmem:s26], [sflag:$0x1] =	stream.indirect.gather [spmem:s2], $0x10, s28, s12, $0xb8;
	[tilespmem:$0x9100] =	vst v63  }
0x5b: {  	s1 =	sor.u32 $0x5100, s0;
	s13 =	simm.s32 $0x2B80  }
0x5c: {  	[tilespmem:s1], [sflag:$0x1] =	stream.indirect.gather [spmem:s2], $0x10, s13, s12, $0xb8;
	[tilespmem:$0x9100] =	vst v63  }
0x5d: {  	s26 =	sadd.s32 $0x5900, s0;
	s28 =	simm.s32 $0x2C00  }
0x5e: {  	[tilespmem:s26], [sflag:$0x1] =	stream.indirect.gather [spmem:s2], $0x10, s28, s12, $0xb8;
	[tilespmem:$0x9100] =	vst v63  }
0x5f: {  	s0 =	sadd.s32 $0x6100, s0;
	s1 =	simm.s32 $0x2C80  }
0x60: {  	[tilespmem:s0], [sflag:$0x1] =	stream.indirect.gather [spmem:s2], $0x10, s1, s12, $0xb8;
	[tilespmem:$0x9100] =	vst v63  }
0x61: {  	_ =	swait.ge [sflag:s22], $0x800  }
0x62: {  	[sflag:s22] =	ssyncset.done $0x0  }
0x63: {  	[sflag:s22] =	ssyncadd.s32 $0xFFFFF800  }
0x64: {  	_ =	swait.ge [sflag:s22], $0x800  }
0x65: {  	[sflag:s22] =	ssyncset.done $0x0  }
0x66: {  	[sflag:s22] =	ssyncadd.s32 $0xFFFFF800  }
0x67: {  	_ =	swait.ge [sflag:s22], $0x800  }
0x68: {  	[sflag:s22] =	ssyncset.done $0x0  }
0x69: {  	[sflag:s22] =	ssyncadd.s32 $0xFFFFF800  }
0x6a: {  	_ =	swait.ge [sflag:s22], $0x800  }
0x6b: {  	[sflag:s22] =	ssyncset.done $0x0  }
0x6c: {  	s29 =	simm.s32 $0x1400;
	[sflag:s22] =	ssyncadd.s32 $0xFFFFF800  }
0x6d: {  	s30 =	simm.s32 $0x2800;
	s25 =	simm.s32 $0x4100;
	_ =	swait.ge [sflag:s22], $0x800  }
0x6e: {  	s25 =	simm.s32 @!p1 $0x6900;
	s26 =	simm.s32 $0x2;
	[sflag:s22] =	ssyncset.done $0x0  }
0x6f: {  	s13 =	sadd.s32 $0x0, s7;
	s28 =	sand.u32 $0x1, s26;
	[sflag:s22] =	ssyncadd.s32 $0xFFFFF800  }
0x70: {  	[hbm4b:s13+s3] =	stream.linear.scatter [tilespmem:s25], [sflag:$0x2], $0x2800, $0x38;
	[tilespmem:$0x9100] =	vst v63  }
0x71: {  	s31 =	simm.s32 $0x280;
	p1 =	seq.s32 s28, $0x1;
	_ =	swait.ge [sflag:s23], $0x2800  }
0x72: {  	s30 =	simm.s32 @!p1 $0x0;
	s25 =	simm.s32 $0x500;
	[sflag:s23] =	ssyncset.done $0x0  }
.LBB2_3:
0x73: {  	s0 =	sor.u32 $0x4100, s30  }
0x74: {  	s1 =	sadd.s32 $0x2A80, s31;
	[sflag:s23] =	ssyncadd.s32 $0xFFFFD800;
	s28 =	smov.u32 s29  }
0x75: {  	[tilespmem:s0], [sflag:$0x1] =	stream.indirect.gather [spmem:s2], $0x10, s1, s12, $0xb8;
	[tilespmem:$0x9100] =	vst v63  }
0x76: {  	s13 =	sadd.s32 $0x2B00, s31;
	s0 =	sadd.s32 $0xA00, s29;
	s1 =	sadd.s32 $0x4900, s30  }
0x77: {  	[tilespmem:s1], [sflag:$0x1] =	stream.indirect.gather [spmem:s2], $0x10, s13, s12, $0xb8;
	[tilespmem:$0x9100] =	vst v63  }
0x78: {  	p2 =	sne.s32 s29, $0x5000;
	s1 =	sor.u32 $0x5100, s30;
	s13 =	sadd.s32 $0x2B80, s31  }
0x79: {  	[tilespmem:s1], [sflag:$0x1] =	stream.indirect.gather [spmem:s2], $0x10, s13, s12, $0xb8;
	[tilespmem:$0x9100] =	vst v63  }
0x7a: {  	s1 =	sadd.s32 $0x5900, s30;
	s13 =	sadd.s32 $0x2C00, s31  }
0x7b: {  	[tilespmem:s1], [sflag:$0x1] =	stream.indirect.gather [spmem:s2], $0x10, s13, s12, $0xb8;
	[tilespmem:$0x9100] =	vst v63  }
0x7c: {  	s1 =	sadd.s32 $0x6100, s30;
	s13 =	sadd.s32 $0x2C80, s31  }
0x7d: {  	[tilespmem:s1], [sflag:$0x1] =	stream.indirect.gather [spmem:s2], $0x10, s13, s12, $0xb8;
	[tilespmem:$0x9100] =	vst v63  }
0x7e: {  	_ =	swait.ge [sflag:s22], $0x800  }
0x7f: {  	[sflag:s22] =	ssyncset.done $0x0  }
0x80: {  	[sflag:s22] =	ssyncadd.s32 $0xFFFFF800  }
0x81: {  	_ =	swait.ge [sflag:s22], $0x800  }
0x82: {  	[sflag:s22] =	ssyncset.done $0x0  }
0x83: {  	[sflag:s22] =	ssyncadd.s32 $0xFFFFF800  }
0x84: {  	_ =	swait.ge [sflag:s22], $0x800  }
0x85: {  	[sflag:s22] =	ssyncset.done $0x0  }
0x86: {  	[sflag:s22] =	ssyncadd.s32 $0xFFFFF800  }
0x87: {  	_ =	swait.ge [sflag:s22], $0x800  }
0x88: {  	[sflag:s22] =	ssyncset.done $0x0  }
0x89: {  	s26 =	sadd.s32 $0x1, s26;
	s29 =	simm.s32 $0x4100;
	[sflag:s22] =	ssyncadd.s32 $0xFFFFF800  }
0x8a: {  	s29 =	simm.s32 @!p1 $0x6900;
	s1 =	sadd.s32 s25, s7;
	_ =	swait.ge [sflag:s22], $0x800  }
.Ltmp3:
0x8b: {  	s30 =	simm.s32 $0x2800;
	[sflag:s22] =	ssyncset.done $0x0;
	(pc) =	sbr.rel @p2 .LBB2_3-.Ltmp3, $4  }
0x8c: {  	s31 =	sshra.s32 s28, $0x2;
	s13 =	sand.u32 $0x1, s26;
	[sflag:s22] =	ssyncadd.s32 $0xFFFFF800  }
0x8d: {  	[hbm4b:s1+s3] =	stream.linear.scatter [tilespmem:s29], [sflag:$0x2], $0x2800, $0x38;
	[tilespmem:$0x9100] =	vst v63  }
0x8e: {  	s25 =	sadd.s32 $0x500, s25;
	p1 =	seq.s32 s13, $0x1;
	_ =	swait.ge [sflag:s23], $0x2800  }
0x8f: {  	s30 =	simm.s32 @!p1 $0x0;
	s29 =	smov.u32 s0;
	[sflag:s23] =	ssyncset.done $0x0  }
.Ltmp4:
0x90: {  	_ = 	snop;
	(pc) =	sbr.rel .LBB2_4-.Ltmp4, $1  }
0x91: {  	_ =	sdelay $0x3  }
.LBB2_6:
0x92: {  	_ =	sfence.sel $0x180000  }
0x93: {  	[bflag:$0x0] =	sbarrier.arrive $0xFFFF  }
0x94: {  	_ =	strace $0x9000004D  }
0x95: {  	s0 =	stileid.u32;
	[bflag:$0x2] =	sbarrier.arrive $0xFFFF  }
0x96: {  	p0 =	sne.s32 s0, $0x0;
	s0 =	rddreg [dreg:$0x2]  }
0x97: {  	s0 =	sadd.s32 @!p0 $0x100000, s0  }
0x98: {  	[sflag:s0] =	ssyncadd.tile.s32 @!p0 $0x1;
	_ =	shalt  }
.Lfunc_end2:
_tile_overlayer_lowered:
.L_overlay_start_2:
0x99: {  	(tag) =	ssettag $0x2  }
0x9a: {  	s0 =	rddreg [dreg:$0x0];
	s2 =	stileid.u32  }
0x9b: {  	s1 =	rddreg [dreg:$0x1];
	p0 =	sne.s32 s2, $0x0  }
0x9c: {  	s3 =	rddreg [dreg:$0x2];
	[bflag:$0x3] =	sbarrier.arrive $0xFFFF;
	s2 =	simm.s32 @!p0 $0x1C03  }
0x9d: {  	[timem:s3], [sflag:s2] =	dma.local @!p0 [hbm:s0], s1  }
0x9e: {  	s0 =	simm.s32 @!p0 $0x3  }
0x9f: {  	_ =	swait.ge @!p0 [sflag:s0], s1  }
0xa0: {  	s1 =	ssub.s32 @!p0 $0x0, s1;
	[sflag:s0] =	ssyncset.done @!p0 $0x0  }
0xa1: {  	[sflag:s0] =	ssyncadd.s32 @!p0 s1  }
0xa2: {  	[bflag:$0x3] =	sbarrier.arrive $0xFFFF  }
0xa3: {  	_ =	shalt  }

// kernel: kernel.25.cloned.1.call-start
scs
__scs_entry_jumppad:
0x0: {  	(pc) =	sbr.rel $0x88, $3  }
0x1: {  	(tag) =	ssettag $0x0;
	lr =	simm.s32 $0x1  }
0x2: {  	[smem:$0x3F8F] =	sst lr;
	_ =	strace $0xD0000000  }
0x3: {  	_ = 	snop  }
0x4: {  	_ = 	snop  }
0x5: {  	_ = 	snop  }
0x6: {  	_ = 	snop  }
0x7: {  	_ = 	snop  }
__scs_overlays_trampoline_lowered:
0x8: {  	[smem:$0x3F9E] =	sst s0  }
0x9: {  	[smem:$0x3F9F] =	sst s1  }
0xa: {  	[smem:$0x3FA0] =	sst s2  }
0xb: {  	[smem:$0x3FA1] =	sst s3  }
0xc: {  	[smem:$0x3FA2] =	sst s4  }
0xd: {  	[smem:$0x3FA3] =	sst s5  }
0xe: {  	[smem:$0x3FA4] =	sst s6  }
0xf: {  	[smem:$0x3FA5] =	sst s7  }
0x10: {  	[smem:$0x3FA6] =	sst s8  }
0x11: {  	[smem:$0x3FA7] =	sst s9;
	s0 =	simm.s32 @!p0 $0x0  }
0x12: {  	s1 =	sld [smem:$0x3F8D];
	s0 =	simm.s32 @p0 $0x1  }
0x13: {  	[smem:$0x3FA8] =	sst s0;
	s0 =	simm.s32 @!p1 $0x0  }
0x14: {  	s2 =	sld [smem:$0x3F8C];
	s0 =	simm.s32 @p1 $0x1  }
0x15: {  	[smem:$0x3FA9] =	sst s0;
	s0 =	simm.s32 @!p2 $0x0  }
0x16: {  	s3 =	sld [smem:$0x3FDB];
	s0 =	simm.s32 @p2 $0x1  }
0x17: {  	s4 =	simm.s32 $0x1BF5;
	[smem:$0x3FAB] =	sst s0  }
0x18: {  	s0 =	sld [smem:$0x3F8E];
	_ =	swait.ge [sflag:s4], $0x0  }
0x19: {  	s7 =	sld [smem:$0x3F8F]  }
0x1a: {  	s8 =	sadd.s32 $0xFFFFE003, lr  }
0x1b: {  	s9 =	sadd.s32 $0xFFFFFEF7, lr;
	s5 =	simm.s32 $0xFFFFFFFF;
	p2 =	slt.u32 s8, $0xFFFFF086  }
0x1c: {  	p1 =	slt.u32 s9, $0xF7A;
	s5 =	simm.s32 @!p2 $0x0  }
0x1d: {  	s5 =	simm.s32 @p1 $0x1;
	p0 =	seq.s32 s7, s2  }
0x1e: {  	s7 =	smul.u32 @!p0 $0xF7A, s2;
	p2 =	seq.s32 @!p0 s5, $0x0  }
0x1f: {  	s9 =	smul.u32 $0xF7A, s1;
	s8 =	simm.s32 @!p0 $0x1BF5;
	p2 =	por !p2, p0  }
0x20: {  	[sflag:s8] =	ssyncset.s32 @!p0 $0xFFFFF086;
	s6 =	sadd.s32 @!p0 s3, s7;
	s7 =	simm.s32 @!p0 $0x108  }
0x21: {  	s3 =	sadd.s32 s3, s9;
	s6 =	sadd.s32 @!p0 $0x88, s6;
	s7 =	simm.s32 @p2 $0x1082  }
0x22: {  	[simem:s7], [sflag:s8] =	dma.local @!p0 [hbm:s6], $0xF7A  }
0x23: {  	s9 =	sor.u32 $0xD0000000, s2;
	s6 =	simm.s32 $0x108;
	_ =	swait.ge @!p0 [sflag:s8], $0x0  }
0x24: {  	s3 =	sadd.s32 $0x88, s3;
	s6 =	simm.s32 @!p1 $0x1082;
	[sflag:s4] =	ssyncset.s32 $0xFFFFF086  }
0x25: {  	[simem:s6], [sflag:s4] =	dma.local [hbm:s3], $0xF7A  }
0x26: {  	[smem:$0x3F8F] =	sst s1;
	(tag) =	ssettag s2;
	_ =	strace s9  }
0x27: {  	s1 =	sld [smem:$0x3F9F]  }
0x28: {  	s2 =	sld [smem:$0x3FA0]  }
0x29: {  	s4 =	sld [smem:$0x3FA2]  }
0x2a: {  	p0 =	seq.s32 s5, $0x0;
	s5 =	sld [smem:$0x3FA3]  }
0x2b: {  	s6 =	sld [smem:$0x3FA4]  }
0x2c: {  	s7 =	sld [smem:$0x3FA5]  }
0x2d: {  	s3 =	simm.s32 $0x108;
	s8 =	sld [smem:$0x3FA6]  }
0x2e: {  	s3 =	simm.s32 @!p0 $0x1082;
	s9 =	sld [smem:$0x3FA7]  }
0x2f: {  	lr =	sadd.s32 s0, s3;
	s0 =	sld [smem:$0x3F9E]  }
0x30: {  	s3 =	sld [smem:$0x3FA1]  }
0x31: {  	[smem:$0x3FAA] =	sst s10  }
0x32: {  	s10 =	sld [smem:$0x3FA8];
	_ =	sdelay $0x3  }
0x33: {  	p0 =	seq.s32 s10, $0x1;
	s10 =	sld [smem:$0x3FAA];
	_ =	sdelay $0x3  }
0x34: {  	[smem:$0x3FAA] =	sst s10  }
0x35: {  	s10 =	sld [smem:$0x3FA9];
	_ =	sdelay $0x3  }
0x36: {  	p1 =	seq.s32 s10, $0x1;
	s10 =	sld [smem:$0x3FAA];
	_ =	sdelay $0x3  }
0x37: {  	[smem:$0x3FAA] =	sst s10  }
0x38: {  	s10 =	sld [smem:$0x3FAB]  }
0x39: {  	_ = 	snop;
	(pc) =	sbr.ind lr, $3  }
0x3a: {  	_ = 	snop  }
0x3b: {  	_ = 	snop  }
0x3c: {  	p2 =	seq.s32 s10, $0x1;
	s10 =	sld [smem:$0x3FAA]  }
0x3d: {  	_ =	shalt  }
0x3e: {  	_ =	shalt  }
0x3f: {  	_ =	shalt  }
0x40: {  	_ =	shalt  }
0x41: {  	_ =	shalt  }
0x42: {  	_ =	shalt  }
0x43: {  	_ =	shalt  }
0x44: {  	_ =	shalt  }
0x45: {  	_ =	shalt  }
0x46: {  	_ =	shalt  }
0x47: {  	_ =	shalt  }
0x48: {  	_ =	shalt  }
0x49: {  	_ =	shalt  }
0x4a: {  	_ =	shalt  }
0x4b: {  	_ =	shalt  }
0x4c: {  	_ =	shalt  }
0x4d: {  	_ =	shalt  }
0x4e: {  	_ =	shalt  }
0x4f: {  	_ =	shalt  }
0x50: {  	_ =	shalt  }
0x51: {  	_ =	shalt  }
0x52: {  	_ =	shalt  }
0x53: {  	_ =	shalt  }
0x54: {  	_ =	shalt  }
0x55: {  	_ =	shalt  }
0x56: {  	_ =	shalt  }
0x57: {  	_ =	shalt  }
0x58: {  	_ =	shalt  }
0x59: {  	_ =	shalt  }
0x5a: {  	_ =	shalt  }
0x5b: {  	_ =	shalt  }
0x5c: {  	_ =	shalt  }
0x5d: {  	_ =	shalt  }
0x5e: {  	_ =	shalt  }
0x5f: {  	_ =	shalt  }
0x60: {  	_ =	shalt  }
0x61: {  	_ =	shalt  }
0x62: {  	_ =	shalt  }
0x63: {  	_ =	shalt  }
0x64: {  	_ =	shalt  }
0x65: {  	_ =	shalt  }
0x66: {  	_ =	shalt  }
0x67: {  	_ =	shalt  }
0x68: {  	_ =	shalt  }
0x69: {  	_ =	shalt  }
0x6a: {  	_ =	shalt  }
0x6b: {  	_ =	shalt  }
0x6c: {  	_ =	shalt  }
0x6d: {  	_ =	shalt  }
0x6e: {  	_ =	shalt  }
0x6f: {  	_ =	shalt  }
0x70: {  	_ =	shalt  }
0x71: {  	_ =	shalt  }
0x72: {  	_ =	shalt  }
0x73: {  	_ =	shalt  }
0x74: {  	_ =	shalt  }
0x75: {  	_ =	shalt  }
0x76: {  	_ =	shalt  }
0x77: {  	_ =	shalt  }
0x78: {  	_ =	shalt  }
0x79: {  	_ =	shalt  }
0x7a: {  	_ =	shalt  }
0x7b: {  	_ =	shalt  }
0x7c: {  	_ =	shalt  }
0x7d: {  	_ =	shalt  }
0x7e: {  	_ =	shalt  }
0x7f: {  	_ =	shalt  }
0x80: {  	_ =	shalt  }
0x81: {  	_ =	shalt  }
0x82: {  	_ =	shalt  }
0x83: {  	_ =	shalt  }
0x84: {  	_ =	shalt  }
0x85: {  	_ =	shalt  }
0x86: {  	_ =	shalt  }
0x87: {  	_ =	shalt  }
.Lfunc_end0:
.L_simem_size_0:
called_computation.3_lowered:
.L_overlay_start_0:
0x88: {  	s2 =	sld [smem:$0x3FD9]  }
0x89: {  	s3 =	sld [smem:$0x3FFE];
	_ =	sdelay $0x1  }
0x8a: {  	s1 =	srdreg.scid  }
0x8b: {  	s0 =	sand.u32 $0x1, s1  }
0x8c: {  	s16 =	sshll.u32 s0, $0xA;
	s2 =	sadd.s32 s3, s2  }
0x8d: {  	s2 =	sadd.s32 s2, s16  }
0x8e: {  	[smem:$0x3FB6] =	sst s2  }
0x8f: {  	_ = 	snop  }
0x90: {  	(tm) =	ssettm $0x1  }
0x91: {  	s17 =	sld [smem:$0x3FFB];
	_ =	sdelay $0x3  }
0x92: {  	_ =	strace s17  }
0x93: {  	s2 =	sld [smem:$0x3FFC];
	_ =	sdelay $0x3  }
0x94: {  	_ =	strace s2  }
0x95: {  	s2 =	sld [smem:$0x3FFD];
	_ =	sdelay $0x3  }
0x96: {  	_ =	strace s2  }
0x97: {  	_ =	strace $0x8FFFFFFF  }
0x98: {  	s18 =	sld [smem:$0x3FDB];
	_ =	sdelay $0x1  }
0x99: {  	s19 =	simm.s32 $_scs_section_size  }
0x9a: {  	s4 =	simm.s32 $_size__tile_overlayer_lowered;
	s5 =	simm.s32 $_tile_overlayer_lowered  }
0x9b: {  	s22 =	simm.s32 $0x1BFF;
	s21 =	sshll.u32 s5, $0x1;
	s2 =	sadd.s32 s19, s18  }
0x9c: {  	s6 =	simm.s32 $0x0;
	s20 =	sshll.u32 s4, $0x1;
	s4 =	sadd.s32 s21, s2  }
0x9d: {  	[timem:s6], [sflag:s22] =	dma.local [hbm:s4], s20  }
0x9e: {  	_ =	swait.ge [sflag:s22], s20  }
0x9f: {  	s3 =	ssub.s32 $0x0, s20;
	[sflag:s22] =	ssyncset.done $0x0  }
0xa0: {  	[sflag:s22] =	ssyncadd.s32 s3;
	_ =	sdelay $0x1  }
0xa1: {  	s23 =	simm.s32 $0x1B8B  }
0xa2: {  	_ =	swait.ge [sflag:s23], $0x1  }
0xa3: {  	[sflag:s23] =	ssyncset.done $0x0  }
0xa4: {  	s25 =	simm.s32 $0x1B8E;
	s24 =	sld [smem:$0x3FFE];
	[sflag:s23] =	ssyncadd.s32 $0xFFFFFFFF  }
0xa5: {  	s26 =	simm.s32 $execute0_lowered;
	[smem:$0x3FD2] =	sst s25  }
0xa6: {  	s4 =	sshll.u32 s26, $0x1;
	_ =	strace $0x8000004F;
	[dreg:$0x1] =	wrdreg $0xFFFFFFFF  }
0xa7: {  	s28 =	simm.s32 $_size_execute0_lowered;
	s2 =	sadd.s32 s2, s4;
	[dreg:$0x0] =	wrdreg $0x0  }
0xa8: {  	s4 =	sshll.u32 s28, $0x1;
	[dreg:$0x2] =	wrdreg s2  }
0xa9: {  	[dreg:$0x3] =	wrdreg s4  }
0xaa: {  	[dreg:$0x4] =	wrdreg $0xC0  }
0xab: {  	_ =	task [dreg:s6], $0x5FFFF  }
0xac: {  	[dreg:$0x1] =	wrdreg $0xFFFFFFFF  }
0xad: {  	[dreg:$0x0] =	wrdreg $0x60  }
0xae: {  	[dreg:$0x2] =	wrdreg s24  }
0xaf: {  	[dreg:$0x3] =	wrdreg $0x0  }
0xb0: {  	[dreg:$0x4] =	wrdreg $0x9  }
0xb1: {  	_ =	task.clear_ibuf [dreg:s6], $0x5FFFF;
	_ =	strace $0x9000004F  }
0xb2: {  	s29 =	simm.s32 $0x9;
	_ =	strace $0x80000051  }
0xb3: {  	_ =	swait.ge [sflag:s29], $0x1  }
0xb4: {  	[sflag:s29] =	ssyncadd.s32 $0xFFFFFFFF  }
0xb5: {  	_ =	strace $0x90000051  }
0xb6: {  	_ =	sfence  }
0xb7: {  	s30 =	sld [smem:$0x0];
	_ =	sdelay $0x2  }
0xb8: {  	s31 =	sshll.u32 s1, $0xD;
	s1 =	sshrl.u32 s1, $0x2  }
0xb9: {  	s3 =	sand.u32 $0x4000, s31;
	s1 =	sadd.s32 s1, s30  }
0xba: {  	s0 =	sor.u32 s3, s0;
	s1 =	sshll.u32 s1, $0x11  }
0xbb: {  	s0 =	sor.u32 s1, s0  }
0xbc: {  	s0 =	sadd.s32 $0x8F2B, s0  }
0xbd: {  	[sflag:s0] =	ssyncadd.remote.s32 $0x1  }
0xbe: {  	_ =	sfence.sel $0xFFFF  }
0xbf: {  	[dreg:$0x0] =	wrdreg $0xFFFFFFFF;
	(pc) =	sbr.abs _section_cstart, $3  }
0xc0: {  	[dreg:$0x1] =	wrdreg $0xFFFFFFFF  }
0xc1: {  	_ =	task.clear_ibuf [dreg:s6], $0x2FFFF;
	_ =	strace $0x9FFFFFFF  }
0xc2: {  	(tm) =	ssettm $0x7FFFFFFF  }
0xc3: {  	_ =	shalt  }
tec
execute0_lowered:
.L_overlay_start_1:
0x0: {  	(tag) =	ssettag $0x1  }
0x1: {  	s0 =	srdreg.scid;
	s4 =	rddreg [dreg:$0x0]  }
0x2: {  	s2 =	rddreg [dreg:$0x1];
	s13 =	simm.s32 $0x3;
	s14 =	simm.s32 $0x2800  }
0x3: {  	s15 =	simm.s32 $0x4100;
	s16 =	simm.s32 $0x2;
	s17 =	simm.s32 $0x80  }
0x4: {  	s28 =	simm.s32 $0x6100;
	s29 =	simm.s32 $0x1;
	s1 =	sand.u32 $0x1, s0  }
0x5: {  	s30 =	simm.s32 $0x0;
	s0 =	stileid.u32;
	s7 =	smul.u32 $0x5000, s1  }
0x6: {  	s3 =	sshll.u32 s1, $0x4;
	s1 =	ssub.s32 $0x2, s1;
	s25 =	smul.u32 $0xA000, s0  }
0x7: {  	s9 =	smul.u32 $0x2800, s0;
	s12 =	sor.u32 s0, s3;
	s3 =	simm.s32 $0x0  }
0x8: {  	s26 =	sshrl.u32 s1, $0x1;
	s5 =	smul.u32 $0x3200, s12;
	[smem:$0x7FF] =	sst s3  }
0x9: {  	s6 =	smul.u32 $0x320, s12;
	s7 =	sadd.s32 s7, s4;
	s1 =	ssub.s32 s1, s26  }
0xa: {  	s31 =	sshrl.u32 s25, $0x2;
	s19 =	sshrl.u32 s9, $0x3;
	s20 =	sadd.s32 s9, s2  }
0xb: {  	p0 =	sgt.u32 s12, $0x18;
	s12 =	simm.s32 $0x9100;
	s26 =	simm.s32 $0x2A00  }
.Ltmp0:
0xc: {  	_ =	strace $0x80000050;
	s18 =	sadd.s32 $0x63600, s7;
	(pc) =	sbr.rel .LBB2_1-.Ltmp0, $4  }
0xd: {  	s7 =	smax.u32 s1, $0x1;
	s25 =	sshrl.u32 s20, $0x3;
	s8 =	sadd.s32 s5, s4  }
0xe: {  	s6 =	sadd.s32 s6, s4;
	s4 =	sadd.s32 s31, s2;
	s23 =	sadd.s32 s19, s18  }
0xf: {  	s5 =	sadd.s32 $0xB400, s6;
	s6 =	sadd.s32 $0x15400, s8;
	s8 =	sadd.s32 $0x800, s4  }
0x10: {  	v0 =	vimm.f32 $0.0e+00;
	s9 =	sadd.s32 $0x1000, s4;
	s10 =	sadd.s32 $0x1800, s4;
	s11 =	sadd.s32 $0x2000, s4  }
.LBB2_6:
0x11: {  	s18 =	sor.u32 $0x4100, s20;
	[sflag:s29] =	ssyncadd.s32 $0xFFFFF800;
	s19 =	sadd.s32 $0x500, s31  }
0x12: {  	[tilespmem:s18], [sflag:$0x2] =	stream.linear.gather [hbm4b:s19+s3], $0x2800, $0x38;
	[tilespmem:$0x9900] =	vst v63  }
0x13: {  	_ =	swait.ge [sflag:s16], $0x2800  }
0x14: {  	s1 =	sshra.s32 s1, $0x2;
	[sflag:s16] =	ssyncset.done $0x0  }
0x15: {  	s22 =	sadd.s32 $0x2A80, s1;
	[sflag:s16] =	ssyncadd.s32 $0xFFFFD800  }
0x16: {  	[spmem:s2] =	stream.indirect.scatter.add.f32 [tilespmem:s18], [sflag:$0x1], $0x10, s22, s17, $0xb8;
	[tilespmem:$0x9900] =	vst v63  }
0x17: {  	s24 =	sadd.s32 $0x4900, s20;
	s31 =	sadd.s32 $0x2B00, s1  }
0x18: {  	[spmem:s2] =	stream.indirect.scatter.add.f32 [tilespmem:s24], [sflag:$0x1], $0x10, s31, s17, $0xb8;
	[tilespmem:$0x9900] =	vst v63  }
0x19: {  	s19 =	sor.u32 $0x5100, s20;
	s21 =	sadd.s32 $0x2B80, s1  }
0x1a: {  	[spmem:s2] =	stream.indirect.scatter.add.f32 [tilespmem:s19], [sflag:$0x1], $0x10, s21, s17, $0xb8;
	[tilespmem:$0x9900] =	vst v63  }
0x1b: {  	s22 =	sadd.s32 $0x5900, s20;
	s24 =	sadd.s32 $0x2C00, s1  }
0x1c: {  	[spmem:s2] =	stream.indirect.scatter.add.f32 [tilespmem:s22], [sflag:$0x1], $0x10, s24, s17, $0xb8;
	[tilespmem:$0x9900] =	vst v63  }
0x1d: {  	s31 =	sadd.s32 $0x6100, s20;
	s1 =	sadd.s32 $0x2C80, s1  }
0x1e: {  	[spmem:s2] =	stream.indirect.scatter.add.f32 [tilespmem:s31], [sflag:$0x1], $0x10, s1, s17, $0xb8;
	[tilespmem:$0x9900] =	vst v63  }
0x1f: {  	_ =	swait.ge [sflag:s29], $0x800  }
0x20: {  	[sflag:s29] =	ssyncset.done $0x0  }
0x21: {  	[sflag:s29] =	ssyncadd.s32 $0xFFFFF800  }
0x22: {  	_ =	swait.ge [sflag:s29], $0x800  }
0x23: {  	[sflag:s29] =	ssyncset.done $0x0  }
0x24: {  	[sflag:s29] =	ssyncadd.s32 $0xFFFFF800  }
0x25: {  	_ =	swait.ge [sflag:s29], $0x800  }
0x26: {  	[sflag:s29] =	ssyncset.done $0x0  }
0x27: {  	[sflag:s29] =	ssyncadd.s32 $0xFFFFF800  }
0x28: {  	_ =	swait.ge [sflag:s29], $0x800  }
0x29: {  	[sflag:s29] =	ssyncset.done $0x0  }
0x2a: {  	[sflag:s29] =	ssyncadd.s32 $0xFFFFF800  }
0x2b: {  	_ =	swait.ge [sflag:s29], $0x800  }
0x2c: {  	[sflag:s29] =	ssyncset.done $0x0  }
0x2d: {  	[sflag:s29] =	ssyncadd.s32 $0xFFFFF800  }
0x2e: {  	_ =	swait.ge [sflag:s29], $0x800  }
0x2f: {  	[sflag:s29] =	ssyncset.done $0x0  }
0x30: {  	[sflag:s29] =	ssyncadd.s32 $0xFFFFF800  }
0x31: {  	_ =	swait.ge [sflag:s29], $0x800  }
0x32: {  	[sflag:s29] =	ssyncset.done $0x0  }
0x33: {  	[sflag:s29] =	ssyncadd.s32 $0xFFFFF800  }
0x34: {  	_ =	swait.ge [sflag:s29], $0x800  }
0x35: {  	[sflag:s29] =	ssyncset.done $0x0  }
0x36: {  	[sflag:s29] =	ssyncadd.s32 $0xFFFFF800  }
0x37: {  	_ =	swait.ge [sflag:s29], $0x800  }
0x38: {  	[sflag:s29] =	ssyncset.done $0x0  }
0x39: {  	[sflag:s29] =	ssyncadd.s32 $0xFFFFF800  }
0x3a: {  	_ =	swait.ge [sflag:s29], $0x800  }
0x3b: {  	[sflag:s29] =	ssyncset.done $0x0  }
0x3c: {  	[sflag:s29] =	ssyncadd.s32 $0xFFFFF800  }
.LBB2_7:
0x3d: {  	s30 =	sadd.s32 $0x1, s30  }
0x3e: {  	s1 =	sshll.u32 s0, $0x6;
	p1 =	sne.s32 s30, s7  }
.Ltmp1:
0x3f: {  	[bflag:$0x0] =	sbarrier.arrive $0xFFFF;
	s1 =	sor.u32 $0x1C03, s1;
	(pc) =	sbr.rel @!p1 .LBB2_8-.Ltmp1, $4  }
0x40: {  	[hbm:s23], [sflag:s1] =	dma.local [spmem:s25], $0x500  }
0x41: {  	_ =	swait.ge [sflag:s13], $0x500  }
0x42: {  	[sflag:s13] =	ssyncset.done $0x0  }
0x43: {  	[sflag:s13] =	ssyncadd.s32 $0xFFFFFB00  }
.LBB2_1:
0x44: {  	s1 =	simm.s32 $0x40;
	s18 =	simm.s32 $0x0  }
.LBB2_2:
0x45: {  	p1 =	sne.s32 s1, $0x1FC0;
	[tilespmem:s18+$0x9100] =	vst v0;
	s18 =	smov.u32 s1;
	s1 =	sadd.s32 $0x40, s1  }
.Ltmp2:
0x46: {  	(pc) =	sbr.rel @p1 .LBB2_2-.Ltmp2, $2  }
0x47: {  	_ =	sdelay $0x2  }
0x48: {  	s18 =	sshra.s32 s18, $0x2  }
0x49: {  	[tilespmem:s18+$0x9100] =	vst v0  }
0x4a: {  	[spmem:s4] =	stream.linear.scatter [tilespmem:s12], [sflag:$0x3], $0x800, $0x38;
	[tilespmem:$0x9900] =	vst v63  }
0x4b: {  	_ =	swait.ge [sflag:s13], $0x800  }
0x4c: {  	[sflag:s13] =	ssyncset.done $0x0  }
0x4d: {  	[sflag:s13] =	ssyncadd.s32 $0xFFFFF800  }
0x4e: {  	[spmem:s8] =	stream.linear.scatter [tilespmem:s12], [sflag:$0x3], $0x800, $0x38;
	[tilespmem:$0x9900] =	vst v63  }
0x4f: {  	_ =	swait.ge [sflag:s13], $0x800  }
0x50: {  	[sflag:s13] =	ssyncset.done $0x0  }
0x51: {  	[sflag:s13] =	ssyncadd.s32 $0xFFFFF800  }
0x52: {  	[spmem:s9] =	stream.linear.scatter [tilespmem:s12], [sflag:$0x3], $0x800, $0x38;
	[tilespmem:$0x9900] =	vst v63  }
0x53: {  	_ =	swait.ge [sflag:s13], $0x800  }
0x54: {  	[sflag:s13] =	ssyncset.done $0x0  }
0x55: {  	[sflag:s13] =	ssyncadd.s32 $0xFFFFF800  }
0x56: {  	[spmem:s10] =	stream.linear.scatter [tilespmem:s12], [sflag:$0x3], $0x800, $0x38;
	[tilespmem:$0x9900] =	vst v63  }
0x57: {  	_ =	swait.ge [sflag:s13], $0x800  }
0x58: {  	[sflag:s13] =	ssyncset.done $0x0  }
0x59: {  	[sflag:s13] =	ssyncadd.s32 $0xFFFFF800  }
0x5a: {  	[spmem:s11] =	stream.linear.scatter [tilespmem:s12], [sflag:$0x3], $0x800, $0x38;
	[tilespmem:$0x9900] =	vst v63  }
.Ltmp3:
0x5b: {  	_ =	swait.ge [sflag:s13], $0x800;
	(pc) =	sbr.rel @p0 .LBB2_7-.Ltmp3, $3  }
0x5c: {  	[sflag:s13] =	ssyncset.done $0x0  }
0x5d: {  	[sflag:s13] =	ssyncadd.s32 $0xFFFFF800  }
0x5e: {  	[bflag:$0x0] =	sbarrier.arrive $0xFFFF;
	_ =	sdelay $0x1  }
0x5f: {  	s1 =	simm.s32 $0x0  }
0x60: {  	[tilespmem:s14], [sflag:$0x3] =	stream.linear.gather [hbm4b:s5+s1], $0x1900, $0x38;
	[tilespmem:$0x9900] =	vst v63  }
0x61: {  	_ =	swait.ge [sflag:s13], $0x1900  }
0x62: {  	[sflag:s13] =	ssyncset.done $0x0  }
0x63: {  	[sflag:s13] =	ssyncadd.s32 $0xFFFFE700  }
0x64: {  	[tilespmem:s15], [sflag:$0x2] =	stream.linear.gather [hbm4b:s6+s1], $0x2800, $0x38;
	[tilespmem:$0x9900] =	vst v63  }
0x65: {  	_ =	swait.ge [sflag:s16], $0x2800  }
0x66: {  	[sflag:s16] =	ssyncset.done $0x0  }
0x67: {  	s24 =	simm.s32 $0x2880;
	[sflag:s16] =	ssyncadd.s32 $0xFFFFD800  }
0x68: {  	[spmem:s2] =	stream.indirect.scatter.add.f32 [tilespmem:s15], [sflag:$0x1], $0x10, s14, s17, $0xb8;
	[tilespmem:$0x9900] =	vst v63  }
0x69: {  	s18 =	simm.s32 $0x4900;
	s19 =	simm.s32 $0x5100;
	s22 =	simm.s32 $0x1  }
0x6a: {  	[spmem:s2] =	stream.indirect.scatter.add.f32 [tilespmem:s18], [sflag:$0x1], $0x10, s24, s17, $0xb8;
	[tilespmem:$0x9900] =	vst v63  }
0x6b: {  	s20 =	simm.s32 $0x2980;
	s1 =	sand.u32 $0x1, s22;
	s18 =	simm.s32 $0x2900  }
0x6c: {  	[spmem:s2] =	stream.indirect.scatter.add.f32 [tilespmem:s19], [sflag:$0x1], $0x10, s18, s17, $0xb8;
	[tilespmem:$0x9900] =	vst v63  }
0x6d: {  	s21 =	simm.s32 $0x5900;
	p1 =	seq.s32 s1, $0x1;
	s1 =	simm.s32 $0x2800  }
0x6e: {  	[spmem:s2] =	stream.indirect.scatter.add.f32 [tilespmem:s21], [sflag:$0x1], $0x10, s20, s17, $0xb8;
	[tilespmem:$0x9900] =	vst v63  }
0x6f: {  	s1 =	simm.s32 @!p1 $0x0  }
0x70: {  	[spmem:s2] =	stream.indirect.scatter.add.f32 [tilespmem:s28], [sflag:$0x1], $0x10, s26, s17, $0xb8;
	[tilespmem:$0x9900] =	vst v63  }
0x71: {  	s31 =	sadd.s32 $0x500, s6;
	s24 =	sor.u32 $0x4100, s1  }
0x72: {  	[tilespmem:s24], [sflag:$0x2] =	stream.linear.gather [hbm4b:s31+s3], $0x2800, $0x38;
	[tilespmem:$0x9900] =	vst v63  }
0x73: {  	_ =	swait.ge [sflag:s16], $0x2800  }
0x74: {  	[sflag:s16] =	ssyncset.done $0x0  }
0x75: {  	s19 =	simm.s32 $0x2A80;
	[sflag:s16] =	ssyncadd.s32 $0xFFFFD800  }
0x76: {  	[spmem:s2] =	stream.indirect.scatter.add.f32 [tilespmem:s24], [sflag:$0x1], $0x10, s19, s17, $0xb8;
	[tilespmem:$0x9900] =	vst v63  }
0x77: {  	s20 =	sadd.s32 $0x4900, s1;
	s21 =	simm.s32 $0x2B00  }
0x78: {  	[spmem:s2] =	stream.indirect.scatter.add.f32 [tilespmem:s20], [sflag:$0x1], $0x10, s21, s17, $0xb8;
	[tilespmem:$0x9900] =	vst v63  }
0x79: {  	s22 =	sor.u32 $0x5100, s1;
	s24 =	simm.s32 $0x2B80  }
0x7a: {  	[spmem:s2] =	stream.indirect.scatter.add.f32 [tilespmem:s22], [sflag:$0x1], $0x10, s24, s17, $0xb8;
	[tilespmem:$0x9900] =	vst v63  }
0x7b: {  	s20 =	sadd.s32 $0x5900, s1;
	s21 =	simm.s32 $0x2C00  }
0x7c: {  	[spmem:s2] =	stream.indirect.scatter.add.f32 [tilespmem:s20], [sflag:$0x1], $0x10, s21, s17, $0xb8;
	[tilespmem:$0x9900] =	vst v63  }
0x7d: {  	s1 =	sadd.s32 $0x6100, s1;
	s22 =	simm.s32 $0x2C80  }
0x7e: {  	[spmem:s2] =	stream.indirect.scatter.add.f32 [tilespmem:s1], [sflag:$0x1], $0x10, s22, s17, $0xb8;
	[tilespmem:$0x9900] =	vst v63  }
0x7f: {  	_ =	swait.ge [sflag:s29], $0x800  }
0x80: {  	[sflag:s29] =	ssyncset.done $0x0  }
0x81: {  	[sflag:s29] =	ssyncadd.s32 $0xFFFFF800  }
0x82: {  	_ =	swait.ge [sflag:s29], $0x800  }
0x83: {  	[sflag:s29] =	ssyncset.done $0x0  }
0x84: {  	[sflag:s29] =	ssyncadd.s32 $0xFFFFF800  }
0x85: {  	_ =	swait.ge [sflag:s29], $0x800  }
0x86: {  	[sflag:s29] =	ssyncset.done $0x0  }
0x87: {  	[sflag:s29] =	ssyncadd.s32 $0xFFFFF800  }
0x88: {  	_ =	swait.ge [sflag:s29], $0x800  }
0x89: {  	s18 =	simm.s32 $0x2;
	[sflag:s29] =	ssyncset.done $0x0  }
0x8a: {  	s19 =	simm.s32 $0x1400;
	s24 =	sand.u32 $0x1, s18;
	[sflag:s29] =	ssyncadd.s32 $0xFFFFF800  }
0x8b: {  	p1 =	seq.s32 s24, $0x1;
	s20 =	simm.s32 $0x2800;
	_ =	swait.ge [sflag:s29], $0x800  }
0x8c: {  	s20 =	simm.s32 @!p1 $0x0;
	s1 =	simm.s32 $0xA00;
	[sflag:s29] =	ssyncset.done $0x0  }
.LBB2_5:
0x8d: {  	s21 =	sor.u32 $0x4100, s20  }
0x8e: {  	[sflag:s29] =	ssyncadd.s32 $0xFFFFF800;
	s31 =	sadd.s32 $0x500, s31;
	s22 =	smov.u32 s19  }
0x8f: {  	[tilespmem:s21], [sflag:$0x2] =	stream.linear.gather [hbm4b:s31+s3], $0x2800, $0x38;
	[tilespmem:$0x9900] =	vst v63  }
0x90: {  	p1 =	sne.s32 s19, $0x5000;
	s19 =	sadd.s32 $0xA00, s19;
	_ =	swait.ge [sflag:s16], $0x2800  }
0x91: {  	s24 =	sshra.s32 s1, $0x2;
	s1 =	smov.u32 s22;
	[sflag:s16] =	ssyncset.done $0x0  }
0x92: {  	s22 =	sadd.s32 $0x2A80, s24;
	[sflag:s16] =	ssyncadd.s32 $0xFFFFD800  }
0x93: {  	[spmem:s2] =	stream.indirect.scatter.add.f32 [tilespmem:s21], [sflag:$0x1], $0x10, s22, s17, $0xb8;
	[tilespmem:$0x9900] =	vst v63  }
0x94: {  	s21 =	sadd.s32 $0x4900, s20;
	s22 =	sadd.s32 $0x2B00, s24  }
0x95: {  	[spmem:s2] =	stream.indirect.scatter.add.f32 [tilespmem:s21], [sflag:$0x1], $0x10, s22, s17, $0xb8;
	[tilespmem:$0x9900] =	vst v63  }
0x96: {  	s21 =	sor.u32 $0x5100, s20;
	s22 =	sadd.s32 $0x2B80, s24  }
0x97: {  	[spmem:s2] =	stream.indirect.scatter.add.f32 [tilespmem:s21], [sflag:$0x1], $0x10, s22, s17, $0xb8;
	[tilespmem:$0x9900] =	vst v63  }
0x98: {  	s21 =	sadd.s32 $0x5900, s20;
	s22 =	sadd.s32 $0x2C00, s24  }
0x99: {  	[spmem:s2] =	stream.indirect.scatter.add.f32 [tilespmem:s21], [sflag:$0x1], $0x10, s22, s17, $0xb8;
	[tilespmem:$0x9900] =	vst v63  }
0x9a: {  	s20 =	sadd.s32 $0x6100, s20;
	s21 =	sadd.s32 $0x2C80, s24  }
0x9b: {  	[spmem:s2] =	stream.indirect.scatter.add.f32 [tilespmem:s20], [sflag:$0x1], $0x10, s21, s17, $0xb8;
	[tilespmem:$0x9900] =	vst v63  }
0x9c: {  	_ =	swait.ge [sflag:s29], $0x800  }
0x9d: {  	[sflag:s29] =	ssyncset.done $0x0  }
0x9e: {  	[sflag:s29] =	ssyncadd.s32 $0xFFFFF800  }
0x9f: {  	_ =	swait.ge [sflag:s29], $0x800  }
0xa0: {  	[sflag:s29] =	ssyncset.done $0x0  }
0xa1: {  	[sflag:s29] =	ssyncadd.s32 $0xFFFFF800  }
0xa2: {  	_ =	swait.ge [sflag:s29], $0x800  }
0xa3: {  	[sflag:s29] =	ssyncset.done $0x0  }
0xa4: {  	[sflag:s29] =	ssyncadd.s32 $0xFFFFF800  }
.Ltmp4:
0xa5: {  	_ =	swait.ge [sflag:s29], $0x800;
	(pc) =	sbr.rel @p1 .LBB2_5-.Ltmp4, $4  }
0xa6: {  	s18 =	sadd.s32 $0x1, s18;
	[sflag:s29] =	ssyncset.done $0x0  }
0xa7: {  	s20 =	sand.u32 $0x1, s18;
	[sflag:s29] =	ssyncadd.s32 $0xFFFFF800  }
0xa8: {  	p2 =	seq.s32 s20, $0x1;
	s20 =	simm.s32 $0x2800;
	_ =	swait.ge [sflag:s29], $0x800  }
0xa9: {  	s20 =	simm.s32 @!p2 $0x0;
	[sflag:s29] =	ssyncset.done $0x0  }
.Ltmp5:
0xaa: {  	_ = 	snop;
	(pc) =	sbr.rel .LBB2_6-.Ltmp5, $1  }
0xab: {  	_ =	sdelay $0x3  }
.LBB2_8:
0xac: {  	_ =	sfence.sel $0x180000  }
0xad: {  	[bflag:$0x0] =	sbarrier.arrive $0xFFFF  }
0xae: {  	_ =	strace $0x90000050  }
0xaf: {  	[bflag:$0x2] =	sbarrier.arrive $0xFFFF  }
0xb0: {  	p0 =	sne.s32 s0, $0x0;
	s0 =	rddreg [dreg:$0x2]  }
0xb1: {  	s0 =	sadd.s32 @!p0 $0x100000, s0  }
0xb2: {  	[sflag:s0] =	ssyncadd.tile.s32 @!p0 $0x1;
	_ =	shalt  }
.Lfunc_end2:
_tile_overlayer_lowered:
.L_overlay_start_2:
0xb3: {  	(tag) =	ssettag $0x2  }
0xb4: {  	s0 =	rddreg [dreg:$0x0];
	s2 =	stileid.u32  }
0xb5: {  	s1 =	rddreg [dreg:$0x1];
	p0 =	sne.s32 s2, $0x0  }
0xb6: {  	s3 =	rddreg [dreg:$0x2];
	[bflag:$0x3] =	sbarrier.arrive $0xFFFF;
	s2 =	simm.s32 @!p0 $0x1C03  }
0xb7: {  	[timem:s3], [sflag:s2] =	dma.local @!p0 [hbm:s0], s1  }
0xb8: {  	s0 =	simm.s32 @!p0 $0x3  }
0xb9: {  	_ =	swait.ge @!p0 [sflag:s0], s1  }
0xba: {  	s1 =	ssub.s32 @!p0 $0x0, s1;
	[sflag:s0] =	ssyncset.done @!p0 $0x0  }
0xbb: {  	[sflag:s0] =	ssyncadd.s32 @!p0 s1  }
0xbc: {  	[bflag:$0x3] =	sbarrier.arrive $0xFFFF  }
0xbd: {  	_ =	shalt  }

// kernel: kernel.28.cloned.1.call-start
scs
__scs_entry_jumppad:
0x0: {  	(pc) =	sbr.rel $0x88, $3  }
0x1: {  	(tag) =	ssettag $0x0;
	lr =	simm.s32 $0x1  }
0x2: {  	[smem:$0x3F8F] =	sst lr;
	_ =	strace $0xD0000000  }
0x3: {  	_ = 	snop  }
0x4: {  	_ = 	snop  }
0x5: {  	_ = 	snop  }
0x6: {  	_ = 	snop  }
0x7: {  	_ = 	snop  }
__scs_overlays_trampoline_lowered:
0x8: {  	[smem:$0x3F9E] =	sst s0  }
0x9: {  	[smem:$0x3F9F] =	sst s1  }
0xa: {  	[smem:$0x3FA0] =	sst s2  }
0xb: {  	[smem:$0x3FA1] =	sst s3  }
0xc: {  	[smem:$0x3FA2] =	sst s4  }
0xd: {  	[smem:$0x3FA3] =	sst s5  }
0xe: {  	[smem:$0x3FA4] =	sst s6  }
0xf: {  	[smem:$0x3FA5] =	sst s7  }
0x10: {  	[smem:$0x3FA6] =	sst s8  }
0x11: {  	[smem:$0x3FA7] =	sst s9;
	s0 =	simm.s32 @!p0 $0x0  }
0x12: {  	s1 =	sld [smem:$0x3F8D];
	s0 =	simm.s32 @p0 $0x1  }
0x13: {  	[smem:$0x3FA8] =	sst s0;
	s0 =	simm.s32 @!p1 $0x0  }
0x14: {  	s2 =	sld [smem:$0x3F8C];
	s0 =	simm.s32 @p1 $0x1  }
0x15: {  	[smem:$0x3FA9] =	sst s0;
	s0 =	simm.s32 @!p2 $0x0  }
0x16: {  	s3 =	sld [smem:$0x3FDB];
	s0 =	simm.s32 @p2 $0x1  }
0x17: {  	s4 =	simm.s32 $0x1BF5;
	[smem:$0x3FAB] =	sst s0  }
0x18: {  	s0 =	sld [smem:$0x3F8E];
	_ =	swait.ge [sflag:s4], $0x0  }
0x19: {  	s7 =	sld [smem:$0x3F8F]  }
0x1a: {  	s8 =	sadd.s32 $0xFFFFE003, lr  }
0x1b: {  	s9 =	sadd.s32 $0xFFFFFEF7, lr;
	s5 =	simm.s32 $0xFFFFFFFF;
	p2 =	slt.u32 s8, $0xFFFFF086  }
0x1c: {  	p1 =	slt.u32 s9, $0xF7A;
	s5 =	simm.s32 @!p2 $0x0  }
0x1d: {  	s5 =	simm.s32 @p1 $0x1;
	p0 =	seq.s32 s7, s2  }
0x1e: {  	s7 =	smul.u32 @!p0 $0xF7A, s2;
	p2 =	seq.s32 @!p0 s5, $0x0  }
0x1f: {  	s9 =	smul.u32 $0xF7A, s1;
	s8 =	simm.s32 @!p0 $0x1BF5;
	p2 =	por !p2, p0  }
0x20: {  	[sflag:s8] =	ssyncset.s32 @!p0 $0xFFFFF086;
	s6 =	sadd.s32 @!p0 s3, s7;
	s7 =	simm.s32 @!p0 $0x108  }
0x21: {  	s3 =	sadd.s32 s3, s9;
	s6 =	sadd.s32 @!p0 $0x88, s6;
	s7 =	simm.s32 @p2 $0x1082  }
0x22: {  	[simem:s7], [sflag:s8] =	dma.local @!p0 [hbm:s6], $0xF7A  }
0x23: {  	s9 =	sor.u32 $0xD0000000, s2;
	s6 =	simm.s32 $0x108;
	_ =	swait.ge @!p0 [sflag:s8], $0x0  }
0x24: {  	s3 =	sadd.s32 $0x88, s3;
	s6 =	simm.s32 @!p1 $0x1082;
	[sflag:s4] =	ssyncset.s32 $0xFFFFF086  }
0x25: {  	[simem:s6], [sflag:s4] =	dma.local [hbm:s3], $0xF7A  }
0x26: {  	[smem:$0x3F8F] =	sst s1;
	(tag) =	ssettag s2;
	_ =	strace s9  }
0x27: {  	s1 =	sld [smem:$0x3F9F]  }
0x28: {  	s2 =	sld [smem:$0x3FA0]  }
0x29: {  	s4 =	sld [smem:$0x3FA2]  }
0x2a: {  	p0 =	seq.s32 s5, $0x0;
	s5 =	sld [smem:$0x3FA3]  }
0x2b: {  	s6 =	sld [smem:$0x3FA4]  }
0x2c: {  	s7 =	sld [smem:$0x3FA5]  }
0x2d: {  	s3 =	simm.s32 $0x108;
	s8 =	sld [smem:$0x3FA6]  }
0x2e: {  	s3 =	simm.s32 @!p0 $0x1082;
	s9 =	sld [smem:$0x3FA7]  }
0x2f: {  	lr =	sadd.s32 s0, s3;
	s0 =	sld [smem:$0x3F9E]  }
0x30: {  	s3 =	sld [smem:$0x3FA1]  }
0x31: {  	[smem:$0x3FAA] =	sst s10  }
0x32: {  	s10 =	sld [smem:$0x3FA8];
	_ =	sdelay $0x3  }
0x33: {  	p0 =	seq.s32 s10, $0x1;
	s10 =	sld [smem:$0x3FAA];
	_ =	sdelay $0x3  }
0x34: {  	[smem:$0x3FAA] =	sst s10  }
0x35: {  	s10 =	sld [smem:$0x3FA9];
	_ =	sdelay $0x3  }
0x36: {  	p1 =	seq.s32 s10, $0x1;
	s10 =	sld [smem:$0x3FAA];
	_ =	sdelay $0x3  }
0x37: {  	[smem:$0x3FAA] =	sst s10  }
0x38: {  	s10 =	sld [smem:$0x3FAB]  }
0x39: {  	_ = 	snop;
	(pc) =	sbr.ind lr, $3  }
0x3a: {  	_ = 	snop  }
0x3b: {  	_ = 	snop  }
0x3c: {  	p2 =	seq.s32 s10, $0x1;
	s10 =	sld [smem:$0x3FAA]  }
0x3d: {  	_ =	shalt  }
0x3e: {  	_ =	shalt  }
0x3f: {  	_ =	shalt  }
0x40: {  	_ =	shalt  }
0x41: {  	_ =	shalt  }
0x42: {  	_ =	shalt  }
0x43: {  	_ =	shalt  }
0x44: {  	_ =	shalt  }
0x45: {  	_ =	shalt  }
0x46: {  	_ =	shalt  }
0x47: {  	_ =	shalt  }
0x48: {  	_ =	shalt  }
0x49: {  	_ =	shalt  }
0x4a: {  	_ =	shalt  }
0x4b: {  	_ =	shalt  }
0x4c: {  	_ =	shalt  }
0x4d: {  	_ =	shalt  }
0x4e: {  	_ =	shalt  }
0x4f: {  	_ =	shalt  }
0x50: {  	_ =	shalt  }
0x51: {  	_ =	shalt  }
0x52: {  	_ =	shalt  }
0x53: {  	_ =	shalt  }
0x54: {  	_ =	shalt  }
0x55: {  	_ =	shalt  }
0x56: {  	_ =	shalt  }
0x57: {  	_ =	shalt  }
0x58: {  	_ =	shalt  }
0x59: {  	_ =	shalt  }
0x5a: {  	_ =	shalt  }
0x5b: {  	_ =	shalt  }
0x5c: {  	_ =	shalt  }
0x5d: {  	_ =	shalt  }
0x5e: {  	_ =	shalt  }
0x5f: {  	_ =	shalt  }
0x60: {  	_ =	shalt  }
0x61: {  	_ =	shalt  }
0x62: {  	_ =	shalt  }
0x63: {  	_ =	shalt  }
0x64: {  	_ =	shalt  }
0x65: {  	_ =	shalt  }
0x66: {  	_ =	shalt  }
0x67: {  	_ =	shalt  }
0x68: {  	_ =	shalt  }
0x69: {  	_ =	shalt  }
0x6a: {  	_ =	shalt  }
0x6b: {  	_ =	shalt  }
0x6c: {  	_ =	shalt  }
0x6d: {  	_ =	shalt  }
0x6e: {  	_ =	shalt  }
0x6f: {  	_ =	shalt  }
0x70: {  	_ =	shalt  }
0x71: {  	_ =	shalt  }
0x72: {  	_ =	shalt  }
0x73: {  	_ =	shalt  }
0x74: {  	_ =	shalt  }
0x75: {  	_ =	shalt  }
0x76: {  	_ =	shalt  }
0x77: {  	_ =	shalt  }
0x78: {  	_ =	shalt  }
0x79: {  	_ =	shalt  }
0x7a: {  	_ =	shalt  }
0x7b: {  	_ =	shalt  }
0x7c: {  	_ =	shalt  }
0x7d: {  	_ =	shalt  }
0x7e: {  	_ =	shalt  }
0x7f: {  	_ =	shalt  }
0x80: {  	_ =	shalt  }
0x81: {  	_ =	shalt  }
0x82: {  	_ =	shalt  }
0x83: {  	_ =	shalt  }
0x84: {  	_ =	shalt  }
0x85: {  	_ =	shalt  }
0x86: {  	_ =	shalt  }
0x87: {  	_ =	shalt  }
.Lfunc_end0:
.L_simem_size_0:
called_computation.4_lowered:
.L_overlay_start_0:
0x88: {  	s2 =	sld [smem:$0x3FD9]  }
0x89: {  	s3 =	sld [smem:$0x3FFE];
	_ =	sdelay $0x1  }
0x8a: {  	s1 =	srdreg.scid  }
0x8b: {  	s0 =	sand.u32 $0x1, s1  }
0x8c: {  	s16 =	sshll.u32 s0, $0xA;
	s2 =	sadd.s32 s3, s2  }
0x8d: {  	s2 =	sadd.s32 s2, s16  }
0x8e: {  	[smem:$0x3FB6] =	sst s2  }
0x8f: {  	_ = 	snop  }
0x90: {  	(tm) =	ssettm $0x1  }
0x91: {  	s17 =	sld [smem:$0x3FFB];
	_ =	sdelay $0x3  }
0x92: {  	_ =	strace s17  }
0x93: {  	s2 =	sld [smem:$0x3FFC];
	_ =	sdelay $0x3  }
0x94: {  	_ =	strace s2  }
0x95: {  	s2 =	sld [smem:$0x3FFD];
	_ =	sdelay $0x3  }
0x96: {  	_ =	strace s2  }
0x97: {  	_ =	strace $0x8FFFFFFF  }
0x98: {  	s18 =	sld [smem:$0x3FDB];
	_ =	sdelay $0x1  }
0x99: {  	s19 =	simm.s32 $_scs_section_size  }
0x9a: {  	s4 =	simm.s32 $_size__tile_overlayer_lowered;
	s5 =	simm.s32 $_tile_overlayer_lowered  }
0x9b: {  	s22 =	simm.s32 $0x1BFF;
	s21 =	sshll.u32 s5, $0x1;
	s2 =	sadd.s32 s19, s18  }
0x9c: {  	s6 =	simm.s32 $0x0;
	s20 =	sshll.u32 s4, $0x1;
	s4 =	sadd.s32 s21, s2  }
0x9d: {  	[timem:s6], [sflag:s22] =	dma.local [hbm:s4], s20  }
0x9e: {  	_ =	swait.ge [sflag:s22], s20  }
0x9f: {  	s3 =	ssub.s32 $0x0, s20;
	[sflag:s22] =	ssyncset.done $0x0  }
0xa0: {  	[sflag:s22] =	ssyncadd.s32 s3;
	_ =	sdelay $0x1  }
0xa1: {  	s23 =	simm.s32 $0x1B8B  }
0xa2: {  	_ =	swait.ge [sflag:s23], $0x1  }
0xa3: {  	[sflag:s23] =	ssyncset.done $0x0  }
0xa4: {  	s25 =	simm.s32 $0x1B8E;
	s24 =	sld [smem:$0x3FFE];
	[sflag:s23] =	ssyncadd.s32 $0xFFFFFFFF  }
0xa5: {  	s26 =	simm.s32 $execute0_lowered;
	[smem:$0x3FD2] =	sst s25  }
0xa6: {  	s4 =	sshll.u32 s26, $0x1;
	_ =	strace $0x80000052;
	[dreg:$0x1] =	wrdreg $0xFFFFFFFF  }
0xa7: {  	s28 =	simm.s32 $_size_execute0_lowered;
	s2 =	sadd.s32 s2, s4;
	[dreg:$0x0] =	wrdreg $0x0  }
0xa8: {  	s4 =	sshll.u32 s28, $0x1;
	[dreg:$0x2] =	wrdreg s2  }
0xa9: {  	[dreg:$0x3] =	wrdreg s4  }
0xaa: {  	[dreg:$0x4] =	wrdreg $0xC0  }
0xab: {  	_ =	task [dreg:s6], $0x5FFFF  }
0xac: {  	[dreg:$0x1] =	wrdreg $0xFFFFFFFF  }
0xad: {  	[dreg:$0x0] =	wrdreg $0x60  }
0xae: {  	[dreg:$0x2] =	wrdreg s24  }
0xaf: {  	[dreg:$0x3] =	wrdreg $0x0  }
0xb0: {  	[dreg:$0x4] =	wrdreg $0x9  }
0xb1: {  	_ =	task.clear_ibuf [dreg:s6], $0x5FFFF;
	_ =	strace $0x90000052  }
0xb2: {  	s29 =	simm.s32 $0x9;
	_ =	strace $0x80000054  }
0xb3: {  	_ =	swait.ge [sflag:s29], $0x1  }
0xb4: {  	[sflag:s29] =	ssyncadd.s32 $0xFFFFFFFF  }
0xb5: {  	_ =	strace $0x90000054  }
0xb6: {  	_ =	sfence  }
0xb7: {  	s30 =	sld [smem:$0x0];
	_ =	sdelay $0x2  }
0xb8: {  	s31 =	sshll.u32 s1, $0xD;
	s1 =	sshrl.u32 s1, $0x2  }
0xb9: {  	s3 =	sand.u32 $0x4000, s31;
	s1 =	sadd.s32 s1, s30  }
0xba: {  	s0 =	sor.u32 s3, s0;
	s1 =	sshll.u32 s1, $0x11  }
0xbb: {  	s0 =	sor.u32 s1, s0  }
0xbc: {  	s0 =	sadd.s32 $0x8F2B, s0  }
0xbd: {  	[sflag:s0] =	ssyncadd.remote.s32 $0x1  }
0xbe: {  	_ =	sfence.sel $0xFFFF  }
0xbf: {  	[dreg:$0x0] =	wrdreg $0xFFFFFFFF;
	(pc) =	sbr.abs _section_cstart, $3  }
0xc0: {  	[dreg:$0x1] =	wrdreg $0xFFFFFFFF  }
0xc1: {  	_ =	task.clear_ibuf [dreg:s6], $0x2FFFF;
	_ =	strace $0x9FFFFFFF  }
0xc2: {  	(tm) =	ssettm $0x7FFFFFFF  }
0xc3: {  	_ =	shalt  }
tec
execute0_lowered:
.L_overlay_start_1:
0x0: {  	(tag) =	ssettag $0x1  }
0x1: {  	s0 =	rddreg [dreg:$0x0];
	s1 =	srdreg.scid  }
0x2: {  	s2 =	rddreg [dreg:$0x1];
	s28 =	stileid.u32;
	s3 =	simm.s32 $0x0  }
0x3: {  	s12 =	simm.s32 $0x80;
	s14 =	simm.s32 $0x2880;
	s15 =	simm.s32 $0x4900  }
0x4: {  	s16 =	simm.s32 $0x2900;
	s17 =	simm.s32 $0x5100;
	s18 =	simm.s32 $0x2980  }
0x5: {  	s19 =	simm.s32 $0x5900;
	s20 =	simm.s32 $0x2A00;
	s21 =	simm.s32 $0x6100  }
0x6: {  	s22 =	simm.s32 $0x1;
	s23 =	simm.s32 $0x2;
	s4 =	sand.u32 $0x1, s1  }
0x7: {  	s24 =	simm.s32 $0x0;
	s6 =	smul.u32 $0x2800, s28;
	s5 =	sshll.u32 s4, $0x4  }
0x8: {  	[smem:$0x7FF] =	sst s3;
	s31 =	sshll.u32 s28, $0x6;
	s9 =	sor.u32 s28, s5  }
0x9: {  	s4 =	ssub.s32 $0x2, s4;
	_ =	strace $0x80000053;
	s5 =	smul.u32 $0x320, s9  }
0xa: {  	s7 =	sshrl.u32 s6, $0x3;
	s10 =	sshrl.u32 s4, $0x1;
	s8 =	smul.u32 $0x3200, s9  }
.Ltmp0:
0xb: {  	s30 =	sadd.s32 s6, s2;
	s7 =	sadd.s32 s7, s0;
	(pc) =	sbr.rel .LBB2_1-.Ltmp0, $4  }
0xc: {  	s29 =	ssub.s32 s4, s10;
	p0 =	sgt.u32 s9, $0x18;
	s9 =	sshrl.u32 s30, $0x3  }
0xd: {  	s10 =	simm.s32 $0x3;
	s4 =	sadd.s32 $0x10400, s7;
	s11 =	sadd.s32 s5, s0  }
0xe: {  	s0 =	sadd.s32 s8, s0;
	s5 =	sor.u32 $0x1C03, s31;
	s8 =	smax.u32 s29, $0x1  }
0xf: {  	s6 =	sadd.s32 $0x6400, s11;
	s7 =	sadd.s32 $0x15400, s0;
	s11 =	simm.s32 $0x2800  }
.LBB2_4:
0x10: {  	s0 =	sor.u32 $0x4100, s30;
	s1 =	sadd.s32 $0x2A80, s31;
	[sflag:s23] =	ssyncadd.s32 $0xFFFFD800  }
0x11: {  	[tilespmem:s0], [sflag:$0x1] =	stream.indirect.gather [spmem:s2], $0x10, s1, s12, $0xb8;
	[tilespmem:$0x9100] =	vst v63  }
0x12: {  	s26 =	sadd.s32 $0x4900, s30;
	s13 =	sadd.s32 $0x2B00, s31  }
0x13: {  	[tilespmem:s26], [sflag:$0x1] =	stream.indirect.gather [spmem:s2], $0x10, s13, s12, $0xb8;
	[tilespmem:$0x9100] =	vst v63  }
0x14: {  	s28 =	sor.u32 $0x5100, s30;
	s29 =	sadd.s32 $0x2B80, s31  }
0x15: {  	[tilespmem:s28], [sflag:$0x1] =	stream.indirect.gather [spmem:s2], $0x10, s29, s12, $0xb8;
	[tilespmem:$0x9100] =	vst v63  }
0x16: {  	s13 =	sadd.s32 $0x5900, s30;
	s26 =	sadd.s32 $0x2C00, s31  }
0x17: {  	[tilespmem:s13], [sflag:$0x1] =	stream.indirect.gather [spmem:s2], $0x10, s26, s12, $0xb8;
	[tilespmem:$0x9100] =	vst v63  }
0x18: {  	s28 =	sadd.s32 $0x6100, s30;
	s29 =	sadd.s32 $0x2C80, s31  }
0x19: {  	[tilespmem:s28], [sflag:$0x1] =	stream.indirect.gather [spmem:s2], $0x10, s29, s12, $0xb8;
	[tilespmem:$0x9100] =	vst v63  }
0x1a: {  	_ =	swait.ge [sflag:s22], $0x800  }
0x1b: {  	[sflag:s22] =	ssyncset.done $0x0  }
0x1c: {  	[sflag:s22] =	ssyncadd.s32 $0xFFFFF800  }
0x1d: {  	_ =	swait.ge [sflag:s22], $0x800  }
0x1e: {  	[sflag:s22] =	ssyncset.done $0x0  }
0x1f: {  	[sflag:s22] =	ssyncadd.s32 $0xFFFFF800  }
0x20: {  	_ =	swait.ge [sflag:s22], $0x800  }
0x21: {  	[sflag:s22] =	ssyncset.done $0x0  }
0x22: {  	[sflag:s22] =	ssyncadd.s32 $0xFFFFF800  }
0x23: {  	_ =	swait.ge [sflag:s22], $0x800  }
0x24: {  	[sflag:s22] =	ssyncset.done $0x0  }
0x25: {  	[sflag:s22] =	ssyncadd.s32 $0xFFFFF800  }
0x26: {  	_ =	swait.ge [sflag:s22], $0x800  }
0x27: {  	s1 =	simm.s32 $0x4100;
	[sflag:s22] =	ssyncset.done $0x0  }
0x28: {  	s1 =	simm.s32 @!p1 $0x6900;
	s30 =	sadd.s32 s25, s7;
	[sflag:s22] =	ssyncadd.s32 $0xFFFFF800  }
0x29: {  	[hbm4b:s30+s3] =	stream.linear.scatter [tilespmem:s1], [sflag:$0x2], $0x2800, $0x38;
	[tilespmem:$0x9100] =	vst v63  }
0x2a: {  	_ =	swait.ge [sflag:s23], $0x2800  }
0x2b: {  	[sflag:s23] =	ssyncset.done $0x0  }
0x2c: {  	[sflag:s23] =	ssyncadd.s32 $0xFFFFD800  }
0x2d: {  	_ =	swait.ge [sflag:s22], $0x800  }
0x2e: {  	[sflag:s22] =	ssyncset.done $0x0  }
0x2f: {  	[sflag:s22] =	ssyncadd.s32 $0xFFFFF800  }
0x30: {  	_ =	swait.ge [sflag:s22], $0x800  }
0x31: {  	[sflag:s22] =	ssyncset.done $0x0  }
0x32: {  	[sflag:s22] =	ssyncadd.s32 $0xFFFFF800  }
0x33: {  	_ =	swait.ge [sflag:s22], $0x800  }
0x34: {  	[sflag:s22] =	ssyncset.done $0x0  }
0x35: {  	[sflag:s22] =	ssyncadd.s32 $0xFFFFF800  }
0x36: {  	_ =	swait.ge [sflag:s22], $0x800  }
0x37: {  	[sflag:s22] =	ssyncset.done $0x0  }
0x38: {  	[sflag:s22] =	ssyncadd.s32 $0xFFFFF800  }
0x39: {  	_ =	swait.ge [sflag:s22], $0x800  }
0x3a: {  	s31 =	sadd.s32 $0x500, s25;
	[sflag:s22] =	ssyncset.done $0x0  }
0x3b: {  	s1 =	sadd.s32 s31, s7;
	[sflag:s22] =	ssyncadd.s32 $0xFFFFF800  }
0x3c: {  	[hbm4b:s1+s3] =	stream.linear.scatter [tilespmem:s0], [sflag:$0x2], $0x2800, $0x38;
	[tilespmem:$0x9100] =	vst v63  }
0x3d: {  	_ =	swait.ge [sflag:s23], $0x2800  }
0x3e: {  	[sflag:s23] =	ssyncset.done $0x0  }
0x3f: {  	[sflag:s23] =	ssyncadd.s32 $0xFFFFD800  }
.LBB2_5:
0x40: {  	s24 =	sadd.s32 $0x1, s24  }
0x41: {  	p1 =	sne.s32 s24, s8  }
.Ltmp1:
0x42: {  	_ = 	snop;
	(pc) =	sbr.rel @!p1 .LBB2_6-.Ltmp1, $1  }
0x43: {  	_ =	sdelay $0x3  }
.LBB2_1:
0x44: {  	[spmem:s9], [sflag:s5] =	dma.local [hbm:s4], $0x500  }
.Ltmp2:
0x45: {  	_ =	swait.ge [sflag:s10], $0x500;
	(pc) =	sbr.rel @p0 .LBB2_5-.Ltmp2, $3  }
0x46: {  	[sflag:s10] =	ssyncset.done $0x0  }
0x47: {  	[sflag:s10] =	ssyncadd.s32 $0xFFFFFB00  }
0x48: {  	[bflag:$0x0] =	sbarrier.arrive $0xFFFF;
	_ =	sdelay $0x1  }
0x49: {  	s0 =	simm.s32 $0x0  }
0x4a: {  	[tilespmem:s11], [sflag:$0x3] =	stream.linear.gather [hbm4b:s6+s0], $0x1900, $0x38;
	[tilespmem:$0x9100] =	vst v63  }
0x4b: {  	_ =	swait.ge [sflag:s10], $0x1900  }
0x4c: {  	[sflag:s10] =	ssyncset.done $0x0  }
0x4d: {  	s13 =	simm.s32 $0x4100;
	[sflag:s10] =	ssyncadd.s32 $0xFFFFE700  }
0x4e: {  	[tilespmem:s13], [sflag:$0x1] =	stream.indirect.gather [spmem:s2], $0x10, s11, s12, $0xb8;
	[tilespmem:$0x9100] =	vst v63  }
0x4f: {  	s25 =	simm.s32 $0x1  }
0x50: {  	[tilespmem:s15], [sflag:$0x1] =	stream.indirect.gather [spmem:s2], $0x10, s14, s12, $0xb8;
	[tilespmem:$0x9100] =	vst v63  }
0x51: {  	s0 =	sand.u32 $0x1, s25  }
0x52: {  	[tilespmem:s17], [sflag:$0x1] =	stream.indirect.gather [spmem:s2], $0x10, s16, s12, $0xb8;
	[tilespmem:$0x9100] =	vst v63  }
0x53: {  	p1 =	seq.s32 s0, $0x1;
	s0 =	simm.s32 $0x2800  }
0x54: {  	[tilespmem:s19], [sflag:$0x1] =	stream.indirect.gather [spmem:s2], $0x10, s18, s12, $0xb8;
	[tilespmem:$0x9100] =	vst v63  }
0x55: {  	s0 =	simm.s32 @!p1 $0x0  }
0x56: {  	[tilespmem:s21], [sflag:$0x1] =	stream.indirect.gather [spmem:s2], $0x10, s20, s12, $0xb8;
	[tilespmem:$0x9100] =	vst v63  }
0x57: {  	s26 =	simm.s32 $0x2A80;
	s25 =	sor.u32 $0x4100, s0  }
0x58: {  	[tilespmem:s25], [sflag:$0x1] =	stream.indirect.gather [spmem:s2], $0x10, s26, s12, $0xb8;
	[tilespmem:$0x9100] =	vst v63  }
0x59: {  	s28 =	simm.s32 $0x2B00;
	s26 =	sadd.s32 $0x4900, s0  }
0x5a: {  	[tilespmem:s26], [sflag:$0x1] =	stream.indirect.gather [spmem:s2], $0x10, s28, s12, $0xb8;
	[tilespmem:$0x9100] =	vst v63  }
0x5b: {  	s1 =	sor.u32 $0x5100, s0;
	s13 =	simm.s32 $0x2B80  }
0x5c: {  	[tilespmem:s1], [sflag:$0x1] =	stream.indirect.gather [spmem:s2], $0x10, s13, s12, $0xb8;
	[tilespmem:$0x9100] =	vst v63  }
0x5d: {  	s26 =	sadd.s32 $0x5900, s0;
	s28 =	simm.s32 $0x2C00  }
0x5e: {  	[tilespmem:s26], [sflag:$0x1] =	stream.indirect.gather [spmem:s2], $0x10, s28, s12, $0xb8;
	[tilespmem:$0x9100] =	vst v63  }
0x5f: {  	s0 =	sadd.s32 $0x6100, s0;
	s1 =	simm.s32 $0x2C80  }
0x60: {  	[tilespmem:s0], [sflag:$0x1] =	stream.indirect.gather [spmem:s2], $0x10, s1, s12, $0xb8;
	[tilespmem:$0x9100] =	vst v63  }
0x61: {  	_ =	swait.ge [sflag:s22], $0x800  }
0x62: {  	[sflag:s22] =	ssyncset.done $0x0  }
0x63: {  	[sflag:s22] =	ssyncadd.s32 $0xFFFFF800  }
0x64: {  	_ =	swait.ge [sflag:s22], $0x800  }
0x65: {  	[sflag:s22] =	ssyncset.done $0x0  }
0x66: {  	[sflag:s22] =	ssyncadd.s32 $0xFFFFF800  }
0x67: {  	_ =	swait.ge [sflag:s22], $0x800  }
0x68: {  	[sflag:s22] =	ssyncset.done $0x0  }
0x69: {  	[sflag:s22] =	ssyncadd.s32 $0xFFFFF800  }
0x6a: {  	_ =	swait.ge [sflag:s22], $0x800  }
0x6b: {  	[sflag:s22] =	ssyncset.done $0x0  }
0x6c: {  	s29 =	simm.s32 $0x1400;
	[sflag:s22] =	ssyncadd.s32 $0xFFFFF800  }
0x6d: {  	s30 =	simm.s32 $0x2800;
	s25 =	simm.s32 $0x4100;
	_ =	swait.ge [sflag:s22], $0x800  }
0x6e: {  	s25 =	simm.s32 @!p1 $0x6900;
	s26 =	simm.s32 $0x2;
	[sflag:s22] =	ssyncset.done $0x0  }
0x6f: {  	s13 =	sadd.s32 $0x0, s7;
	s28 =	sand.u32 $0x1, s26;
	[sflag:s22] =	ssyncadd.s32 $0xFFFFF800  }
0x70: {  	[hbm4b:s13+s3] =	stream.linear.scatter [tilespmem:s25], [sflag:$0x2], $0x2800, $0x38;
	[tilespmem:$0x9100] =	vst v63  }
0x71: {  	s31 =	simm.s32 $0x280;
	p1 =	seq.s32 s28, $0x1;
	_ =	swait.ge [sflag:s23], $0x2800  }
0x72: {  	s30 =	simm.s32 @!p1 $0x0;
	s25 =	simm.s32 $0x500;
	[sflag:s23] =	ssyncset.done $0x0  }
.LBB2_3:
0x73: {  	s0 =	sor.u32 $0x4100, s30  }
0x74: {  	s1 =	sadd.s32 $0x2A80, s31;
	[sflag:s23] =	ssyncadd.s32 $0xFFFFD800;
	s28 =	smov.u32 s29  }
0x75: {  	[tilespmem:s0], [sflag:$0x1] =	stream.indirect.gather [spmem:s2], $0x10, s1, s12, $0xb8;
	[tilespmem:$0x9100] =	vst v63  }
0x76: {  	s13 =	sadd.s32 $0x2B00, s31;
	s0 =	sadd.s32 $0xA00, s29;
	s1 =	sadd.s32 $0x4900, s30  }
0x77: {  	[tilespmem:s1], [sflag:$0x1] =	stream.indirect.gather [spmem:s2], $0x10, s13, s12, $0xb8;
	[tilespmem:$0x9100] =	vst v63  }
0x78: {  	p2 =	sne.s32 s29, $0x5000;
	s1 =	sor.u32 $0x5100, s30;
	s13 =	sadd.s32 $0x2B80, s31  }
0x79: {  	[tilespmem:s1], [sflag:$0x1] =	stream.indirect.gather [spmem:s2], $0x10, s13, s12, $0xb8;
	[tilespmem:$0x9100] =	vst v63  }
0x7a: {  	s1 =	sadd.s32 $0x5900, s30;
	s13 =	sadd.s32 $0x2C00, s31  }
0x7b: {  	[tilespmem:s1], [sflag:$0x1] =	stream.indirect.gather [spmem:s2], $0x10, s13, s12, $0xb8;
	[tilespmem:$0x9100] =	vst v63  }
0x7c: {  	s1 =	sadd.s32 $0x6100, s30;
	s13 =	sadd.s32 $0x2C80, s31  }
0x7d: {  	[tilespmem:s1], [sflag:$0x1] =	stream.indirect.gather [spmem:s2], $0x10, s13, s12, $0xb8;
	[tilespmem:$0x9100] =	vst v63  }
0x7e: {  	_ =	swait.ge [sflag:s22], $0x800  }
0x7f: {  	[sflag:s22] =	ssyncset.done $0x0  }
0x80: {  	[sflag:s22] =	ssyncadd.s32 $0xFFFFF800  }
0x81: {  	_ =	swait.ge [sflag:s22], $0x800  }
0x82: {  	[sflag:s22] =	ssyncset.done $0x0  }
0x83: {  	[sflag:s22] =	ssyncadd.s32 $0xFFFFF800  }
0x84: {  	_ =	swait.ge [sflag:s22], $0x800  }
0x85: {  	[sflag:s22] =	ssyncset.done $0x0  }
0x86: {  	[sflag:s22] =	ssyncadd.s32 $0xFFFFF800  }
0x87: {  	_ =	swait.ge [sflag:s22], $0x800  }
0x88: {  	[sflag:s22] =	ssyncset.done $0x0  }
0x89: {  	s26 =	sadd.s32 $0x1, s26;
	s29 =	simm.s32 $0x4100;
	[sflag:s22] =	ssyncadd.s32 $0xFFFFF800  }
0x8a: {  	s29 =	simm.s32 @!p1 $0x6900;
	s1 =	sadd.s32 s25, s7;
	_ =	swait.ge [sflag:s22], $0x800  }
.Ltmp3:
0x8b: {  	s30 =	simm.s32 $0x2800;
	[sflag:s22] =	ssyncset.done $0x0;
	(pc) =	sbr.rel @p2 .LBB2_3-.Ltmp3, $4  }
0x8c: {  	s31 =	sshra.s32 s28, $0x2;
	s13 =	sand.u32 $0x1, s26;
	[sflag:s22] =	ssyncadd.s32 $0xFFFFF800  }
0x8d: {  	[hbm4b:s1+s3] =	stream.linear.scatter [tilespmem:s29], [sflag:$0x2], $0x2800, $0x38;
	[tilespmem:$0x9100] =	vst v63  }
0x8e: {  	s25 =	sadd.s32 $0x500, s25;
	p1 =	seq.s32 s13, $0x1;
	_ =	swait.ge [sflag:s23], $0x2800  }
0x8f: {  	s30 =	simm.s32 @!p1 $0x0;
	s29 =	smov.u32 s0;
	[sflag:s23] =	ssyncset.done $0x0  }
.Ltmp4:
0x90: {  	_ = 	snop;
	(pc) =	sbr.rel .LBB2_4-.Ltmp4, $1  }
0x91: {  	_ =	sdelay $0x3  }
.LBB2_6:
0x92: {  	_ =	sfence.sel $0x180000  }
0x93: {  	[bflag:$0x0] =	sbarrier.arrive $0xFFFF  }
0x94: {  	_ =	strace $0x90000053  }
0x95: {  	s0 =	stileid.u32;
	[bflag:$0x2] =	sbarrier.arrive $0xFFFF  }
0x96: {  	p0 =	sne.s32 s0, $0x0;
	s0 =	rddreg [dreg:$0x2]  }
0x97: {  	s0 =	sadd.s32 @!p0 $0x100000, s0  }
0x98: {  	[sflag:s0] =	ssyncadd.tile.s32 @!p0 $0x1;
	_ =	shalt  }
.Lfunc_end2:
_tile_overlayer_lowered:
.L_overlay_start_2:
0x99: {  	(tag) =	ssettag $0x2  }
0x9a: {  	s0 =	rddreg [dreg:$0x0];
	s2 =	stileid.u32  }
0x9b: {  	s1 =	rddreg [dreg:$0x1];
	p0 =	sne.s32 s2, $0x0  }
0x9c: {  	s3 =	rddreg [dreg:$0x2];
	[bflag:$0x3] =	sbarrier.arrive $0xFFFF;
	s2 =	simm.s32 @!p0 $0x1C03  }
0x9d: {  	[timem:s3], [sflag:s2] =	dma.local @!p0 [hbm:s0], s1  }
0x9e: {  	s0 =	simm.s32 @!p0 $0x3  }
0x9f: {  	_ =	swait.ge @!p0 [sflag:s0], s1  }
0xa0: {  	s1 =	ssub.s32 @!p0 $0x0, s1;
	[sflag:s0] =	ssyncset.done @!p0 $0x0  }
0xa1: {  	[sflag:s0] =	ssyncadd.s32 @!p0 s1  }
0xa2: {  	[bflag:$0x3] =	sbarrier.arrive $0xFFFF  }
0xa3: {  	_ =	shalt  }

// kernel: kernel.31.cloned.1.call-start
scs
__scs_entry_jumppad:
0x0: {  	(pc) =	sbr.rel $0x88, $3  }
0x1: {  	(tag) =	ssettag $0x0;
	lr =	simm.s32 $0x1  }
0x2: {  	[smem:$0x3F8F] =	sst lr;
	_ =	strace $0xD0000000  }
0x3: {  	_ = 	snop  }
0x4: {  	_ = 	snop  }
0x5: {  	_ = 	snop  }
0x6: {  	_ = 	snop  }
0x7: {  	_ = 	snop  }
__scs_overlays_trampoline_lowered:
0x8: {  	[smem:$0x3F9E] =	sst s0  }
0x9: {  	[smem:$0x3F9F] =	sst s1  }
0xa: {  	[smem:$0x3FA0] =	sst s2  }
0xb: {  	[smem:$0x3FA1] =	sst s3  }
0xc: {  	[smem:$0x3FA2] =	sst s4  }
0xd: {  	[smem:$0x3FA3] =	sst s5  }
0xe: {  	[smem:$0x3FA4] =	sst s6  }
0xf: {  	[smem:$0x3FA5] =	sst s7  }
0x10: {  	[smem:$0x3FA6] =	sst s8  }
0x11: {  	[smem:$0x3FA7] =	sst s9;
	s0 =	simm.s32 @!p0 $0x0  }
0x12: {  	s1 =	sld [smem:$0x3F8D];
	s0 =	simm.s32 @p0 $0x1  }
0x13: {  	[smem:$0x3FA8] =	sst s0;
	s0 =	simm.s32 @!p1 $0x0  }
0x14: {  	s2 =	sld [smem:$0x3F8C];
	s0 =	simm.s32 @p1 $0x1  }
0x15: {  	[smem:$0x3FA9] =	sst s0;
	s0 =	simm.s32 @!p2 $0x0  }
0x16: {  	s3 =	sld [smem:$0x3FDB];
	s0 =	simm.s32 @p2 $0x1  }
0x17: {  	s4 =	simm.s32 $0x1BF5;
	[smem:$0x3FAB] =	sst s0  }
0x18: {  	s0 =	sld [smem:$0x3F8E];
	_ =	swait.ge [sflag:s4], $0x0  }
0x19: {  	s7 =	sld [smem:$0x3F8F]  }
0x1a: {  	s8 =	sadd.s32 $0xFFFFE003, lr  }
0x1b: {  	s9 =	sadd.s32 $0xFFFFFEF7, lr;
	s5 =	simm.s32 $0xFFFFFFFF;
	p2 =	slt.u32 s8, $0xFFFFF086  }
0x1c: {  	p1 =	slt.u32 s9, $0xF7A;
	s5 =	simm.s32 @!p2 $0x0  }
0x1d: {  	s5 =	simm.s32 @p1 $0x1;
	p0 =	seq.s32 s7, s2  }
0x1e: {  	s7 =	smul.u32 @!p0 $0xF7A, s2;
	p2 =	seq.s32 @!p0 s5, $0x0  }
0x1f: {  	s9 =	smul.u32 $0xF7A, s1;
	s8 =	simm.s32 @!p0 $0x1BF5;
	p2 =	por !p2, p0  }
0x20: {  	[sflag:s8] =	ssyncset.s32 @!p0 $0xFFFFF086;
	s6 =	sadd.s32 @!p0 s3, s7;
	s7 =	simm.s32 @!p0 $0x108  }
0x21: {  	s3 =	sadd.s32 s3, s9;
	s6 =	sadd.s32 @!p0 $0x88, s6;
	s7 =	simm.s32 @p2 $0x1082  }
0x22: {  	[simem:s7], [sflag:s8] =	dma.local @!p0 [hbm:s6], $0xF7A  }
0x23: {  	s9 =	sor.u32 $0xD0000000, s2;
	s6 =	simm.s32 $0x108;
	_ =	swait.ge @!p0 [sflag:s8], $0x0  }
0x24: {  	s3 =	sadd.s32 $0x88, s3;
	s6 =	simm.s32 @!p1 $0x1082;
	[sflag:s4] =	ssyncset.s32 $0xFFFFF086  }
0x25: {  	[simem:s6], [sflag:s4] =	dma.local [hbm:s3], $0xF7A  }
0x26: {  	[smem:$0x3F8F] =	sst s1;
	(tag) =	ssettag s2;
	_ =	strace s9  }
0x27: {  	s1 =	sld [smem:$0x3F9F]  }
0x28: {  	s2 =	sld [smem:$0x3FA0]  }
0x29: {  	s4 =	sld [smem:$0x3FA2]  }
0x2a: {  	p0 =	seq.s32 s5, $0x0;
	s5 =	sld [smem:$0x3FA3]  }
0x2b: {  	s6 =	sld [smem:$0x3FA4]  }
0x2c: {  	s7 =	sld [smem:$0x3FA5]  }
0x2d: {  	s3 =	simm.s32 $0x108;
	s8 =	sld [smem:$0x3FA6]  }
0x2e: {  	s3 =	simm.s32 @!p0 $0x1082;
	s9 =	sld [smem:$0x3FA7]  }
0x2f: {  	lr =	sadd.s32 s0, s3;
	s0 =	sld [smem:$0x3F9E]  }
0x30: {  	s3 =	sld [smem:$0x3FA1]  }
0x31: {  	[smem:$0x3FAA] =	sst s10  }
0x32: {  	s10 =	sld [smem:$0x3FA8];
	_ =	sdelay $0x3  }
0x33: {  	p0 =	seq.s32 s10, $0x1;
	s10 =	sld [smem:$0x3FAA];
	_ =	sdelay $0x3  }
0x34: {  	[smem:$0x3FAA] =	sst s10  }
0x35: {  	s10 =	sld [smem:$0x3FA9];
	_ =	sdelay $0x3  }
0x36: {  	p1 =	seq.s32 s10, $0x1;
	s10 =	sld [smem:$0x3FAA];
	_ =	sdelay $0x3  }
0x37: {  	[smem:$0x3FAA] =	sst s10  }
0x38: {  	s10 =	sld [smem:$0x3FAB]  }
0x39: {  	_ = 	snop;
	(pc) =	sbr.ind lr, $3  }
0x3a: {  	_ = 	snop  }
0x3b: {  	_ = 	snop  }
0x3c: {  	p2 =	seq.s32 s10, $0x1;
	s10 =	sld [smem:$0x3FAA]  }
0x3d: {  	_ =	shalt  }
0x3e: {  	_ =	shalt  }
0x3f: {  	_ =	shalt  }
0x40: {  	_ =	shalt  }
0x41: {  	_ =	shalt  }
0x42: {  	_ =	shalt  }
0x43: {  	_ =	shalt  }
0x44: {  	_ =	shalt  }
0x45: {  	_ =	shalt  }
0x46: {  	_ =	shalt  }
0x47: {  	_ =	shalt  }
0x48: {  	_ =	shalt  }
0x49: {  	_ =	shalt  }
0x4a: {  	_ =	shalt  }
0x4b: {  	_ =	shalt  }
0x4c: {  	_ =	shalt  }
0x4d: {  	_ =	shalt  }
0x4e: {  	_ =	shalt  }
0x4f: {  	_ =	shalt  }
0x50: {  	_ =	shalt  }
0x51: {  	_ =	shalt  }
0x52: {  	_ =	shalt  }
0x53: {  	_ =	shalt  }
0x54: {  	_ =	shalt  }
0x55: {  	_ =	shalt  }
0x56: {  	_ =	shalt  }
0x57: {  	_ =	shalt  }
0x58: {  	_ =	shalt  }
0x59: {  	_ =	shalt  }
0x5a: {  	_ =	shalt  }
0x5b: {  	_ =	shalt  }
0x5c: {  	_ =	shalt  }
0x5d: {  	_ =	shalt  }
0x5e: {  	_ =	shalt  }
0x5f: {  	_ =	shalt  }
0x60: {  	_ =	shalt  }
0x61: {  	_ =	shalt  }
0x62: {  	_ =	shalt  }
0x63: {  	_ =	shalt  }
0x64: {  	_ =	shalt  }
0x65: {  	_ =	shalt  }
0x66: {  	_ =	shalt  }
0x67: {  	_ =	shalt  }
0x68: {  	_ =	shalt  }
0x69: {  	_ =	shalt  }
0x6a: {  	_ =	shalt  }
0x6b: {  	_ =	shalt  }
0x6c: {  	_ =	shalt  }
0x6d: {  	_ =	shalt  }
0x6e: {  	_ =	shalt  }
0x6f: {  	_ =	shalt  }
0x70: {  	_ =	shalt  }
0x71: {  	_ =	shalt  }
0x72: {  	_ =	shalt  }
0x73: {  	_ =	shalt  }
0x74: {  	_ =	shalt  }
0x75: {  	_ =	shalt  }
0x76: {  	_ =	shalt  }
0x77: {  	_ =	shalt  }
0x78: {  	_ =	shalt  }
0x79: {  	_ =	shalt  }
0x7a: {  	_ =	shalt  }
0x7b: {  	_ =	shalt  }
0x7c: {  	_ =	shalt  }
0x7d: {  	_ =	shalt  }
0x7e: {  	_ =	shalt  }
0x7f: {  	_ =	shalt  }
0x80: {  	_ =	shalt  }
0x81: {  	_ =	shalt  }
0x82: {  	_ =	shalt  }
0x83: {  	_ =	shalt  }
0x84: {  	_ =	shalt  }
0x85: {  	_ =	shalt  }
0x86: {  	_ =	shalt  }
0x87: {  	_ =	shalt  }
.Lfunc_end0:
.L_simem_size_0:
called_computation.5_lowered:
.L_overlay_start_0:
0x88: {  	s2 =	sld [smem:$0x3FD9]  }
0x89: {  	s3 =	sld [smem:$0x3FFE];
	_ =	sdelay $0x1  }
0x8a: {  	s1 =	srdreg.scid  }
0x8b: {  	s0 =	sand.u32 $0x1, s1  }
0x8c: {  	s16 =	sshll.u32 s0, $0xA;
	s2 =	sadd.s32 s3, s2  }
0x8d: {  	s2 =	sadd.s32 s2, s16  }
0x8e: {  	[smem:$0x3FB6] =	sst s2  }
0x8f: {  	_ = 	snop  }
0x90: {  	(tm) =	ssettm $0x1  }
0x91: {  	s17 =	sld [smem:$0x3FFB];
	_ =	sdelay $0x3  }
0x92: {  	_ =	strace s17  }
0x93: {  	s2 =	sld [smem:$0x3FFC];
	_ =	sdelay $0x3  }
0x94: {  	_ =	strace s2  }
0x95: {  	s2 =	sld [smem:$0x3FFD];
	_ =	sdelay $0x3  }
0x96: {  	_ =	strace s2  }
0x97: {  	_ =	strace $0x8FFFFFFF  }
0x98: {  	s18 =	sld [smem:$0x3FDB];
	_ =	sdelay $0x1  }
0x99: {  	s19 =	simm.s32 $_scs_section_size  }
0x9a: {  	s4 =	simm.s32 $_size__tile_overlayer_lowered;
	s5 =	simm.s32 $_tile_overlayer_lowered  }
0x9b: {  	s22 =	simm.s32 $0x1BFF;
	s21 =	sshll.u32 s5, $0x1;
	s2 =	sadd.s32 s19, s18  }
0x9c: {  	s6 =	simm.s32 $0x0;
	s20 =	sshll.u32 s4, $0x1;
	s4 =	sadd.s32 s21, s2  }
0x9d: {  	[timem:s6], [sflag:s22] =	dma.local [hbm:s4], s20  }
0x9e: {  	_ =	swait.ge [sflag:s22], s20  }
0x9f: {  	s3 =	ssub.s32 $0x0, s20;
	[sflag:s22] =	ssyncset.done $0x0  }
0xa0: {  	[sflag:s22] =	ssyncadd.s32 s3;
	_ =	sdelay $0x1  }
0xa1: {  	s23 =	simm.s32 $0x1B8B  }
0xa2: {  	_ =	swait.ge [sflag:s23], $0x1  }
0xa3: {  	[sflag:s23] =	ssyncset.done $0x0  }
0xa4: {  	s25 =	simm.s32 $0x1B8E;
	s24 =	sld [smem:$0x3FFE];
	[sflag:s23] =	ssyncadd.s32 $0xFFFFFFFF  }
0xa5: {  	s26 =	simm.s32 $execute0_lowered;
	[smem:$0x3FD2] =	sst s25  }
0xa6: {  	s4 =	sshll.u32 s26, $0x1;
	_ =	strace $0x80000055;
	[dreg:$0x1] =	wrdreg $0xFFFFFFFF  }
0xa7: {  	s28 =	simm.s32 $_size_execute0_lowered;
	s2 =	sadd.s32 s2, s4;
	[dreg:$0x0] =	wrdreg $0x0  }
0xa8: {  	s4 =	sshll.u32 s28, $0x1;
	[dreg:$0x2] =	wrdreg s2  }
0xa9: {  	[dreg:$0x3] =	wrdreg s4  }
0xaa: {  	[dreg:$0x4] =	wrdreg $0xC0  }
0xab: {  	_ =	task [dreg:s6], $0x5FFFF  }
0xac: {  	[dreg:$0x1] =	wrdreg $0xFFFFFFFF  }
0xad: {  	[dreg:$0x0] =	wrdreg $0x60  }
0xae: {  	[dreg:$0x2] =	wrdreg s24  }
0xaf: {  	[dreg:$0x3] =	wrdreg $0x0  }
0xb0: {  	[dreg:$0x4] =	wrdreg $0x9  }
0xb1: {  	_ =	task.clear_ibuf [dreg:s6], $0x5FFFF;
	_ =	strace $0x90000055  }
0xb2: {  	s29 =	simm.s32 $0x9;
	_ =	strace $0x80000057  }
0xb3: {  	_ =	swait.ge [sflag:s29], $0x1  }
0xb4: {  	[sflag:s29] =	ssyncadd.s32 $0xFFFFFFFF  }
0xb5: {  	_ =	strace $0x90000057  }
0xb6: {  	_ =	sfence  }
0xb7: {  	s30 =	sld [smem:$0x0];
	_ =	sdelay $0x2  }
0xb8: {  	s31 =	sshll.u32 s1, $0xD;
	s1 =	sshrl.u32 s1, $0x2  }
0xb9: {  	s3 =	sand.u32 $0x4000, s31;
	s1 =	sadd.s32 s1, s30  }
0xba: {  	s0 =	sor.u32 s3, s0;
	s1 =	sshll.u32 s1, $0x11  }
0xbb: {  	s0 =	sor.u32 s1, s0  }
0xbc: {  	s0 =	sadd.s32 $0x8F2B, s0  }
0xbd: {  	[sflag:s0] =	ssyncadd.remote.s32 $0x1  }
0xbe: {  	_ =	sfence.sel $0xFFFF  }
0xbf: {  	[dreg:$0x0] =	wrdreg $0xFFFFFFFF;
	(pc) =	sbr.abs _section_cstart, $3  }
0xc0: {  	[dreg:$0x1] =	wrdreg $0xFFFFFFFF  }
0xc1: {  	_ =	task.clear_ibuf [dreg:s6], $0x2FFFF;
	_ =	strace $0x9FFFFFFF  }
0xc2: {  	(tm) =	ssettm $0x7FFFFFFF  }
0xc3: {  	_ =	shalt  }
tec
execute0_lowered:
.L_overlay_start_1:
0x0: {  	(tag) =	ssettag $0x1  }
0x1: {  	s0 =	srdreg.scid;
	s4 =	rddreg [dreg:$0x0]  }
0x2: {  	s2 =	rddreg [dreg:$0x1];
	s13 =	simm.s32 $0x3;
	s14 =	simm.s32 $0x2800  }
0x3: {  	s15 =	simm.s32 $0x4100;
	s16 =	simm.s32 $0x2;
	s17 =	simm.s32 $0x80  }
0x4: {  	s28 =	simm.s32 $0x6100;
	s29 =	simm.s32 $0x1;
	s1 =	sand.u32 $0x1, s0  }
0x5: {  	s30 =	simm.s32 $0x0;
	s0 =	stileid.u32;
	s7 =	smul.u32 $0x5000, s1  }
0x6: {  	s3 =	sshll.u32 s1, $0x4;
	s1 =	ssub.s32 $0x2, s1;
	s25 =	smul.u32 $0xA000, s0  }
0x7: {  	s9 =	smul.u32 $0x2800, s0;
	s12 =	sor.u32 s0, s3;
	s3 =	simm.s32 $0x0  }
0x8: {  	s26 =	sshrl.u32 s1, $0x1;
	s5 =	smul.u32 $0x3200, s12;
	[smem:$0x7FF] =	sst s3  }
0x9: {  	s6 =	smul.u32 $0x320, s12;
	s7 =	sadd.s32 s7, s4;
	s1 =	ssub.s32 s1, s26  }
0xa: {  	s31 =	sshrl.u32 s25, $0x2;
	s19 =	sshrl.u32 s9, $0x3;
	s20 =	sadd.s32 s9, s2  }
0xb: {  	p0 =	sgt.u32 s12, $0x18;
	s12 =	simm.s32 $0x9100;
	s26 =	simm.s32 $0x2A00  }
.Ltmp0:
0xc: {  	_ =	strace $0x80000056;
	s18 =	sadd.s32 $0x63600, s7;
	(pc) =	sbr.rel .LBB2_1-.Ltmp0, $4  }
0xd: {  	s7 =	smax.u32 s1, $0x1;
	s25 =	sshrl.u32 s20, $0x3;
	s8 =	sadd.s32 s5, s4  }
0xe: {  	s6 =	sadd.s32 s6, s4;
	s4 =	sadd.s32 s31, s2;
	s23 =	sadd.s32 s19, s18  }
0xf: {  	s5 =	sadd.s32 $0xB400, s6;
	s6 =	sadd.s32 $0x15400, s8;
	s8 =	sadd.s32 $0x800, s4  }
0x10: {  	v0 =	vimm.f32 $0.0e+00;
	s9 =	sadd.s32 $0x1000, s4;
	s10 =	sadd.s32 $0x1800, s4;
	s11 =	sadd.s32 $0x2000, s4  }
.LBB2_6:
0x11: {  	s18 =	sor.u32 $0x4100, s20;
	[sflag:s29] =	ssyncadd.s32 $0xFFFFF800;
	s19 =	sadd.s32 $0x500, s31  }
0x12: {  	[tilespmem:s18], [sflag:$0x2] =	stream.linear.gather [hbm4b:s19+s3], $0x2800, $0x38;
	[tilespmem:$0x9900] =	vst v63  }
0x13: {  	_ =	swait.ge [sflag:s16], $0x2800  }
0x14: {  	s1 =	sshra.s32 s1, $0x2;
	[sflag:s16] =	ssyncset.done $0x0  }
0x15: {  	s22 =	sadd.s32 $0x2A80, s1;
	[sflag:s16] =	ssyncadd.s32 $0xFFFFD800  }
0x16: {  	[spmem:s2] =	stream.indirect.scatter.add.f32 [tilespmem:s18], [sflag:$0x1], $0x10, s22, s17, $0xb8;
	[tilespmem:$0x9900] =	vst v63  }
0x17: {  	s24 =	sadd.s32 $0x4900, s20;
	s31 =	sadd.s32 $0x2B00, s1  }
0x18: {  	[spmem:s2] =	stream.indirect.scatter.add.f32 [tilespmem:s24], [sflag:$0x1], $0x10, s31, s17, $0xb8;
	[tilespmem:$0x9900] =	vst v63  }
0x19: {  	s19 =	sor.u32 $0x5100, s20;
	s21 =	sadd.s32 $0x2B80, s1  }
0x1a: {  	[spmem:s2] =	stream.indirect.scatter.add.f32 [tilespmem:s19], [sflag:$0x1], $0x10, s21, s17, $0xb8;
	[tilespmem:$0x9900] =	vst v63  }
0x1b: {  	s22 =	sadd.s32 $0x5900, s20;
	s24 =	sadd.s32 $0x2C00, s1  }
0x1c: {  	[spmem:s2] =	stream.indirect.scatter.add.f32 [tilespmem:s22], [sflag:$0x1], $0x10, s24, s17, $0xb8;
	[tilespmem:$0x9900] =	vst v63  }
0x1d: {  	s31 =	sadd.s32 $0x6100, s20;
	s1 =	sadd.s32 $0x2C80, s1  }
0x1e: {  	[spmem:s2] =	stream.indirect.scatter.add.f32 [tilespmem:s31], [sflag:$0x1], $0x10, s1, s17, $0xb8;
	[tilespmem:$0x9900] =	vst v63  }
0x1f: {  	_ =	swait.ge [sflag:s29], $0x800  }
0x20: {  	[sflag:s29] =	ssyncset.done $0x0  }
0x21: {  	[sflag:s29] =	ssyncadd.s32 $0xFFFFF800  }
0x22: {  	_ =	swait.ge [sflag:s29], $0x800  }
0x23: {  	[sflag:s29] =	ssyncset.done $0x0  }
0x24: {  	[sflag:s29] =	ssyncadd.s32 $0xFFFFF800  }
0x25: {  	_ =	swait.ge [sflag:s29], $0x800  }
0x26: {  	[sflag:s29] =	ssyncset.done $0x0  }
0x27: {  	[sflag:s29] =	ssyncadd.s32 $0xFFFFF800  }
0x28: {  	_ =	swait.ge [sflag:s29], $0x800  }
0x29: {  	[sflag:s29] =	ssyncset.done $0x0  }
0x2a: {  	[sflag:s29] =	ssyncadd.s32 $0xFFFFF800  }
0x2b: {  	_ =	swait.ge [sflag:s29], $0x800  }
0x2c: {  	[sflag:s29] =	ssyncset.done $0x0  }
0x2d: {  	[sflag:s29] =	ssyncadd.s32 $0xFFFFF800  }
0x2e: {  	_ =	swait.ge [sflag:s29], $0x800  }
0x2f: {  	[sflag:s29] =	ssyncset.done $0x0  }
0x30: {  	[sflag:s29] =	ssyncadd.s32 $0xFFFFF800  }
0x31: {  	_ =	swait.ge [sflag:s29], $0x800  }
0x32: {  	[sflag:s29] =	ssyncset.done $0x0  }
0x33: {  	[sflag:s29] =	ssyncadd.s32 $0xFFFFF800  }
0x34: {  	_ =	swait.ge [sflag:s29], $0x800  }
0x35: {  	[sflag:s29] =	ssyncset.done $0x0  }
0x36: {  	[sflag:s29] =	ssyncadd.s32 $0xFFFFF800  }
0x37: {  	_ =	swait.ge [sflag:s29], $0x800  }
0x38: {  	[sflag:s29] =	ssyncset.done $0x0  }
0x39: {  	[sflag:s29] =	ssyncadd.s32 $0xFFFFF800  }
0x3a: {  	_ =	swait.ge [sflag:s29], $0x800  }
0x3b: {  	[sflag:s29] =	ssyncset.done $0x0  }
0x3c: {  	[sflag:s29] =	ssyncadd.s32 $0xFFFFF800  }
.LBB2_7:
0x3d: {  	s30 =	sadd.s32 $0x1, s30  }
0x3e: {  	s1 =	sshll.u32 s0, $0x6;
	p1 =	sne.s32 s30, s7  }
.Ltmp1:
0x3f: {  	[bflag:$0x0] =	sbarrier.arrive $0xFFFF;
	s1 =	sor.u32 $0x1C03, s1;
	(pc) =	sbr.rel @!p1 .LBB2_8-.Ltmp1, $4  }
0x40: {  	[hbm:s23], [sflag:s1] =	dma.local [spmem:s25], $0x500  }
0x41: {  	_ =	swait.ge [sflag:s13], $0x500  }
0x42: {  	[sflag:s13] =	ssyncset.done $0x0  }
0x43: {  	[sflag:s13] =	ssyncadd.s32 $0xFFFFFB00  }
.LBB2_1:
0x44: {  	s1 =	simm.s32 $0x40;
	s18 =	simm.s32 $0x0  }
.LBB2_2:
0x45: {  	p1 =	sne.s32 s1, $0x1FC0;
	[tilespmem:s18+$0x9100] =	vst v0;
	s18 =	smov.u32 s1;
	s1 =	sadd.s32 $0x40, s1  }
.Ltmp2:
0x46: {  	(pc) =	sbr.rel @p1 .LBB2_2-.Ltmp2, $2  }
0x47: {  	_ =	sdelay $0x2  }
0x48: {  	s18 =	sshra.s32 s18, $0x2  }
0x49: {  	[tilespmem:s18+$0x9100] =	vst v0  }
0x4a: {  	[spmem:s4] =	stream.linear.scatter [tilespmem:s12], [sflag:$0x3], $0x800, $0x38;
	[tilespmem:$0x9900] =	vst v63  }
0x4b: {  	_ =	swait.ge [sflag:s13], $0x800  }
0x4c: {  	[sflag:s13] =	ssyncset.done $0x0  }
0x4d: {  	[sflag:s13] =	ssyncadd.s32 $0xFFFFF800  }
0x4e: {  	[spmem:s8] =	stream.linear.scatter [tilespmem:s12], [sflag:$0x3], $0x800, $0x38;
	[tilespmem:$0x9900] =	vst v63  }
0x4f: {  	_ =	swait.ge [sflag:s13], $0x800  }
0x50: {  	[sflag:s13] =	ssyncset.done $0x0  }
0x51: {  	[sflag:s13] =	ssyncadd.s32 $0xFFFFF800  }
0x52: {  	[spmem:s9] =	stream.linear.scatter [tilespmem:s12], [sflag:$0x3], $0x800, $0x38;
	[tilespmem:$0x9900] =	vst v63  }
0x53: {  	_ =	swait.ge [sflag:s13], $0x800  }
0x54: {  	[sflag:s13] =	ssyncset.done $0x0  }
0x55: {  	[sflag:s13] =	ssyncadd.s32 $0xFFFFF800  }
0x56: {  	[spmem:s10] =	stream.linear.scatter [tilespmem:s12], [sflag:$0x3], $0x800, $0x38;
	[tilespmem:$0x9900] =	vst v63  }
0x57: {  	_ =	swait.ge [sflag:s13], $0x800  }
0x58: {  	[sflag:s13] =	ssyncset.done $0x0  }
0x59: {  	[sflag:s13] =	ssyncadd.s32 $0xFFFFF800  }
0x5a: {  	[spmem:s11] =	stream.linear.scatter [tilespmem:s12], [sflag:$0x3], $0x800, $0x38;
	[tilespmem:$0x9900] =	vst v63  }
.Ltmp3:
0x5b: {  	_ =	swait.ge [sflag:s13], $0x800;
	(pc) =	sbr.rel @p0 .LBB2_7-.Ltmp3, $3  }
0x5c: {  	[sflag:s13] =	ssyncset.done $0x0  }
0x5d: {  	[sflag:s13] =	ssyncadd.s32 $0xFFFFF800  }
0x5e: {  	[bflag:$0x0] =	sbarrier.arrive $0xFFFF;
	_ =	sdelay $0x1  }
0x5f: {  	s1 =	simm.s32 $0x0  }
0x60: {  	[tilespmem:s14], [sflag:$0x3] =	stream.linear.gather [hbm4b:s5+s1], $0x1900, $0x38;
	[tilespmem:$0x9900] =	vst v63  }
0x61: {  	_ =	swait.ge [sflag:s13], $0x1900  }
0x62: {  	[sflag:s13] =	ssyncset.done $0x0  }
0x63: {  	[sflag:s13] =	ssyncadd.s32 $0xFFFFE700  }
0x64: {  	[tilespmem:s15], [sflag:$0x2] =	stream.linear.gather [hbm4b:s6+s1], $0x2800, $0x38;
	[tilespmem:$0x9900] =	vst v63  }
0x65: {  	_ =	swait.ge [sflag:s16], $0x2800  }
0x66: {  	[sflag:s16] =	ssyncset.done $0x0  }
0x67: {  	s24 =	simm.s32 $0x2880;
	[sflag:s16] =	ssyncadd.s32 $0xFFFFD800  }
0x68: {  	[spmem:s2] =	stream.indirect.scatter.add.f32 [tilespmem:s15], [sflag:$0x1], $0x10, s14, s17, $0xb8;
	[tilespmem:$0x9900] =	vst v63  }
0x69: {  	s18 =	simm.s32 $0x4900;
	s19 =	simm.s32 $0x5100;
	s22 =	simm.s32 $0x1  }
0x6a: {  	[spmem:s2] =	stream.indirect.scatter.add.f32 [tilespmem:s18], [sflag:$0x1], $0x10, s24, s17, $0xb8;
	[tilespmem:$0x9900] =	vst v63  }
0x6b: {  	s20 =	simm.s32 $0x2980;
	s1 =	sand.u32 $0x1, s22;
	s18 =	simm.s32 $0x2900  }
0x6c: {  	[spmem:s2] =	stream.indirect.scatter.add.f32 [tilespmem:s19], [sflag:$0x1], $0x10, s18, s17, $0xb8;
	[tilespmem:$0x9900] =	vst v63  }
0x6d: {  	s21 =	simm.s32 $0x5900;
	p1 =	seq.s32 s1, $0x1;
	s1 =	simm.s32 $0x2800  }
0x6e: {  	[spmem:s2] =	stream.indirect.scatter.add.f32 [tilespmem:s21], [sflag:$0x1], $0x10, s20, s17, $0xb8;
	[tilespmem:$0x9900] =	vst v63  }
0x6f: {  	s1 =	simm.s32 @!p1 $0x0  }
0x70: {  	[spmem:s2] =	stream.indirect.scatter.add.f32 [tilespmem:s28], [sflag:$0x1], $0x10, s26, s17, $0xb8;
	[tilespmem:$0x9900] =	vst v63  }
0x71: {  	s31 =	sadd.s32 $0x500, s6;
	s24 =	sor.u32 $0x4100, s1  }
0x72: {  	[tilespmem:s24], [sflag:$0x2] =	stream.linear.gather [hbm4b:s31+s3], $0x2800, $0x38;
	[tilespmem:$0x9900] =	vst v63  }
0x73: {  	_ =	swait.ge [sflag:s16], $0x2800  }
0x74: {  	[sflag:s16] =	ssyncset.done $0x0  }
0x75: {  	s19 =	simm.s32 $0x2A80;
	[sflag:s16] =	ssyncadd.s32 $0xFFFFD800  }
0x76: {  	[spmem:s2] =	stream.indirect.scatter.add.f32 [tilespmem:s24], [sflag:$0x1], $0x10, s19, s17, $0xb8;
	[tilespmem:$0x9900] =	vst v63  }
0x77: {  	s20 =	sadd.s32 $0x4900, s1;
	s21 =	simm.s32 $0x2B00  }
0x78: {  	[spmem:s2] =	stream.indirect.scatter.add.f32 [tilespmem:s20], [sflag:$0x1], $0x10, s21, s17, $0xb8;
	[tilespmem:$0x9900] =	vst v63  }
0x79: {  	s22 =	sor.u32 $0x5100, s1;
	s24 =	simm.s32 $0x2B80  }
0x7a: {  	[spmem:s2] =	stream.indirect.scatter.add.f32 [tilespmem:s22], [sflag:$0x1], $0x10, s24, s17, $0xb8;
	[tilespmem:$0x9900] =	vst v63  }
0x7b: {  	s20 =	sadd.s32 $0x5900, s1;
	s21 =	simm.s32 $0x2C00  }
0x7c: {  	[spmem:s2] =	stream.indirect.scatter.add.f32 [tilespmem:s20], [sflag:$0x1], $0x10, s21, s17, $0xb8;
	[tilespmem:$0x9900] =	vst v63  }
0x7d: {  	s1 =	sadd.s32 $0x6100, s1;
	s22 =	simm.s32 $0x2C80  }
0x7e: {  	[spmem:s2] =	stream.indirect.scatter.add.f32 [tilespmem:s1], [sflag:$0x1], $0x10, s22, s17, $0xb8;
	[tilespmem:$0x9900] =	vst v63  }
0x7f: {  	_ =	swait.ge [sflag:s29], $0x800  }
0x80: {  	[sflag:s29] =	ssyncset.done $0x0  }
0x81: {  	[sflag:s29] =	ssyncadd.s32 $0xFFFFF800  }
0x82: {  	_ =	swait.ge [sflag:s29], $0x800  }
0x83: {  	[sflag:s29] =	ssyncset.done $0x0  }
0x84: {  	[sflag:s29] =	ssyncadd.s32 $0xFFFFF800  }
0x85: {  	_ =	swait.ge [sflag:s29], $0x800  }
0x86: {  	[sflag:s29] =	ssyncset.done $0x0  }
0x87: {  	[sflag:s29] =	ssyncadd.s32 $0xFFFFF800  }
0x88: {  	_ =	swait.ge [sflag:s29], $0x800  }
0x89: {  	s18 =	simm.s32 $0x2;
	[sflag:s29] =	ssyncset.done $0x0  }
0x8a: {  	s19 =	simm.s32 $0x1400;
	s24 =	sand.u32 $0x1, s18;
	[sflag:s29] =	ssyncadd.s32 $0xFFFFF800  }
0x8b: {  	p1 =	seq.s32 s24, $0x1;
	s20 =	simm.s32 $0x2800;
	_ =	swait.ge [sflag:s29], $0x800  }
0x8c: {  	s20 =	simm.s32 @!p1 $0x0;
	s1 =	simm.s32 $0xA00;
	[sflag:s29] =	ssyncset.done $0x0  }
.LBB2_5:
0x8d: {  	s21 =	sor.u32 $0x4100, s20  }
0x8e: {  	[sflag:s29] =	ssyncadd.s32 $0xFFFFF800;
	s31 =	sadd.s32 $0x500, s31;
	s22 =	smov.u32 s19  }
0x8f: {  	[tilespmem:s21], [sflag:$0x2] =	stream.linear.gather [hbm4b:s31+s3], $0x2800, $0x38;
	[tilespmem:$0x9900] =	vst v63  }
0x90: {  	p1 =	sne.s32 s19, $0x5000;
	s19 =	sadd.s32 $0xA00, s19;
	_ =	swait.ge [sflag:s16], $0x2800  }
0x91: {  	s24 =	sshra.s32 s1, $0x2;
	s1 =	smov.u32 s22;
	[sflag:s16] =	ssyncset.done $0x0  }
0x92: {  	s22 =	sadd.s32 $0x2A80, s24;
	[sflag:s16] =	ssyncadd.s32 $0xFFFFD800  }
0x93: {  	[spmem:s2] =	stream.indirect.scatter.add.f32 [tilespmem:s21], [sflag:$0x1], $0x10, s22, s17, $0xb8;
	[tilespmem:$0x9900] =	vst v63  }
0x94: {  	s21 =	sadd.s32 $0x4900, s20;
	s22 =	sadd.s32 $0x2B00, s24  }
0x95: {  	[spmem:s2] =	stream.indirect.scatter.add.f32 [tilespmem:s21], [sflag:$0x1], $0x10, s22, s17, $0xb8;
	[tilespmem:$0x9900] =	vst v63  }
0x96: {  	s21 =	sor.u32 $0x5100, s20;
	s22 =	sadd.s32 $0x2B80, s24  }
0x97: {  	[spmem:s2] =	stream.indirect.scatter.add.f32 [tilespmem:s21], [sflag:$0x1], $0x10, s22, s17, $0xb8;
	[tilespmem:$0x9900] =	vst v63  }
0x98: {  	s21 =	sadd.s32 $0x5900, s20;
	s22 =	sadd.s32 $0x2C00, s24  }
0x99: {  	[spmem:s2] =	stream.indirect.scatter.add.f32 [tilespmem:s21], [sflag:$0x1], $0x10, s22, s17, $0xb8;
	[tilespmem:$0x9900] =	vst v63  }
0x9a: {  	s20 =	sadd.s32 $0x6100, s20;
	s21 =	sadd.s32 $0x2C80, s24  }
0x9b: {  	[spmem:s2] =	stream.indirect.scatter.add.f32 [tilespmem:s20], [sflag:$0x1], $0x10, s21, s17, $0xb8;
	[tilespmem:$0x9900] =	vst v63  }
0x9c: {  	_ =	swait.ge [sflag:s29], $0x800  }
0x9d: {  	[sflag:s29] =	ssyncset.done $0x0  }
0x9e: {  	[sflag:s29] =	ssyncadd.s32 $0xFFFFF800  }
0x9f: {  	_ =	swait.ge [sflag:s29], $0x800  }
0xa0: {  	[sflag:s29] =	ssyncset.done $0x0  }
0xa1: {  	[sflag:s29] =	ssyncadd.s32 $0xFFFFF800  }
0xa2: {  	_ =	swait.ge [sflag:s29], $0x800  }
0xa3: {  	[sflag:s29] =	ssyncset.done $0x0  }
0xa4: {  	[sflag:s29] =	ssyncadd.s32 $0xFFFFF800  }
.Ltmp4:
0xa5: {  	_ =	swait.ge [sflag:s29], $0x800;
	(pc) =	sbr.rel @p1 .LBB2_5-.Ltmp4, $4  }
0xa6: {  	s18 =	sadd.s32 $0x1, s18;
	[sflag:s29] =	ssyncset.done $0x0  }
0xa7: {  	s20 =	sand.u32 $0x1, s18;
	[sflag:s29] =	ssyncadd.s32 $0xFFFFF800  }
0xa8: {  	p2 =	seq.s32 s20, $0x1;
	s20 =	simm.s32 $0x2800;
	_ =	swait.ge [sflag:s29], $0x800  }
0xa9: {  	s20 =	simm.s32 @!p2 $0x0;
	[sflag:s29] =	ssyncset.done $0x0  }
.Ltmp5:
0xaa: {  	_ = 	snop;
	(pc) =	sbr.rel .LBB2_6-.Ltmp5, $1  }
0xab: {  	_ =	sdelay $0x3  }
.LBB2_8:
0xac: {  	_ =	sfence.sel $0x180000  }
0xad: {  	[bflag:$0x0] =	sbarrier.arrive $0xFFFF  }
0xae: {  	_ =	strace $0x90000056  }
0xaf: {  	[bflag:$0x2] =	sbarrier.arrive $0xFFFF  }
0xb0: {  	p0 =	sne.s32 s0, $0x0;
	s0 =	rddreg [dreg:$0x2]  }
0xb1: {  	s0 =	sadd.s32 @!p0 $0x100000, s0  }
0xb2: {  	[sflag:s0] =	ssyncadd.tile.s32 @!p0 $0x1;
	_ =	shalt  }
.Lfunc_end2:
_tile_overlayer_lowered:
.L_overlay_start_2:
0xb3: {  	(tag) =	ssettag $0x2  }
0xb4: {  	s0 =	rddreg [dreg:$0x0];
	s2 =	stileid.u32  }
0xb5: {  	s1 =	rddreg [dreg:$0x1];
	p0 =	sne.s32 s2, $0x0  }
0xb6: {  	s3 =	rddreg [dreg:$0x2];
	[bflag:$0x3] =	sbarrier.arrive $0xFFFF;
	s2 =	simm.s32 @!p0 $0x1C03  }
0xb7: {  	[timem:s3], [sflag:s2] =	dma.local @!p0 [hbm:s0], s1  }
0xb8: {  	s0 =	simm.s32 @!p0 $0x3  }
0xb9: {  	_ =	swait.ge @!p0 [sflag:s0], s1  }
0xba: {  	s1 =	ssub.s32 @!p0 $0x0, s1;
	[sflag:s0] =	ssyncset.done @!p0 $0x0  }
0xbb: {  	[sflag:s0] =	ssyncadd.s32 @!p0 s1  }
0xbc: {  	[bflag:$0x3] =	sbarrier.arrive $0xFFFF  }
0xbd: {  	_ =	shalt  }

</sc_bundles>
